<compile_context>
chip_gen: v7x
topology: tpu7x:2x2x1
jax: 0.10.2.dev20260603
libtpu: 0.0.44.dev20260713+nightly
codegen_flags: <defaults>
</compile_context>

<pallas_src>
import functools

import jax
import jax.numpy as jnp
from jax import lax
from jax.experimental import pallas as pl
from jax.experimental.pallas import tpu as pltpu
from jax.experimental.pallas import tpu_sc as plsc

N = 160000
S = 10000
L = 16
R4 = 9
R6 = 13
R = R4 + R6

NW = 32
NT = N // 128
BIGW = 17
BIGT = 40
SMALLT = 38
MAXA = BIGT * 128


def _sc_body(l4_hbm, l6_hbm, ids_hbm, qrows_hbm, partials_hbm, pids_hbm,
             ids_v, buf4, buf6, acc, qstage, zbuf, idstage,
             s4a, s4b, s6a, s6b):
    w = lax.axis_index("s") * 2 + lax.axis_index("c")
    is_big = w < BIGW
    start_tile = SMALLT * w + 2 * jnp.minimum(w, BIGW)
    nch = jnp.where(is_big, BIGT, SMALLT)
    start_atom = start_tile * 128
    natoms = nch * 128

    @pl.when(is_big)
    def _():
        pltpu.sync_copy(ids_hbm.at[pl.ds(start_atom, BIGT * 128)],
                        ids_v.at[pl.ds(0, BIGT * 128)])

    @pl.when(jnp.logical_not(is_big))
    def _():
        pltpu.sync_copy(ids_hbm.at[pl.ds(start_atom, SMALLT * 128)],
                        ids_v.at[pl.ds(0, SMALLT * 128)])

    def id_at(idx):
        return ids_v[pl.ds(idx, L)][0]

    zv = jnp.zeros((L,), jnp.float32)
    for r in range(R):
        acc[r, :] = zv
        zbuf[r, :] = zv

    lane = lax.iota(jnp.int32, L)
    c_pt = lane // 8
    c_ps = lane % 8
    c_z = jnp.zeros((L,), jnp.int32)

    sem4 = (s4a, s4b)
    sem6 = (s6a, s6b)

    def start(chunk, b):
        at = start_tile + chunk
        pltpu.async_copy(l4_hbm.at[:, :, pl.ds(at, 1)], buf4.at[b], sem4[b])
        pltpu.async_copy(l6_hbm.at[:, :, pl.ds(at, 1)], buf6.at[b], sem6[b])

    def wait(b):
        pltpu.make_async_copy(l4_hbm.at[:, :, pl.ds(0, 1)], buf4.at[b],
                              sem4[b]).wait()
        pltpu.make_async_copy(l6_hbm.at[:, :, pl.ds(0, 1)], buf6.at[b],
                              sem6[b]).wait()

    def close_run(cur_id, nclose):
        @pl.when(nclose == 0)
        def _():
            pltpu.sync_copy(acc, partials_hbm.at[2 * w])

        @pl.when(nclose > 0)
        def _():
            q4 = acc[0, :] * acc[0, :]
            for r in range(1, R4):
                q4 = q4 + acc[r, :] * acc[r, :]
            q6 = acc[R4, :] * acc[R4, :]
            for r in range(R4 + 1, R):
                q6 = q6 + acc[r, :] * acc[r, :]
            qstage[0, :] = q4
            qstage[1, :] = q6
            pltpu.sync_copy(qstage, qrows_hbm.at[cur_id])

        for r in range(R):
            acc[r, :] = jnp.zeros((L,), jnp.float32)

    def zero_gap(lo, hi):
        def zb(rr, carry):
            pltpu.sync_copy(zbuf.at[pl.ds(0, 2)], qrows_hbm.at[rr])
            return carry
        lax.fori_loop(lo + 1, hi, zb, 0)

    def process_chunk(chunk, b, carry):
        def atom(i, car):
            cid, ncl = car
            nid = id_at(chunk * 128 + i)
            changed = nid != cid

            @pl.when(changed)
            def _():
                close_run(cid, ncl)
                zero_gap(cid, nid)

            splat_i = jnp.full((L,), i, jnp.int32)
            for r in range(R4):
                v = plsc.load_gather(
                    buf4.at[b],
                    [jnp.full((L,), r, jnp.int32), c_pt, c_z, c_ps, splat_i])
                plsc.addupdate(acc.at[r], v)
            for r in range(R6):
                v = plsc.load_gather(
                    buf6.at[b],
                    [jnp.full((L,), r, jnp.int32), c_pt, c_z, c_ps, splat_i])
                plsc.addupdate(acc.at[R4 + r], v)
            return (nid, ncl + changed.astype(jnp.int32))

        return lax.fori_loop(0, 128, atom, carry)

    start(0, 0)
    start(1, 1)
    carry = (id_at(0), jnp.int32(0))

    def pair(j, car):
        wait(0)
        car = process_chunk(2 * j, 0, car)

        @pl.when(2 * j + 2 < nch)
        def _():
            start(2 * j + 2, 0)

        wait(1)
        car = process_chunk(2 * j + 1, 1, car)

        @pl.when(2 * j + 3 < nch)
        def _():
            start(2 * j + 3, 1)

        return car

    carry = lax.fori_loop(0, nch // 2, pair, carry)

    cur_id, nclose = carry
    pltpu.sync_copy(acc, partials_hbm.at[2 * w + 1])

    @pl.when(nclose == 0)
    def _():
        pltpu.sync_copy(zbuf, partials_hbm.at[2 * w])

    ids_vec = jnp.where(lane == 0, id_at(0),
                        jnp.where(lane == 1, id_at(natoms - 1), 0))
    idstage[...] = ids_vec
    pltpu.sync_copy(idstage, pids_hbm.at[w])


_sc_pass = functools.partial(
    pl.kernel,
    out_type=(
        jax.ShapeDtypeStruct((S, 2, L), jnp.float32),
        jax.ShapeDtypeStruct((2 * NW, R, L), jnp.float32),
        jax.ShapeDtypeStruct((NW, L), jnp.int32),
    ),
    mesh=plsc.VectorSubcoreMesh(core_axis_name="c", subcore_axis_name="s"),
    compiler_params=pltpu.CompilerParams(use_tc_tiling_on_sc=False,
                                         needs_layout_passes=False),
    scratch_types=[
        pltpu.VMEM((MAXA + L,), jnp.int32),
        pltpu.VMEM((2, R4, 2, 1, 8, 128), jnp.float32),
        pltpu.VMEM((2, R6, 2, 1, 8, 128), jnp.float32),
        pltpu.VMEM((R, L), jnp.float32),
        pltpu.VMEM((2, L), jnp.float32),
        pltpu.VMEM((R, L), jnp.float32),
        pltpu.VMEM((L,), jnp.int32),
        pltpu.SemaphoreType.DMA,
        pltpu.SemaphoreType.DMA,
        pltpu.SemaphoreType.DMA,
        pltpu.SemaphoreType.DMA,
    ],
)(_sc_body)


def _fix_body(q_ref, pmT_ref, pidc_ref, pidr_ref, f_ref, l_ref, o_ref):
    q = q_ref[...]
    base4 = jnp.sum(q[:, :L], axis=1, keepdims=True)
    base6 = jnp.sum(q[:, L:], axis=1, keepdims=True)

    pidc = pidc_ref[...]
    pidr = pidr_ref[...]
    pmT = pmT_ref[...]

    eqm = (pidc == pidr).astype(jnp.float32)
    combT = jnp.sum(pmT[:, :, None] * eqm[None, :, :], axis=1)
    q4k = jnp.sum(combT[: R4 * L, :] ** 2, axis=0, keepdims=True)
    q6k = jnp.sum(combT[R4 * L :, :] ** 2, axis=0, keepdims=True)

    iota = lax.broadcasted_iota(jnp.int32, (S, 1), 0).astype(jnp.float32)
    fv = f_ref[...]
    lv = l_ref[...]
    keep = jnp.any((iota > fv) & (iota < lv), axis=1, keepdims=True)

    match = (iota == pidr).astype(jnp.float32)
    cnt = jnp.sum(match, axis=1, keepdims=True)
    v4 = jnp.sum(match * q4k, axis=1, keepdims=True)
    v6 = jnp.sum(match * q6k, axis=1, keepdims=True)
    isb = cnt > 0.0
    safe = jnp.maximum(cnt, 1.0)
    out4 = jnp.where(isb, v4 / safe, jnp.where(keep, base4, 0.0))
    out6 = jnp.where(isb, v6 / safe, jnp.where(keep, base6, 0.0))
    o_ref[...] = jnp.concatenate([out4, out6], axis=1)


def _fixup(q2, pmT, pid_col, pid_row, fvec, lvec):
    return pl.pallas_call(
        _fix_body,
        out_shape=jax.ShapeDtypeStruct((S, 2), jnp.float32),
    )(q2, pmT, pid_col, pid_row, fvec, lvec)


def _sc_view(v, rr):
    t = v.transpose(1, 2, 0)
    t = t.reshape(rr, 2, 8, NT, 128)
    return t.transpose(0, 1, 3, 2, 4)


def kernel(values_l4, values_l6, segment_ids):
    ids32 = segment_ids.astype(jnp.int32)
    u4 = _sc_view(values_l4, R4).reshape(R4, 2, NT, 1, 8, 128)
    u6 = _sc_view(values_l6, R6).reshape(R6, 2, NT, 1, 8, 128)
    u4 = u4.reshape(R4, 2, NT, 8, 128)
    u6 = u6.reshape(R6, 2, NT, 8, 128)
    qrows, partials, pids = _sc_pass(u4, u6, ids32)
    q2 = qrows.reshape(S, 2 * L)
    pmT = partials.reshape(2 * NW, R * L).T
    pid_col = pids[:, :2].reshape(2 * NW, 1).astype(jnp.float32)
    pid_row = pid_col.reshape(1, 2 * NW)
    fvec = pids[:, 0:1].reshape(1, NW).astype(jnp.float32)
    lvec = pids[:, 1:2].reshape(1, NW).astype(jnp.float32)
    return _fixup(q2, pmT, pid_col, pid_row, fvec, lvec)

# --- scband reference (transcript-rebuilt; emitter-appended) ---
"""Pipeline reference for scband-collective-variable-72885595013753 (READ-ONLY COPY).

The authoritative reference and input builder live on the scoring server;
editing this copy changes nothing except your own understanding.
"""

import jax, jax.numpy as jnp
import numpy as np

N = 160000   # total atoms across all structures
S = 10000    # number of structures (segments)
P = 16       # radial x neighbor_type properties per angular channel


def setup_inputs(seed: int = 0) -> dict:
    key = jax.random.key(seed)
    k1, k2, k3 = jax.random.split(key, 3)
    # Per-atom spherical expansion coefficients for angular channels l=4 and l=6
    # (what featomic's SphericalExpansion would produce after keys_to_properties /
    #  keys_to_samples, with components dim = 2l+1 and properties dim = P).
    values_l4 = jax.random.normal(k1, (N, 9, P), dtype=jnp.float32)   # 2*4+1 = 9
    values_l6 = jax.random.normal(k2, (N, 13, P), dtype=jnp.float32)  # 2*6+1 = 13
    # structure id per atom (sum_over_samples over ['atom', 'center_type'])
    segment_ids = jnp.sort(jax.random.randint(k3, (N,), 0, S)).astype(jnp.int64)
    return {"values_l4": values_l4, "values_l6": values_l6, "segment_ids": segment_ids}


def reference(values_l4, values_l6, segment_ids):
    # mts.sum_over_samples: sum per-atom coefficients over atoms within each
    # structure  ->  segment sum over the sample (atom) axis.
    feats = []
    for v in (values_l4, values_l6):
        summed = jax.ops.segment_sum(v, segment_ids, num_segments=S)  # [S, 2l+1, P]
        # (block.values ** 2).sum(dim=(1, 2)).reshape(-1, 1)
        q = jnp.sum(summed ** 2, axis=(1, 2)).reshape(-1, 1)          # [S, 1]
        feats.append(q)
    # keys_to_properties('o3_lambda'): concatenate the per-l invariants
    return jnp.concatenate(feats, axis=1)  # [S, n_angular]

if __name__ == "__main__":
    import jax
    _d = setup_inputs()
    print(jax.jit(kernel)(*tuple(_d.values())))

</pallas_src>

<mosaic_0001>
#map = affine_map<(d0, d1) -> (0, 0, 0, 0, 0)>
#map1 = affine_map<(d0, d1) -> (0)>
#map2 = affine_map<(d0, d1) -> (0, 0, 0)>
#map3 = affine_map<(d0, d1) -> (0, 0)>
module attributes {stable_mosaic.version = 14 : i64} {
  func.func @_sc_body(%arg0: i32, %arg1: i32, %arg2: memref<9x2x1250x8x128xf32, #tpu.memory_space<hbm>>, %arg3: memref<13x2x1250x8x128xf32, #tpu.memory_space<hbm>>, %arg4: memref<160000xi32, #tpu.memory_space<hbm>>, %arg5: memref<10000x2x16xf32, #tpu.memory_space<hbm>>, %arg6: memref<64x22x16xf32, #tpu.memory_space<hbm>>, %arg7: memref<32x16xi32, #tpu.memory_space<hbm>>, %arg8: memref<5136xi32, #tpu.memory_space<vmem>>, %arg9: memref<2x9x2x1x8x128xf32, #tpu.memory_space<vmem>>, %arg10: memref<2x13x2x1x8x128xf32, #tpu.memory_space<vmem>>, %arg11: memref<22x16xf32, #tpu.memory_space<vmem>>, %arg12: memref<2x16xf32, #tpu.memory_space<vmem>>, %arg13: memref<22x16xf32, #tpu.memory_space<vmem>>, %arg14: memref<16xi32, #tpu.memory_space<vmem>>, %arg15: memref<!tpu.dma_semaphore, #tpu.memory_space<semaphore_mem>>, %arg16: memref<!tpu.dma_semaphore, #tpu.memory_space<semaphore_mem>>, %arg17: memref<!tpu.dma_semaphore, #tpu.memory_space<semaphore_mem>>, %arg18: memref<!tpu.dma_semaphore, #tpu.memory_space<semaphore_mem>>) attributes {dimension_semantics = [#tpu.dimension_semantics<core_parallel>, #tpu.dimension_semantics<subcore_parallel>], iteration_bounds = array<i64: 2, 16>, scalar_prefetch = 0 : i64, scratch_operands = 11 : i64, tpu.core_type = #tpu.core_type<sc_vector_subcore>, window_params = [{transform_indices = #map}, {transform_indices = #map}, {transform_indices = #map1}, {transform_indices = #map2}, {transform_indices = #map2}, {transform_indices = #map3}]} {
    %mul3A = arith.constant 2 : i32
    %mul3A_0 = arith.muli %arg1, %mul3A : i32
    %add3A = arith.addi %mul3A_0, %arg0 : i32
    %lt3A = arith.constant 17 : i32
    %lt3A_1 = arith.cmpi slt, %add3A, %lt3A : i32
    %mul3A_2 = arith.constant 38 : i32
    %mul3A_3 = arith.muli %mul3A_2, %add3A : i32
    %min3A = arith.constant 17 : i32
    %min3A_4 = arith.minsi %add3A, %min3A : i32
    %mul3A_5 = arith.constant 2 : i32
    %mul3A_6 = arith.muli %mul3A_5, %min3A_4 : i32
    %add3A_7 = arith.addi %mul3A_3, %mul3A_6 : i32
    %jit3A = arith.constant 40 : i32
    %jit3A_8 = arith.constant 38 : i32
    %select_n3A = arith.select %lt3A_1, %jit3A, %jit3A_8 : i32
    %mul3A_9 = arith.constant 128 : i32
    %mul3A_10 = arith.muli %add3A_7, %mul3A_9 : i32
    %mul3A_11 = arith.constant 128 : i32
    %mul3A_12 = arith.muli %select_n3A, %mul3A_11 : i32
    %convert_element_type3A = arith.extui %lt3A_1 : i1 to i32
    %cond3A = arith.constant 0 : i32
    %cond3A_13 = arith.cmpi ne, %convert_element_type3A, %cond3A : i32
    scf.if %cond3A_13 {
      "tpu.region"() ({
        %run_scoped3A = tpu.sem_alloc : memref<!tpu.dma_semaphore, #tpu.memory_space<semaphore_mem>>
        %dma_start3A_414 = arith.constant 0 : i32
        %dma_start3A_415 = tpu.memref_slice %arg8[%dma_start3A_414] : memref<5136xi32, #tpu.memory_space<vmem>> -> memref<5120xi32, #tpu.memory_space<vmem>>
        %dma_start3A_416 = tpu.memref_slice %arg4[%mul3A_10] : memref<160000xi32, #tpu.memory_space<hbm>> -> memref<5120xi32, #tpu.memory_space<hbm>>
        %dma_start3A_417 = arith.constant 0 : i32
        %dma_start3A_418 = tpu.memref_slice %arg8[%dma_start3A_417] : memref<5136xi32, #tpu.memory_space<vmem>> -> memref<5120xi32, #tpu.memory_space<vmem>>
        %dma_start3A_419 = tpu.memref_slice %arg4[%mul3A_10] : memref<160000xi32, #tpu.memory_space<hbm>> -> memref<5120xi32, #tpu.memory_space<hbm>>
        tpu.enqueue_dma source(%dma_start3A_419 : memref<5120xi32, #tpu.memory_space<hbm>>) target(%dma_start3A_418 : memref<5120xi32, #tpu.memory_space<vmem>>) target_semaphore(%run_scoped3A : memref<!tpu.dma_semaphore, #tpu.memory_space<semaphore_mem>>)
        %dma_wait3A = arith.constant 0 : i32
        %dma_wait3A_420 = tpu.memref_slice %arg8[%dma_wait3A] : memref<5136xi32, #tpu.memory_space<vmem>> -> memref<5120xi32, #tpu.memory_space<vmem>>
        %dma_wait3A_421 = tpu.memref_slice %arg4[%mul3A_10] : memref<160000xi32, #tpu.memory_space<hbm>> -> memref<5120xi32, #tpu.memory_space<hbm>>
        %dma_wait3A_422 = arith.constant 0 : i32
        %dma_wait3A_423 = tpu.memref_slice %arg8[%dma_wait3A_422] : memref<5136xi32, #tpu.memory_space<vmem>> -> memref<5120xi32, #tpu.memory_space<vmem>>
        %dma_wait3A_424 = tpu.memref_slice %arg4[%mul3A_10] : memref<160000xi32, #tpu.memory_space<hbm>> -> memref<5120xi32, #tpu.memory_space<hbm>>
        tpu.wait_dma2 semaphore(%run_scoped3A : memref<!tpu.dma_semaphore, #tpu.memory_space<semaphore_mem>>) src(%dma_wait3A_424 : memref<5120xi32, #tpu.memory_space<hbm>>) dst(%dma_wait3A_423 : memref<5120xi32, #tpu.memory_space<vmem>>)
        tpu.yield
      }) : () -> ()
    } else {
    }
    %not3A = arith.constant true
    %not3A_14 = arith.xori %lt3A_1, %not3A : i1
    %convert_element_type3A_15 = arith.extui %not3A_14 : i1 to i32
    %cond3A_16 = arith.constant 0 : i32
    %cond3A_17 = arith.cmpi ne, %convert_element_type3A_15, %cond3A_16 : i32
    scf.if %cond3A_17 {
      "tpu.region"() ({
        %run_scoped3A = tpu.sem_alloc : memref<!tpu.dma_semaphore, #tpu.memory_space<semaphore_mem>>
        %dma_start3A_414 = arith.constant 0 : i32
        %dma_start3A_415 = tpu.memref_slice %arg8[%dma_start3A_414] : memref<5136xi32, #tpu.memory_space<vmem>> -> memref<4864xi32, #tpu.memory_space<vmem>>
        %dma_start3A_416 = tpu.memref_slice %arg4[%mul3A_10] : memref<160000xi32, #tpu.memory_space<hbm>> -> memref<4864xi32, #tpu.memory_space<hbm>>
        %dma_start3A_417 = arith.constant 0 : i32
        %dma_start3A_418 = tpu.memref_slice %arg8[%dma_start3A_417] : memref<5136xi32, #tpu.memory_space<vmem>> -> memref<4864xi32, #tpu.memory_space<vmem>>
        %dma_start3A_419 = tpu.memref_slice %arg4[%mul3A_10] : memref<160000xi32, #tpu.memory_space<hbm>> -> memref<4864xi32, #tpu.memory_space<hbm>>
        tpu.enqueue_dma source(%dma_start3A_419 : memref<4864xi32, #tpu.memory_space<hbm>>) target(%dma_start3A_418 : memref<4864xi32, #tpu.memory_space<vmem>>) target_semaphore(%run_scoped3A : memref<!tpu.dma_semaphore, #tpu.memory_space<semaphore_mem>>)
        %dma_wait3A = arith.constant 0 : i32
        %dma_wait3A_420 = tpu.memref_slice %arg8[%dma_wait3A] : memref<5136xi32, #tpu.memory_space<vmem>> -> memref<4864xi32, #tpu.memory_space<vmem>>
        %dma_wait3A_421 = tpu.memref_slice %arg4[%mul3A_10] : memref<160000xi32, #tpu.memory_space<hbm>> -> memref<4864xi32, #tpu.memory_space<hbm>>
        %dma_wait3A_422 = arith.constant 0 : i32
        %dma_wait3A_423 = tpu.memref_slice %arg8[%dma_wait3A_422] : memref<5136xi32, #tpu.memory_space<vmem>> -> memref<4864xi32, #tpu.memory_space<vmem>>
        %dma_wait3A_424 = tpu.memref_slice %arg4[%mul3A_10] : memref<160000xi32, #tpu.memory_space<hbm>> -> memref<4864xi32, #tpu.memory_space<hbm>>
        tpu.wait_dma2 semaphore(%run_scoped3A : memref<!tpu.dma_semaphore, #tpu.memory_space<semaphore_mem>>) src(%dma_wait3A_424 : memref<4864xi32, #tpu.memory_space<hbm>>) dst(%dma_wait3A_423 : memref<4864xi32, #tpu.memory_space<vmem>>)
        tpu.yield
      }) : () -> ()
    } else {
    }
    %broadcast_in_dim3A = arith.constant 0.000000e+00 : f32
    %broadcast_in_dim3A_18 = vector.broadcast %broadcast_in_dim3A : f32 to vector<16xf32>
    %swap3A = arith.constant 0 : i32
    %swap3A_19 = arith.index_cast %swap3A : i32 to index
    %swap3A_20 = arith.constant 0 : index
    %swap3A_21 = tpu.vector_load %arg11[%swap3A_19, %swap3A_20] {strides = array<i32>} : memref<22x16xf32, #tpu.memory_space<vmem>>, vector<16xf32>,
    tpu.vector_store %arg11[%swap3A_19, %swap3A_20], %broadcast_in_dim3A_18 {strides = array<i32>} : memref<22x16xf32, #tpu.memory_space<vmem>>, vector<16xf32>,
    %swap3A_22 = arith.constant 0 : i32
    %swap3A_23 = arith.index_cast %swap3A_22 : i32 to index
    %swap3A_24 = arith.constant 0 : index
    %swap3A_25 = tpu.vector_load %arg13[%swap3A_23, %swap3A_24] {strides = array<i32>} : memref<22x16xf32, #tpu.memory_space<vmem>>, vector<16xf32>,
    tpu.vector_store %arg13[%swap3A_23, %swap3A_24], %broadcast_in_dim3A_18 {strides = array<i32>} : memref<22x16xf32, #tpu.memory_space<vmem>>, vector<16xf32>,
    %swap3A_26 = arith.constant 1 : i32
    %swap3A_27 = arith.index_cast %swap3A_26 : i32 to index
    %swap3A_28 = arith.constant 0 : index
    %swap3A_29 = tpu.vector_load %arg11[%swap3A_27, %swap3A_28] {strides = array<i32>} : memref<22x16xf32, #tpu.memory_space<vmem>>, vector<16xf32>,
    tpu.vector_store %arg11[%swap3A_27, %swap3A_28], %broadcast_in_dim3A_18 {strides = array<i32>} : memref<22x16xf32, #tpu.memory_space<vmem>>, vector<16xf32>,
    %swap3A_30 = arith.constant 1 : i32
    %swap3A_31 = arith.index_cast %swap3A_30 : i32 to index
    %swap3A_32 = arith.constant 0 : index
    %swap3A_33 = tpu.vector_load %arg13[%swap3A_31, %swap3A_32] {strides = array<i32>} : memref<22x16xf32, #tpu.memory_space<vmem>>, vector<16xf32>,
    tpu.vector_store %arg13[%swap3A_31, %swap3A_32], %broadcast_in_dim3A_18 {strides = array<i32>} : memref<22x16xf32, #tpu.memory_space<vmem>>, vector<16xf32>,
    %swap3A_34 = arith.constant 2 : i32
    %swap3A_35 = arith.index_cast %swap3A_34 : i32 to index
    %swap3A_36 = arith.constant 0 : index
    %swap3A_37 = tpu.vector_load %arg11[%swap3A_35, %swap3A_36] {strides = array<i32>} : memref<22x16xf32, #tpu.memory_space<vmem>>, vector<16xf32>,
    tpu.vector_store %arg11[%swap3A_35, %swap3A_36], %broadcast_in_dim3A_18 {strides = array<i32>} : memref<22x16xf32, #tpu.memory_space<vmem>>, vector<16xf32>,
    %swap3A_38 = arith.constant 2 : i32
    %swap3A_39 = arith.index_cast %swap3A_38 : i32 to index
    %swap3A_40 = arith.constant 0 : index
    %swap3A_41 = tpu.vector_load %arg13[%swap3A_39, %swap3A_40] {strides = array<i32>} : memref<22x16xf32, #tpu.memory_space<vmem>>, vector<16xf32>,
    tpu.vector_store %arg13[%swap3A_39, %swap3A_40], %broadcast_in_dim3A_18 {strides = array<i32>} : memref<22x16xf32, #tpu.memory_space<vmem>>, vector<16xf32>,
    %swap3A_42 = arith.constant 3 : i32
    %swap3A_43 = arith.index_cast %swap3A_42 : i32 to index
    %swap3A_44 = arith.constant 0 : index
    %swap3A_45 = tpu.vector_load %arg11[%swap3A_43, %swap3A_44] {strides = array<i32>} : memref<22x16xf32, #tpu.memory_space<vmem>>, vector<16xf32>,
    tpu.vector_store %arg11[%swap3A_43, %swap3A_44], %broadcast_in_dim3A_18 {strides = array<i32>} : memref<22x16xf32, #tpu.memory_space<vmem>>, vector<16xf32>,
    %swap3A_46 = arith.constant 3 : i32
    %swap3A_47 = arith.index_cast %swap3A_46 : i32 to index
    %swap3A_48 = arith.constant 0 : index
    %swap3A_49 = tpu.vector_load %arg13[%swap3A_47, %swap3A_48] {strides = array<i32>} : memref<22x16xf32, #tpu.memory_space<vmem>>, vector<16xf32>,
    tpu.vector_store %arg13[%swap3A_47, %swap3A_48], %broadcast_in_dim3A_18 {strides = array<i32>} : memref<22x16xf32, #tpu.memory_space<vmem>>, vector<16xf32>,
    %swap3A_50 = arith.constant 4 : i32
    %swap3A_51 = arith.index_cast %swap3A_50 : i32 to index
    %swap3A_52 = arith.constant 0 : index
    %swap3A_53 = tpu.vector_load %arg11[%swap3A_51, %swap3A_52] {strides = array<i32>} : memref<22x16xf32, #tpu.memory_space<vmem>>, vector<16xf32>,
    tpu.vector_store %arg11[%swap3A_51, %swap3A_52], %broadcast_in_dim3A_18 {strides = array<i32>} : memref<22x16xf32, #tpu.memory_space<vmem>>, vector<16xf32>,
    %swap3A_54 = arith.constant 4 : i32
    %swap3A_55 = arith.index_cast %swap3A_54 : i32 to index
    %swap3A_56 = arith.constant 0 : index
    %swap3A_57 = tpu.vector_load %arg13[%swap3A_55, %swap3A_56] {strides = array<i32>} : memref<22x16xf32, #tpu.memory_space<vmem>>, vector<16xf32>,
    tpu.vector_store %arg13[%swap3A_55, %swap3A_56], %broadcast_in_dim3A_18 {strides = array<i32>} : memref<22x16xf32, #tpu.memory_space<vmem>>, vector<16xf32>,
    %swap3A_58 = arith.constant 5 : i32
    %swap3A_59 = arith.index_cast %swap3A_58 : i32 to index
    %swap3A_60 = arith.constant 0 : index
    %swap3A_61 = tpu.vector_load %arg11[%swap3A_59, %swap3A_60] {strides = array<i32>} : memref<22x16xf32, #tpu.memory_space<vmem>>, vector<16xf32>,
    tpu.vector_store %arg11[%swap3A_59, %swap3A_60], %broadcast_in_dim3A_18 {strides = array<i32>} : memref<22x16xf32, #tpu.memory_space<vmem>>, vector<16xf32>,
    %swap3A_62 = arith.constant 5 : i32
    %swap3A_63 = arith.index_cast %swap3A_62 : i32 to index
    %swap3A_64 = arith.constant 0 : index
    %swap3A_65 = tpu.vector_load %arg13[%swap3A_63, %swap3A_64] {strides = array<i32>} : memref<22x16xf32, #tpu.memory_space<vmem>>, vector<16xf32>,
    tpu.vector_store %arg13[%swap3A_63, %swap3A_64], %broadcast_in_dim3A_18 {strides = array<i32>} : memref<22x16xf32, #tpu.memory_space<vmem>>, vector<16xf32>,
    %swap3A_66 = arith.constant 6 : i32
    %swap3A_67 = arith.index_cast %swap3A_66 : i32 to index
    %swap3A_68 = arith.constant 0 : index
    %swap3A_69 = tpu.vector_load %arg11[%swap3A_67, %swap3A_68] {strides = array<i32>} : memref<22x16xf32, #tpu.memory_space<vmem>>, vector<16xf32>,
    tpu.vector_store %arg11[%swap3A_67, %swap3A_68], %broadcast_in_dim3A_18 {strides = array<i32>} : memref<22x16xf32, #tpu.memory_space<vmem>>, vector<16xf32>,
    %swap3A_70 = arith.constant 6 : i32
    %swap3A_71 = arith.index_cast %swap3A_70 : i32 to index
    %swap3A_72 = arith.constant 0 : index
    %swap3A_73 = tpu.vector_load %arg13[%swap3A_71, %swap3A_72] {strides = array<i32>} : memref<22x16xf32, #tpu.memory_space<vmem>>, vector<16xf32>,
    tpu.vector_store %arg13[%swap3A_71, %swap3A_72], %broadcast_in_dim3A_18 {strides = array<i32>} : memref<22x16xf32, #tpu.memory_space<vmem>>, vector<16xf32>,
    %swap3A_74 = arith.constant 7 : i32
    %swap3A_75 = arith.index_cast %swap3A_74 : i32 to index
    %swap3A_76 = arith.constant 0 : index
    %swap3A_77 = tpu.vector_load %arg11[%swap3A_75, %swap3A_76] {strides = array<i32>} : memref<22x16xf32, #tpu.memory_space<vmem>>, vector<16xf32>,
    tpu.vector_store %arg11[%swap3A_75, %swap3A_76], %broadcast_in_dim3A_18 {strides = array<i32>} : memref<22x16xf32, #tpu.memory_space<vmem>>, vector<16xf32>,
    %swap3A_78 = arith.constant 7 : i32
    %swap3A_79 = arith.index_cast %swap3A_78 : i32 to index
    %swap3A_80 = arith.constant 0 : index
    %swap3A_81 = tpu.vector_load %arg13[%swap3A_79, %swap3A_80] {strides = array<i32>} : memref<22x16xf32, #tpu.memory_space<vmem>>, vector<16xf32>,
    tpu.vector_store %arg13[%swap3A_79, %swap3A_80], %broadcast_in_dim3A_18 {strides = array<i32>} : memref<22x16xf32, #tpu.memory_space<vmem>>, vector<16xf32>,
    %swap3A_82 = arith.constant 8 : i32
    %swap3A_83 = arith.index_cast %swap3A_82 : i32 to index
    %swap3A_84 = arith.constant 0 : index
    %swap3A_85 = tpu.vector_load %arg11[%swap3A_83, %swap3A_84] {strides = array<i32>} : memref<22x16xf32, #tpu.memory_space<vmem>>, vector<16xf32>,
    tpu.vector_store %arg11[%swap3A_83, %swap3A_84], %broadcast_in_dim3A_18 {strides = array<i32>} : memref<22x16xf32, #tpu.memory_space<vmem>>, vector<16xf32>,
    %swap3A_86 = arith.constant 8 : i32
    %swap3A_87 = arith.index_cast %swap3A_86 : i32 to index
    %swap3A_88 = arith.constant 0 : index
    %swap3A_89 = tpu.vector_load %arg13[%swap3A_87, %swap3A_88] {strides = array<i32>} : memref<22x16xf32, #tpu.memory_space<vmem>>, vector<16xf32>,
    tpu.vector_store %arg13[%swap3A_87, %swap3A_88], %broadcast_in_dim3A_18 {strides = array<i32>} : memref<22x16xf32, #tpu.memory_space<vmem>>, vector<16xf32>,
    %swap3A_90 = arith.constant 9 : i32
    %swap3A_91 = arith.index_cast %swap3A_90 : i32 to index
    %swap3A_92 = arith.constant 0 : index
    %swap3A_93 = tpu.vector_load %arg11[%swap3A_91, %swap3A_92] {strides = array<i32>} : memref<22x16xf32, #tpu.memory_space<vmem>>, vector<16xf32>,
    tpu.vector_store %arg11[%swap3A_91, %swap3A_92], %broadcast_in_dim3A_18 {strides = array<i32>} : memref<22x16xf32, #tpu.memory_space<vmem>>, vector<16xf32>,
    %swap3A_94 = arith.constant 9 : i32
    %swap3A_95 = arith.index_cast %swap3A_94 : i32 to index
    %swap3A_96 = arith.constant 0 : index
    %swap3A_97 = tpu.vector_load %arg13[%swap3A_95, %swap3A_96] {strides = array<i32>} : memref<22x16xf32, #tpu.memory_space<vmem>>, vector<16xf32>,
    tpu.vector_store %arg13[%swap3A_95, %swap3A_96], %broadcast_in_dim3A_18 {strides = array<i32>} : memref<22x16xf32, #tpu.memory_space<vmem>>, vector<16xf32>,
    %swap3A_98 = arith.constant 10 : i32
    %swap3A_99 = arith.index_cast %swap3A_98 : i32 to index
    %swap3A_100 = arith.constant 0 : index
    %swap3A_101 = tpu.vector_load %arg11[%swap3A_99, %swap3A_100] {strides = array<i32>} : memref<22x16xf32, #tpu.memory_space<vmem>>, vector<16xf32>,
    tpu.vector_store %arg11[%swap3A_99, %swap3A_100], %broadcast_in_dim3A_18 {strides = array<i32>} : memref<22x16xf32, #tpu.memory_space<vmem>>, vector<16xf32>,
    %swap3A_102 = arith.constant 10 : i32
    %swap3A_103 = arith.index_cast %swap3A_102 : i32 to index
    %swap3A_104 = arith.constant 0 : index
    %swap3A_105 = tpu.vector_load %arg13[%swap3A_103, %swap3A_104] {strides = array<i32>} : memref<22x16xf32, #tpu.memory_space<vmem>>, vector<16xf32>,
    tpu.vector_store %arg13[%swap3A_103, %swap3A_104], %broadcast_in_dim3A_18 {strides = array<i32>} : memref<22x16xf32, #tpu.memory_space<vmem>>, vector<16xf32>,
    %swap3A_106 = arith.constant 11 : i32
    %swap3A_107 = arith.index_cast %swap3A_106 : i32 to index
    %swap3A_108 = arith.constant 0 : index
    %swap3A_109 = tpu.vector_load %arg11[%swap3A_107, %swap3A_108] {strides = array<i32>} : memref<22x16xf32, #tpu.memory_space<vmem>>, vector<16xf32>,
    tpu.vector_store %arg11[%swap3A_107, %swap3A_108], %broadcast_in_dim3A_18 {strides = array<i32>} : memref<22x16xf32, #tpu.memory_space<vmem>>, vector<16xf32>,
    %swap3A_110 = arith.constant 11 : i32
    %swap3A_111 = arith.index_cast %swap3A_110 : i32 to index
    %swap3A_112 = arith.constant 0 : index
    %swap3A_113 = tpu.vector_load %arg13[%swap3A_111, %swap3A_112] {strides = array<i32>} : memref<22x16xf32, #tpu.memory_space<vmem>>, vector<16xf32>,
    tpu.vector_store %arg13[%swap3A_111, %swap3A_112], %broadcast_in_dim3A_18 {strides = array<i32>} : memref<22x16xf32, #tpu.memory_space<vmem>>, vector<16xf32>,
    %swap3A_114 = arith.constant 12 : i32
    %swap3A_115 = arith.index_cast %swap3A_114 : i32 to index
    %swap3A_116 = arith.constant 0 : index
    %swap3A_117 = tpu.vector_load %arg11[%swap3A_115, %swap3A_116] {strides = array<i32>} : memref<22x16xf32, #tpu.memory_space<vmem>>, vector<16xf32>,
    tpu.vector_store %arg11[%swap3A_115, %swap3A_116], %broadcast_in_dim3A_18 {strides = array<i32>} : memref<22x16xf32, #tpu.memory_space<vmem>>, vector<16xf32>,
    %swap3A_118 = arith.constant 12 : i32
    %swap3A_119 = arith.index_cast %swap3A_118 : i32 to index
    %swap3A_120 = arith.constant 0 : index
    %swap3A_121 = tpu.vector_load %arg13[%swap3A_119, %swap3A_120] {strides = array<i32>} : memref<22x16xf32, #tpu.memory_space<vmem>>, vector<16xf32>,
    tpu.vector_store %arg13[%swap3A_119, %swap3A_120], %broadcast_in_dim3A_18 {strides = array<i32>} : memref<22x16xf32, #tpu.memory_space<vmem>>, vector<16xf32>,
    %swap3A_122 = arith.constant 13 : i32
    %swap3A_123 = arith.index_cast %swap3A_122 : i32 to index
    %swap3A_124 = arith.constant 0 : index
    %swap3A_125 = tpu.vector_load %arg11[%swap3A_123, %swap3A_124] {strides = array<i32>} : memref<22x16xf32, #tpu.memory_space<vmem>>, vector<16xf32>,
    tpu.vector_store %arg11[%swap3A_123, %swap3A_124], %broadcast_in_dim3A_18 {strides = array<i32>} : memref<22x16xf32, #tpu.memory_space<vmem>>, vector<16xf32>,
    %swap3A_126 = arith.constant 13 : i32
    %swap3A_127 = arith.index_cast %swap3A_126 : i32 to index
    %swap3A_128 = arith.constant 0 : index
    %swap3A_129 = tpu.vector_load %arg13[%swap3A_127, %swap3A_128] {strides = array<i32>} : memref<22x16xf32, #tpu.memory_space<vmem>>, vector<16xf32>,
    tpu.vector_store %arg13[%swap3A_127, %swap3A_128], %broadcast_in_dim3A_18 {strides = array<i32>} : memref<22x16xf32, #tpu.memory_space<vmem>>, vector<16xf32>,
    %swap3A_130 = arith.constant 14 : i32
    %swap3A_131 = arith.index_cast %swap3A_130 : i32 to index
    %swap3A_132 = arith.constant 0 : index
    %swap3A_133 = tpu.vector_load %arg11[%swap3A_131, %swap3A_132] {strides = array<i32>} : memref<22x16xf32, #tpu.memory_space<vmem>>, vector<16xf32>,
    tpu.vector_store %arg11[%swap3A_131, %swap3A_132], %broadcast_in_dim3A_18 {strides = array<i32>} : memref<22x16xf32, #tpu.memory_space<vmem>>, vector<16xf32>,
    %swap3A_134 = arith.constant 14 : i32
    %swap3A_135 = arith.index_cast %swap3A_134 : i32 to index
    %swap3A_136 = arith.constant 0 : index
    %swap3A_137 = tpu.vector_load %arg13[%swap3A_135, %swap3A_136] {strides = array<i32>} : memref<22x16xf32, #tpu.memory_space<vmem>>, vector<16xf32>,
    tpu.vector_store %arg13[%swap3A_135, %swap3A_136], %broadcast_in_dim3A_18 {strides = array<i32>} : memref<22x16xf32, #tpu.memory_space<vmem>>, vector<16xf32>,
    %swap3A_138 = arith.constant 15 : i32
    %swap3A_139 = arith.index_cast %swap3A_138 : i32 to index
    %swap3A_140 = arith.constant 0 : index
    %swap3A_141 = tpu.vector_load %arg11[%swap3A_139, %swap3A_140] {strides = array<i32>} : memref<22x16xf32, #tpu.memory_space<vmem>>, vector<16xf32>,
    tpu.vector_store %arg11[%swap3A_139, %swap3A_140], %broadcast_in_dim3A_18 {strides = array<i32>} : memref<22x16xf32, #tpu.memory_space<vmem>>, vector<16xf32>,
    %swap3A_142 = arith.constant 15 : i32
    %swap3A_143 = arith.index_cast %swap3A_142 : i32 to index
    %swap3A_144 = arith.constant 0 : index
    %swap3A_145 = tpu.vector_load %arg13[%swap3A_143, %swap3A_144] {strides = array<i32>} : memref<22x16xf32, #tpu.memory_space<vmem>>, vector<16xf32>,
    tpu.vector_store %arg13[%swap3A_143, %swap3A_144], %broadcast_in_dim3A_18 {strides = array<i32>} : memref<22x16xf32, #tpu.memory_space<vmem>>, vector<16xf32>,
    %swap3A_146 = arith.constant 16 : i32
    %swap3A_147 = arith.index_cast %swap3A_146 : i32 to index
    %swap3A_148 = arith.constant 0 : index
    %swap3A_149 = tpu.vector_load %arg11[%swap3A_147, %swap3A_148] {strides = array<i32>} : memref<22x16xf32, #tpu.memory_space<vmem>>, vector<16xf32>,
    tpu.vector_store %arg11[%swap3A_147, %swap3A_148], %broadcast_in_dim3A_18 {strides = array<i32>} : memref<22x16xf32, #tpu.memory_space<vmem>>, vector<16xf32>,
    %swap3A_150 = arith.constant 16 : i32
    %swap3A_151 = arith.index_cast %swap3A_150 : i32 to index
    %swap3A_152 = arith.constant 0 : index
    %swap3A_153 = tpu.vector_load %arg13[%swap3A_151, %swap3A_152] {strides = array<i32>} : memref<22x16xf32, #tpu.memory_space<vmem>>, vector<16xf32>,
    tpu.vector_store %arg13[%swap3A_151, %swap3A_152], %broadcast_in_dim3A_18 {strides = array<i32>} : memref<22x16xf32, #tpu.memory_space<vmem>>, vector<16xf32>,
    %swap3A_154 = arith.constant 17 : i32
    %swap3A_155 = arith.index_cast %swap3A_154 : i32 to index
    %swap3A_156 = arith.constant 0 : index
    %swap3A_157 = tpu.vector_load %arg11[%swap3A_155, %swap3A_156] {strides = array<i32>} : memref<22x16xf32, #tpu.memory_space<vmem>>, vector<16xf32>,
    tpu.vector_store %arg11[%swap3A_155, %swap3A_156], %broadcast_in_dim3A_18 {strides = array<i32>} : memref<22x16xf32, #tpu.memory_space<vmem>>, vector<16xf32>,
    %swap3A_158 = arith.constant 17 : i32
    %swap3A_159 = arith.index_cast %swap3A_158 : i32 to index
    %swap3A_160 = arith.constant 0 : index
    %swap3A_161 = tpu.vector_load %arg13[%swap3A_159, %swap3A_160] {strides = array<i32>} : memref<22x16xf32, #tpu.memory_space<vmem>>, vector<16xf32>,
    tpu.vector_store %arg13[%swap3A_159, %swap3A_160], %broadcast_in_dim3A_18 {strides = array<i32>} : memref<22x16xf32, #tpu.memory_space<vmem>>, vector<16xf32>,
    %swap3A_162 = arith.constant 18 : i32
    %swap3A_163 = arith.index_cast %swap3A_162 : i32 to index
    %swap3A_164 = arith.constant 0 : index
    %swap3A_165 = tpu.vector_load %arg11[%swap3A_163, %swap3A_164] {strides = array<i32>} : memref<22x16xf32, #tpu.memory_space<vmem>>, vector<16xf32>,
    tpu.vector_store %arg11[%swap3A_163, %swap3A_164], %broadcast_in_dim3A_18 {strides = array<i32>} : memref<22x16xf32, #tpu.memory_space<vmem>>, vector<16xf32>,
    %swap3A_166 = arith.constant 18 : i32
    %swap3A_167 = arith.index_cast %swap3A_166 : i32 to index
    %swap3A_168 = arith.constant 0 : index
    %swap3A_169 = tpu.vector_load %arg13[%swap3A_167, %swap3A_168] {strides = array<i32>} : memref<22x16xf32, #tpu.memory_space<vmem>>, vector<16xf32>,
    tpu.vector_store %arg13[%swap3A_167, %swap3A_168], %broadcast_in_dim3A_18 {strides = array<i32>} : memref<22x16xf32, #tpu.memory_space<vmem>>, vector<16xf32>,
    %swap3A_170 = arith.constant 19 : i32
    %swap3A_171 = arith.index_cast %swap3A_170 : i32 to index
    %swap3A_172 = arith.constant 0 : index
    %swap3A_173 = tpu.vector_load %arg11[%swap3A_171, %swap3A_172] {strides = array<i32>} : memref<22x16xf32, #tpu.memory_space<vmem>>, vector<16xf32>,
    tpu.vector_store %arg11[%swap3A_171, %swap3A_172], %broadcast_in_dim3A_18 {strides = array<i32>} : memref<22x16xf32, #tpu.memory_space<vmem>>, vector<16xf32>,
    %swap3A_174 = arith.constant 19 : i32
    %swap3A_175 = arith.index_cast %swap3A_174 : i32 to index
    %swap3A_176 = arith.constant 0 : index
    %swap3A_177 = tpu.vector_load %arg13[%swap3A_175, %swap3A_176] {strides = array<i32>} : memref<22x16xf32, #tpu.memory_space<vmem>>, vector<16xf32>,
    tpu.vector_store %arg13[%swap3A_175, %swap3A_176], %broadcast_in_dim3A_18 {strides = array<i32>} : memref<22x16xf32, #tpu.memory_space<vmem>>, vector<16xf32>,
    %swap3A_178 = arith.constant 20 : i32
    %swap3A_179 = arith.index_cast %swap3A_178 : i32 to index
    %swap3A_180 = arith.constant 0 : index
    %swap3A_181 = tpu.vector_load %arg11[%swap3A_179, %swap3A_180] {strides = array<i32>} : memref<22x16xf32, #tpu.memory_space<vmem>>, vector<16xf32>,
    tpu.vector_store %arg11[%swap3A_179, %swap3A_180], %broadcast_in_dim3A_18 {strides = array<i32>} : memref<22x16xf32, #tpu.memory_space<vmem>>, vector<16xf32>,
    %swap3A_182 = arith.constant 20 : i32
    %swap3A_183 = arith.index_cast %swap3A_182 : i32 to index
    %swap3A_184 = arith.constant 0 : index
    %swap3A_185 = tpu.vector_load %arg13[%swap3A_183, %swap3A_184] {strides = array<i32>} : memref<22x16xf32, #tpu.memory_space<vmem>>, vector<16xf32>,
    tpu.vector_store %arg13[%swap3A_183, %swap3A_184], %broadcast_in_dim3A_18 {strides = array<i32>} : memref<22x16xf32, #tpu.memory_space<vmem>>, vector<16xf32>,
    %swap3A_186 = arith.constant 21 : i32
    %swap3A_187 = arith.index_cast %swap3A_186 : i32 to index
    %swap3A_188 = arith.constant 0 : index
    %swap3A_189 = tpu.vector_load %arg11[%swap3A_187, %swap3A_188] {strides = array<i32>} : memref<22x16xf32, #tpu.memory_space<vmem>>, vector<16xf32>,
    tpu.vector_store %arg11[%swap3A_187, %swap3A_188], %broadcast_in_dim3A_18 {strides = array<i32>} : memref<22x16xf32, #tpu.memory_space<vmem>>, vector<16xf32>,
    %swap3A_190 = arith.constant 21 : i32
    %swap3A_191 = arith.index_cast %swap3A_190 : i32 to index
    %swap3A_192 = arith.constant 0 : index
    %swap3A_193 = tpu.vector_load %arg13[%swap3A_191, %swap3A_192] {strides = array<i32>} : memref<22x16xf32, #tpu.memory_space<vmem>>, vector<16xf32>,
    tpu.vector_store %arg13[%swap3A_191, %swap3A_192], %broadcast_in_dim3A_18 {strides = array<i32>} : memref<22x16xf32, #tpu.memory_space<vmem>>, vector<16xf32>,
    %iota3A = tpu.iota {dimensions = array<i32: 0>} : vector<16xi32>
    %jit3A_194 = arith.constant 8 : i32
    %div3A = vector.broadcast %jit3A_194 : i32 to vector<16xi32>
    %div3A_195 = arith.divsi %iota3A, %div3A : vector<16xi32>
    %sign3A = arith.constant 0 : i32
    %sign3A_196 = vector.broadcast %sign3A : i32 to vector<16xi32>
    %sign3A_197 = arith.cmpi sgt, %iota3A, %sign3A_196 : vector<16xi32>
    %sign3A_198 = arith.extui %sign3A_197 : vector<16xi1> to vector<16xi32>
    %sign3A_199 = arith.constant 0 : i32
    %sign3A_200 = vector.broadcast %sign3A_199 : i32 to vector<16xi32>
    %sign3A_201 = arith.cmpi slt, %iota3A, %sign3A_200 : vector<16xi32>
    %sign3A_202 = arith.extui %sign3A_201 : vector<16xi1> to vector<16xi32>
    %sign3A_203 = arith.subi %sign3A_198, %sign3A_202 : vector<16xi32>
    %sign3A_204 = arith.constant 0 : i32
    %sign3A_205 = arith.cmpi sgt, %jit3A_194, %sign3A_204 : i32
    %sign3A_206 = arith.extui %sign3A_205 : i1 to i32
    %sign3A_207 = arith.constant 0 : i32
    %sign3A_208 = arith.cmpi slt, %jit3A_194, %sign3A_207 : i32
    %sign3A_209 = arith.extui %sign3A_208 : i1 to i32
    %sign3A_210 = arith.subi %sign3A_206, %sign3A_209 : i32
    %ne3A = vector.broadcast %sign3A_210 : i32 to vector<16xi32>
    %ne3A_211 = arith.cmpi ne, %sign3A_203, %ne3A : vector<16xi32>
    %rem3A = vector.broadcast %jit3A_194 : i32 to vector<16xi32>
    %rem3A_212 = arith.remsi %iota3A, %rem3A : vector<16xi32>
    %ne3A_213 = arith.constant 0 : i32
    %ne3A_214 = vector.broadcast %ne3A_213 : i32 to vector<16xi32>
    %ne3A_215 = arith.cmpi ne, %rem3A_212, %ne3A_214 : vector<16xi32>
    %and3A = arith.andi %ne3A_211, %ne3A_215 : vector<16xi1>
    %sub3A = arith.constant 1 : i32
    %sub3A_216 = vector.broadcast %sub3A : i32 to vector<16xi32>
    %sub3A_217 = arith.subi %div3A_195, %sub3A_216 : vector<16xi32>
    %select_n3A_218 = arith.select %and3A, %sub3A_217, %div3A_195 : vector<16xi1>, vector<16xi32>
    %jit3A_219 = arith.constant 8 : i32
    %eq3A = arith.constant 0 : i32
    %eq3A_220 = arith.cmpi eq, %jit3A_219, %eq3A : i32
    %jit3A_221 = arith.constant 1 : i32
    %select_n3A_222 = arith.select %eq3A_220, %jit3A_221, %jit3A_219 : i32
    %rem3A_223 = vector.broadcast %select_n3A_222 : i32 to vector<16xi32>
    %rem3A_224 = arith.remsi %iota3A, %rem3A_223 : vector<16xi32>
    %ne3A_225 = arith.constant 0 : i32
    %ne3A_226 = vector.broadcast %ne3A_225 : i32 to vector<16xi32>
    %ne3A_227 = arith.cmpi ne, %rem3A_224, %ne3A_226 : vector<16xi32>
    %lt3A_228 = arith.constant 0 : i32
    %lt3A_229 = vector.broadcast %lt3A_228 : i32 to vector<16xi32>
    %lt3A_230 = arith.cmpi slt, %rem3A_224, %lt3A_229 : vector<16xi32>
    %lt3A_231 = arith.constant 0 : i32
    %lt3A_232 = arith.cmpi slt, %select_n3A_222, %lt3A_231 : i32
    %ne3A_233 = vector.broadcast %lt3A_232 : i1 to vector<16xi1>
    %ne3A_234 = vector.broadcast %ne3A_233 : vector<16xi1> to vector<16xi1>
    %ne3A_235 = arith.xori %lt3A_230, %ne3A_234 : vector<16xi1>
    %and3A_236 = arith.andi %ne3A_235, %ne3A_227 : vector<16xi1>
    %add3A_237 = vector.broadcast %select_n3A_222 : i32 to vector<16xi32>
    %add3A_238 = arith.addi %rem3A_224, %add3A_237 : vector<16xi32>
    %select_n3A_239 = arith.select %and3A_236, %add3A_238, %rem3A_224 : vector<16xi1>, vector<16xi32>
    %broadcast_in_dim3A_240 = arith.constant 0 : i32
    %broadcast_in_dim3A_241 = vector.broadcast %broadcast_in_dim3A_240 : i32 to vector<16xi32>
    %add3A_242 = arith.constant 0 : i32
    %add3A_243 = arith.addi %add3A_7, %add3A_242 : i32
    %dma_start3A = arith.constant 0 : i32
    %dma_start3A_244 = arith.constant 0 : i32
    %dma_start3A_245 = arith.constant 0 : i32
    %dma_start3A_246 = arith.constant 0 : i32
    %dma_start3A_247 = arith.constant 0 : i32
    %dma_start3A_248 = arith.constant 0 : i32
    %dma_start3A_249 = tpu.memref_slice %arg9[%dma_start3A, %dma_start3A_244, %dma_start3A_245, %dma_start3A_246, %dma_start3A_247, %dma_start3A_248] : memref<2x9x2x1x8x128xf32, #tpu.memory_space<vmem>> -> memref<1x9x2x1x8x128xf32, #tpu.memory_space<vmem>>
    %dma_start3A_250 = tpu.memref_squeeze %dma_start3A_249 : memref<1x9x2x1x8x128xf32, #tpu.memory_space<vmem>> -> memref<9x2x1x8x128xf32, #tpu.memory_space<vmem>>
    %dma_start3A_251 = arith.constant 0 : i32
    %dma_start3A_252 = arith.constant 0 : i32
    %dma_start3A_253 = arith.constant 0 : i32
    %dma_start3A_254 = arith.constant 0 : i32
    %dma_start3A_255 = tpu.memref_slice %arg2[%dma_start3A_251, %dma_start3A_252, %add3A_243, %dma_start3A_253, %dma_start3A_254] : memref<9x2x1250x8x128xf32, #tpu.memory_space<hbm>> -> memref<9x2x1x8x128xf32, #tpu.memory_space<hbm>>
    %dma_start3A_256 = arith.constant 0 : i32
    %dma_start3A_257 = arith.constant 0 : i32
    %dma_start3A_258 = arith.constant 0 : i32
    %dma_start3A_259 = arith.constant 0 : i32
    %dma_start3A_260 = arith.constant 0 : i32
    %dma_start3A_261 = tpu.memref_slice %arg9[%dma_start3A, %dma_start3A_256, %dma_start3A_257, %dma_start3A_258, %dma_start3A_259, %dma_start3A_260] : memref<2x9x2x1x8x128xf32, #tpu.memory_space<vmem>> -> memref<1x9x2x1x8x128xf32, #tpu.memory_space<vmem>>
    %dma_start3A_262 = tpu.memref_squeeze %dma_start3A_261 : memref<1x9x2x1x8x128xf32, #tpu.memory_space<vmem>> -> memref<9x2x1x8x128xf32, #tpu.memory_space<vmem>>
    %dma_start3A_263 = arith.constant 0 : i32
    %dma_start3A_264 = arith.constant 0 : i32
    %dma_start3A_265 = arith.constant 0 : i32
    %dma_start3A_266 = arith.constant 0 : i32
    %dma_start3A_267 = tpu.memref_slice %arg2[%dma_start3A_263, %dma_start3A_264, %add3A_243, %dma_start3A_265, %dma_start3A_266] : memref<9x2x1250x8x128xf32, #tpu.memory_space<hbm>> -> memref<9x2x1x8x128xf32, #tpu.memory_space<hbm>>
    tpu.enqueue_dma source(%dma_start3A_267 : memref<9x2x1x8x128xf32, #tpu.memory_space<hbm>>) target(%dma_start3A_262 : memref<9x2x1x8x128xf32, #tpu.memory_space<vmem>>) target_semaphore(%arg15 : memref<!tpu.dma_semaphore, #tpu.memory_space<semaphore_mem>>)
    %dma_start3A_268 = arith.constant 0 : i32
    %dma_start3A_269 = arith.constant 0 : i32
    %dma_start3A_270 = arith.constant 0 : i32
    %dma_start3A_271 = arith.constant 0 : i32
    %dma_start3A_272 = arith.constant 0 : i32
    %dma_start3A_273 = arith.constant 0 : i32
    %dma_start3A_274 = tpu.memref_slice %arg10[%dma_start3A_268, %dma_start3A_269, %dma_start3A_270, %dma_start3A_271, %dma_start3A_272, %dma_start3A_273] : memref<2x13x2x1x8x128xf32, #tpu.memory_space<vmem>> -> memref<1x13x2x1x8x128xf32, #tpu.memory_space<vmem>>
    %dma_start3A_275 = tpu.memref_squeeze %dma_start3A_274 : memref<1x13x2x1x8x128xf32, #tpu.memory_space<vmem>> -> memref<13x2x1x8x128xf32, #tpu.memory_space<vmem>>
    %dma_start3A_276 = arith.constant 0 : i32
    %dma_start3A_277 = arith.constant 0 : i32
    %dma_start3A_278 = arith.constant 0 : i32
    %dma_start3A_279 = arith.constant 0 : i32
    %dma_start3A_280 = tpu.memref_slice %arg3[%dma_start3A_276, %dma_start3A_277, %add3A_243, %dma_start3A_278, %dma_start3A_279] : memref<13x2x1250x8x128xf32, #tpu.memory_space<hbm>> -> memref<13x2x1x8x128xf32, #tpu.memory_space<hbm>>
    %dma_start3A_281 = arith.constant 0 : i32
    %dma_start3A_282 = arith.constant 0 : i32
    %dma_start3A_283 = arith.constant 0 : i32
    %dma_start3A_284 = arith.constant 0 : i32
    %dma_start3A_285 = arith.constant 0 : i32
    %dma_start3A_286 = tpu.memref_slice %arg10[%dma_start3A_268, %dma_start3A_281, %dma_start3A_282, %dma_start3A_283, %dma_start3A_284, %dma_start3A_285] : memref<2x13x2x1x8x128xf32, #tpu.memory_space<vmem>> -> memref<1x13x2x1x8x128xf32, #tpu.memory_space<vmem>>
    %dma_start3A_287 = tpu.memref_squeeze %dma_start3A_286 : memref<1x13x2x1x8x128xf32, #tpu.memory_space<vmem>> -> memref<13x2x1x8x128xf32, #tpu.memory_space<vmem>>
    %dma_start3A_288 = arith.constant 0 : i32
    %dma_start3A_289 = arith.constant 0 : i32
    %dma_start3A_290 = arith.constant 0 : i32
    %dma_start3A_291 = arith.constant 0 : i32
    %dma_start3A_292 = tpu.memref_slice %arg3[%dma_start3A_288, %dma_start3A_289, %add3A_243, %dma_start3A_290, %dma_start3A_291] : memref<13x2x1250x8x128xf32, #tpu.memory_space<hbm>> -> memref<13x2x1x8x128xf32, #tpu.memory_space<hbm>>
    tpu.enqueue_dma source(%dma_start3A_292 : memref<13x2x1x8x128xf32, #tpu.memory_space<hbm>>) target(%dma_start3A_287 : memref<13x2x1x8x128xf32, #tpu.memory_space<vmem>>) target_semaphore(%arg17 : memref<!tpu.dma_semaphore, #tpu.memory_space<semaphore_mem>>)
    %add3A_293 = arith.constant 1 : i32
    %add3A_294 = arith.addi %add3A_7, %add3A_293 : i32
    %dma_start3A_295 = arith.constant 1 : i32
    %dma_start3A_296 = arith.constant 0 : i32
    %dma_start3A_297 = arith.constant 0 : i32
    %dma_start3A_298 = arith.constant 0 : i32
    %dma_start3A_299 = arith.constant 0 : i32
    %dma_start3A_300 = arith.constant 0 : i32
    %dma_start3A_301 = tpu.memref_slice %arg9[%dma_start3A_295, %dma_start3A_296, %dma_start3A_297, %dma_start3A_298, %dma_start3A_299, %dma_start3A_300] : memref<2x9x2x1x8x128xf32, #tpu.memory_space<vmem>> -> memref<1x9x2x1x8x128xf32, #tpu.memory_space<vmem>>
    %dma_start3A_302 = tpu.memref_squeeze %dma_start3A_301 : memref<1x9x2x1x8x128xf32, #tpu.memory_space<vmem>> -> memref<9x2x1x8x128xf32, #tpu.memory_space<vmem>>
    %dma_start3A_303 = arith.constant 0 : i32
    %dma_start3A_304 = arith.constant 0 : i32
    %dma_start3A_305 = arith.constant 0 : i32
    %dma_start3A_306 = arith.constant 0 : i32
    %dma_start3A_307 = tpu.memref_slice %arg2[%dma_start3A_303, %dma_start3A_304, %add3A_294, %dma_start3A_305, %dma_start3A_306] : memref<9x2x1250x8x128xf32, #tpu.memory_space<hbm>> -> memref<9x2x1x8x128xf32, #tpu.memory_space<hbm>>
    %dma_start3A_308 = arith.constant 0 : i32
    %dma_start3A_309 = arith.constant 0 : i32
    %dma_start3A_310 = arith.constant 0 : i32
    %dma_start3A_311 = arith.constant 0 : i32
    %dma_start3A_312 = arith.constant 0 : i32
    %dma_start3A_313 = tpu.memref_slice %arg9[%dma_start3A_295, %dma_start3A_308, %dma_start3A_309, %dma_start3A_310, %dma_start3A_311, %dma_start3A_312] : memref<2x9x2x1x8x128xf32, #tpu.memory_space<vmem>> -> memref<1x9x2x1x8x128xf32, #tpu.memory_space<vmem>>
    %dma_start3A_314 = tpu.memref_squeeze %dma_start3A_313 : memref<1x9x2x1x8x128xf32, #tpu.memory_space<vmem>> -> memref<9x2x1x8x128xf32, #tpu.memory_space<vmem>>
    %dma_start3A_315 = arith.constant 0 : i32
    %dma_start3A_316 = arith.constant 0 : i32
    %dma_start3A_317 = arith.constant 0 : i32
    %dma_start3A_318 = arith.constant 0 : i32
    %dma_start3A_319 = tpu.memref_slice %arg2[%dma_start3A_315, %dma_start3A_316, %add3A_294, %dma_start3A_317, %dma_start3A_318] : memref<9x2x1250x8x128xf32, #tpu.memory_space<hbm>> -> memref<9x2x1x8x128xf32, #tpu.memory_space<hbm>>
    tpu.enqueue_dma source(%dma_start3A_319 : memref<9x2x1x8x128xf32, #tpu.memory_space<hbm>>) target(%dma_start3A_314 : memref<9x2x1x8x128xf32, #tpu.memory_space<vmem>>) target_semaphore(%arg16 : memref<!tpu.dma_semaphore, #tpu.memory_space<semaphore_mem>>)
    %dma_start3A_320 = arith.constant 1 : i32
    %dma_start3A_321 = arith.constant 0 : i32
    %dma_start3A_322 = arith.constant 0 : i32
    %dma_start3A_323 = arith.constant 0 : i32
    %dma_start3A_324 = arith.constant 0 : i32
    %dma_start3A_325 = arith.constant 0 : i32
    %dma_start3A_326 = tpu.memref_slice %arg10[%dma_start3A_320, %dma_start3A_321, %dma_start3A_322, %dma_start3A_323, %dma_start3A_324, %dma_start3A_325] : memref<2x13x2x1x8x128xf32, #tpu.memory_space<vmem>> -> memref<1x13x2x1x8x128xf32, #tpu.memory_space<vmem>>
    %dma_start3A_327 = tpu.memref_squeeze %dma_start3A_326 : memref<1x13x2x1x8x128xf32, #tpu.memory_space<vmem>> -> memref<13x2x1x8x128xf32, #tpu.memory_space<vmem>>
    %dma_start3A_328 = arith.constant 0 : i32
    %dma_start3A_329 = arith.constant 0 : i32
    %dma_start3A_330 = arith.constant 0 : i32
    %dma_start3A_331 = arith.constant 0 : i32
    %dma_start3A_332 = tpu.memref_slice %arg3[%dma_start3A_328, %dma_start3A_329, %add3A_294, %dma_start3A_330, %dma_start3A_331] : memref<13x2x1250x8x128xf32, #tpu.memory_space<hbm>> -> memref<13x2x1x8x128xf32, #tpu.memory_space<hbm>>
    %dma_start3A_333 = arith.constant 0 : i32
    %dma_start3A_334 = arith.constant 0 : i32
    %dma_start3A_335 = arith.constant 0 : i32
    %dma_start3A_336 = arith.constant 0 : i32
    %dma_start3A_337 = arith.constant 0 : i32
    %dma_start3A_338 = tpu.memref_slice %arg10[%dma_start3A_320, %dma_start3A_333, %dma_start3A_334, %dma_start3A_335, %dma_start3A_336, %dma_start3A_337] : memref<2x13x2x1x8x128xf32, #tpu.memory_space<vmem>> -> memref<1x13x2x1x8x128xf32, #tpu.memory_space<vmem>>
    %dma_start3A_339 = tpu.memref_squeeze %dma_start3A_338 : memref<1x13x2x1x8x128xf32, #tpu.memory_space<vmem>> -> memref<13x2x1x8x128xf32, #tpu.memory_space<vmem>>
    %dma_start3A_340 = arith.constant 0 : i32
    %dma_start3A_341 = arith.constant 0 : i32
    %dma_start3A_342 = arith.constant 0 : i32
    %dma_start3A_343 = arith.constant 0 : i32
    %dma_start3A_344 = tpu.memref_slice %arg3[%dma_start3A_340, %dma_start3A_341, %add3A_294, %dma_start3A_342, %dma_start3A_343] : memref<13x2x1250x8x128xf32, #tpu.memory_space<hbm>> -> memref<13x2x1x8x128xf32, #tpu.memory_space<hbm>>
    tpu.enqueue_dma source(%dma_start3A_344 : memref<13x2x1x8x128xf32, #tpu.memory_space<hbm>>) target(%dma_start3A_339 : memref<13x2x1x8x128xf32, #tpu.memory_space<vmem>>) target_semaphore(%arg18 : memref<!tpu.dma_semaphore, #tpu.memory_space<semaphore_mem>>)
    %get3A = arith.constant 0 : index
    %get3A_345 = tpu.vector_load %arg8[%get3A] {strides = array<i32>} : memref<5136xi32, #tpu.memory_space<vmem>>, vector<16xi32>,
    %slice3A = vector.extract_strided_slice %get3A_345 {offsets = [0], sizes = [1], strides = [1]} : vector<16xi32> to vector<1xi32>
    %squeeze3A = vector.extract %slice3A[0] : i32 from vector<1xi32>
    %jit3A_346 = arith.constant 2 : i32
    %div3A_347 = arith.divsi %select_n3A, %jit3A_346 : i32
    %sign3A_348 = arith.constant 0 : i32
    %sign3A_349 = arith.cmpi sgt, %select_n3A, %sign3A_348 : i32
    %sign3A_350 = arith.extui %sign3A_349 : i1 to i32
    %sign3A_351 = arith.constant 0 : i32
    %sign3A_352 = arith.cmpi slt, %select_n3A, %sign3A_351 : i32
    %sign3A_353 = arith.extui %sign3A_352 : i1 to i32
    %sign3A_354 = arith.subi %sign3A_350, %sign3A_353 : i32
    %sign3A_355 = arith.constant 0 : i32
    %sign3A_356 = arith.cmpi sgt, %jit3A_346, %sign3A_355 : i32
    %sign3A_357 = arith.extui %sign3A_356 : i1 to i32
    %sign3A_358 = arith.constant 0 : i32
    %sign3A_359 = arith.cmpi slt, %jit3A_346, %sign3A_358 : i32
    %sign3A_360 = arith.extui %sign3A_359 : i1 to i32
    %sign3A_361 = arith.subi %sign3A_357, %sign3A_360 : i32
    %ne3A_362 = arith.cmpi ne, %sign3A_354, %sign3A_361 : i32
    %rem3A_363 = arith.remsi %select_n3A, %jit3A_346 : i32
    %ne3A_364 = arith.constant 0 : i32
    %ne3A_365 = arith.cmpi ne, %rem3A_363, %ne3A_364 : i32
    %and3A_366 = arith.andi %ne3A_362, %ne3A_365 : i1
    %sub3A_367 = arith.constant 1 : i32
    %sub3A_368 = arith.subi %div3A_347, %sub3A_367 : i32
    %select_n3A_369 = arith.select %and3A_366, %sub3A_368, %div3A_347 : i32
    %while3A = arith.constant 0 : i32
    %while3A_370 = arith.constant 0 : i32
    %while3A_371 = arith.subi %select_n3A_369, %while3A : i32
    %while3A_372 = arith.addi %while3A, %while3A_371 : i32
    %while3A_373 = arith.constant 1 : i32
    %while3A_374 = arith.divsi %while3A_371, %while3A_373 : i32
    %while3A_375 = arith.muli %while3A_374, %while3A_373 : i32
    %while3A_376 = arith.addi %while3A, %while3A_375 : i32
    %while3A_377 = arith.constant 1 : i32
    %while3A_378:2 = scf.for %while3A_414 = %while3A to %while3A_376 step %while3A_377 iter_args(%while3A_415 = %squeeze3A, %while3A_416 = %while3A_370) -> (i32, i32)  : i32 {
      %dma_wait3A = arith.constant 0 : i32
      %dma_wait3A_417 = arith.constant 0 : i32
      %dma_wait3A_418 = arith.constant 0 : i32
      %dma_wait3A_419 = arith.constant 0 : i32
      %dma_wait3A_420 = arith.constant 0 : i32
      %dma_wait3A_421 = arith.constant 0 : i32
      %dma_wait3A_422 = tpu.memref_slice %arg9[%dma_wait3A, %dma_wait3A_417, %dma_wait3A_418, %dma_wait3A_419, %dma_wait3A_420, %dma_wait3A_421] : memref<2x9x2x1x8x128xf32, #tpu.memory_space<vmem>> -> memref<1x9x2x1x8x128xf32, #tpu.memory_space<vmem>>
      %dma_wait3A_423 = tpu.memref_squeeze %dma_wait3A_422 : memref<1x9x2x1x8x128xf32, #tpu.memory_space<vmem>> -> memref<9x2x1x8x128xf32, #tpu.memory_space<vmem>>
      %dma_wait3A_424 = arith.constant 0 : i32
      %dma_wait3A_425 = arith.constant 0 : i32
      %dma_wait3A_426 = arith.constant 0 : i32
      %dma_wait3A_427 = arith.constant 0 : i32
      %dma_wait3A_428 = arith.constant 0 : i32
      %dma_wait3A_429 = tpu.memref_slice %arg2[%dma_wait3A_424, %dma_wait3A_425, %dma_wait3A_426, %dma_wait3A_427, %dma_wait3A_428] : memref<9x2x1250x8x128xf32, #tpu.memory_space<hbm>> -> memref<9x2x1x8x128xf32, #tpu.memory_space<hbm>>
      %dma_wait3A_430 = arith.constant 0 : i32
      %dma_wait3A_431 = arith.constant 0 : i32
      %dma_wait3A_432 = arith.constant 0 : i32
      %dma_wait3A_433 = arith.constant 0 : i32
      %dma_wait3A_434 = arith.constant 0 : i32
      %dma_wait3A_435 = tpu.memref_slice %arg9[%dma_wait3A, %dma_wait3A_430, %dma_wait3A_431, %dma_wait3A_432, %dma_wait3A_433, %dma_wait3A_434] : memref<2x9x2x1x8x128xf32, #tpu.memory_space<vmem>> -> memref<1x9x2x1x8x128xf32, #tpu.memory_space<vmem>>
      %dma_wait3A_436 = tpu.memref_squeeze %dma_wait3A_435 : memref<1x9x2x1x8x128xf32, #tpu.memory_space<vmem>> -> memref<9x2x1x8x128xf32, #tpu.memory_space<vmem>>
      %dma_wait3A_437 = arith.constant 0 : i32
      %dma_wait3A_438 = arith.constant 0 : i32
      %dma_wait3A_439 = arith.constant 0 : i32
      %dma_wait3A_440 = arith.constant 0 : i32
      %dma_wait3A_441 = arith.constant 0 : i32
      %dma_wait3A_442 = tpu.memref_slice %arg2[%dma_wait3A_437, %dma_wait3A_438, %dma_wait3A_439, %dma_wait3A_440, %dma_wait3A_441] : memref<9x2x1250x8x128xf32, #tpu.memory_space<hbm>> -> memref<9x2x1x8x128xf32, #tpu.memory_space<hbm>>
      tpu.wait_dma2 semaphore(%arg15 : memref<!tpu.dma_semaphore, #tpu.memory_space<semaphore_mem>>) src(%dma_wait3A_442 : memref<9x2x1x8x128xf32, #tpu.memory_space<hbm>>) dst(%dma_wait3A_436 : memref<9x2x1x8x128xf32, #tpu.memory_space<vmem>>)
      %dma_wait3A_443 = arith.constant 0 : i32
      %dma_wait3A_444 = arith.constant 0 : i32
      %dma_wait3A_445 = arith.constant 0 : i32
      %dma_wait3A_446 = arith.constant 0 : i32
      %dma_wait3A_447 = arith.constant 0 : i32
      %dma_wait3A_448 = arith.constant 0 : i32
      %dma_wait3A_449 = tpu.memref_slice %arg10[%dma_wait3A_443, %dma_wait3A_444, %dma_wait3A_445, %dma_wait3A_446, %dma_wait3A_447, %dma_wait3A_448] : memref<2x13x2x1x8x128xf32, #tpu.memory_space<vmem>> -> memref<1x13x2x1x8x128xf32, #tpu.memory_space<vmem>>
      %dma_wait3A_450 = tpu.memref_squeeze %dma_wait3A_449 : memref<1x13x2x1x8x128xf32, #tpu.memory_space<vmem>> -> memref<13x2x1x8x128xf32, #tpu.memory_space<vmem>>
      %dma_wait3A_451 = arith.constant 0 : i32
      %dma_wait3A_452 = arith.constant 0 : i32
      %dma_wait3A_453 = arith.constant 0 : i32
      %dma_wait3A_454 = arith.constant 0 : i32
      %dma_wait3A_455 = arith.constant 0 : i32
      %dma_wait3A_456 = tpu.memref_slice %arg3[%dma_wait3A_451, %dma_wait3A_452, %dma_wait3A_453, %dma_wait3A_454, %dma_wait3A_455] : memref<13x2x1250x8x128xf32, #tpu.memory_space<hbm>> -> memref<13x2x1x8x128xf32, #tpu.memory_space<hbm>>
      %dma_wait3A_457 = arith.constant 0 : i32
      %dma_wait3A_458 = arith.constant 0 : i32
      %dma_wait3A_459 = arith.constant 0 : i32
      %dma_wait3A_460 = arith.constant 0 : i32
      %dma_wait3A_461 = arith.constant 0 : i32
      %dma_wait3A_462 = tpu.memref_slice %arg10[%dma_wait3A_443, %dma_wait3A_457, %dma_wait3A_458, %dma_wait3A_459, %dma_wait3A_460, %dma_wait3A_461] : memref<2x13x2x1x8x128xf32, #tpu.memory_space<vmem>> -> memref<1x13x2x1x8x128xf32, #tpu.memory_space<vmem>>
      %dma_wait3A_463 = tpu.memref_squeeze %dma_wait3A_462 : memref<1x13x2x1x8x128xf32, #tpu.memory_space<vmem>> -> memref<13x2x1x8x128xf32, #tpu.memory_space<vmem>>
      %dma_wait3A_464 = arith.constant 0 : i32
      %dma_wait3A_465 = arith.constant 0 : i32
      %dma_wait3A_466 = arith.constant 0 : i32
      %dma_wait3A_467 = arith.constant 0 : i32
      %dma_wait3A_468 = arith.constant 0 : i32
      %dma_wait3A_469 = tpu.memref_slice %arg3[%dma_wait3A_464, %dma_wait3A_465, %dma_wait3A_466, %dma_wait3A_467, %dma_wait3A_468] : memref<13x2x1250x8x128xf32, #tpu.memory_space<hbm>> -> memref<13x2x1x8x128xf32, #tpu.memory_space<hbm>>
      tpu.wait_dma2 semaphore(%arg17 : memref<!tpu.dma_semaphore, #tpu.memory_space<semaphore_mem>>) src(%dma_wait3A_469 : memref<13x2x1x8x128xf32, #tpu.memory_space<hbm>>) dst(%dma_wait3A_463 : memref<13x2x1x8x128xf32, #tpu.memory_space<vmem>>)
      %mul3A_470 = arith.constant 2 : i32
      %mul3A_471 = arith.muli %mul3A_470, %while3A_414 : i32
      %scan3A = arith.constant 0 : i32
      %scan3A_472 = arith.constant 128 : i32
      %scan3A_473 = arith.addi %scan3A, %scan3A_472 : i32
      %scan3A_474 = arith.constant 1 : i32
      %scan3A_475:2 = scf.for %scan3A_557 = %scan3A to %scan3A_473 step %scan3A_474 iter_args(%scan3A_558 = %while3A_415, %scan3A_559 = %while3A_416) -> (i32, i32)  : i32 {
        %mul3A_560 = arith.constant 128 : i32
        %mul3A_561 = arith.muli %mul3A_471, %mul3A_560 : i32
        %add3A_562 = arith.addi %mul3A_561, %scan3A_557 : i32
        %get3A_563 = arith.index_cast %add3A_562 : i32 to index
        %get3A_564 = tpu.vector_load %arg8[%get3A_563] {strides = array<i32>} : memref<5136xi32, #tpu.memory_space<vmem>>, vector<16xi32>,
        %slice3A_565 = vector.extract_strided_slice %get3A_564 {offsets = [0], sizes = [1], strides = [1]} : vector<16xi32> to vector<1xi32>
        %squeeze3A_566 = vector.extract %slice3A_565[0] : i32 from vector<1xi32>
        %ne3A_567 = arith.cmpi ne, %squeeze3A_566, %scan3A_558 : i32
        %convert_element_type3A_568 = arith.extui %ne3A_567 : i1 to i32
        %cond3A_569 = arith.constant 0 : i32
        %cond3A_570 = arith.cmpi ne, %convert_element_type3A_568, %cond3A_569 : i32
        scf.if %cond3A_570 {
          %eq3A_903 = arith.constant 0 : i32
          %eq3A_904 = arith.cmpi eq, %scan3A_559, %eq3A_903 : i32
          %convert_element_type3A_905 = arith.extui %eq3A_904 : i1 to i32
          %cond3A_906 = arith.constant 0 : i32
          %cond3A_907 = arith.cmpi ne, %convert_element_type3A_905, %cond3A_906 : i32
          scf.if %cond3A_907 {
            %mul3A_1055 = arith.constant 2 : i32
            %mul3A_1056 = arith.muli %mul3A_1055, %add3A : i32
            "tpu.region"() ({
              %run_scoped3A = tpu.sem_alloc : memref<!tpu.dma_semaphore, #tpu.memory_space<semaphore_mem>>
              %dma_start3A_1057 = arith.constant 0 : i32
              %dma_start3A_1058 = arith.constant 0 : i32
              %dma_start3A_1059 = tpu.memref_slice %arg6[%mul3A_1056, %dma_start3A_1057, %dma_start3A_1058] : memref<64x22x16xf32, #tpu.memory_space<hbm>> -> memref<1x22x16xf32, #tpu.memory_space<hbm>>
              %dma_start3A_1060 = tpu.memref_squeeze %dma_start3A_1059 : memref<1x22x16xf32, #tpu.memory_space<hbm>> -> memref<22x16xf32, #tpu.memory_space<hbm>>
              %dma_start3A_1061 = arith.constant 0 : i32
              %dma_start3A_1062 = arith.constant 0 : i32
              %dma_start3A_1063 = tpu.memref_slice %arg6[%mul3A_1056, %dma_start3A_1061, %dma_start3A_1062] : memref<64x22x16xf32, #tpu.memory_space<hbm>> -> memref<1x22x16xf32, #tpu.memory_space<hbm>>
              %dma_start3A_1064 = tpu.memref_squeeze %dma_start3A_1063 : memref<1x22x16xf32, #tpu.memory_space<hbm>> -> memref<22x16xf32, #tpu.memory_space<hbm>>
              tpu.enqueue_dma source(%arg11 : memref<22x16xf32, #tpu.memory_space<vmem>>) target(%dma_start3A_1064 : memref<22x16xf32, #tpu.memory_space<hbm>>) target_semaphore(%run_scoped3A : memref<!tpu.dma_semaphore, #tpu.memory_space<semaphore_mem>>)
              %dma_wait3A_1065 = arith.constant 0 : i32
              %dma_wait3A_1066 = arith.constant 0 : i32
              %dma_wait3A_1067 = tpu.memref_slice %arg6[%mul3A_1056, %dma_wait3A_1065, %dma_wait3A_1066] : memref<64x22x16xf32, #tpu.memory_space<hbm>> -> memref<1x22x16xf32, #tpu.memory_space<hbm>>
              %dma_wait3A_1068 = tpu.memref_squeeze %dma_wait3A_1067 : memref<1x22x16xf32, #tpu.memory_space<hbm>> -> memref<22x16xf32, #tpu.memory_space<hbm>>
              %dma_wait3A_1069 = arith.constant 0 : i32
              %dma_wait3A_1070 = arith.constant 0 : i32
              %dma_wait3A_1071 = tpu.memref_slice %arg6[%mul3A_1056, %dma_wait3A_1069, %dma_wait3A_1070] : memref<64x22x16xf32, #tpu.memory_space<hbm>> -> memref<1x22x16xf32, #tpu.memory_space<hbm>>
              %dma_wait3A_1072 = tpu.memref_squeeze %dma_wait3A_1071 : memref<1x22x16xf32, #tpu.memory_space<hbm>> -> memref<22x16xf32, #tpu.memory_space<hbm>>
              tpu.wait_dma2 semaphore(%run_scoped3A : memref<!tpu.dma_semaphore, #tpu.memory_space<semaphore_mem>>) src(%arg11 : memref<22x16xf32, #tpu.memory_space<vmem>>) dst(%dma_wait3A_1072 : memref<22x16xf32, #tpu.memory_space<hbm>>)
              tpu.yield
            }) : () -> ()
          } else {
          }
          %gt3A = arith.constant 0 : i32
          %gt3A_908 = arith.cmpi sgt, %scan3A_559, %gt3A : i32
          %convert_element_type3A_909 = arith.extui %gt3A_908 : i1 to i32
          %cond3A_910 = arith.constant 0 : i32
          %cond3A_911 = arith.cmpi ne, %convert_element_type3A_909, %cond3A_910 : i32
          scf.if %cond3A_911 {
            %get3A_1055 = arith.constant 0 : i32
            %get3A_1056 = arith.index_cast %get3A_1055 : i32 to index
            %get3A_1057 = arith.constant 0 : index
            %get3A_1058 = tpu.vector_load %arg11[%get3A_1056, %get3A_1057] {strides = array<i32>} : memref<22x16xf32, #tpu.memory_space<vmem>>, vector<16xf32>,
            %get3A_1059 = arith.constant 0 : i32
            %get3A_1060 = arith.index_cast %get3A_1059 : i32 to index
            %get3A_1061 = arith.constant 0 : index
            %get3A_1062 = tpu.vector_load %arg11[%get3A_1060, %get3A_1061] {strides = array<i32>} : memref<22x16xf32, #tpu.memory_space<vmem>>, vector<16xf32>,
            %mul3A_1063 = arith.mulf %get3A_1058, %get3A_1062 : vector<16xf32>
            %get3A_1064 = arith.constant 1 : i32
            %get3A_1065 = arith.index_cast %get3A_1064 : i32 to index
            %get3A_1066 = arith.constant 0 : index
            %get3A_1067 = tpu.vector_load %arg11[%get3A_1065, %get3A_1066] {strides = array<i32>} : memref<22x16xf32, #tpu.memory_space<vmem>>, vector<16xf32>,
            %get3A_1068 = arith.constant 1 : i32
            %get3A_1069 = arith.index_cast %get3A_1068 : i32 to index
            %get3A_1070 = arith.constant 0 : index
            %get3A_1071 = tpu.vector_load %arg11[%get3A_1069, %get3A_1070] {strides = array<i32>} : memref<22x16xf32, #tpu.memory_space<vmem>>, vector<16xf32>,
            %mul3A_1072 = arith.mulf %get3A_1067, %get3A_1071 : vector<16xf32>
            %add3A_1073 = arith.addf %mul3A_1063, %mul3A_1072 : vector<16xf32>
            %get3A_1074 = arith.constant 2 : i32
            %get3A_1075 = arith.index_cast %get3A_1074 : i32 to index
            %get3A_1076 = arith.constant 0 : index
            %get3A_1077 = tpu.vector_load %arg11[%get3A_1075, %get3A_1076] {strides = array<i32>} : memref<22x16xf32, #tpu.memory_space<vmem>>, vector<16xf32>,
            %get3A_1078 = arith.constant 2 : i32
            %get3A_1079 = arith.index_cast %get3A_1078 : i32 to index
            %get3A_1080 = arith.constant 0 : index
            %get3A_1081 = tpu.vector_load %arg11[%get3A_1079, %get3A_1080] {strides = array<i32>} : memref<22x16xf32, #tpu.memory_space<vmem>>, vector<16xf32>,
            %mul3A_1082 = arith.mulf %get3A_1077, %get3A_1081 : vector<16xf32>
            %add3A_1083 = arith.addf %add3A_1073, %mul3A_1082 : vector<16xf32>
            %get3A_1084 = arith.constant 3 : i32
            %get3A_1085 = arith.index_cast %get3A_1084 : i32 to index
            %get3A_1086 = arith.constant 0 : index
            %get3A_1087 = tpu.vector_load %arg11[%get3A_1085, %get3A_1086] {strides = array<i32>} : memref<22x16xf32, #tpu.memory_space<vmem>>, vector<16xf32>,
            %get3A_1088 = arith.constant 3 : i32
            %get3A_1089 = arith.index_cast %get3A_1088 : i32 to index
            %get3A_1090 = arith.constant 0 : index
            %get3A_1091 = tpu.vector_load %arg11[%get3A_1089, %get3A_1090] {strides = array<i32>} : memref<22x16xf32, #tpu.memory_space<vmem>>, vector<16xf32>,
            %mul3A_1092 = arith.mulf %get3A_1087, %get3A_1091 : vector<16xf32>
            %add3A_1093 = arith.addf %add3A_1083, %mul3A_1092 : vector<16xf32>
            %get3A_1094 = arith.constant 4 : i32
            %get3A_1095 = arith.index_cast %get3A_1094 : i32 to index
            %get3A_1096 = arith.constant 0 : index
            %get3A_1097 = tpu.vector_load %arg11[%get3A_1095, %get3A_1096] {strides = array<i32>} : memref<22x16xf32, #tpu.memory_space<vmem>>, vector<16xf32>,
            %get3A_1098 = arith.constant 4 : i32
            %get3A_1099 = arith.index_cast %get3A_1098 : i32 to index
            %get3A_1100 = arith.constant 0 : index
            %get3A_1101 = tpu.vector_load %arg11[%get3A_1099, %get3A_1100] {strides = array<i32>} : memref<22x16xf32, #tpu.memory_space<vmem>>, vector<16xf32>,
            %mul3A_1102 = arith.mulf %get3A_1097, %get3A_1101 : vector<16xf32>
            %add3A_1103 = arith.addf %add3A_1093, %mul3A_1102 : vector<16xf32>
            %get3A_1104 = arith.constant 5 : i32
            %get3A_1105 = arith.index_cast %get3A_1104 : i32 to index
            %get3A_1106 = arith.constant 0 : index
            %get3A_1107 = tpu.vector_load %arg11[%get3A_1105, %get3A_1106] {strides = array<i32>} : memref<22x16xf32, #tpu.memory_space<vmem>>, vector<16xf32>,
            %get3A_1108 = arith.constant 5 : i32
            %get3A_1109 = arith.index_cast %get3A_1108 : i32 to index
            %get3A_1110 = arith.constant 0 : index
            %get3A_1111 = tpu.vector_load %arg11[%get3A_1109, %get3A_1110] {strides = array<i32>} : memref<22x16xf32, #tpu.memory_space<vmem>>, vector<16xf32>,
            %mul3A_1112 = arith.mulf %get3A_1107, %get3A_1111 : vector<16xf32>
            %add3A_1113 = arith.addf %add3A_1103, %mul3A_1112 : vector<16xf32>
            %get3A_1114 = arith.constant 6 : i32
            %get3A_1115 = arith.index_cast %get3A_1114 : i32 to index
            %get3A_1116 = arith.constant 0 : index
            %get3A_1117 = tpu.vector_load %arg11[%get3A_1115, %get3A_1116] {strides = array<i32>} : memref<22x16xf32, #tpu.memory_space<vmem>>, vector<16xf32>,
            %get3A_1118 = arith.constant 6 : i32
            %get3A_1119 = arith.index_cast %get3A_1118 : i32 to index
            %get3A_1120 = arith.constant 0 : index
            %get3A_1121 = tpu.vector_load %arg11[%get3A_1119, %get3A_1120] {strides = array<i32>} : memref<22x16xf32, #tpu.memory_space<vmem>>, vector<16xf32>,
            %mul3A_1122 = arith.mulf %get3A_1117, %get3A_1121 : vector<16xf32>
            %add3A_1123 = arith.addf %add3A_1113, %mul3A_1122 : vector<16xf32>
            %get3A_1124 = arith.constant 7 : i32
            %get3A_1125 = arith.index_cast %get3A_1124 : i32 to index
            %get3A_1126 = arith.constant 0 : index
            %get3A_1127 = tpu.vector_load %arg11[%get3A_1125, %get3A_1126] {strides = array<i32>} : memref<22x16xf32, #tpu.memory_space<vmem>>, vector<16xf32>,
            %get3A_1128 = arith.constant 7 : i32
            %get3A_1129 = arith.index_cast %get3A_1128 : i32 to index
            %get3A_1130 = arith.constant 0 : index
            %get3A_1131 = tpu.vector_load %arg11[%get3A_1129, %get3A_1130] {strides = array<i32>} : memref<22x16xf32, #tpu.memory_space<vmem>>, vector<16xf32>,
            %mul3A_1132 = arith.mulf %get3A_1127, %get3A_1131 : vector<16xf32>
            %add3A_1133 = arith.addf %add3A_1123, %mul3A_1132 : vector<16xf32>
            %get3A_1134 = arith.constant 8 : i32
            %get3A_1135 = arith.index_cast %get3A_1134 : i32 to index
            %get3A_1136 = arith.constant 0 : index
            %get3A_1137 = tpu.vector_load %arg11[%get3A_1135, %get3A_1136] {strides = array<i32>} : memref<22x16xf32, #tpu.memory_space<vmem>>, vector<16xf32>,
            %get3A_1138 = arith.constant 8 : i32
            %get3A_1139 = arith.index_cast %get3A_1138 : i32 to index
            %get3A_1140 = arith.constant 0 : index
            %get3A_1141 = tpu.vector_load %arg11[%get3A_1139, %get3A_1140] {strides = array<i32>} : memref<22x16xf32, #tpu.memory_space<vmem>>, vector<16xf32>,
            %mul3A_1142 = arith.mulf %get3A_1137, %get3A_1141 : vector<16xf32>
            %add3A_1143 = arith.addf %add3A_1133, %mul3A_1142 : vector<16xf32>
            %get3A_1144 = arith.constant 9 : i32
            %get3A_1145 = arith.index_cast %get3A_1144 : i32 to index
            %get3A_1146 = arith.constant 0 : index
            %get3A_1147 = tpu.vector_load %arg11[%get3A_1145, %get3A_1146] {strides = array<i32>} : memref<22x16xf32, #tpu.memory_space<vmem>>, vector<16xf32>,
            %get3A_1148 = arith.constant 9 : i32
            %get3A_1149 = arith.index_cast %get3A_1148 : i32 to index
            %get3A_1150 = arith.constant 0 : index
            %get3A_1151 = tpu.vector_load %arg11[%get3A_1149, %get3A_1150] {strides = array<i32>} : memref<22x16xf32, #tpu.memory_space<vmem>>, vector<16xf32>,
            %mul3A_1152 = arith.mulf %get3A_1147, %get3A_1151 : vector<16xf32>
            %get3A_1153 = arith.constant 10 : i32
            %get3A_1154 = arith.index_cast %get3A_1153 : i32 to index
            %get3A_1155 = arith.constant 0 : index
            %get3A_1156 = tpu.vector_load %arg11[%get3A_1154, %get3A_1155] {strides = array<i32>} : memref<22x16xf32, #tpu.memory_space<vmem>>, vector<16xf32>,
            %get3A_1157 = arith.constant 10 : i32
            %get3A_1158 = arith.index_cast %get3A_1157 : i32 to index
            %get3A_1159 = arith.constant 0 : index
            %get3A_1160 = tpu.vector_load %arg11[%get3A_1158, %get3A_1159] {strides = array<i32>} : memref<22x16xf32, #tpu.memory_space<vmem>>, vector<16xf32>,
            %mul3A_1161 = arith.mulf %get3A_1156, %get3A_1160 : vector<16xf32>
            %add3A_1162 = arith.addf %mul3A_1152, %mul3A_1161 : vector<16xf32>
            %get3A_1163 = arith.constant 11 : i32
            %get3A_1164 = arith.index_cast %get3A_1163 : i32 to index
            %get3A_1165 = arith.constant 0 : index
            %get3A_1166 = tpu.vector_load %arg11[%get3A_1164, %get3A_1165] {strides = array<i32>} : memref<22x16xf32, #tpu.memory_space<vmem>>, vector<16xf32>,
            %get3A_1167 = arith.constant 11 : i32
            %get3A_1168 = arith.index_cast %get3A_1167 : i32 to index
            %get3A_1169 = arith.constant 0 : index
            %get3A_1170 = tpu.vector_load %arg11[%get3A_1168, %get3A_1169] {strides = array<i32>} : memref<22x16xf32, #tpu.memory_space<vmem>>, vector<16xf32>,
            %mul3A_1171 = arith.mulf %get3A_1166, %get3A_1170 : vector<16xf32>
            %add3A_1172 = arith.addf %add3A_1162, %mul3A_1171 : vector<16xf32>
            %get3A_1173 = arith.constant 12 : i32
            %get3A_1174 = arith.index_cast %get3A_1173 : i32 to index
            %get3A_1175 = arith.constant 0 : index
            %get3A_1176 = tpu.vector_load %arg11[%get3A_1174, %get3A_1175] {strides = array<i32>} : memref<22x16xf32, #tpu.memory_space<vmem>>, vector<16xf32>,
            %get3A_1177 = arith.constant 12 : i32
            %get3A_1178 = arith.index_cast %get3A_1177 : i32 to index
            %get3A_1179 = arith.constant 0 : index
            %get3A_1180 = tpu.vector_load %arg11[%get3A_1178, %get3A_1179] {strides = array<i32>} : memref<22x16xf32, #tpu.memory_space<vmem>>, vector<16xf32>,
            %mul3A_1181 = arith.mulf %get3A_1176, %get3A_1180 : vector<16xf32>
            %add3A_1182 = arith.addf %add3A_1172, %mul3A_1181 : vector<16xf32>
            %get3A_1183 = arith.constant 13 : i32
            %get3A_1184 = arith.index_cast %get3A_1183 : i32 to index
            %get3A_1185 = arith.constant 0 : index
            %get3A_1186 = tpu.vector_load %arg11[%get3A_1184, %get3A_1185] {strides = array<i32>} : memref<22x16xf32, #tpu.memory_space<vmem>>, vector<16xf32>,
            %get3A_1187 = arith.constant 13 : i32
            %get3A_1188 = arith.index_cast %get3A_1187 : i32 to index
            %get3A_1189 = arith.constant 0 : index
            %get3A_1190 = tpu.vector_load %arg11[%get3A_1188, %get3A_1189] {strides = array<i32>} : memref<22x16xf32, #tpu.memory_space<vmem>>, vector<16xf32>,
            %mul3A_1191 = arith.mulf %get3A_1186, %get3A_1190 : vector<16xf32>
            %add3A_1192 = arith.addf %add3A_1182, %mul3A_1191 : vector<16xf32>
            %get3A_1193 = arith.constant 14 : i32
            %get3A_1194 = arith.index_cast %get3A_1193 : i32 to index
            %get3A_1195 = arith.constant 0 : index
            %get3A_1196 = tpu.vector_load %arg11[%get3A_1194, %get3A_1195] {strides = array<i32>} : memref<22x16xf32, #tpu.memory_space<vmem>>, vector<16xf32>,
            %get3A_1197 = arith.constant 14 : i32
            %get3A_1198 = arith.index_cast %get3A_1197 : i32 to index
            %get3A_1199 = arith.constant 0 : index
            %get3A_1200 = tpu.vector_load %arg11[%get3A_1198, %get3A_1199] {strides = array<i32>} : memref<22x16xf32, #tpu.memory_space<vmem>>, vector<16xf32>,
            %mul3A_1201 = arith.mulf %get3A_1196, %get3A_1200 : vector<16xf32>
            %add3A_1202 = arith.addf %add3A_1192, %mul3A_1201 : vector<16xf32>
            %get3A_1203 = arith.constant 15 : i32
            %get3A_1204 = arith.index_cast %get3A_1203 : i32 to index
            %get3A_1205 = arith.constant 0 : index
            %get3A_1206 = tpu.vector_load %arg11[%get3A_1204, %get3A_1205] {strides = array<i32>} : memref<22x16xf32, #tpu.memory_space<vmem>>, vector<16xf32>,
            %get3A_1207 = arith.constant 15 : i32
            %get3A_1208 = arith.index_cast %get3A_1207 : i32 to index
            %get3A_1209 = arith.constant 0 : index
            %get3A_1210 = tpu.vector_load %arg11[%get3A_1208, %get3A_1209] {strides = array<i32>} : memref<22x16xf32, #tpu.memory_space<vmem>>, vector<16xf32>,
            %mul3A_1211 = arith.mulf %get3A_1206, %get3A_1210 : vector<16xf32>
            %add3A_1212 = arith.addf %add3A_1202, %mul3A_1211 : vector<16xf32>
            %get3A_1213 = arith.constant 16 : i32
            %get3A_1214 = arith.index_cast %get3A_1213 : i32 to index
            %get3A_1215 = arith.constant 0 : index
            %get3A_1216 = tpu.vector_load %arg11[%get3A_1214, %get3A_1215] {strides = array<i32>} : memref<22x16xf32, #tpu.memory_space<vmem>>, vector<16xf32>,
            %get3A_1217 = arith.constant 16 : i32
            %get3A_1218 = arith.index_cast %get3A_1217 : i32 to index
            %get3A_1219 = arith.constant 0 : index
            %get3A_1220 = tpu.vector_load %arg11[%get3A_1218, %get3A_1219] {strides = array<i32>} : memref<22x16xf32, #tpu.memory_space<vmem>>, vector<16xf32>,
            %mul3A_1221 = arith.mulf %get3A_1216, %get3A_1220 : vector<16xf32>
            %add3A_1222 = arith.addf %add3A_1212, %mul3A_1221 : vector<16xf32>
            %get3A_1223 = arith.constant 17 : i32
            %get3A_1224 = arith.index_cast %get3A_1223 : i32 to index
            %get3A_1225 = arith.constant 0 : index
            %get3A_1226 = tpu.vector_load %arg11[%get3A_1224, %get3A_1225] {strides = array<i32>} : memref<22x16xf32, #tpu.memory_space<vmem>>, vector<16xf32>,
            %get3A_1227 = arith.constant 17 : i32
            %get3A_1228 = arith.index_cast %get3A_1227 : i32 to index
            %get3A_1229 = arith.constant 0 : index
            %get3A_1230 = tpu.vector_load %arg11[%get3A_1228, %get3A_1229] {strides = array<i32>} : memref<22x16xf32, #tpu.memory_space<vmem>>, vector<16xf32>,
            %mul3A_1231 = arith.mulf %get3A_1226, %get3A_1230 : vector<16xf32>
            %add3A_1232 = arith.addf %add3A_1222, %mul3A_1231 : vector<16xf32>
            %get3A_1233 = arith.constant 18 : i32
            %get3A_1234 = arith.index_cast %get3A_1233 : i32 to index
            %get3A_1235 = arith.constant 0 : index
            %get3A_1236 = tpu.vector_load %arg11[%get3A_1234, %get3A_1235] {strides = array<i32>} : memref<22x16xf32, #tpu.memory_space<vmem>>, vector<16xf32>,
            %get3A_1237 = arith.constant 18 : i32
            %get3A_1238 = arith.index_cast %get3A_1237 : i32 to index
            %get3A_1239 = arith.constant 0 : index
            %get3A_1240 = tpu.vector_load %arg11[%get3A_1238, %get3A_1239] {strides = array<i32>} : memref<22x16xf32, #tpu.memory_space<vmem>>, vector<16xf32>,
            %mul3A_1241 = arith.mulf %get3A_1236, %get3A_1240 : vector<16xf32>
            %add3A_1242 = arith.addf %add3A_1232, %mul3A_1241 : vector<16xf32>
            %get3A_1243 = arith.constant 19 : i32
            %get3A_1244 = arith.index_cast %get3A_1243 : i32 to index
            %get3A_1245 = arith.constant 0 : index
            %get3A_1246 = tpu.vector_load %arg11[%get3A_1244, %get3A_1245] {strides = array<i32>} : memref<22x16xf32, #tpu.memory_space<vmem>>, vector<16xf32>,
            %get3A_1247 = arith.constant 19 : i32
            %get3A_1248 = arith.index_cast %get3A_1247 : i32 to index
            %get3A_1249 = arith.constant 0 : index
            %get3A_1250 = tpu.vector_load %arg11[%get3A_1248, %get3A_1249] {strides = array<i32>} : memref<22x16xf32, #tpu.memory_space<vmem>>, vector<16xf32>,
            %mul3A_1251 = arith.mulf %get3A_1246, %get3A_1250 : vector<16xf32>
            %add3A_1252 = arith.addf %add3A_1242, %mul3A_1251 : vector<16xf32>
            %get3A_1253 = arith.constant 20 : i32
            %get3A_1254 = arith.index_cast %get3A_1253 : i32 to index
            %get3A_1255 = arith.constant 0 : index
            %get3A_1256 = tpu.vector_load %arg11[%get3A_1254, %get3A_1255] {strides = array<i32>} : memref<22x16xf32, #tpu.memory_space<vmem>>, vector<16xf32>,
            %get3A_1257 = arith.constant 20 : i32
            %get3A_1258 = arith.index_cast %get3A_1257 : i32 to index
            %get3A_1259 = arith.constant 0 : index
            %get3A_1260 = tpu.vector_load %arg11[%get3A_1258, %get3A_1259] {strides = array<i32>} : memref<22x16xf32, #tpu.memory_space<vmem>>, vector<16xf32>,
            %mul3A_1261 = arith.mulf %get3A_1256, %get3A_1260 : vector<16xf32>
            %add3A_1262 = arith.addf %add3A_1252, %mul3A_1261 : vector<16xf32>
            %get3A_1263 = arith.constant 21 : i32
            %get3A_1264 = arith.index_cast %get3A_1263 : i32 to index
            %get3A_1265 = arith.constant 0 : index
            %get3A_1266 = tpu.vector_load %arg11[%get3A_1264, %get3A_1265] {strides = array<i32>} : memref<22x16xf32, #tpu.memory_space<vmem>>, vector<16xf32>,
            %get3A_1267 = arith.constant 21 : i32
            %get3A_1268 = arith.index_cast %get3A_1267 : i32 to index
            %get3A_1269 = arith.constant 0 : index
            %get3A_1270 = tpu.vector_load %arg11[%get3A_1268, %get3A_1269] {strides = array<i32>} : memref<22x16xf32, #tpu.memory_space<vmem>>, vector<16xf32>,
            %mul3A_1271 = arith.mulf %get3A_1266, %get3A_1270 : vector<16xf32>
            %add3A_1272 = arith.addf %add3A_1262, %mul3A_1271 : vector<16xf32>
            %swap3A_1273 = arith.constant 0 : i32
            %swap3A_1274 = arith.index_cast %swap3A_1273 : i32 to index
            %swap3A_1275 = arith.constant 0 : index
            %swap3A_1276 = tpu.vector_load %arg12[%swap3A_1274, %swap3A_1275] {strides = array<i32>} : memref<2x16xf32, #tpu.memory_space<vmem>>, vector<16xf32>,
            tpu.vector_store %arg12[%swap3A_1274, %swap3A_1275], %add3A_1143 {strides = array<i32>} : memref<2x16xf32, #tpu.memory_space<vmem>>, vector<16xf32>,
            %swap3A_1277 = arith.constant 1 : i32
            %swap3A_1278 = arith.index_cast %swap3A_1277 : i32 to index
            %swap3A_1279 = arith.constant 0 : index
            %swap3A_1280 = tpu.vector_load %arg12[%swap3A_1278, %swap3A_1279] {strides = array<i32>} : memref<2x16xf32, #tpu.memory_space<vmem>>, vector<16xf32>,
            tpu.vector_store %arg12[%swap3A_1278, %swap3A_1279], %add3A_1272 {strides = array<i32>} : memref<2x16xf32, #tpu.memory_space<vmem>>, vector<16xf32>,
            "tpu.region"() ({
              %run_scoped3A = tpu.sem_alloc : memref<!tpu.dma_semaphore, #tpu.memory_space<semaphore_mem>>
              %dma_start3A_1281 = arith.constant 0 : i32
              %dma_start3A_1282 = arith.constant 0 : i32
              %dma_start3A_1283 = tpu.memref_slice %arg5[%scan3A_558, %dma_start3A_1281, %dma_start3A_1282] : memref<10000x2x16xf32, #tpu.memory_space<hbm>> -> memref<1x2x16xf32, #tpu.memory_space<hbm>>
              %dma_start3A_1284 = tpu.memref_squeeze %dma_start3A_1283 : memref<1x2x16xf32, #tpu.memory_space<hbm>> -> memref<2x16xf32, #tpu.memory_space<hbm>>
              %dma_start3A_1285 = arith.constant 0 : i32
              %dma_start3A_1286 = arith.constant 0 : i32
              %dma_start3A_1287 = tpu.memref_slice %arg5[%scan3A_558, %dma_start3A_1285, %dma_start3A_1286] : memref<10000x2x16xf32, #tpu.memory_space<hbm>> -> memref<1x2x16xf32, #tpu.memory_space<hbm>>
              %dma_start3A_1288 = tpu.memref_squeeze %dma_start3A_1287 : memref<1x2x16xf32, #tpu.memory_space<hbm>> -> memref<2x16xf32, #tpu.memory_space<hbm>>
              tpu.enqueue_dma source(%arg12 : memref<2x16xf32, #tpu.memory_space<vmem>>) target(%dma_start3A_1288 : memref<2x16xf32, #tpu.memory_space<hbm>>) target_semaphore(%run_scoped3A : memref<!tpu.dma_semaphore, #tpu.memory_space<semaphore_mem>>)
              %dma_wait3A_1289 = arith.constant 0 : i32
              %dma_wait3A_1290 = arith.constant 0 : i32
              %dma_wait3A_1291 = tpu.memref_slice %arg5[%scan3A_558, %dma_wait3A_1289, %dma_wait3A_1290] : memref<10000x2x16xf32, #tpu.memory_space<hbm>> -> memref<1x2x16xf32, #tpu.memory_space<hbm>>
              %dma_wait3A_1292 = tpu.memref_squeeze %dma_wait3A_1291 : memref<1x2x16xf32, #tpu.memory_space<hbm>> -> memref<2x16xf32, #tpu.memory_space<hbm>>
              %dma_wait3A_1293 = arith.constant 0 : i32
              %dma_wait3A_1294 = arith.constant 0 : i32
              %dma_wait3A_1295 = tpu.memref_slice %arg5[%scan3A_558, %dma_wait3A_1293, %dma_wait3A_1294] : memref<10000x2x16xf32, #tpu.memory_space<hbm>> -> memref<1x2x16xf32, #tpu.memory_space<hbm>>
              %dma_wait3A_1296 = tpu.memref_squeeze %dma_wait3A_1295 : memref<1x2x16xf32, #tpu.memory_space<hbm>> -> memref<2x16xf32, #tpu.memory_space<hbm>>
              tpu.wait_dma2 semaphore(%run_scoped3A : memref<!tpu.dma_semaphore, #tpu.memory_space<semaphore_mem>>) src(%arg12 : memref<2x16xf32, #tpu.memory_space<vmem>>) dst(%dma_wait3A_1296 : memref<2x16xf32, #tpu.memory_space<hbm>>)
              tpu.yield
            }) : () -> ()
          } else {
          }
          %broadcast_in_dim3A_912 = arith.constant 0.000000e+00 : f32
          %broadcast_in_dim3A_913 = vector.broadcast %broadcast_in_dim3A_912 : f32 to vector<16xf32>
          %swap3A_914 = arith.constant 0 : i32
          %swap3A_915 = arith.index_cast %swap3A_914 : i32 to index
          %swap3A_916 = arith.constant 0 : index
          %swap3A_917 = tpu.vector_load %arg11[%swap3A_915, %swap3A_916] {strides = array<i32>} : memref<22x16xf32, #tpu.memory_space<vmem>>, vector<16xf32>,
          tpu.vector_store %arg11[%swap3A_915, %swap3A_916], %broadcast_in_dim3A_913 {strides = array<i32>} : memref<22x16xf32, #tpu.memory_space<vmem>>, vector<16xf32>,
          %broadcast_in_dim3A_918 = arith.constant 0.000000e+00 : f32
          %broadcast_in_dim3A_919 = vector.broadcast %broadcast_in_dim3A_918 : f32 to vector<16xf32>
          %swap3A_920 = arith.constant 1 : i32
          %swap3A_921 = arith.index_cast %swap3A_920 : i32 to index
          %swap3A_922 = arith.constant 0 : index
          %swap3A_923 = tpu.vector_load %arg11[%swap3A_921, %swap3A_922] {strides = array<i32>} : memref<22x16xf32, #tpu.memory_space<vmem>>, vector<16xf32>,
          tpu.vector_store %arg11[%swap3A_921, %swap3A_922], %broadcast_in_dim3A_919 {strides = array<i32>} : memref<22x16xf32, #tpu.memory_space<vmem>>, vector<16xf32>,
          %broadcast_in_dim3A_924 = arith.constant 0.000000e+00 : f32
          %broadcast_in_dim3A_925 = vector.broadcast %broadcast_in_dim3A_924 : f32 to vector<16xf32>
          %swap3A_926 = arith.constant 2 : i32
          %swap3A_927 = arith.index_cast %swap3A_926 : i32 to index
          %swap3A_928 = arith.constant 0 : index
          %swap3A_929 = tpu.vector_load %arg11[%swap3A_927, %swap3A_928] {strides = array<i32>} : memref<22x16xf32, #tpu.memory_space<vmem>>, vector<16xf32>,
          tpu.vector_store %arg11[%swap3A_927, %swap3A_928], %broadcast_in_dim3A_925 {strides = array<i32>} : memref<22x16xf32, #tpu.memory_space<vmem>>, vector<16xf32>,
          %broadcast_in_dim3A_930 = arith.constant 0.000000e+00 : f32
          %broadcast_in_dim3A_931 = vector.broadcast %broadcast_in_dim3A_930 : f32 to vector<16xf32>
          %swap3A_932 = arith.constant 3 : i32
          %swap3A_933 = arith.index_cast %swap3A_932 : i32 to index
          %swap3A_934 = arith.constant 0 : index
          %swap3A_935 = tpu.vector_load %arg11[%swap3A_933, %swap3A_934] {strides = array<i32>} : memref<22x16xf32, #tpu.memory_space<vmem>>, vector<16xf32>,
          tpu.vector_store %arg11[%swap3A_933, %swap3A_934], %broadcast_in_dim3A_931 {strides = array<i32>} : memref<22x16xf32, #tpu.memory_space<vmem>>, vector<16xf32>,
          %broadcast_in_dim3A_936 = arith.constant 0.000000e+00 : f32
          %broadcast_in_dim3A_937 = vector.broadcast %broadcast_in_dim3A_936 : f32 to vector<16xf32>
          %swap3A_938 = arith.constant 4 : i32
          %swap3A_939 = arith.index_cast %swap3A_938 : i32 to index
          %swap3A_940 = arith.constant 0 : index
          %swap3A_941 = tpu.vector_load %arg11[%swap3A_939, %swap3A_940] {strides = array<i32>} : memref<22x16xf32, #tpu.memory_space<vmem>>, vector<16xf32>,
          tpu.vector_store %arg11[%swap3A_939, %swap3A_940], %broadcast_in_dim3A_937 {strides = array<i32>} : memref<22x16xf32, #tpu.memory_space<vmem>>, vector<16xf32>,
          %broadcast_in_dim3A_942 = arith.constant 0.000000e+00 : f32
          %broadcast_in_dim3A_943 = vector.broadcast %broadcast_in_dim3A_942 : f32 to vector<16xf32>
          %swap3A_944 = arith.constant 5 : i32
          %swap3A_945 = arith.index_cast %swap3A_944 : i32 to index
          %swap3A_946 = arith.constant 0 : index
          %swap3A_947 = tpu.vector_load %arg11[%swap3A_945, %swap3A_946] {strides = array<i32>} : memref<22x16xf32, #tpu.memory_space<vmem>>, vector<16xf32>,
          tpu.vector_store %arg11[%swap3A_945, %swap3A_946], %broadcast_in_dim3A_943 {strides = array<i32>} : memref<22x16xf32, #tpu.memory_space<vmem>>, vector<16xf32>,
          %broadcast_in_dim3A_948 = arith.constant 0.000000e+00 : f32
          %broadcast_in_dim3A_949 = vector.broadcast %broadcast_in_dim3A_948 : f32 to vector<16xf32>
          %swap3A_950 = arith.constant 6 : i32
          %swap3A_951 = arith.index_cast %swap3A_950 : i32 to index
          %swap3A_952 = arith.constant 0 : index
          %swap3A_953 = tpu.vector_load %arg11[%swap3A_951, %swap3A_952] {strides = array<i32>} : memref<22x16xf32, #tpu.memory_space<vmem>>, vector<16xf32>,
          tpu.vector_store %arg11[%swap3A_951, %swap3A_952], %broadcast_in_dim3A_949 {strides = array<i32>} : memref<22x16xf32, #tpu.memory_space<vmem>>, vector<16xf32>,
          %broadcast_in_dim3A_954 = arith.constant 0.000000e+00 : f32
          %broadcast_in_dim3A_955 = vector.broadcast %broadcast_in_dim3A_954 : f32 to vector<16xf32>
          %swap3A_956 = arith.constant 7 : i32
          %swap3A_957 = arith.index_cast %swap3A_956 : i32 to index
          %swap3A_958 = arith.constant 0 : index
          %swap3A_959 = tpu.vector_load %arg11[%swap3A_957, %swap3A_958] {strides = array<i32>} : memref<22x16xf32, #tpu.memory_space<vmem>>, vector<16xf32>,
          tpu.vector_store %arg11[%swap3A_957, %swap3A_958], %broadcast_in_dim3A_955 {strides = array<i32>} : memref<22x16xf32, #tpu.memory_space<vmem>>, vector<16xf32>,
          %broadcast_in_dim3A_960 = arith.constant 0.000000e+00 : f32
          %broadcast_in_dim3A_961 = vector.broadcast %broadcast_in_dim3A_960 : f32 to vector<16xf32>
          %swap3A_962 = arith.constant 8 : i32
          %swap3A_963 = arith.index_cast %swap3A_962 : i32 to index
          %swap3A_964 = arith.constant 0 : index
          %swap3A_965 = tpu.vector_load %arg11[%swap3A_963, %swap3A_964] {strides = array<i32>} : memref<22x16xf32, #tpu.memory_space<vmem>>, vector<16xf32>,
          tpu.vector_store %arg11[%swap3A_963, %swap3A_964], %broadcast_in_dim3A_961 {strides = array<i32>} : memref<22x16xf32, #tpu.memory_space<vmem>>, vector<16xf32>,
          %broadcast_in_dim3A_966 = arith.constant 0.000000e+00 : f32
          %broadcast_in_dim3A_967 = vector.broadcast %broadcast_in_dim3A_966 : f32 to vector<16xf32>
          %swap3A_968 = arith.constant 9 : i32
          %swap3A_969 = arith.index_cast %swap3A_968 : i32 to index
          %swap3A_970 = arith.constant 0 : index
          %swap3A_971 = tpu.vector_load %arg11[%swap3A_969, %swap3A_970] {strides = array<i32>} : memref<22x16xf32, #tpu.memory_space<vmem>>, vector<16xf32>,
          tpu.vector_store %arg11[%swap3A_969, %swap3A_970], %broadcast_in_dim3A_967 {strides = array<i32>} : memref<22x16xf32, #tpu.memory_space<vmem>>, vector<16xf32>,
          %broadcast_in_dim3A_972 = arith.constant 0.000000e+00 : f32
          %broadcast_in_dim3A_973 = vector.broadcast %broadcast_in_dim3A_972 : f32 to vector<16xf32>
          %swap3A_974 = arith.constant 10 : i32
          %swap3A_975 = arith.index_cast %swap3A_974 : i32 to index
          %swap3A_976 = arith.constant 0 : index
          %swap3A_977 = tpu.vector_load %arg11[%swap3A_975, %swap3A_976] {strides = array<i32>} : memref<22x16xf32, #tpu.memory_space<vmem>>, vector<16xf32>,
          tpu.vector_store %arg11[%swap3A_975, %swap3A_976], %broadcast_in_dim3A_973 {strides = array<i32>} : memref<22x16xf32, #tpu.memory_space<vmem>>, vector<16xf32>,
          %broadcast_in_dim3A_978 = arith.constant 0.000000e+00 : f32
          %broadcast_in_dim3A_979 = vector.broadcast %broadcast_in_dim3A_978 : f32 to vector<16xf32>
          %swap3A_980 = arith.constant 11 : i32
          %swap3A_981 = arith.index_cast %swap3A_980 : i32 to index
          %swap3A_982 = arith.constant 0 : index
          %swap3A_983 = tpu.vector_load %arg11[%swap3A_981, %swap3A_982] {strides = array<i32>} : memref<22x16xf32, #tpu.memory_space<vmem>>, vector<16xf32>,
          tpu.vector_store %arg11[%swap3A_981, %swap3A_982], %broadcast_in_dim3A_979 {strides = array<i32>} : memref<22x16xf32, #tpu.memory_space<vmem>>, vector<16xf32>,
          %broadcast_in_dim3A_984 = arith.constant 0.000000e+00 : f32
          %broadcast_in_dim3A_985 = vector.broadcast %broadcast_in_dim3A_984 : f32 to vector<16xf32>
          %swap3A_986 = arith.constant 12 : i32
          %swap3A_987 = arith.index_cast %swap3A_986 : i32 to index
          %swap3A_988 = arith.constant 0 : index
          %swap3A_989 = tpu.vector_load %arg11[%swap3A_987, %swap3A_988] {strides = array<i32>} : memref<22x16xf32, #tpu.memory_space<vmem>>, vector<16xf32>,
          tpu.vector_store %arg11[%swap3A_987, %swap3A_988], %broadcast_in_dim3A_985 {strides = array<i32>} : memref<22x16xf32, #tpu.memory_space<vmem>>, vector<16xf32>,
          %broadcast_in_dim3A_990 = arith.constant 0.000000e+00 : f32
          %broadcast_in_dim3A_991 = vector.broadcast %broadcast_in_dim3A_990 : f32 to vector<16xf32>
          %swap3A_992 = arith.constant 13 : i32
          %swap3A_993 = arith.index_cast %swap3A_992 : i32 to index
          %swap3A_994 = arith.constant 0 : index
          %swap3A_995 = tpu.vector_load %arg11[%swap3A_993, %swap3A_994] {strides = array<i32>} : memref<22x16xf32, #tpu.memory_space<vmem>>, vector<16xf32>,
          tpu.vector_store %arg11[%swap3A_993, %swap3A_994], %broadcast_in_dim3A_991 {strides = array<i32>} : memref<22x16xf32, #tpu.memory_space<vmem>>, vector<16xf32>,
          %broadcast_in_dim3A_996 = arith.constant 0.000000e+00 : f32
          %broadcast_in_dim3A_997 = vector.broadcast %broadcast_in_dim3A_996 : f32 to vector<16xf32>
          %swap3A_998 = arith.constant 14 : i32
          %swap3A_999 = arith.index_cast %swap3A_998 : i32 to index
          %swap3A_1000 = arith.constant 0 : index
          %swap3A_1001 = tpu.vector_load %arg11[%swap3A_999, %swap3A_1000] {strides = array<i32>} : memref<22x16xf32, #tpu.memory_space<vmem>>, vector<16xf32>,
          tpu.vector_store %arg11[%swap3A_999, %swap3A_1000], %broadcast_in_dim3A_997 {strides = array<i32>} : memref<22x16xf32, #tpu.memory_space<vmem>>, vector<16xf32>,
          %broadcast_in_dim3A_1002 = arith.constant 0.000000e+00 : f32
          %broadcast_in_dim3A_1003 = vector.broadcast %broadcast_in_dim3A_1002 : f32 to vector<16xf32>
          %swap3A_1004 = arith.constant 15 : i32
          %swap3A_1005 = arith.index_cast %swap3A_1004 : i32 to index
          %swap3A_1006 = arith.constant 0 : index
          %swap3A_1007 = tpu.vector_load %arg11[%swap3A_1005, %swap3A_1006] {strides = array<i32>} : memref<22x16xf32, #tpu.memory_space<vmem>>, vector<16xf32>,
          tpu.vector_store %arg11[%swap3A_1005, %swap3A_1006], %broadcast_in_dim3A_1003 {strides = array<i32>} : memref<22x16xf32, #tpu.memory_space<vmem>>, vector<16xf32>,
          %broadcast_in_dim3A_1008 = arith.constant 0.000000e+00 : f32
          %broadcast_in_dim3A_1009 = vector.broadcast %broadcast_in_dim3A_1008 : f32 to vector<16xf32>
          %swap3A_1010 = arith.constant 16 : i32
          %swap3A_1011 = arith.index_cast %swap3A_1010 : i32 to index
          %swap3A_1012 = arith.constant 0 : index
          %swap3A_1013 = tpu.vector_load %arg11[%swap3A_1011, %swap3A_1012] {strides = array<i32>} : memref<22x16xf32, #tpu.memory_space<vmem>>, vector<16xf32>,
          tpu.vector_store %arg11[%swap3A_1011, %swap3A_1012], %broadcast_in_dim3A_1009 {strides = array<i32>} : memref<22x16xf32, #tpu.memory_space<vmem>>, vector<16xf32>,
          %broadcast_in_dim3A_1014 = arith.constant 0.000000e+00 : f32
          %broadcast_in_dim3A_1015 = vector.broadcast %broadcast_in_dim3A_1014 : f32 to vector<16xf32>
          %swap3A_1016 = arith.constant 17 : i32
          %swap3A_1017 = arith.index_cast %swap3A_1016 : i32 to index
          %swap3A_1018 = arith.constant 0 : index
          %swap3A_1019 = tpu.vector_load %arg11[%swap3A_1017, %swap3A_1018] {strides = array<i32>} : memref<22x16xf32, #tpu.memory_space<vmem>>, vector<16xf32>,
          tpu.vector_store %arg11[%swap3A_1017, %swap3A_1018], %broadcast_in_dim3A_1015 {strides = array<i32>} : memref<22x16xf32, #tpu.memory_space<vmem>>, vector<16xf32>,
          %broadcast_in_dim3A_1020 = arith.constant 0.000000e+00 : f32
          %broadcast_in_dim3A_1021 = vector.broadcast %broadcast_in_dim3A_1020 : f32 to vector<16xf32>
          %swap3A_1022 = arith.constant 18 : i32
          %swap3A_1023 = arith.index_cast %swap3A_1022 : i32 to index
          %swap3A_1024 = arith.constant 0 : index
          %swap3A_1025 = tpu.vector_load %arg11[%swap3A_1023, %swap3A_1024] {strides = array<i32>} : memref<22x16xf32, #tpu.memory_space<vmem>>, vector<16xf32>,
          tpu.vector_store %arg11[%swap3A_1023, %swap3A_1024], %broadcast_in_dim3A_1021 {strides = array<i32>} : memref<22x16xf32, #tpu.memory_space<vmem>>, vector<16xf32>,
          %broadcast_in_dim3A_1026 = arith.constant 0.000000e+00 : f32
          %broadcast_in_dim3A_1027 = vector.broadcast %broadcast_in_dim3A_1026 : f32 to vector<16xf32>
          %swap3A_1028 = arith.constant 19 : i32
          %swap3A_1029 = arith.index_cast %swap3A_1028 : i32 to index
          %swap3A_1030 = arith.constant 0 : index
          %swap3A_1031 = tpu.vector_load %arg11[%swap3A_1029, %swap3A_1030] {strides = array<i32>} : memref<22x16xf32, #tpu.memory_space<vmem>>, vector<16xf32>,
          tpu.vector_store %arg11[%swap3A_1029, %swap3A_1030], %broadcast_in_dim3A_1027 {strides = array<i32>} : memref<22x16xf32, #tpu.memory_space<vmem>>, vector<16xf32>,
          %broadcast_in_dim3A_1032 = arith.constant 0.000000e+00 : f32
          %broadcast_in_dim3A_1033 = vector.broadcast %broadcast_in_dim3A_1032 : f32 to vector<16xf32>
          %swap3A_1034 = arith.constant 20 : i32
          %swap3A_1035 = arith.index_cast %swap3A_1034 : i32 to index
          %swap3A_1036 = arith.constant 0 : index
          %swap3A_1037 = tpu.vector_load %arg11[%swap3A_1035, %swap3A_1036] {strides = array<i32>} : memref<22x16xf32, #tpu.memory_space<vmem>>, vector<16xf32>,
          tpu.vector_store %arg11[%swap3A_1035, %swap3A_1036], %broadcast_in_dim3A_1033 {strides = array<i32>} : memref<22x16xf32, #tpu.memory_space<vmem>>, vector<16xf32>,
          %broadcast_in_dim3A_1038 = arith.constant 0.000000e+00 : f32
          %broadcast_in_dim3A_1039 = vector.broadcast %broadcast_in_dim3A_1038 : f32 to vector<16xf32>
          %swap3A_1040 = arith.constant 21 : i32
          %swap3A_1041 = arith.index_cast %swap3A_1040 : i32 to index
          %swap3A_1042 = arith.constant 0 : index
          %swap3A_1043 = tpu.vector_load %arg11[%swap3A_1041, %swap3A_1042] {strides = array<i32>} : memref<22x16xf32, #tpu.memory_space<vmem>>, vector<16xf32>,
          tpu.vector_store %arg11[%swap3A_1041, %swap3A_1042], %broadcast_in_dim3A_1039 {strides = array<i32>} : memref<22x16xf32, #tpu.memory_space<vmem>>, vector<16xf32>,
          %add3A_1044 = arith.constant 1 : i32
          %add3A_1045 = arith.addi %scan3A_558, %add3A_1044 : i32
          %while3A_1046 = arith.constant 0 : i32
          %while3A_1047 = arith.subi %squeeze3A_566, %add3A_1045 : i32
          %while3A_1048 = arith.addi %add3A_1045, %while3A_1047 : i32
          %while3A_1049 = arith.constant 1 : i32
          %while3A_1050 = arith.divsi %while3A_1047, %while3A_1049 : i32
          %while3A_1051 = arith.muli %while3A_1050, %while3A_1049 : i32
          %while3A_1052 = arith.addi %add3A_1045, %while3A_1051 : i32
          %while3A_1053 = arith.constant 1 : i32
          scf.for %while3A_1055 = %add3A_1045 to %while3A_1052 step %while3A_1053  : i32 {
            "tpu.region"() ({
              %run_scoped3A = tpu.sem_alloc : memref<!tpu.dma_semaphore, #tpu.memory_space<semaphore_mem>>
              %dma_start3A_1056 = arith.constant 0 : i32
              %dma_start3A_1057 = arith.constant 0 : i32
              %dma_start3A_1058 = tpu.memref_slice %arg13[%dma_start3A_1056, %dma_start3A_1057] : memref<22x16xf32, #tpu.memory_space<vmem>> -> memref<2x16xf32, #tpu.memory_space<vmem>>
              %dma_start3A_1059 = arith.constant 0 : i32
              %dma_start3A_1060 = arith.constant 0 : i32
              %dma_start3A_1061 = tpu.memref_slice %arg5[%while3A_1055, %dma_start3A_1059, %dma_start3A_1060] : memref<10000x2x16xf32, #tpu.memory_space<hbm>> -> memref<1x2x16xf32, #tpu.memory_space<hbm>>
              %dma_start3A_1062 = tpu.memref_squeeze %dma_start3A_1061 : memref<1x2x16xf32, #tpu.memory_space<hbm>> -> memref<2x16xf32, #tpu.memory_space<hbm>>
              %dma_start3A_1063 = arith.constant 0 : i32
              %dma_start3A_1064 = arith.constant 0 : i32
              %dma_start3A_1065 = tpu.memref_slice %arg5[%while3A_1055, %dma_start3A_1063, %dma_start3A_1064] : memref<10000x2x16xf32, #tpu.memory_space<hbm>> -> memref<1x2x16xf32, #tpu.memory_space<hbm>>
              %dma_start3A_1066 = tpu.memref_squeeze %dma_start3A_1065 : memref<1x2x16xf32, #tpu.memory_space<hbm>> -> memref<2x16xf32, #tpu.memory_space<hbm>>
              %dma_start3A_1067 = arith.constant 0 : i32
              %dma_start3A_1068 = arith.constant 0 : i32
              %dma_start3A_1069 = tpu.memref_slice %arg13[%dma_start3A_1067, %dma_start3A_1068] : memref<22x16xf32, #tpu.memory_space<vmem>> -> memref<2x16xf32, #tpu.memory_space<vmem>>
              tpu.enqueue_dma source(%dma_start3A_1069 : memref<2x16xf32, #tpu.memory_space<vmem>>) target(%dma_start3A_1066 : memref<2x16xf32, #tpu.memory_space<hbm>>) target_semaphore(%run_scoped3A : memref<!tpu.dma_semaphore, #tpu.memory_space<semaphore_mem>>)
              %dma_wait3A_1070 = arith.constant 0 : i32
              %dma_wait3A_1071 = arith.constant 0 : i32
              %dma_wait3A_1072 = tpu.memref_slice %arg13[%dma_wait3A_1070, %dma_wait3A_1071] : memref<22x16xf32, #tpu.memory_space<vmem>> -> memref<2x16xf32, #tpu.memory_space<vmem>>
              %dma_wait3A_1073 = arith.constant 0 : i32
              %dma_wait3A_1074 = arith.constant 0 : i32
              %dma_wait3A_1075 = tpu.memref_slice %arg5[%while3A_1055, %dma_wait3A_1073, %dma_wait3A_1074] : memref<10000x2x16xf32, #tpu.memory_space<hbm>> -> memref<1x2x16xf32, #tpu.memory_space<hbm>>
              %dma_wait3A_1076 = tpu.memref_squeeze %dma_wait3A_1075 : memref<1x2x16xf32, #tpu.memory_space<hbm>> -> memref<2x16xf32, #tpu.memory_space<hbm>>
              %dma_wait3A_1077 = arith.constant 0 : i32
              %dma_wait3A_1078 = arith.constant 0 : i32
              %dma_wait3A_1079 = tpu.memref_slice %arg5[%while3A_1055, %dma_wait3A_1077, %dma_wait3A_1078] : memref<10000x2x16xf32, #tpu.memory_space<hbm>> -> memref<1x2x16xf32, #tpu.memory_space<hbm>>
              %dma_wait3A_1080 = tpu.memref_squeeze %dma_wait3A_1079 : memref<1x2x16xf32, #tpu.memory_space<hbm>> -> memref<2x16xf32, #tpu.memory_space<hbm>>
              %dma_wait3A_1081 = arith.constant 0 : i32
              %dma_wait3A_1082 = arith.constant 0 : i32
              %dma_wait3A_1083 = tpu.memref_slice %arg13[%dma_wait3A_1081, %dma_wait3A_1082] : memref<22x16xf32, #tpu.memory_space<vmem>> -> memref<2x16xf32, #tpu.memory_space<vmem>>
              tpu.wait_dma2 semaphore(%run_scoped3A : memref<!tpu.dma_semaphore, #tpu.memory_space<semaphore_mem>>) src(%dma_wait3A_1083 : memref<2x16xf32, #tpu.memory_space<vmem>>) dst(%dma_wait3A_1080 : memref<2x16xf32, #tpu.memory_space<hbm>>)
              tpu.yield
            }) : () -> ()
          }
          %while3A_1054 = arith.constant 1 : i32
          scf.for %while3A_1055 = %while3A_1052 to %while3A_1048 step %while3A_1054  : i32 {
            "tpu.region"() ({
              %run_scoped3A = tpu.sem_alloc : memref<!tpu.dma_semaphore, #tpu.memory_space<semaphore_mem>>
              %dma_start3A_1056 = arith.constant 0 : i32
              %dma_start3A_1057 = arith.constant 0 : i32
              %dma_start3A_1058 = tpu.memref_slice %arg13[%dma_start3A_1056, %dma_start3A_1057] : memref<22x16xf32, #tpu.memory_space<vmem>> -> memref<2x16xf32, #tpu.memory_space<vmem>>
              %dma_start3A_1059 = arith.constant 0 : i32
              %dma_start3A_1060 = arith.constant 0 : i32
              %dma_start3A_1061 = tpu.memref_slice %arg5[%while3A_1055, %dma_start3A_1059, %dma_start3A_1060] : memref<10000x2x16xf32, #tpu.memory_space<hbm>> -> memref<1x2x16xf32, #tpu.memory_space<hbm>>
              %dma_start3A_1062 = tpu.memref_squeeze %dma_start3A_1061 : memref<1x2x16xf32, #tpu.memory_space<hbm>> -> memref<2x16xf32, #tpu.memory_space<hbm>>
              %dma_start3A_1063 = arith.constant 0 : i32
              %dma_start3A_1064 = arith.constant 0 : i32
              %dma_start3A_1065 = tpu.memref_slice %arg5[%while3A_1055, %dma_start3A_1063, %dma_start3A_1064] : memref<10000x2x16xf32, #tpu.memory_space<hbm>> -> memref<1x2x16xf32, #tpu.memory_space<hbm>>
              %dma_start3A_1066 = tpu.memref_squeeze %dma_start3A_1065 : memref<1x2x16xf32, #tpu.memory_space<hbm>> -> memref<2x16xf32, #tpu.memory_space<hbm>>
              %dma_start3A_1067 = arith.constant 0 : i32
              %dma_start3A_1068 = arith.constant 0 : i32
              %dma_start3A_1069 = tpu.memref_slice %arg13[%dma_start3A_1067, %dma_start3A_1068] : memref<22x16xf32, #tpu.memory_space<vmem>> -> memref<2x16xf32, #tpu.memory_space<vmem>>
              tpu.enqueue_dma source(%dma_start3A_1069 : memref<2x16xf32, #tpu.memory_space<vmem>>) target(%dma_start3A_1066 : memref<2x16xf32, #tpu.memory_space<hbm>>) target_semaphore(%run_scoped3A : memref<!tpu.dma_semaphore, #tpu.memory_space<semaphore_mem>>)
              %dma_wait3A_1070 = arith.constant 0 : i32
              %dma_wait3A_1071 = arith.constant 0 : i32
              %dma_wait3A_1072 = tpu.memref_slice %arg13[%dma_wait3A_1070, %dma_wait3A_1071] : memref<22x16xf32, #tpu.memory_space<vmem>> -> memref<2x16xf32, #tpu.memory_space<vmem>>
              %dma_wait3A_1073 = arith.constant 0 : i32
              %dma_wait3A_1074 = arith.constant 0 : i32
              %dma_wait3A_1075 = tpu.memref_slice %arg5[%while3A_1055, %dma_wait3A_1073, %dma_wait3A_1074] : memref<10000x2x16xf32, #tpu.memory_space<hbm>> -> memref<1x2x16xf32, #tpu.memory_space<hbm>>
              %dma_wait3A_1076 = tpu.memref_squeeze %dma_wait3A_1075 : memref<1x2x16xf32, #tpu.memory_space<hbm>> -> memref<2x16xf32, #tpu.memory_space<hbm>>
              %dma_wait3A_1077 = arith.constant 0 : i32
              %dma_wait3A_1078 = arith.constant 0 : i32
              %dma_wait3A_1079 = tpu.memref_slice %arg5[%while3A_1055, %dma_wait3A_1077, %dma_wait3A_1078] : memref<10000x2x16xf32, #tpu.memory_space<hbm>> -> memref<1x2x16xf32, #tpu.memory_space<hbm>>
              %dma_wait3A_1080 = tpu.memref_squeeze %dma_wait3A_1079 : memref<1x2x16xf32, #tpu.memory_space<hbm>> -> memref<2x16xf32, #tpu.memory_space<hbm>>
              %dma_wait3A_1081 = arith.constant 0 : i32
              %dma_wait3A_1082 = arith.constant 0 : i32
              %dma_wait3A_1083 = tpu.memref_slice %arg13[%dma_wait3A_1081, %dma_wait3A_1082] : memref<22x16xf32, #tpu.memory_space<vmem>> -> memref<2x16xf32, #tpu.memory_space<vmem>>
              tpu.wait_dma2 semaphore(%run_scoped3A : memref<!tpu.dma_semaphore, #tpu.memory_space<semaphore_mem>>) src(%dma_wait3A_1083 : memref<2x16xf32, #tpu.memory_space<vmem>>) dst(%dma_wait3A_1080 : memref<2x16xf32, #tpu.memory_space<hbm>>)
              tpu.yield
            }) : () -> ()
          }
        } else {
        }
        %broadcast_in_dim3A_571 = vector.broadcast %scan3A_557 : i32 to vector<16xi32>
        %broadcast_in_dim3A_572 = arith.constant 0 : i32
        %broadcast_in_dim3A_573 = vector.broadcast %broadcast_in_dim3A_572 : i32 to vector<16xi32>
        %gather3A = arith.constant 0 : i32
        %gather3A_574 = arith.constant 0 : i32
        %gather3A_575 = arith.constant 0 : i32
        %gather3A_576 = arith.constant 0 : i32
        %gather3A_577 = arith.constant 0 : i32
        %gather3A_578 = arith.constant 0 : i32
        %gather3A_579 = tpu.memref_slice %arg9[%gather3A, %gather3A_574, %gather3A_575, %gather3A_576, %gather3A_577, %gather3A_578] : memref<2x9x2x1x8x128xf32, #tpu.memory_space<vmem>> -> memref<1x9x2x1x8x128xf32, #tpu.memory_space<vmem>>
        %gather3A_580 = tpu.memref_squeeze %gather3A_579 : memref<1x9x2x1x8x128xf32, #tpu.memory_space<vmem>> -> memref<9x2x1x8x128xf32, #tpu.memory_space<vmem>>
        %gather3A_581 = tpu.vector_load_idx %gather3A_580[%broadcast_in_dim3A_573, %select_n3A_218, %broadcast_in_dim3A_241, %select_n3A_239, %broadcast_in_dim3A_571] : memref<9x2x1x8x128xf32, #tpu.memory_space<vmem>>[vector<16xi32>, vector<16xi32>, vector<16xi32>, vector<16xi32>, vector<16xi32>], vector<16xf32>,
        %swap3A_582 = arith.constant 0 : i32
        %swap3A_583 = arith.index_cast %swap3A_582 : i32 to index
        %swap3A_584 = arith.constant 0 : index
        %swap3A_585 = tpu.vector_load %arg11[%swap3A_583, %swap3A_584] {strides = array<i32>} : memref<22x16xf32, #tpu.memory_space<vmem>>, vector<16xf32>,
        tpu.vector_store %arg11[%swap3A_583, %swap3A_584], %gather3A_581 {add = true, strides = array<i32>} : memref<22x16xf32, #tpu.memory_space<vmem>>, vector<16xf32>,
        %broadcast_in_dim3A_586 = arith.constant 1 : i32
        %broadcast_in_dim3A_587 = vector.broadcast %broadcast_in_dim3A_586 : i32 to vector<16xi32>
        %gather3A_588 = arith.constant 0 : i32
        %gather3A_589 = arith.constant 0 : i32
        %gather3A_590 = arith.constant 0 : i32
        %gather3A_591 = arith.constant 0 : i32
        %gather3A_592 = arith.constant 0 : i32
        %gather3A_593 = arith.constant 0 : i32
        %gather3A_594 = tpu.memref_slice %arg9[%gather3A_588, %gather3A_589, %gather3A_590, %gather3A_591, %gather3A_592, %gather3A_593] : memref<2x9x2x1x8x128xf32, #tpu.memory_space<vmem>> -> memref<1x9x2x1x8x128xf32, #tpu.memory_space<vmem>>
        %gather3A_595 = tpu.memref_squeeze %gather3A_594 : memref<1x9x2x1x8x128xf32, #tpu.memory_space<vmem>> -> memref<9x2x1x8x128xf32, #tpu.memory_space<vmem>>
        %gather3A_596 = tpu.vector_load_idx %gather3A_595[%broadcast_in_dim3A_587, %select_n3A_218, %broadcast_in_dim3A_241, %select_n3A_239, %broadcast_in_dim3A_571] : memref<9x2x1x8x128xf32, #tpu.memory_space<vmem>>[vector<16xi32>, vector<16xi32>, vector<16xi32>, vector<16xi32>, vector<16xi32>], vector<16xf32>,
        %swap3A_597 = arith.constant 1 : i32
        %swap3A_598 = arith.index_cast %swap3A_597 : i32 to index
        %swap3A_599 = arith.constant 0 : index
        %swap3A_600 = tpu.vector_load %arg11[%swap3A_598, %swap3A_599] {strides = array<i32>} : memref<22x16xf32, #tpu.memory_space<vmem>>, vector<16xf32>,
        tpu.vector_store %arg11[%swap3A_598, %swap3A_599], %gather3A_596 {add = true, strides = array<i32>} : memref<22x16xf32, #tpu.memory_space<vmem>>, vector<16xf32>,
        %broadcast_in_dim3A_601 = arith.constant 2 : i32
        %broadcast_in_dim3A_602 = vector.broadcast %broadcast_in_dim3A_601 : i32 to vector<16xi32>
        %gather3A_603 = arith.constant 0 : i32
        %gather3A_604 = arith.constant 0 : i32
        %gather3A_605 = arith.constant 0 : i32
        %gather3A_606 = arith.constant 0 : i32
        %gather3A_607 = arith.constant 0 : i32
        %gather3A_608 = arith.constant 0 : i32
        %gather3A_609 = tpu.memref_slice %arg9[%gather3A_603, %gather3A_604, %gather3A_605, %gather3A_606, %gather3A_607, %gather3A_608] : memref<2x9x2x1x8x128xf32, #tpu.memory_space<vmem>> -> memref<1x9x2x1x8x128xf32, #tpu.memory_space<vmem>>
        %gather3A_610 = tpu.memref_squeeze %gather3A_609 : memref<1x9x2x1x8x128xf32, #tpu.memory_space<vmem>> -> memref<9x2x1x8x128xf32, #tpu.memory_space<vmem>>
        %gather3A_611 = tpu.vector_load_idx %gather3A_610[%broadcast_in_dim3A_602, %select_n3A_218, %broadcast_in_dim3A_241, %select_n3A_239, %broadcast_in_dim3A_571] : memref<9x2x1x8x128xf32, #tpu.memory_space<vmem>>[vector<16xi32>, vector<16xi32>, vector<16xi32>, vector<16xi32>, vector<16xi32>], vector<16xf32>,
        %swap3A_612 = arith.constant 2 : i32
        %swap3A_613 = arith.index_cast %swap3A_612 : i32 to index
        %swap3A_614 = arith.constant 0 : index
        %swap3A_615 = tpu.vector_load %arg11[%swap3A_613, %swap3A_614] {strides = array<i32>} : memref<22x16xf32, #tpu.memory_space<vmem>>, vector<16xf32>,
        tpu.vector_store %arg11[%swap3A_613, %swap3A_614], %gather3A_611 {add = true, strides = array<i32>} : memref<22x16xf32, #tpu.memory_space<vmem>>, vector<16xf32>,
        %broadcast_in_dim3A_616 = arith.constant 3 : i32
        %broadcast_in_dim3A_617 = vector.broadcast %broadcast_in_dim3A_616 : i32 to vector<16xi32>
        %gather3A_618 = arith.constant 0 : i32
        %gather3A_619 = arith.constant 0 : i32
        %gather3A_620 = arith.constant 0 : i32
        %gather3A_621 = arith.constant 0 : i32
        %gather3A_622 = arith.constant 0 : i32
        %gather3A_623 = arith.constant 0 : i32
        %gather3A_624 = tpu.memref_slice %arg9[%gather3A_618, %gather3A_619, %gather3A_620, %gather3A_621, %gather3A_622, %gather3A_623] : memref<2x9x2x1x8x128xf32, #tpu.memory_space<vmem>> -> memref<1x9x2x1x8x128xf32, #tpu.memory_space<vmem>>
        %gather3A_625 = tpu.memref_squeeze %gather3A_624 : memref<1x9x2x1x8x128xf32, #tpu.memory_space<vmem>> -> memref<9x2x1x8x128xf32, #tpu.memory_space<vmem>>
        %gather3A_626 = tpu.vector_load_idx %gather3A_625[%broadcast_in_dim3A_617, %select_n3A_218, %broadcast_in_dim3A_241, %select_n3A_239, %broadcast_in_dim3A_571] : memref<9x2x1x8x128xf32, #tpu.memory_space<vmem>>[vector<16xi32>, vector<16xi32>, vector<16xi32>, vector<16xi32>, vector<16xi32>], vector<16xf32>,
        %swap3A_627 = arith.constant 3 : i32
        %swap3A_628 = arith.index_cast %swap3A_627 : i32 to index
        %swap3A_629 = arith.constant 0 : index
        %swap3A_630 = tpu.vector_load %arg11[%swap3A_628, %swap3A_629] {strides = array<i32>} : memref<22x16xf32, #tpu.memory_space<vmem>>, vector<16xf32>,
        tpu.vector_store %arg11[%swap3A_628, %swap3A_629], %gather3A_626 {add = true, strides = array<i32>} : memref<22x16xf32, #tpu.memory_space<vmem>>, vector<16xf32>,
        %broadcast_in_dim3A_631 = arith.constant 4 : i32
        %broadcast_in_dim3A_632 = vector.broadcast %broadcast_in_dim3A_631 : i32 to vector<16xi32>
        %gather3A_633 = arith.constant 0 : i32
        %gather3A_634 = arith.constant 0 : i32
        %gather3A_635 = arith.constant 0 : i32
        %gather3A_636 = arith.constant 0 : i32
        %gather3A_637 = arith.constant 0 : i32
        %gather3A_638 = arith.constant 0 : i32
        %gather3A_639 = tpu.memref_slice %arg9[%gather3A_633, %gather3A_634, %gather3A_635, %gather3A_636, %gather3A_637, %gather3A_638] : memref<2x9x2x1x8x128xf32, #tpu.memory_space<vmem>> -> memref<1x9x2x1x8x128xf32, #tpu.memory_space<vmem>>
        %gather3A_640 = tpu.memref_squeeze %gather3A_639 : memref<1x9x2x1x8x128xf32, #tpu.memory_space<vmem>> -> memref<9x2x1x8x128xf32, #tpu.memory_space<vmem>>
        %gather3A_641 = tpu.vector_load_idx %gather3A_640[%broadcast_in_dim3A_632, %select_n3A_218, %broadcast_in_dim3A_241, %select_n3A_239, %broadcast_in_dim3A_571] : memref<9x2x1x8x128xf32, #tpu.memory_space<vmem>>[vector<16xi32>, vector<16xi32>, vector<16xi32>, vector<16xi32>, vector<16xi32>], vector<16xf32>,
        %swap3A_642 = arith.constant 4 : i32
        %swap3A_643 = arith.index_cast %swap3A_642 : i32 to index
        %swap3A_644 = arith.constant 0 : index
        %swap3A_645 = tpu.vector_load %arg11[%swap3A_643, %swap3A_644] {strides = array<i32>} : memref<22x16xf32, #tpu.memory_space<vmem>>, vector<16xf32>,
        tpu.vector_store %arg11[%swap3A_643, %swap3A_644], %gather3A_641 {add = true, strides = array<i32>} : memref<22x16xf32, #tpu.memory_space<vmem>>, vector<16xf32>,
        %broadcast_in_dim3A_646 = arith.constant 5 : i32
        %broadcast_in_dim3A_647 = vector.broadcast %broadcast_in_dim3A_646 : i32 to vector<16xi32>
        %gather3A_648 = arith.constant 0 : i32
        %gather3A_649 = arith.constant 0 : i32
        %gather3A_650 = arith.constant 0 : i32
        %gather3A_651 = arith.constant 0 : i32
        %gather3A_652 = arith.constant 0 : i32
        %gather3A_653 = arith.constant 0 : i32
        %gather3A_654 = tpu.memref_slice %arg9[%gather3A_648, %gather3A_649, %gather3A_650, %gather3A_651, %gather3A_652, %gather3A_653] : memref<2x9x2x1x8x128xf32, #tpu.memory_space<vmem>> -> memref<1x9x2x1x8x128xf32, #tpu.memory_space<vmem>>
        %gather3A_655 = tpu.memref_squeeze %gather3A_654 : memref<1x9x2x1x8x128xf32, #tpu.memory_space<vmem>> -> memref<9x2x1x8x128xf32, #tpu.memory_space<vmem>>
        %gather3A_656 = tpu.vector_load_idx %gather3A_655[%broadcast_in_dim3A_647, %select_n3A_218, %broadcast_in_dim3A_241, %select_n3A_239, %broadcast_in_dim3A_571] : memref<9x2x1x8x128xf32, #tpu.memory_space<vmem>>[vector<16xi32>, vector<16xi32>, vector<16xi32>, vector<16xi32>, vector<16xi32>], vector<16xf32>,
        %swap3A_657 = arith.constant 5 : i32
        %swap3A_658 = arith.index_cast %swap3A_657 : i32 to index
        %swap3A_659 = arith.constant 0 : index
        %swap3A_660 = tpu.vector_load %arg11[%swap3A_658, %swap3A_659] {strides = array<i32>} : memref<22x16xf32, #tpu.memory_space<vmem>>, vector<16xf32>,
        tpu.vector_store %arg11[%swap3A_658, %swap3A_659], %gather3A_656 {add = true, strides = array<i32>} : memref<22x16xf32, #tpu.memory_space<vmem>>, vector<16xf32>,
        %broadcast_in_dim3A_661 = arith.constant 6 : i32
        %broadcast_in_dim3A_662 = vector.broadcast %broadcast_in_dim3A_661 : i32 to vector<16xi32>
        %gather3A_663 = arith.constant 0 : i32
        %gather3A_664 = arith.constant 0 : i32
        %gather3A_665 = arith.constant 0 : i32
        %gather3A_666 = arith.constant 0 : i32
        %gather3A_667 = arith.constant 0 : i32
        %gather3A_668 = arith.constant 0 : i32
        %gather3A_669 = tpu.memref_slice %arg9[%gather3A_663, %gather3A_664, %gather3A_665, %gather3A_666, %gather3A_667, %gather3A_668] : memref<2x9x2x1x8x128xf32, #tpu.memory_space<vmem>> -> memref<1x9x2x1x8x128xf32, #tpu.memory_space<vmem>>
        %gather3A_670 = tpu.memref_squeeze %gather3A_669 : memref<1x9x2x1x8x128xf32, #tpu.memory_space<vmem>> -> memref<9x2x1x8x128xf32, #tpu.memory_space<vmem>>
        %gather3A_671 = tpu.vector_load_idx %gather3A_670[%broadcast_in_dim3A_662, %select_n3A_218, %broadcast_in_dim3A_241, %select_n3A_239, %broadcast_in_dim3A_571] : memref<9x2x1x8x128xf32, #tpu.memory_space<vmem>>[vector<16xi32>, vector<16xi32>, vector<16xi32>, vector<16xi32>, vector<16xi32>], vector<16xf32>,
        %swap3A_672 = arith.constant 6 : i32
        %swap3A_673 = arith.index_cast %swap3A_672 : i32 to index
        %swap3A_674 = arith.constant 0 : index
        %swap3A_675 = tpu.vector_load %arg11[%swap3A_673, %swap3A_674] {strides = array<i32>} : memref<22x16xf32, #tpu.memory_space<vmem>>, vector<16xf32>,
        tpu.vector_store %arg11[%swap3A_673, %swap3A_674], %gather3A_671 {add = true, strides = array<i32>} : memref<22x16xf32, #tpu.memory_space<vmem>>, vector<16xf32>,
        %broadcast_in_dim3A_676 = arith.constant 7 : i32
        %broadcast_in_dim3A_677 = vector.broadcast %broadcast_in_dim3A_676 : i32 to vector<16xi32>
        %gather3A_678 = arith.constant 0 : i32
        %gather3A_679 = arith.constant 0 : i32
        %gather3A_680 = arith.constant 0 : i32
        %gather3A_681 = arith.constant 0 : i32
        %gather3A_682 = arith.constant 0 : i32
        %gather3A_683 = arith.constant 0 : i32
        %gather3A_684 = tpu.memref_slice %arg9[%gather3A_678, %gather3A_679, %gather3A_680, %gather3A_681, %gather3A_682, %gather3A_683] : memref<2x9x2x1x8x128xf32, #tpu.memory_space<vmem>> -> memref<1x9x2x1x8x128xf32, #tpu.memory_space<vmem>>
        %gather3A_685 = tpu.memref_squeeze %gather3A_684 : memref<1x9x2x1x8x128xf32, #tpu.memory_space<vmem>> -> memref<9x2x1x8x128xf32, #tpu.memory_space<vmem>>
        %gather3A_686 = tpu.vector_load_idx %gather3A_685[%broadcast_in_dim3A_677, %select_n3A_218, %broadcast_in_dim3A_241, %select_n3A_239, %broadcast_in_dim3A_571] : memref<9x2x1x8x128xf32, #tpu.memory_space<vmem>>[vector<16xi32>, vector<16xi32>, vector<16xi32>, vector<16xi32>, vector<16xi32>], vector<16xf32>,
        %swap3A_687 = arith.constant 7 : i32
        %swap3A_688 = arith.index_cast %swap3A_687 : i32 to index
        %swap3A_689 = arith.constant 0 : index
        %swap3A_690 = tpu.vector_load %arg11[%swap3A_688, %swap3A_689] {strides = array<i32>} : memref<22x16xf32, #tpu.memory_space<vmem>>, vector<16xf32>,
        tpu.vector_store %arg11[%swap3A_688, %swap3A_689], %gather3A_686 {add = true, strides = array<i32>} : memref<22x16xf32, #tpu.memory_space<vmem>>, vector<16xf32>,
        %broadcast_in_dim3A_691 = arith.constant 8 : i32
        %broadcast_in_dim3A_692 = vector.broadcast %broadcast_in_dim3A_691 : i32 to vector<16xi32>
        %gather3A_693 = arith.constant 0 : i32
        %gather3A_694 = arith.constant 0 : i32
        %gather3A_695 = arith.constant 0 : i32
        %gather3A_696 = arith.constant 0 : i32
        %gather3A_697 = arith.constant 0 : i32
        %gather3A_698 = arith.constant 0 : i32
        %gather3A_699 = tpu.memref_slice %arg9[%gather3A_693, %gather3A_694, %gather3A_695, %gather3A_696, %gather3A_697, %gather3A_698] : memref<2x9x2x1x8x128xf32, #tpu.memory_space<vmem>> -> memref<1x9x2x1x8x128xf32, #tpu.memory_space<vmem>>
        %gather3A_700 = tpu.memref_squeeze %gather3A_699 : memref<1x9x2x1x8x128xf32, #tpu.memory_space<vmem>> -> memref<9x2x1x8x128xf32, #tpu.memory_space<vmem>>
        %gather3A_701 = tpu.vector_load_idx %gather3A_700[%broadcast_in_dim3A_692, %select_n3A_218, %broadcast_in_dim3A_241, %select_n3A_239, %broadcast_in_dim3A_571] : memref<9x2x1x8x128xf32, #tpu.memory_space<vmem>>[vector<16xi32>, vector<16xi32>, vector<16xi32>, vector<16xi32>, vector<16xi32>], vector<16xf32>,
        %swap3A_702 = arith.constant 8 : i32
        %swap3A_703 = arith.index_cast %swap3A_702 : i32 to index
        %swap3A_704 = arith.constant 0 : index
        %swap3A_705 = tpu.vector_load %arg11[%swap3A_703, %swap3A_704] {strides = array<i32>} : memref<22x16xf32, #tpu.memory_space<vmem>>, vector<16xf32>,
        tpu.vector_store %arg11[%swap3A_703, %swap3A_704], %gather3A_701 {add = true, strides = array<i32>} : memref<22x16xf32, #tpu.memory_space<vmem>>, vector<16xf32>,
        %broadcast_in_dim3A_706 = arith.constant 0 : i32
        %broadcast_in_dim3A_707 = vector.broadcast %broadcast_in_dim3A_706 : i32 to vector<16xi32>
        %gather3A_708 = arith.constant 0 : i32
        %gather3A_709 = arith.constant 0 : i32
        %gather3A_710 = arith.constant 0 : i32
        %gather3A_711 = arith.constant 0 : i32
        %gather3A_712 = arith.constant 0 : i32
        %gather3A_713 = arith.constant 0 : i32
        %gather3A_714 = tpu.memref_slice %arg10[%gather3A_708, %gather3A_709, %gather3A_710, %gather3A_711, %gather3A_712, %gather3A_713] : memref<2x13x2x1x8x128xf32, #tpu.memory_space<vmem>> -> memref<1x13x2x1x8x128xf32, #tpu.memory_space<vmem>>
        %gather3A_715 = tpu.memref_squeeze %gather3A_714 : memref<1x13x2x1x8x128xf32, #tpu.memory_space<vmem>> -> memref<13x2x1x8x128xf32, #tpu.memory_space<vmem>>
        %gather3A_716 = tpu.vector_load_idx %gather3A_715[%broadcast_in_dim3A_707, %select_n3A_218, %broadcast_in_dim3A_241, %select_n3A_239, %broadcast_in_dim3A_571] : memref<13x2x1x8x128xf32, #tpu.memory_space<vmem>>[vector<16xi32>, vector<16xi32>, vector<16xi32>, vector<16xi32>, vector<16xi32>], vector<16xf32>,
        %swap3A_717 = arith.constant 9 : i32
        %swap3A_718 = arith.index_cast %swap3A_717 : i32 to index
        %swap3A_719 = arith.constant 0 : index
        %swap3A_720 = tpu.vector_load %arg11[%swap3A_718, %swap3A_719] {strides = array<i32>} : memref<22x16xf32, #tpu.memory_space<vmem>>, vector<16xf32>,
        tpu.vector_store %arg11[%swap3A_718, %swap3A_719], %gather3A_716 {add = true, strides = array<i32>} : memref<22x16xf32, #tpu.memory_space<vmem>>, vector<16xf32>,
        %broadcast_in_dim3A_721 = arith.constant 1 : i32
        %broadcast_in_dim3A_722 = vector.broadcast %broadcast_in_dim3A_721 : i32 to vector<16xi32>
        %gather3A_723 = arith.constant 0 : i32
        %gather3A_724 = arith.constant 0 : i32
        %gather3A_725 = arith.constant 0 : i32
        %gather3A_726 = arith.constant 0 : i32
        %gather3A_727 = arith.constant 0 : i32
        %gather3A_728 = arith.constant 0 : i32
        %gather3A_729 = tpu.memref_slice %arg10[%gather3A_723, %gather3A_724, %gather3A_725, %gather3A_726, %gather3A_727, %gather3A_728] : memref<2x13x2x1x8x128xf32, #tpu.memory_space<vmem>> -> memref<1x13x2x1x8x128xf32, #tpu.memory_space<vmem>>
        %gather3A_730 = tpu.memref_squeeze %gather3A_729 : memref<1x13x2x1x8x128xf32, #tpu.memory_space<vmem>> -> memref<13x2x1x8x128xf32, #tpu.memory_space<vmem>>
        %gather3A_731 = tpu.vector_load_idx %gather3A_730[%broadcast_in_dim3A_722, %select_n3A_218, %broadcast_in_dim3A_241, %select_n3A_239, %broadcast_in_dim3A_571] : memref<13x2x1x8x128xf32, #tpu.memory_space<vmem>>[vector<16xi32>, vector<16xi32>, vector<16xi32>, vector<16xi32>, vector<16xi32>], vector<16xf32>,
        %swap3A_732 = arith.constant 10 : i32
        %swap3A_733 = arith.index_cast %swap3A_732 : i32 to index
        %swap3A_734 = arith.constant 0 : index
        %swap3A_735 = tpu.vector_load %arg11[%swap3A_733, %swap3A_734] {strides = array<i32>} : memref<22x16xf32, #tpu.memory_space<vmem>>, vector<16xf32>,
        tpu.vector_store %arg11[%swap3A_733, %swap3A_734], %gather3A_731 {add = true, strides = array<i32>} : memref<22x16xf32, #tpu.memory_space<vmem>>, vector<16xf32>,
        %broadcast_in_dim3A_736 = arith.constant 2 : i32
        %broadcast_in_dim3A_737 = vector.broadcast %broadcast_in_dim3A_736 : i32 to vector<16xi32>
        %gather3A_738 = arith.constant 0 : i32
        %gather3A_739 = arith.constant 0 : i32
        %gather3A_740 = arith.constant 0 : i32
        %gather3A_741 = arith.constant 0 : i32
        %gather3A_742 = arith.constant 0 : i32
        %gather3A_743 = arith.constant 0 : i32
        %gather3A_744 = tpu.memref_slice %arg10[%gather3A_738, %gather3A_739, %gather3A_740, %gather3A_741, %gather3A_742, %gather3A_743] : memref<2x13x2x1x8x128xf32, #tpu.memory_space<vmem>> -> memref<1x13x2x1x8x128xf32, #tpu.memory_space<vmem>>
        %gather3A_745 = tpu.memref_squeeze %gather3A_744 : memref<1x13x2x1x8x128xf32, #tpu.memory_space<vmem>> -> memref<13x2x1x8x128xf32, #tpu.memory_space<vmem>>
        %gather3A_746 = tpu.vector_load_idx %gather3A_745[%broadcast_in_dim3A_737, %select_n3A_218, %broadcast_in_dim3A_241, %select_n3A_239, %broadcast_in_dim3A_571] : memref<13x2x1x8x128xf32, #tpu.memory_space<vmem>>[vector<16xi32>, vector<16xi32>, vector<16xi32>, vector<16xi32>, vector<16xi32>], vector<16xf32>,
        %swap3A_747 = arith.constant 11 : i32
        %swap3A_748 = arith.index_cast %swap3A_747 : i32 to index
        %swap3A_749 = arith.constant 0 : index
        %swap3A_750 = tpu.vector_load %arg11[%swap3A_748, %swap3A_749] {strides = array<i32>} : memref<22x16xf32, #tpu.memory_space<vmem>>, vector<16xf32>,
        tpu.vector_store %arg11[%swap3A_748, %swap3A_749], %gather3A_746 {add = true, strides = array<i32>} : memref<22x16xf32, #tpu.memory_space<vmem>>, vector<16xf32>,
        %broadcast_in_dim3A_751 = arith.constant 3 : i32
        %broadcast_in_dim3A_752 = vector.broadcast %broadcast_in_dim3A_751 : i32 to vector<16xi32>
        %gather3A_753 = arith.constant 0 : i32
        %gather3A_754 = arith.constant 0 : i32
        %gather3A_755 = arith.constant 0 : i32
        %gather3A_756 = arith.constant 0 : i32
        %gather3A_757 = arith.constant 0 : i32
        %gather3A_758 = arith.constant 0 : i32
        %gather3A_759 = tpu.memref_slice %arg10[%gather3A_753, %gather3A_754, %gather3A_755, %gather3A_756, %gather3A_757, %gather3A_758] : memref<2x13x2x1x8x128xf32, #tpu.memory_space<vmem>> -> memref<1x13x2x1x8x128xf32, #tpu.memory_space<vmem>>
        %gather3A_760 = tpu.memref_squeeze %gather3A_759 : memref<1x13x2x1x8x128xf32, #tpu.memory_space<vmem>> -> memref<13x2x1x8x128xf32, #tpu.memory_space<vmem>>
        %gather3A_761 = tpu.vector_load_idx %gather3A_760[%broadcast_in_dim3A_752, %select_n3A_218, %broadcast_in_dim3A_241, %select_n3A_239, %broadcast_in_dim3A_571] : memref<13x2x1x8x128xf32, #tpu.memory_space<vmem>>[vector<16xi32>, vector<16xi32>, vector<16xi32>, vector<16xi32>, vector<16xi32>], vector<16xf32>,
        %swap3A_762 = arith.constant 12 : i32
        %swap3A_763 = arith.index_cast %swap3A_762 : i32 to index
        %swap3A_764 = arith.constant 0 : index
        %swap3A_765 = tpu.vector_load %arg11[%swap3A_763, %swap3A_764] {strides = array<i32>} : memref<22x16xf32, #tpu.memory_space<vmem>>, vector<16xf32>,
        tpu.vector_store %arg11[%swap3A_763, %swap3A_764], %gather3A_761 {add = true, strides = array<i32>} : memref<22x16xf32, #tpu.memory_space<vmem>>, vector<16xf32>,
        %broadcast_in_dim3A_766 = arith.constant 4 : i32
        %broadcast_in_dim3A_767 = vector.broadcast %broadcast_in_dim3A_766 : i32 to vector<16xi32>
        %gather3A_768 = arith.constant 0 : i32
        %gather3A_769 = arith.constant 0 : i32
        %gather3A_770 = arith.constant 0 : i32
        %gather3A_771 = arith.constant 0 : i32
        %gather3A_772 = arith.constant 0 : i32
        %gather3A_773 = arith.constant 0 : i32
        %gather3A_774 = tpu.memref_slice %arg10[%gather3A_768, %gather3A_769, %gather3A_770, %gather3A_771, %gather3A_772, %gather3A_773] : memref<2x13x2x1x8x128xf32, #tpu.memory_space<vmem>> -> memref<1x13x2x1x8x128xf32, #tpu.memory_space<vmem>>
        %gather3A_775 = tpu.memref_squeeze %gather3A_774 : memref<1x13x2x1x8x128xf32, #tpu.memory_space<vmem>> -> memref<13x2x1x8x128xf32, #tpu.memory_space<vmem>>
        %gather3A_776 = tpu.vector_load_idx %gather3A_775[%broadcast_in_dim3A_767, %select_n3A_218, %broadcast_in_dim3A_241, %select_n3A_239, %broadcast_in_dim3A_571] : memref<13x2x1x8x128xf32, #tpu.memory_space<vmem>>[vector<16xi32>, vector<16xi32>, vector<16xi32>, vector<16xi32>, vector<16xi32>], vector<16xf32>,
        %swap3A_777 = arith.constant 13 : i32
        %swap3A_778 = arith.index_cast %swap3A_777 : i32 to index
        %swap3A_779 = arith.constant 0 : index
        %swap3A_780 = tpu.vector_load %arg11[%swap3A_778, %swap3A_779] {strides = array<i32>} : memref<22x16xf32, #tpu.memory_space<vmem>>, vector<16xf32>,
        tpu.vector_store %arg11[%swap3A_778, %swap3A_779], %gather3A_776 {add = true, strides = array<i32>} : memref<22x16xf32, #tpu.memory_space<vmem>>, vector<16xf32>,
        %broadcast_in_dim3A_781 = arith.constant 5 : i32
        %broadcast_in_dim3A_782 = vector.broadcast %broadcast_in_dim3A_781 : i32 to vector<16xi32>
        %gather3A_783 = arith.constant 0 : i32
        %gather3A_784 = arith.constant 0 : i32
        %gather3A_785 = arith.constant 0 : i32
        %gather3A_786 = arith.constant 0 : i32
        %gather3A_787 = arith.constant 0 : i32
        %gather3A_788 = arith.constant 0 : i32
        %gather3A_789 = tpu.memref_slice %arg10[%gather3A_783, %gather3A_784, %gather3A_785, %gather3A_786, %gather3A_787, %gather3A_788] : memref<2x13x2x1x8x128xf32, #tpu.memory_space<vmem>> -> memref<1x13x2x1x8x128xf32, #tpu.memory_space<vmem>>
        %gather3A_790 = tpu.memref_squeeze %gather3A_789 : memref<1x13x2x1x8x128xf32, #tpu.memory_space<vmem>> -> memref<13x2x1x8x128xf32, #tpu.memory_space<vmem>>
        %gather3A_791 = tpu.vector_load_idx %gather3A_790[%broadcast_in_dim3A_782, %select_n3A_218, %broadcast_in_dim3A_241, %select_n3A_239, %broadcast_in_dim3A_571] : memref<13x2x1x8x128xf32, #tpu.memory_space<vmem>>[vector<16xi32>, vector<16xi32>, vector<16xi32>, vector<16xi32>, vector<16xi32>], vector<16xf32>,
        %swap3A_792 = arith.constant 14 : i32
        %swap3A_793 = arith.index_cast %swap3A_792 : i32 to index
        %swap3A_794 = arith.constant 0 : index
        %swap3A_795 = tpu.vector_load %arg11[%swap3A_793, %swap3A_794] {strides = array<i32>} : memref<22x16xf32, #tpu.memory_space<vmem>>, vector<16xf32>,
        tpu.vector_store %arg11[%swap3A_793, %swap3A_794], %gather3A_791 {add = true, strides = array<i32>} : memref<22x16xf32, #tpu.memory_space<vmem>>, vector<16xf32>,
        %broadcast_in_dim3A_796 = arith.constant 6 : i32
        %broadcast_in_dim3A_797 = vector.broadcast %broadcast_in_dim3A_796 : i32 to vector<16xi32>
        %gather3A_798 = arith.constant 0 : i32
        %gather3A_799 = arith.constant 0 : i32
        %gather3A_800 = arith.constant 0 : i32
        %gather3A_801 = arith.constant 0 : i32
        %gather3A_802 = arith.constant 0 : i32
        %gather3A_803 = arith.constant 0 : i32
        %gather3A_804 = tpu.memref_slice %arg10[%gather3A_798, %gather3A_799, %gather3A_800, %gather3A_801, %gather3A_802, %gather3A_803] : memref<2x13x2x1x8x128xf32, #tpu.memory_space<vmem>> -> memref<1x13x2x1x8x128xf32, #tpu.memory_space<vmem>>
        %gather3A_805 = tpu.memref_squeeze %gather3A_804 : memref<1x13x2x1x8x128xf32, #tpu.memory_space<vmem>> -> memref<13x2x1x8x128xf32, #tpu.memory_space<vmem>>
        %gather3A_806 = tpu.vector_load_idx %gather3A_805[%broadcast_in_dim3A_797, %select_n3A_218, %broadcast_in_dim3A_241, %select_n3A_239, %broadcast_in_dim3A_571] : memref<13x2x1x8x128xf32, #tpu.memory_space<vmem>>[vector<16xi32>, vector<16xi32>, vector<16xi32>, vector<16xi32>, vector<16xi32>], vector<16xf32>,
        %swap3A_807 = arith.constant 15 : i32
        %swap3A_808 = arith.index_cast %swap3A_807 : i32 to index
        %swap3A_809 = arith.constant 0 : index
        %swap3A_810 = tpu.vector_load %arg11[%swap3A_808, %swap3A_809] {strides = array<i32>} : memref<22x16xf32, #tpu.memory_space<vmem>>, vector<16xf32>,
        tpu.vector_store %arg11[%swap3A_808, %swap3A_809], %gather3A_806 {add = true, strides = array<i32>} : memref<22x16xf32, #tpu.memory_space<vmem>>, vector<16xf32>,
        %broadcast_in_dim3A_811 = arith.constant 7 : i32
        %broadcast_in_dim3A_812 = vector.broadcast %broadcast_in_dim3A_811 : i32 to vector<16xi32>
        %gather3A_813 = arith.constant 0 : i32
        %gather3A_814 = arith.constant 0 : i32
        %gather3A_815 = arith.constant 0 : i32
        %gather3A_816 = arith.constant 0 : i32
        %gather3A_817 = arith.constant 0 : i32
        %gather3A_818 = arith.constant 0 : i32
        %gather3A_819 = tpu.memref_slice %arg10[%gather3A_813, %gather3A_814, %gather3A_815, %gather3A_816, %gather3A_817, %gather3A_818] : memref<2x13x2x1x8x128xf32, #tpu.memory_space<vmem>> -> memref<1x13x2x1x8x128xf32, #tpu.memory_space<vmem>>
        %gather3A_820 = tpu.memref_squeeze %gather3A_819 : memref<1x13x2x1x8x128xf32, #tpu.memory_space<vmem>> -> memref<13x2x1x8x128xf32, #tpu.memory_space<vmem>>
        %gather3A_821 = tpu.vector_load_idx %gather3A_820[%broadcast_in_dim3A_812, %select_n3A_218, %broadcast_in_dim3A_241, %select_n3A_239, %broadcast_in_dim3A_571] : memref<13x2x1x8x128xf32, #tpu.memory_space<vmem>>[vector<16xi32>, vector<16xi32>, vector<16xi32>, vector<16xi32>, vector<16xi32>], vector<16xf32>,
        %swap3A_822 = arith.constant 16 : i32
        %swap3A_823 = arith.index_cast %swap3A_822 : i32 to index
        %swap3A_824 = arith.constant 0 : index
        %swap3A_825 = tpu.vector_load %arg11[%swap3A_823, %swap3A_824] {strides = array<i32>} : memref<22x16xf32, #tpu.memory_space<vmem>>, vector<16xf32>,
        tpu.vector_store %arg11[%swap3A_823, %swap3A_824], %gather3A_821 {add = true, strides = array<i32>} : memref<22x16xf32, #tpu.memory_space<vmem>>, vector<16xf32>,
        %broadcast_in_dim3A_826 = arith.constant 8 : i32
        %broadcast_in_dim3A_827 = vector.broadcast %broadcast_in_dim3A_826 : i32 to vector<16xi32>
        %gather3A_828 = arith.constant 0 : i32
        %gather3A_829 = arith.constant 0 : i32
        %gather3A_830 = arith.constant 0 : i32
        %gather3A_831 = arith.constant 0 : i32
        %gather3A_832 = arith.constant 0 : i32
        %gather3A_833 = arith.constant 0 : i32
        %gather3A_834 = tpu.memref_slice %arg10[%gather3A_828, %gather3A_829, %gather3A_830, %gather3A_831, %gather3A_832, %gather3A_833] : memref<2x13x2x1x8x128xf32, #tpu.memory_space<vmem>> -> memref<1x13x2x1x8x128xf32, #tpu.memory_space<vmem>>
        %gather3A_835 = tpu.memref_squeeze %gather3A_834 : memref<1x13x2x1x8x128xf32, #tpu.memory_space<vmem>> -> memref<13x2x1x8x128xf32, #tpu.memory_space<vmem>>
        %gather3A_836 = tpu.vector_load_idx %gather3A_835[%broadcast_in_dim3A_827, %select_n3A_218, %broadcast_in_dim3A_241, %select_n3A_239, %broadcast_in_dim3A_571] : memref<13x2x1x8x128xf32, #tpu.memory_space<vmem>>[vector<16xi32>, vector<16xi32>, vector<16xi32>, vector<16xi32>, vector<16xi32>], vector<16xf32>,
        %swap3A_837 = arith.constant 17 : i32
        %swap3A_838 = arith.index_cast %swap3A_837 : i32 to index
        %swap3A_839 = arith.constant 0 : index
        %swap3A_840 = tpu.vector_load %arg11[%swap3A_838, %swap3A_839] {strides = array<i32>} : memref<22x16xf32, #tpu.memory_space<vmem>>, vector<16xf32>,
        tpu.vector_store %arg11[%swap3A_838, %swap3A_839], %gather3A_836 {add = true, strides = array<i32>} : memref<22x16xf32, #tpu.memory_space<vmem>>, vector<16xf32>,
        %broadcast_in_dim3A_841 = arith.constant 9 : i32
        %broadcast_in_dim3A_842 = vector.broadcast %broadcast_in_dim3A_841 : i32 to vector<16xi32>
        %gather3A_843 = arith.constant 0 : i32
        %gather3A_844 = arith.constant 0 : i32
        %gather3A_845 = arith.constant 0 : i32
        %gather3A_846 = arith.constant 0 : i32
        %gather3A_847 = arith.constant 0 : i32
        %gather3A_848 = arith.constant 0 : i32
        %gather3A_849 = tpu.memref_slice %arg10[%gather3A_843, %gather3A_844, %gather3A_845, %gather3A_846, %gather3A_847, %gather3A_848] : memref<2x13x2x1x8x128xf32, #tpu.memory_space<vmem>> -> memref<1x13x2x1x8x128xf32, #tpu.memory_space<vmem>>
        %gather3A_850 = tpu.memref_squeeze %gather3A_849 : memref<1x13x2x1x8x128xf32, #tpu.memory_space<vmem>> -> memref<13x2x1x8x128xf32, #tpu.memory_space<vmem>>
        %gather3A_851 = tpu.vector_load_idx %gather3A_850[%broadcast_in_dim3A_842, %select_n3A_218, %broadcast_in_dim3A_241, %select_n3A_239, %broadcast_in_dim3A_571] : memref<13x2x1x8x128xf32, #tpu.memory_space<vmem>>[vector<16xi32>, vector<16xi32>, vector<16xi32>, vector<16xi32>, vector<16xi32>], vector<16xf32>,
        %swap3A_852 = arith.constant 18 : i32
        %swap3A_853 = arith.index_cast %swap3A_852 : i32 to index
        %swap3A_854 = arith.constant 0 : index
        %swap3A_855 = tpu.vector_load %arg11[%swap3A_853, %swap3A_854] {strides = array<i32>} : memref<22x16xf32, #tpu.memory_space<vmem>>, vector<16xf32>,
        tpu.vector_store %arg11[%swap3A_853, %swap3A_854], %gather3A_851 {add = true, strides = array<i32>} : memref<22x16xf32, #tpu.memory_space<vmem>>, vector<16xf32>,
        %broadcast_in_dim3A_856 = arith.constant 10 : i32
        %broadcast_in_dim3A_857 = vector.broadcast %broadcast_in_dim3A_856 : i32 to vector<16xi32>
        %gather3A_858 = arith.constant 0 : i32
        %gather3A_859 = arith.constant 0 : i32
        %gather3A_860 = arith.constant 0 : i32
        %gather3A_861 = arith.constant 0 : i32
        %gather3A_862 = arith.constant 0 : i32
        %gather3A_863 = arith.constant 0 : i32
        %gather3A_864 = tpu.memref_slice %arg10[%gather3A_858, %gather3A_859, %gather3A_860, %gather3A_861, %gather3A_862, %gather3A_863] : memref<2x13x2x1x8x128xf32, #tpu.memory_space<vmem>> -> memref<1x13x2x1x8x128xf32, #tpu.memory_space<vmem>>
        %gather3A_865 = tpu.memref_squeeze %gather3A_864 : memref<1x13x2x1x8x128xf32, #tpu.memory_space<vmem>> -> memref<13x2x1x8x128xf32, #tpu.memory_space<vmem>>
        %gather3A_866 = tpu.vector_load_idx %gather3A_865[%broadcast_in_dim3A_857, %select_n3A_218, %broadcast_in_dim3A_241, %select_n3A_239, %broadcast_in_dim3A_571] : memref<13x2x1x8x128xf32, #tpu.memory_space<vmem>>[vector<16xi32>, vector<16xi32>, vector<16xi32>, vector<16xi32>, vector<16xi32>], vector<16xf32>,
        %swap3A_867 = arith.constant 19 : i32
        %swap3A_868 = arith.index_cast %swap3A_867 : i32 to index
        %swap3A_869 = arith.constant 0 : index
        %swap3A_870 = tpu.vector_load %arg11[%swap3A_868, %swap3A_869] {strides = array<i32>} : memref<22x16xf32, #tpu.memory_space<vmem>>, vector<16xf32>,
        tpu.vector_store %arg11[%swap3A_868, %swap3A_869], %gather3A_866 {add = true, strides = array<i32>} : memref<22x16xf32, #tpu.memory_space<vmem>>, vector<16xf32>,
        %broadcast_in_dim3A_871 = arith.constant 11 : i32
        %broadcast_in_dim3A_872 = vector.broadcast %broadcast_in_dim3A_871 : i32 to vector<16xi32>
        %gather3A_873 = arith.constant 0 : i32
        %gather3A_874 = arith.constant 0 : i32
        %gather3A_875 = arith.constant 0 : i32
        %gather3A_876 = arith.constant 0 : i32
        %gather3A_877 = arith.constant 0 : i32
        %gather3A_878 = arith.constant 0 : i32
        %gather3A_879 = tpu.memref_slice %arg10[%gather3A_873, %gather3A_874, %gather3A_875, %gather3A_876, %gather3A_877, %gather3A_878] : memref<2x13x2x1x8x128xf32, #tpu.memory_space<vmem>> -> memref<1x13x2x1x8x128xf32, #tpu.memory_space<vmem>>
        %gather3A_880 = tpu.memref_squeeze %gather3A_879 : memref<1x13x2x1x8x128xf32, #tpu.memory_space<vmem>> -> memref<13x2x1x8x128xf32, #tpu.memory_space<vmem>>
        %gather3A_881 = tpu.vector_load_idx %gather3A_880[%broadcast_in_dim3A_872, %select_n3A_218, %broadcast_in_dim3A_241, %select_n3A_239, %broadcast_in_dim3A_571] : memref<13x2x1x8x128xf32, #tpu.memory_space<vmem>>[vector<16xi32>, vector<16xi32>, vector<16xi32>, vector<16xi32>, vector<16xi32>], vector<16xf32>,
        %swap3A_882 = arith.constant 20 : i32
        %swap3A_883 = arith.index_cast %swap3A_882 : i32 to index
        %swap3A_884 = arith.constant 0 : index
        %swap3A_885 = tpu.vector_load %arg11[%swap3A_883, %swap3A_884] {strides = array<i32>} : memref<22x16xf32, #tpu.memory_space<vmem>>, vector<16xf32>,
        tpu.vector_store %arg11[%swap3A_883, %swap3A_884], %gather3A_881 {add = true, strides = array<i32>} : memref<22x16xf32, #tpu.memory_space<vmem>>, vector<16xf32>,
        %broadcast_in_dim3A_886 = arith.constant 12 : i32
        %broadcast_in_dim3A_887 = vector.broadcast %broadcast_in_dim3A_886 : i32 to vector<16xi32>
        %gather3A_888 = arith.constant 0 : i32
        %gather3A_889 = arith.constant 0 : i32
        %gather3A_890 = arith.constant 0 : i32
        %gather3A_891 = arith.constant 0 : i32
        %gather3A_892 = arith.constant 0 : i32
        %gather3A_893 = arith.constant 0 : i32
        %gather3A_894 = tpu.memref_slice %arg10[%gather3A_888, %gather3A_889, %gather3A_890, %gather3A_891, %gather3A_892, %gather3A_893] : memref<2x13x2x1x8x128xf32, #tpu.memory_space<vmem>> -> memref<1x13x2x1x8x128xf32, #tpu.memory_space<vmem>>
        %gather3A_895 = tpu.memref_squeeze %gather3A_894 : memref<1x13x2x1x8x128xf32, #tpu.memory_space<vmem>> -> memref<13x2x1x8x128xf32, #tpu.memory_space<vmem>>
        %gather3A_896 = tpu.vector_load_idx %gather3A_895[%broadcast_in_dim3A_887, %select_n3A_218, %broadcast_in_dim3A_241, %select_n3A_239, %broadcast_in_dim3A_571] : memref<13x2x1x8x128xf32, #tpu.memory_space<vmem>>[vector<16xi32>, vector<16xi32>, vector<16xi32>, vector<16xi32>, vector<16xi32>], vector<16xf32>,
        %swap3A_897 = arith.constant 21 : i32
        %swap3A_898 = arith.index_cast %swap3A_897 : i32 to index
        %swap3A_899 = arith.constant 0 : index
        %swap3A_900 = tpu.vector_load %arg11[%swap3A_898, %swap3A_899] {strides = array<i32>} : memref<22x16xf32, #tpu.memory_space<vmem>>, vector<16xf32>,
        tpu.vector_store %arg11[%swap3A_898, %swap3A_899], %gather3A_896 {add = true, strides = array<i32>} : memref<22x16xf32, #tpu.memory_space<vmem>>, vector<16xf32>,
        %convert_element_type3A_901 = arith.extui %ne3A_567 : i1 to i32
        %add3A_902 = arith.addi %scan3A_559, %convert_element_type3A_901 : i32
        scf.yield %squeeze3A_566, %add3A_902 : i32, i32
      }
      %scan3A_476 = arith.constant 128 : i32
      %mul3A_477 = arith.constant 2 : i32
      %mul3A_478 = arith.muli %mul3A_477, %while3A_414 : i32
      %add3A_479 = arith.constant 2 : i32
      %add3A_480 = arith.addi %mul3A_478, %add3A_479 : i32
      %lt3A_481 = arith.cmpi slt, %add3A_480, %select_n3A : i32
      %convert_element_type3A_482 = arith.extui %lt3A_481 : i1 to i32
      %cond3A_483 = arith.constant 0 : i32
      %cond3A_484 = arith.cmpi ne, %convert_element_type3A_482, %cond3A_483 : i32
      scf.if %cond3A_484 {
        %mul3A_557 = arith.constant 2 : i32
        %mul3A_558 = arith.muli %mul3A_557, %while3A_414 : i32
        %add3A_559 = arith.constant 2 : i32
        %add3A_560 = arith.addi %mul3A_558, %add3A_559 : i32
        %add3A_561 = arith.addi %add3A_7, %add3A_560 : i32
        %dma_start3A_562 = arith.constant 0 : i32
        %dma_start3A_563 = arith.constant 0 : i32
        %dma_start3A_564 = arith.constant 0 : i32
        %dma_start3A_565 = arith.constant 0 : i32
        %dma_start3A_566 = arith.constant 0 : i32
        %dma_start3A_567 = arith.constant 0 : i32
        %dma_start3A_568 = tpu.memref_slice %arg9[%dma_start3A_562, %dma_start3A_563, %dma_start3A_564, %dma_start3A_565, %dma_start3A_566, %dma_start3A_567] : memref<2x9x2x1x8x128xf32, #tpu.memory_space<vmem>> -> memref<1x9x2x1x8x128xf32, #tpu.memory_space<vmem>>
        %dma_start3A_569 = tpu.memref_squeeze %dma_start3A_568 : memref<1x9x2x1x8x128xf32, #tpu.memory_space<vmem>> -> memref<9x2x1x8x128xf32, #tpu.memory_space<vmem>>
        %dma_start3A_570 = arith.constant 0 : i32
        %dma_start3A_571 = arith.constant 0 : i32
        %dma_start3A_572 = arith.constant 0 : i32
        %dma_start3A_573 = arith.constant 0 : i32
        %dma_start3A_574 = tpu.memref_slice %arg2[%dma_start3A_570, %dma_start3A_571, %add3A_561, %dma_start3A_572, %dma_start3A_573] : memref<9x2x1250x8x128xf32, #tpu.memory_space<hbm>> -> memref<9x2x1x8x128xf32, #tpu.memory_space<hbm>>
        %dma_start3A_575 = arith.constant 0 : i32
        %dma_start3A_576 = arith.constant 0 : i32
        %dma_start3A_577 = arith.constant 0 : i32
        %dma_start3A_578 = arith.constant 0 : i32
        %dma_start3A_579 = arith.constant 0 : i32
        %dma_start3A_580 = tpu.memref_slice %arg9[%dma_start3A_562, %dma_start3A_575, %dma_start3A_576, %dma_start3A_577, %dma_start3A_578, %dma_start3A_579] : memref<2x9x2x1x8x128xf32, #tpu.memory_space<vmem>> -> memref<1x9x2x1x8x128xf32, #tpu.memory_space<vmem>>
        %dma_start3A_581 = tpu.memref_squeeze %dma_start3A_580 : memref<1x9x2x1x8x128xf32, #tpu.memory_space<vmem>> -> memref<9x2x1x8x128xf32, #tpu.memory_space<vmem>>
        %dma_start3A_582 = arith.constant 0 : i32
        %dma_start3A_583 = arith.constant 0 : i32
        %dma_start3A_584 = arith.constant 0 : i32
        %dma_start3A_585 = arith.constant 0 : i32
        %dma_start3A_586 = tpu.memref_slice %arg2[%dma_start3A_582, %dma_start3A_583, %add3A_561, %dma_start3A_584, %dma_start3A_585] : memref<9x2x1250x8x128xf32, #tpu.memory_space<hbm>> -> memref<9x2x1x8x128xf32, #tpu.memory_space<hbm>>
        tpu.enqueue_dma source(%dma_start3A_586 : memref<9x2x1x8x128xf32, #tpu.memory_space<hbm>>) target(%dma_start3A_581 : memref<9x2x1x8x128xf32, #tpu.memory_space<vmem>>) target_semaphore(%arg15 : memref<!tpu.dma_semaphore, #tpu.memory_space<semaphore_mem>>)
        %dma_start3A_587 = arith.constant 0 : i32
        %dma_start3A_588 = arith.constant 0 : i32
        %dma_start3A_589 = arith.constant 0 : i32
        %dma_start3A_590 = arith.constant 0 : i32
        %dma_start3A_591 = arith.constant 0 : i32
        %dma_start3A_592 = arith.constant 0 : i32
        %dma_start3A_593 = tpu.memref_slice %arg10[%dma_start3A_587, %dma_start3A_588, %dma_start3A_589, %dma_start3A_590, %dma_start3A_591, %dma_start3A_592] : memref<2x13x2x1x8x128xf32, #tpu.memory_space<vmem>> -> memref<1x13x2x1x8x128xf32, #tpu.memory_space<vmem>>
        %dma_start3A_594 = tpu.memref_squeeze %dma_start3A_593 : memref<1x13x2x1x8x128xf32, #tpu.memory_space<vmem>> -> memref<13x2x1x8x128xf32, #tpu.memory_space<vmem>>
        %dma_start3A_595 = arith.constant 0 : i32
        %dma_start3A_596 = arith.constant 0 : i32
        %dma_start3A_597 = arith.constant 0 : i32
        %dma_start3A_598 = arith.constant 0 : i32
        %dma_start3A_599 = tpu.memref_slice %arg3[%dma_start3A_595, %dma_start3A_596, %add3A_561, %dma_start3A_597, %dma_start3A_598] : memref<13x2x1250x8x128xf32, #tpu.memory_space<hbm>> -> memref<13x2x1x8x128xf32, #tpu.memory_space<hbm>>
        %dma_start3A_600 = arith.constant 0 : i32
        %dma_start3A_601 = arith.constant 0 : i32
        %dma_start3A_602 = arith.constant 0 : i32
        %dma_start3A_603 = arith.constant 0 : i32
        %dma_start3A_604 = arith.constant 0 : i32
        %dma_start3A_605 = tpu.memref_slice %arg10[%dma_start3A_587, %dma_start3A_600, %dma_start3A_601, %dma_start3A_602, %dma_start3A_603, %dma_start3A_604] : memref<2x13x2x1x8x128xf32, #tpu.memory_space<vmem>> -> memref<1x13x2x1x8x128xf32, #tpu.memory_space<vmem>>
        %dma_start3A_606 = tpu.memref_squeeze %dma_start3A_605 : memref<1x13x2x1x8x128xf32, #tpu.memory_space<vmem>> -> memref<13x2x1x8x128xf32, #tpu.memory_space<vmem>>
        %dma_start3A_607 = arith.constant 0 : i32
        %dma_start3A_608 = arith.constant 0 : i32
        %dma_start3A_609 = arith.constant 0 : i32
        %dma_start3A_610 = arith.constant 0 : i32
        %dma_start3A_611 = tpu.memref_slice %arg3[%dma_start3A_607, %dma_start3A_608, %add3A_561, %dma_start3A_609, %dma_start3A_610] : memref<13x2x1250x8x128xf32, #tpu.memory_space<hbm>> -> memref<13x2x1x8x128xf32, #tpu.memory_space<hbm>>
        tpu.enqueue_dma source(%dma_start3A_611 : memref<13x2x1x8x128xf32, #tpu.memory_space<hbm>>) target(%dma_start3A_606 : memref<13x2x1x8x128xf32, #tpu.memory_space<vmem>>) target_semaphore(%arg17 : memref<!tpu.dma_semaphore, #tpu.memory_space<semaphore_mem>>)
      } else {
      }
      %dma_wait3A_485 = arith.constant 1 : i32
      %dma_wait3A_486 = arith.constant 0 : i32
      %dma_wait3A_487 = arith.constant 0 : i32
      %dma_wait3A_488 = arith.constant 0 : i32
      %dma_wait3A_489 = arith.constant 0 : i32
      %dma_wait3A_490 = arith.constant 0 : i32
      %dma_wait3A_491 = tpu.memref_slice %arg9[%dma_wait3A_485, %dma_wait3A_486, %dma_wait3A_487, %dma_wait3A_488, %dma_wait3A_489, %dma_wait3A_490] : memref<2x9x2x1x8x128xf32, #tpu.memory_space<vmem>> -> memref<1x9x2x1x8x128xf32, #tpu.memory_space<vmem>>
      %dma_wait3A_492 = tpu.memref_squeeze %dma_wait3A_491 : memref<1x9x2x1x8x128xf32, #tpu.memory_space<vmem>> -> memref<9x2x1x8x128xf32, #tpu.memory_space<vmem>>
      %dma_wait3A_493 = arith.constant 0 : i32
      %dma_wait3A_494 = arith.constant 0 : i32
      %dma_wait3A_495 = arith.constant 0 : i32
      %dma_wait3A_496 = arith.constant 0 : i32
      %dma_wait3A_497 = arith.constant 0 : i32
      %dma_wait3A_498 = tpu.memref_slice %arg2[%dma_wait3A_493, %dma_wait3A_494, %dma_wait3A_495, %dma_wait3A_496, %dma_wait3A_497] : memref<9x2x1250x8x128xf32, #tpu.memory_space<hbm>> -> memref<9x2x1x8x128xf32, #tpu.memory_space<hbm>>
      %dma_wait3A_499 = arith.constant 0 : i32
      %dma_wait3A_500 = arith.constant 0 : i32
      %dma_wait3A_501 = arith.constant 0 : i32
      %dma_wait3A_502 = arith.constant 0 : i32
      %dma_wait3A_503 = arith.constant 0 : i32
      %dma_wait3A_504 = tpu.memref_slice %arg9[%dma_wait3A_485, %dma_wait3A_499, %dma_wait3A_500, %dma_wait3A_501, %dma_wait3A_502, %dma_wait3A_503] : memref<2x9x2x1x8x128xf32, #tpu.memory_space<vmem>> -> memref<1x9x2x1x8x128xf32, #tpu.memory_space<vmem>>
      %dma_wait3A_505 = tpu.memref_squeeze %dma_wait3A_504 : memref<1x9x2x1x8x128xf32, #tpu.memory_space<vmem>> -> memref<9x2x1x8x128xf32, #tpu.memory_space<vmem>>
      %dma_wait3A_506 = arith.constant 0 : i32
      %dma_wait3A_507 = arith.constant 0 : i32
      %dma_wait3A_508 = arith.constant 0 : i32
      %dma_wait3A_509 = arith.constant 0 : i32
      %dma_wait3A_510 = arith.constant 0 : i32
      %dma_wait3A_511 = tpu.memref_slice %arg2[%dma_wait3A_506, %dma_wait3A_507, %dma_wait3A_508, %dma_wait3A_509, %dma_wait3A_510] : memref<9x2x1250x8x128xf32, #tpu.memory_space<hbm>> -> memref<9x2x1x8x128xf32, #tpu.memory_space<hbm>>
      tpu.wait_dma2 semaphore(%arg16 : memref<!tpu.dma_semaphore, #tpu.memory_space<semaphore_mem>>) src(%dma_wait3A_511 : memref<9x2x1x8x128xf32, #tpu.memory_space<hbm>>) dst(%dma_wait3A_505 : memref<9x2x1x8x128xf32, #tpu.memory_space<vmem>>)
      %dma_wait3A_512 = arith.constant 1 : i32
      %dma_wait3A_513 = arith.constant 0 : i32
      %dma_wait3A_514 = arith.constant 0 : i32
      %dma_wait3A_515 = arith.constant 0 : i32
      %dma_wait3A_516 = arith.constant 0 : i32
      %dma_wait3A_517 = arith.constant 0 : i32
      %dma_wait3A_518 = tpu.memref_slice %arg10[%dma_wait3A_512, %dma_wait3A_513, %dma_wait3A_514, %dma_wait3A_515, %dma_wait3A_516, %dma_wait3A_517] : memref<2x13x2x1x8x128xf32, #tpu.memory_space<vmem>> -> memref<1x13x2x1x8x128xf32, #tpu.memory_space<vmem>>
      %dma_wait3A_519 = tpu.memref_squeeze %dma_wait3A_518 : memref<1x13x2x1x8x128xf32, #tpu.memory_space<vmem>> -> memref<13x2x1x8x128xf32, #tpu.memory_space<vmem>>
      %dma_wait3A_520 = arith.constant 0 : i32
      %dma_wait3A_521 = arith.constant 0 : i32
      %dma_wait3A_522 = arith.constant 0 : i32
      %dma_wait3A_523 = arith.constant 0 : i32
      %dma_wait3A_524 = arith.constant 0 : i32
      %dma_wait3A_525 = tpu.memref_slice %arg3[%dma_wait3A_520, %dma_wait3A_521, %dma_wait3A_522, %dma_wait3A_523, %dma_wait3A_524] : memref<13x2x1250x8x128xf32, #tpu.memory_space<hbm>> -> memref<13x2x1x8x128xf32, #tpu.memory_space<hbm>>
      %dma_wait3A_526 = arith.constant 0 : i32
      %dma_wait3A_527 = arith.constant 0 : i32
      %dma_wait3A_528 = arith.constant 0 : i32
      %dma_wait3A_529 = arith.constant 0 : i32
      %dma_wait3A_530 = arith.constant 0 : i32
      %dma_wait3A_531 = tpu.memref_slice %arg10[%dma_wait3A_512, %dma_wait3A_526, %dma_wait3A_527, %dma_wait3A_528, %dma_wait3A_529, %dma_wait3A_530] : memref<2x13x2x1x8x128xf32, #tpu.memory_space<vmem>> -> memref<1x13x2x1x8x128xf32, #tpu.memory_space<vmem>>
      %dma_wait3A_532 = tpu.memref_squeeze %dma_wait3A_531 : memref<1x13x2x1x8x128xf32, #tpu.memory_space<vmem>> -> memref<13x2x1x8x128xf32, #tpu.memory_space<vmem>>
      %dma_wait3A_533 = arith.constant 0 : i32
      %dma_wait3A_534 = arith.constant 0 : i32
      %dma_wait3A_535 = arith.constant 0 : i32
      %dma_wait3A_536 = arith.constant 0 : i32
      %dma_wait3A_537 = arith.constant 0 : i32
      %dma_wait3A_538 = tpu.memref_slice %arg3[%dma_wait3A_533, %dma_wait3A_534, %dma_wait3A_535, %dma_wait3A_536, %dma_wait3A_537] : memref<13x2x1250x8x128xf32, #tpu.memory_space<hbm>> -> memref<13x2x1x8x128xf32, #tpu.memory_space<hbm>>
      tpu.wait_dma2 semaphore(%arg18 : memref<!tpu.dma_semaphore, #tpu.memory_space<semaphore_mem>>) src(%dma_wait3A_538 : memref<13x2x1x8x128xf32, #tpu.memory_space<hbm>>) dst(%dma_wait3A_532 : memref<13x2x1x8x128xf32, #tpu.memory_space<vmem>>)
      %mul3A_539 = arith.constant 2 : i32
      %mul3A_540 = arith.muli %mul3A_539, %while3A_414 : i32
      %add3A_541 = arith.constant 1 : i32
      %add3A_542 = arith.addi %mul3A_540, %add3A_541 : i32
      %scan3A_543 = arith.constant 0 : i32
      %scan3A_544 = arith.constant 128 : i32
      %scan3A_545 = arith.addi %scan3A_543, %scan3A_544 : i32
      %scan3A_546 = arith.constant 1 : i32
      %scan3A_547:2 = scf.for %scan3A_557 = %scan3A_543 to %scan3A_545 step %scan3A_546 iter_args(%scan3A_558 = %scan3A_475#0, %scan3A_559 = %scan3A_475#1) -> (i32, i32)  : i32 {
        %mul3A_560 = arith.constant 128 : i32
        %mul3A_561 = arith.muli %add3A_542, %mul3A_560 : i32
        %add3A_562 = arith.addi %mul3A_561, %scan3A_557 : i32
        %get3A_563 = arith.index_cast %add3A_562 : i32 to index
        %get3A_564 = tpu.vector_load %arg8[%get3A_563] {strides = array<i32>} : memref<5136xi32, #tpu.memory_space<vmem>>, vector<16xi32>,
        %slice3A_565 = vector.extract_strided_slice %get3A_564 {offsets = [0], sizes = [1], strides = [1]} : vector<16xi32> to vector<1xi32>
        %squeeze3A_566 = vector.extract %slice3A_565[0] : i32 from vector<1xi32>
        %ne3A_567 = arith.cmpi ne, %squeeze3A_566, %scan3A_558 : i32
        %convert_element_type3A_568 = arith.extui %ne3A_567 : i1 to i32
        %cond3A_569 = arith.constant 0 : i32
        %cond3A_570 = arith.cmpi ne, %convert_element_type3A_568, %cond3A_569 : i32
        scf.if %cond3A_570 {
          %eq3A_903 = arith.constant 0 : i32
          %eq3A_904 = arith.cmpi eq, %scan3A_559, %eq3A_903 : i32
          %convert_element_type3A_905 = arith.extui %eq3A_904 : i1 to i32
          %cond3A_906 = arith.constant 0 : i32
          %cond3A_907 = arith.cmpi ne, %convert_element_type3A_905, %cond3A_906 : i32
          scf.if %cond3A_907 {
            %mul3A_1055 = arith.constant 2 : i32
            %mul3A_1056 = arith.muli %mul3A_1055, %add3A : i32
            "tpu.region"() ({
              %run_scoped3A = tpu.sem_alloc : memref<!tpu.dma_semaphore, #tpu.memory_space<semaphore_mem>>
              %dma_start3A_1057 = arith.constant 0 : i32
              %dma_start3A_1058 = arith.constant 0 : i32
              %dma_start3A_1059 = tpu.memref_slice %arg6[%mul3A_1056, %dma_start3A_1057, %dma_start3A_1058] : memref<64x22x16xf32, #tpu.memory_space<hbm>> -> memref<1x22x16xf32, #tpu.memory_space<hbm>>
              %dma_start3A_1060 = tpu.memref_squeeze %dma_start3A_1059 : memref<1x22x16xf32, #tpu.memory_space<hbm>> -> memref<22x16xf32, #tpu.memory_space<hbm>>
              %dma_start3A_1061 = arith.constant 0 : i32
              %dma_start3A_1062 = arith.constant 0 : i32
              %dma_start3A_1063 = tpu.memref_slice %arg6[%mul3A_1056, %dma_start3A_1061, %dma_start3A_1062] : memref<64x22x16xf32, #tpu.memory_space<hbm>> -> memref<1x22x16xf32, #tpu.memory_space<hbm>>
              %dma_start3A_1064 = tpu.memref_squeeze %dma_start3A_1063 : memref<1x22x16xf32, #tpu.memory_space<hbm>> -> memref<22x16xf32, #tpu.memory_space<hbm>>
              tpu.enqueue_dma source(%arg11 : memref<22x16xf32, #tpu.memory_space<vmem>>) target(%dma_start3A_1064 : memref<22x16xf32, #tpu.memory_space<hbm>>) target_semaphore(%run_scoped3A : memref<!tpu.dma_semaphore, #tpu.memory_space<semaphore_mem>>)
              %dma_wait3A_1065 = arith.constant 0 : i32
              %dma_wait3A_1066 = arith.constant 0 : i32
              %dma_wait3A_1067 = tpu.memref_slice %arg6[%mul3A_1056, %dma_wait3A_1065, %dma_wait3A_1066] : memref<64x22x16xf32, #tpu.memory_space<hbm>> -> memref<1x22x16xf32, #tpu.memory_space<hbm>>
              %dma_wait3A_1068 = tpu.memref_squeeze %dma_wait3A_1067 : memref<1x22x16xf32, #tpu.memory_space<hbm>> -> memref<22x16xf32, #tpu.memory_space<hbm>>
              %dma_wait3A_1069 = arith.constant 0 : i32
              %dma_wait3A_1070 = arith.constant 0 : i32
              %dma_wait3A_1071 = tpu.memref_slice %arg6[%mul3A_1056, %dma_wait3A_1069, %dma_wait3A_1070] : memref<64x22x16xf32, #tpu.memory_space<hbm>> -> memref<1x22x16xf32, #tpu.memory_space<hbm>>
              %dma_wait3A_1072 = tpu.memref_squeeze %dma_wait3A_1071 : memref<1x22x16xf32, #tpu.memory_space<hbm>> -> memref<22x16xf32, #tpu.memory_space<hbm>>
              tpu.wait_dma2 semaphore(%run_scoped3A : memref<!tpu.dma_semaphore, #tpu.memory_space<semaphore_mem>>) src(%arg11 : memref<22x16xf32, #tpu.memory_space<vmem>>) dst(%dma_wait3A_1072 : memref<22x16xf32, #tpu.memory_space<hbm>>)
              tpu.yield
            }) : () -> ()
          } else {
          }
          %gt3A = arith.constant 0 : i32
          %gt3A_908 = arith.cmpi sgt, %scan3A_559, %gt3A : i32
          %convert_element_type3A_909 = arith.extui %gt3A_908 : i1 to i32
          %cond3A_910 = arith.constant 0 : i32
          %cond3A_911 = arith.cmpi ne, %convert_element_type3A_909, %cond3A_910 : i32
          scf.if %cond3A_911 {
            %get3A_1055 = arith.constant 0 : i32
            %get3A_1056 = arith.index_cast %get3A_1055 : i32 to index
            %get3A_1057 = arith.constant 0 : index
            %get3A_1058 = tpu.vector_load %arg11[%get3A_1056, %get3A_1057] {strides = array<i32>} : memref<22x16xf32, #tpu.memory_space<vmem>>, vector<16xf32>,
            %get3A_1059 = arith.constant 0 : i32
            %get3A_1060 = arith.index_cast %get3A_1059 : i32 to index
            %get3A_1061 = arith.constant 0 : index
            %get3A_1062 = tpu.vector_load %arg11[%get3A_1060, %get3A_1061] {strides = array<i32>} : memref<22x16xf32, #tpu.memory_space<vmem>>, vector<16xf32>,
            %mul3A_1063 = arith.mulf %get3A_1058, %get3A_1062 : vector<16xf32>
            %get3A_1064 = arith.constant 1 : i32
            %get3A_1065 = arith.index_cast %get3A_1064 : i32 to index
            %get3A_1066 = arith.constant 0 : index
            %get3A_1067 = tpu.vector_load %arg11[%get3A_1065, %get3A_1066] {strides = array<i32>} : memref<22x16xf32, #tpu.memory_space<vmem>>, vector<16xf32>,
            %get3A_1068 = arith.constant 1 : i32
            %get3A_1069 = arith.index_cast %get3A_1068 : i32 to index
            %get3A_1070 = arith.constant 0 : index
            %get3A_1071 = tpu.vector_load %arg11[%get3A_1069, %get3A_1070] {strides = array<i32>} : memref<22x16xf32, #tpu.memory_space<vmem>>, vector<16xf32>,
            %mul3A_1072 = arith.mulf %get3A_1067, %get3A_1071 : vector<16xf32>
            %add3A_1073 = arith.addf %mul3A_1063, %mul3A_1072 : vector<16xf32>
            %get3A_1074 = arith.constant 2 : i32
            %get3A_1075 = arith.index_cast %get3A_1074 : i32 to index
            %get3A_1076 = arith.constant 0 : index
            %get3A_1077 = tpu.vector_load %arg11[%get3A_1075, %get3A_1076] {strides = array<i32>} : memref<22x16xf32, #tpu.memory_space<vmem>>, vector<16xf32>,
            %get3A_1078 = arith.constant 2 : i32
            %get3A_1079 = arith.index_cast %get3A_1078 : i32 to index
            %get3A_1080 = arith.constant 0 : index
            %get3A_1081 = tpu.vector_load %arg11[%get3A_1079, %get3A_1080] {strides = array<i32>} : memref<22x16xf32, #tpu.memory_space<vmem>>, vector<16xf32>,
            %mul3A_1082 = arith.mulf %get3A_1077, %get3A_1081 : vector<16xf32>
            %add3A_1083 = arith.addf %add3A_1073, %mul3A_1082 : vector<16xf32>
            %get3A_1084 = arith.constant 3 : i32
            %get3A_1085 = arith.index_cast %get3A_1084 : i32 to index
            %get3A_1086 = arith.constant 0 : index
            %get3A_1087 = tpu.vector_load %arg11[%get3A_1085, %get3A_1086] {strides = array<i32>} : memref<22x16xf32, #tpu.memory_space<vmem>>, vector<16xf32>,
            %get3A_1088 = arith.constant 3 : i32
            %get3A_1089 = arith.index_cast %get3A_1088 : i32 to index
            %get3A_1090 = arith.constant 0 : index
            %get3A_1091 = tpu.vector_load %arg11[%get3A_1089, %get3A_1090] {strides = array<i32>} : memref<22x16xf32, #tpu.memory_space<vmem>>, vector<16xf32>,
            %mul3A_1092 = arith.mulf %get3A_1087, %get3A_1091 : vector<16xf32>
            %add3A_1093 = arith.addf %add3A_1083, %mul3A_1092 : vector<16xf32>
            %get3A_1094 = arith.constant 4 : i32
            %get3A_1095 = arith.index_cast %get3A_1094 : i32 to index
            %get3A_1096 = arith.constant 0 : index
            %get3A_1097 = tpu.vector_load %arg11[%get3A_1095, %get3A_1096] {strides = array<i32>} : memref<22x16xf32, #tpu.memory_space<vmem>>, vector<16xf32>,
            %get3A_1098 = arith.constant 4 : i32
            %get3A_1099 = arith.index_cast %get3A_1098 : i32 to index
            %get3A_1100 = arith.constant 0 : index
            %get3A_1101 = tpu.vector_load %arg11[%get3A_1099, %get3A_1100] {strides = array<i32>} : memref<22x16xf32, #tpu.memory_space<vmem>>, vector<16xf32>,
            %mul3A_1102 = arith.mulf %get3A_1097, %get3A_1101 : vector<16xf32>
            %add3A_1103 = arith.addf %add3A_1093, %mul3A_1102 : vector<16xf32>
            %get3A_1104 = arith.constant 5 : i32
            %get3A_1105 = arith.index_cast %get3A_1104 : i32 to index
            %get3A_1106 = arith.constant 0 : index
            %get3A_1107 = tpu.vector_load %arg11[%get3A_1105, %get3A_1106] {strides = array<i32>} : memref<22x16xf32, #tpu.memory_space<vmem>>, vector<16xf32>,
            %get3A_1108 = arith.constant 5 : i32
            %get3A_1109 = arith.index_cast %get3A_1108 : i32 to index
            %get3A_1110 = arith.constant 0 : index
            %get3A_1111 = tpu.vector_load %arg11[%get3A_1109, %get3A_1110] {strides = array<i32>} : memref<22x16xf32, #tpu.memory_space<vmem>>, vector<16xf32>,
            %mul3A_1112 = arith.mulf %get3A_1107, %get3A_1111 : vector<16xf32>
            %add3A_1113 = arith.addf %add3A_1103, %mul3A_1112 : vector<16xf32>
            %get3A_1114 = arith.constant 6 : i32
            %get3A_1115 = arith.index_cast %get3A_1114 : i32 to index
            %get3A_1116 = arith.constant 0 : index
            %get3A_1117 = tpu.vector_load %arg11[%get3A_1115, %get3A_1116] {strides = array<i32>} : memref<22x16xf32, #tpu.memory_space<vmem>>, vector<16xf32>,
            %get3A_1118 = arith.constant 6 : i32
            %get3A_1119 = arith.index_cast %get3A_1118 : i32 to index
            %get3A_1120 = arith.constant 0 : index
            %get3A_1121 = tpu.vector_load %arg11[%get3A_1119, %get3A_1120] {strides = array<i32>} : memref<22x16xf32, #tpu.memory_space<vmem>>, vector<16xf32>,
            %mul3A_1122 = arith.mulf %get3A_1117, %get3A_1121 : vector<16xf32>
            %add3A_1123 = arith.addf %add3A_1113, %mul3A_1122 : vector<16xf32>
            %get3A_1124 = arith.constant 7 : i32
            %get3A_1125 = arith.index_cast %get3A_1124 : i32 to index
            %get3A_1126 = arith.constant 0 : index
            %get3A_1127 = tpu.vector_load %arg11[%get3A_1125, %get3A_1126] {strides = array<i32>} : memref<22x16xf32, #tpu.memory_space<vmem>>, vector<16xf32>,
            %get3A_1128 = arith.constant 7 : i32
            %get3A_1129 = arith.index_cast %get3A_1128 : i32 to index
            %get3A_1130 = arith.constant 0 : index
            %get3A_1131 = tpu.vector_load %arg11[%get3A_1129, %get3A_1130] {strides = array<i32>} : memref<22x16xf32, #tpu.memory_space<vmem>>, vector<16xf32>,
            %mul3A_1132 = arith.mulf %get3A_1127, %get3A_1131 : vector<16xf32>
            %add3A_1133 = arith.addf %add3A_1123, %mul3A_1132 : vector<16xf32>
            %get3A_1134 = arith.constant 8 : i32
            %get3A_1135 = arith.index_cast %get3A_1134 : i32 to index
            %get3A_1136 = arith.constant 0 : index
            %get3A_1137 = tpu.vector_load %arg11[%get3A_1135, %get3A_1136] {strides = array<i32>} : memref<22x16xf32, #tpu.memory_space<vmem>>, vector<16xf32>,
            %get3A_1138 = arith.constant 8 : i32
            %get3A_1139 = arith.index_cast %get3A_1138 : i32 to index
            %get3A_1140 = arith.constant 0 : index
            %get3A_1141 = tpu.vector_load %arg11[%get3A_1139, %get3A_1140] {strides = array<i32>} : memref<22x16xf32, #tpu.memory_space<vmem>>, vector<16xf32>,
            %mul3A_1142 = arith.mulf %get3A_1137, %get3A_1141 : vector<16xf32>
            %add3A_1143 = arith.addf %add3A_1133, %mul3A_1142 : vector<16xf32>
            %get3A_1144 = arith.constant 9 : i32
            %get3A_1145 = arith.index_cast %get3A_1144 : i32 to index
            %get3A_1146 = arith.constant 0 : index
            %get3A_1147 = tpu.vector_load %arg11[%get3A_1145, %get3A_1146] {strides = array<i32>} : memref<22x16xf32, #tpu.memory_space<vmem>>, vector<16xf32>,
            %get3A_1148 = arith.constant 9 : i32
            %get3A_1149 = arith.index_cast %get3A_1148 : i32 to index
            %get3A_1150 = arith.constant 0 : index
            %get3A_1151 = tpu.vector_load %arg11[%get3A_1149, %get3A_1150] {strides = array<i32>} : memref<22x16xf32, #tpu.memory_space<vmem>>, vector<16xf32>,
            %mul3A_1152 = arith.mulf %get3A_1147, %get3A_1151 : vector<16xf32>
            %get3A_1153 = arith.constant 10 : i32
            %get3A_1154 = arith.index_cast %get3A_1153 : i32 to index
            %get3A_1155 = arith.constant 0 : index
            %get3A_1156 = tpu.vector_load %arg11[%get3A_1154, %get3A_1155] {strides = array<i32>} : memref<22x16xf32, #tpu.memory_space<vmem>>, vector<16xf32>,
            %get3A_1157 = arith.constant 10 : i32
            %get3A_1158 = arith.index_cast %get3A_1157 : i32 to index
            %get3A_1159 = arith.constant 0 : index
            %get3A_1160 = tpu.vector_load %arg11[%get3A_1158, %get3A_1159] {strides = array<i32>} : memref<22x16xf32, #tpu.memory_space<vmem>>, vector<16xf32>,
            %mul3A_1161 = arith.mulf %get3A_1156, %get3A_1160 : vector<16xf32>
            %add3A_1162 = arith.addf %mul3A_1152, %mul3A_1161 : vector<16xf32>
            %get3A_1163 = arith.constant 11 : i32
            %get3A_1164 = arith.index_cast %get3A_1163 : i32 to index
            %get3A_1165 = arith.constant 0 : index
            %get3A_1166 = tpu.vector_load %arg11[%get3A_1164, %get3A_1165] {strides = array<i32>} : memref<22x16xf32, #tpu.memory_space<vmem>>, vector<16xf32>,
            %get3A_1167 = arith.constant 11 : i32
            %get3A_1168 = arith.index_cast %get3A_1167 : i32 to index
            %get3A_1169 = arith.constant 0 : index
            %get3A_1170 = tpu.vector_load %arg11[%get3A_1168, %get3A_1169] {strides = array<i32>} : memref<22x16xf32, #tpu.memory_space<vmem>>, vector<16xf32>,
            %mul3A_1171 = arith.mulf %get3A_1166, %get3A_1170 : vector<16xf32>
            %add3A_1172 = arith.addf %add3A_1162, %mul3A_1171 : vector<16xf32>
            %get3A_1173 = arith.constant 12 : i32
            %get3A_1174 = arith.index_cast %get3A_1173 : i32 to index
            %get3A_1175 = arith.constant 0 : index
            %get3A_1176 = tpu.vector_load %arg11[%get3A_1174, %get3A_1175] {strides = array<i32>} : memref<22x16xf32, #tpu.memory_space<vmem>>, vector<16xf32>,
            %get3A_1177 = arith.constant 12 : i32
            %get3A_1178 = arith.index_cast %get3A_1177 : i32 to index
            %get3A_1179 = arith.constant 0 : index
            %get3A_1180 = tpu.vector_load %arg11[%get3A_1178, %get3A_1179] {strides = array<i32>} : memref<22x16xf32, #tpu.memory_space<vmem>>, vector<16xf32>,
            %mul3A_1181 = arith.mulf %get3A_1176, %get3A_1180 : vector<16xf32>
            %add3A_1182 = arith.addf %add3A_1172, %mul3A_1181 : vector<16xf32>
            %get3A_1183 = arith.constant 13 : i32
            %get3A_1184 = arith.index_cast %get3A_1183 : i32 to index
            %get3A_1185 = arith.constant 0 : index
            %get3A_1186 = tpu.vector_load %arg11[%get3A_1184, %get3A_1185] {strides = array<i32>} : memref<22x16xf32, #tpu.memory_space<vmem>>, vector<16xf32>,
            %get3A_1187 = arith.constant 13 : i32
            %get3A_1188 = arith.index_cast %get3A_1187 : i32 to index
            %get3A_1189 = arith.constant 0 : index
            %get3A_1190 = tpu.vector_load %arg11[%get3A_1188, %get3A_1189] {strides = array<i32>} : memref<22x16xf32, #tpu.memory_space<vmem>>, vector<16xf32>,
            %mul3A_1191 = arith.mulf %get3A_1186, %get3A_1190 : vector<16xf32>
            %add3A_1192 = arith.addf %add3A_1182, %mul3A_1191 : vector<16xf32>
            %get3A_1193 = arith.constant 14 : i32
            %get3A_1194 = arith.index_cast %get3A_1193 : i32 to index
            %get3A_1195 = arith.constant 0 : index
            %get3A_1196 = tpu.vector_load %arg11[%get3A_1194, %get3A_1195] {strides = array<i32>} : memref<22x16xf32, #tpu.memory_space<vmem>>, vector<16xf32>,
            %get3A_1197 = arith.constant 14 : i32
            %get3A_1198 = arith.index_cast %get3A_1197 : i32 to index
            %get3A_1199 = arith.constant 0 : index
            %get3A_1200 = tpu.vector_load %arg11[%get3A_1198, %get3A_1199] {strides = array<i32>} : memref<22x16xf32, #tpu.memory_space<vmem>>, vector<16xf32>,
            %mul3A_1201 = arith.mulf %get3A_1196, %get3A_1200 : vector<16xf32>
            %add3A_1202 = arith.addf %add3A_1192, %mul3A_1201 : vector<16xf32>
            %get3A_1203 = arith.constant 15 : i32
            %get3A_1204 = arith.index_cast %get3A_1203 : i32 to index
            %get3A_1205 = arith.constant 0 : index
            %get3A_1206 = tpu.vector_load %arg11[%get3A_1204, %get3A_1205] {strides = array<i32>} : memref<22x16xf32, #tpu.memory_space<vmem>>, vector<16xf32>,
            %get3A_1207 = arith.constant 15 : i32
            %get3A_1208 = arith.index_cast %get3A_1207 : i32 to index
            %get3A_1209 = arith.constant 0 : index
            %get3A_1210 = tpu.vector_load %arg11[%get3A_1208, %get3A_1209] {strides = array<i32>} : memref<22x16xf32, #tpu.memory_space<vmem>>, vector<16xf32>,
            %mul3A_1211 = arith.mulf %get3A_1206, %get3A_1210 : vector<16xf32>
            %add3A_1212 = arith.addf %add3A_1202, %mul3A_1211 : vector<16xf32>
            %get3A_1213 = arith.constant 16 : i32
            %get3A_1214 = arith.index_cast %get3A_1213 : i32 to index
            %get3A_1215 = arith.constant 0 : index
            %get3A_1216 = tpu.vector_load %arg11[%get3A_1214, %get3A_1215] {strides = array<i32>} : memref<22x16xf32, #tpu.memory_space<vmem>>, vector<16xf32>,
            %get3A_1217 = arith.constant 16 : i32
            %get3A_1218 = arith.index_cast %get3A_1217 : i32 to index
            %get3A_1219 = arith.constant 0 : index
            %get3A_1220 = tpu.vector_load %arg11[%get3A_1218, %get3A_1219] {strides = array<i32>} : memref<22x16xf32, #tpu.memory_space<vmem>>, vector<16xf32>,
            %mul3A_1221 = arith.mulf %get3A_1216, %get3A_1220 : vector<16xf32>
            %add3A_1222 = arith.addf %add3A_1212, %mul3A_1221 : vector<16xf32>
            %get3A_1223 = arith.constant 17 : i32
            %get3A_1224 = arith.index_cast %get3A_1223 : i32 to index
            %get3A_1225 = arith.constant 0 : index
            %get3A_1226 = tpu.vector_load %arg11[%get3A_1224, %get3A_1225] {strides = array<i32>} : memref<22x16xf32, #tpu.memory_space<vmem>>, vector<16xf32>,
            %get3A_1227 = arith.constant 17 : i32
            %get3A_1228 = arith.index_cast %get3A_1227 : i32 to index
            %get3A_1229 = arith.constant 0 : index
            %get3A_1230 = tpu.vector_load %arg11[%get3A_1228, %get3A_1229] {strides = array<i32>} : memref<22x16xf32, #tpu.memory_space<vmem>>, vector<16xf32>,
            %mul3A_1231 = arith.mulf %get3A_1226, %get3A_1230 : vector<16xf32>
            %add3A_1232 = arith.addf %add3A_1222, %mul3A_1231 : vector<16xf32>
            %get3A_1233 = arith.constant 18 : i32
            %get3A_1234 = arith.index_cast %get3A_1233 : i32 to index
            %get3A_1235 = arith.constant 0 : index
            %get3A_1236 = tpu.vector_load %arg11[%get3A_1234, %get3A_1235] {strides = array<i32>} : memref<22x16xf32, #tpu.memory_space<vmem>>, vector<16xf32>,
            %get3A_1237 = arith.constant 18 : i32
            %get3A_1238 = arith.index_cast %get3A_1237 : i32 to index
            %get3A_1239 = arith.constant 0 : index
            %get3A_1240 = tpu.vector_load %arg11[%get3A_1238, %get3A_1239] {strides = array<i32>} : memref<22x16xf32, #tpu.memory_space<vmem>>, vector<16xf32>,
            %mul3A_1241 = arith.mulf %get3A_1236, %get3A_1240 : vector<16xf32>
            %add3A_1242 = arith.addf %add3A_1232, %mul3A_1241 : vector<16xf32>
            %get3A_1243 = arith.constant 19 : i32
            %get3A_1244 = arith.index_cast %get3A_1243 : i32 to index
            %get3A_1245 = arith.constant 0 : index
            %get3A_1246 = tpu.vector_load %arg11[%get3A_1244, %get3A_1245] {strides = array<i32>} : memref<22x16xf32, #tpu.memory_space<vmem>>, vector<16xf32>,
            %get3A_1247 = arith.constant 19 : i32
            %get3A_1248 = arith.index_cast %get3A_1247 : i32 to index
            %get3A_1249 = arith.constant 0 : index
            %get3A_1250 = tpu.vector_load %arg11[%get3A_1248, %get3A_1249] {strides = array<i32>} : memref<22x16xf32, #tpu.memory_space<vmem>>, vector<16xf32>,
            %mul3A_1251 = arith.mulf %get3A_1246, %get3A_1250 : vector<16xf32>
            %add3A_1252 = arith.addf %add3A_1242, %mul3A_1251 : vector<16xf32>
            %get3A_1253 = arith.constant 20 : i32
            %get3A_1254 = arith.index_cast %get3A_1253 : i32 to index
            %get3A_1255 = arith.constant 0 : index
            %get3A_1256 = tpu.vector_load %arg11[%get3A_1254, %get3A_1255] {strides = array<i32>} : memref<22x16xf32, #tpu.memory_space<vmem>>, vector<16xf32>,
            %get3A_1257 = arith.constant 20 : i32
            %get3A_1258 = arith.index_cast %get3A_1257 : i32 to index
            %get3A_1259 = arith.constant 0 : index
            %get3A_1260 = tpu.vector_load %arg11[%get3A_1258, %get3A_1259] {strides = array<i32>} : memref<22x16xf32, #tpu.memory_space<vmem>>, vector<16xf32>,
            %mul3A_1261 = arith.mulf %get3A_1256, %get3A_1260 : vector<16xf32>
            %add3A_1262 = arith.addf %add3A_1252, %mul3A_1261 : vector<16xf32>
            %get3A_1263 = arith.constant 21 : i32
            %get3A_1264 = arith.index_cast %get3A_1263 : i32 to index
            %get3A_1265 = arith.constant 0 : index
            %get3A_1266 = tpu.vector_load %arg11[%get3A_1264, %get3A_1265] {strides = array<i32>} : memref<22x16xf32, #tpu.memory_space<vmem>>, vector<16xf32>,
            %get3A_1267 = arith.constant 21 : i32
            %get3A_1268 = arith.index_cast %get3A_1267 : i32 to index
            %get3A_1269 = arith.constant 0 : index
            %get3A_1270 = tpu.vector_load %arg11[%get3A_1268, %get3A_1269] {strides = array<i32>} : memref<22x16xf32, #tpu.memory_space<vmem>>, vector<16xf32>,
            %mul3A_1271 = arith.mulf %get3A_1266, %get3A_1270 : vector<16xf32>
            %add3A_1272 = arith.addf %add3A_1262, %mul3A_1271 : vector<16xf32>
            %swap3A_1273 = arith.constant 0 : i32
            %swap3A_1274 = arith.index_cast %swap3A_1273 : i32 to index
            %swap3A_1275 = arith.constant 0 : index
            %swap3A_1276 = tpu.vector_load %arg12[%swap3A_1274, %swap3A_1275] {strides = array<i32>} : memref<2x16xf32, #tpu.memory_space<vmem>>, vector<16xf32>,
            tpu.vector_store %arg12[%swap3A_1274, %swap3A_1275], %add3A_1143 {strides = array<i32>} : memref<2x16xf32, #tpu.memory_space<vmem>>, vector<16xf32>,
            %swap3A_1277 = arith.constant 1 : i32
            %swap3A_1278 = arith.index_cast %swap3A_1277 : i32 to index
            %swap3A_1279 = arith.constant 0 : index
            %swap3A_1280 = tpu.vector_load %arg12[%swap3A_1278, %swap3A_1279] {strides = array<i32>} : memref<2x16xf32, #tpu.memory_space<vmem>>, vector<16xf32>,
            tpu.vector_store %arg12[%swap3A_1278, %swap3A_1279], %add3A_1272 {strides = array<i32>} : memref<2x16xf32, #tpu.memory_space<vmem>>, vector<16xf32>,
            "tpu.region"() ({
              %run_scoped3A = tpu.sem_alloc : memref<!tpu.dma_semaphore, #tpu.memory_space<semaphore_mem>>
              %dma_start3A_1281 = arith.constant 0 : i32
              %dma_start3A_1282 = arith.constant 0 : i32
              %dma_start3A_1283 = tpu.memref_slice %arg5[%scan3A_558, %dma_start3A_1281, %dma_start3A_1282] : memref<10000x2x16xf32, #tpu.memory_space<hbm>> -> memref<1x2x16xf32, #tpu.memory_space<hbm>>
              %dma_start3A_1284 = tpu.memref_squeeze %dma_start3A_1283 : memref<1x2x16xf32, #tpu.memory_space<hbm>> -> memref<2x16xf32, #tpu.memory_space<hbm>>
              %dma_start3A_1285 = arith.constant 0 : i32
              %dma_start3A_1286 = arith.constant 0 : i32
              %dma_start3A_1287 = tpu.memref_slice %arg5[%scan3A_558, %dma_start3A_1285, %dma_start3A_1286] : memref<10000x2x16xf32, #tpu.memory_space<hbm>> -> memref<1x2x16xf32, #tpu.memory_space<hbm>>
              %dma_start3A_1288 = tpu.memref_squeeze %dma_start3A_1287 : memref<1x2x16xf32, #tpu.memory_space<hbm>> -> memref<2x16xf32, #tpu.memory_space<hbm>>
              tpu.enqueue_dma source(%arg12 : memref<2x16xf32, #tpu.memory_space<vmem>>) target(%dma_start3A_1288 : memref<2x16xf32, #tpu.memory_space<hbm>>) target_semaphore(%run_scoped3A : memref<!tpu.dma_semaphore, #tpu.memory_space<semaphore_mem>>)
              %dma_wait3A_1289 = arith.constant 0 : i32
              %dma_wait3A_1290 = arith.constant 0 : i32
              %dma_wait3A_1291 = tpu.memref_slice %arg5[%scan3A_558, %dma_wait3A_1289, %dma_wait3A_1290] : memref<10000x2x16xf32, #tpu.memory_space<hbm>> -> memref<1x2x16xf32, #tpu.memory_space<hbm>>
              %dma_wait3A_1292 = tpu.memref_squeeze %dma_wait3A_1291 : memref<1x2x16xf32, #tpu.memory_space<hbm>> -> memref<2x16xf32, #tpu.memory_space<hbm>>
              %dma_wait3A_1293 = arith.constant 0 : i32
              %dma_wait3A_1294 = arith.constant 0 : i32
              %dma_wait3A_1295 = tpu.memref_slice %arg5[%scan3A_558, %dma_wait3A_1293, %dma_wait3A_1294] : memref<10000x2x16xf32, #tpu.memory_space<hbm>> -> memref<1x2x16xf32, #tpu.memory_space<hbm>>
              %dma_wait3A_1296 = tpu.memref_squeeze %dma_wait3A_1295 : memref<1x2x16xf32, #tpu.memory_space<hbm>> -> memref<2x16xf32, #tpu.memory_space<hbm>>
              tpu.wait_dma2 semaphore(%run_scoped3A : memref<!tpu.dma_semaphore, #tpu.memory_space<semaphore_mem>>) src(%arg12 : memref<2x16xf32, #tpu.memory_space<vmem>>) dst(%dma_wait3A_1296 : memref<2x16xf32, #tpu.memory_space<hbm>>)
              tpu.yield
            }) : () -> ()
          } else {
          }
          %broadcast_in_dim3A_912 = arith.constant 0.000000e+00 : f32
          %broadcast_in_dim3A_913 = vector.broadcast %broadcast_in_dim3A_912 : f32 to vector<16xf32>
          %swap3A_914 = arith.constant 0 : i32
          %swap3A_915 = arith.index_cast %swap3A_914 : i32 to index
          %swap3A_916 = arith.constant 0 : index
          %swap3A_917 = tpu.vector_load %arg11[%swap3A_915, %swap3A_916] {strides = array<i32>} : memref<22x16xf32, #tpu.memory_space<vmem>>, vector<16xf32>,
          tpu.vector_store %arg11[%swap3A_915, %swap3A_916], %broadcast_in_dim3A_913 {strides = array<i32>} : memref<22x16xf32, #tpu.memory_space<vmem>>, vector<16xf32>,
          %broadcast_in_dim3A_918 = arith.constant 0.000000e+00 : f32
          %broadcast_in_dim3A_919 = vector.broadcast %broadcast_in_dim3A_918 : f32 to vector<16xf32>
          %swap3A_920 = arith.constant 1 : i32
          %swap3A_921 = arith.index_cast %swap3A_920 : i32 to index
          %swap3A_922 = arith.constant 0 : index
          %swap3A_923 = tpu.vector_load %arg11[%swap3A_921, %swap3A_922] {strides = array<i32>} : memref<22x16xf32, #tpu.memory_space<vmem>>, vector<16xf32>,
          tpu.vector_store %arg11[%swap3A_921, %swap3A_922], %broadcast_in_dim3A_919 {strides = array<i32>} : memref<22x16xf32, #tpu.memory_space<vmem>>, vector<16xf32>,
          %broadcast_in_dim3A_924 = arith.constant 0.000000e+00 : f32
          %broadcast_in_dim3A_925 = vector.broadcast %broadcast_in_dim3A_924 : f32 to vector<16xf32>
          %swap3A_926 = arith.constant 2 : i32
          %swap3A_927 = arith.index_cast %swap3A_926 : i32 to index
          %swap3A_928 = arith.constant 0 : index
          %swap3A_929 = tpu.vector_load %arg11[%swap3A_927, %swap3A_928] {strides = array<i32>} : memref<22x16xf32, #tpu.memory_space<vmem>>, vector<16xf32>,
          tpu.vector_store %arg11[%swap3A_927, %swap3A_928], %broadcast_in_dim3A_925 {strides = array<i32>} : memref<22x16xf32, #tpu.memory_space<vmem>>, vector<16xf32>,
          %broadcast_in_dim3A_930 = arith.constant 0.000000e+00 : f32
          %broadcast_in_dim3A_931 = vector.broadcast %broadcast_in_dim3A_930 : f32 to vector<16xf32>
          %swap3A_932 = arith.constant 3 : i32
          %swap3A_933 = arith.index_cast %swap3A_932 : i32 to index
          %swap3A_934 = arith.constant 0 : index
          %swap3A_935 = tpu.vector_load %arg11[%swap3A_933, %swap3A_934] {strides = array<i32>} : memref<22x16xf32, #tpu.memory_space<vmem>>, vector<16xf32>,
          tpu.vector_store %arg11[%swap3A_933, %swap3A_934], %broadcast_in_dim3A_931 {strides = array<i32>} : memref<22x16xf32, #tpu.memory_space<vmem>>, vector<16xf32>,
          %broadcast_in_dim3A_936 = arith.constant 0.000000e+00 : f32
          %broadcast_in_dim3A_937 = vector.broadcast %broadcast_in_dim3A_936 : f32 to vector<16xf32>
          %swap3A_938 = arith.constant 4 : i32
          %swap3A_939 = arith.index_cast %swap3A_938 : i32 to index
          %swap3A_940 = arith.constant 0 : index
          %swap3A_941 = tpu.vector_load %arg11[%swap3A_939, %swap3A_940] {strides = array<i32>} : memref<22x16xf32, #tpu.memory_space<vmem>>, vector<16xf32>,
          tpu.vector_store %arg11[%swap3A_939, %swap3A_940], %broadcast_in_dim3A_937 {strides = array<i32>} : memref<22x16xf32, #tpu.memory_space<vmem>>, vector<16xf32>,
          %broadcast_in_dim3A_942 = arith.constant 0.000000e+00 : f32
          %broadcast_in_dim3A_943 = vector.broadcast %broadcast_in_dim3A_942 : f32 to vector<16xf32>
          %swap3A_944 = arith.constant 5 : i32
          %swap3A_945 = arith.index_cast %swap3A_944 : i32 to index
          %swap3A_946 = arith.constant 0 : index
          %swap3A_947 = tpu.vector_load %arg11[%swap3A_945, %swap3A_946] {strides = array<i32>} : memref<22x16xf32, #tpu.memory_space<vmem>>, vector<16xf32>,
          tpu.vector_store %arg11[%swap3A_945, %swap3A_946], %broadcast_in_dim3A_943 {strides = array<i32>} : memref<22x16xf32, #tpu.memory_space<vmem>>, vector<16xf32>,
          %broadcast_in_dim3A_948 = arith.constant 0.000000e+00 : f32
          %broadcast_in_dim3A_949 = vector.broadcast %broadcast_in_dim3A_948 : f32 to vector<16xf32>
          %swap3A_950 = arith.constant 6 : i32
          %swap3A_951 = arith.index_cast %swap3A_950 : i32 to index
          %swap3A_952 = arith.constant 0 : index
          %swap3A_953 = tpu.vector_load %arg11[%swap3A_951, %swap3A_952] {strides = array<i32>} : memref<22x16xf32, #tpu.memory_space<vmem>>, vector<16xf32>,
          tpu.vector_store %arg11[%swap3A_951, %swap3A_952], %broadcast_in_dim3A_949 {strides = array<i32>} : memref<22x16xf32, #tpu.memory_space<vmem>>, vector<16xf32>,
          %broadcast_in_dim3A_954 = arith.constant 0.000000e+00 : f32
          %broadcast_in_dim3A_955 = vector.broadcast %broadcast_in_dim3A_954 : f32 to vector<16xf32>
          %swap3A_956 = arith.constant 7 : i32
          %swap3A_957 = arith.index_cast %swap3A_956 : i32 to index
          %swap3A_958 = arith.constant 0 : index
          %swap3A_959 = tpu.vector_load %arg11[%swap3A_957, %swap3A_958] {strides = array<i32>} : memref<22x16xf32, #tpu.memory_space<vmem>>, vector<16xf32>,
          tpu.vector_store %arg11[%swap3A_957, %swap3A_958], %broadcast_in_dim3A_955 {strides = array<i32>} : memref<22x16xf32, #tpu.memory_space<vmem>>, vector<16xf32>,
          %broadcast_in_dim3A_960 = arith.constant 0.000000e+00 : f32
          %broadcast_in_dim3A_961 = vector.broadcast %broadcast_in_dim3A_960 : f32 to vector<16xf32>
          %swap3A_962 = arith.constant 8 : i32
          %swap3A_963 = arith.index_cast %swap3A_962 : i32 to index
          %swap3A_964 = arith.constant 0 : index
          %swap3A_965 = tpu.vector_load %arg11[%swap3A_963, %swap3A_964] {strides = array<i32>} : memref<22x16xf32, #tpu.memory_space<vmem>>, vector<16xf32>,
          tpu.vector_store %arg11[%swap3A_963, %swap3A_964], %broadcast_in_dim3A_961 {strides = array<i32>} : memref<22x16xf32, #tpu.memory_space<vmem>>, vector<16xf32>,
          %broadcast_in_dim3A_966 = arith.constant 0.000000e+00 : f32
          %broadcast_in_dim3A_967 = vector.broadcast %broadcast_in_dim3A_966 : f32 to vector<16xf32>
          %swap3A_968 = arith.constant 9 : i32
          %swap3A_969 = arith.index_cast %swap3A_968 : i32 to index
          %swap3A_970 = arith.constant 0 : index
          %swap3A_971 = tpu.vector_load %arg11[%swap3A_969, %swap3A_970] {strides = array<i32>} : memref<22x16xf32, #tpu.memory_space<vmem>>, vector<16xf32>,
          tpu.vector_store %arg11[%swap3A_969, %swap3A_970], %broadcast_in_dim3A_967 {strides = array<i32>} : memref<22x16xf32, #tpu.memory_space<vmem>>, vector<16xf32>,
          %broadcast_in_dim3A_972 = arith.constant 0.000000e+00 : f32
          %broadcast_in_dim3A_973 = vector.broadcast %broadcast_in_dim3A_972 : f32 to vector<16xf32>
          %swap3A_974 = arith.constant 10 : i32
          %swap3A_975 = arith.index_cast %swap3A_974 : i32 to index
          %swap3A_976 = arith.constant 0 : index
          %swap3A_977 = tpu.vector_load %arg11[%swap3A_975, %swap3A_976] {strides = array<i32>} : memref<22x16xf32, #tpu.memory_space<vmem>>, vector<16xf32>,
          tpu.vector_store %arg11[%swap3A_975, %swap3A_976], %broadcast_in_dim3A_973 {strides = array<i32>} : memref<22x16xf32, #tpu.memory_space<vmem>>, vector<16xf32>,
          %broadcast_in_dim3A_978 = arith.constant 0.000000e+00 : f32
          %broadcast_in_dim3A_979 = vector.broadcast %broadcast_in_dim3A_978 : f32 to vector<16xf32>
          %swap3A_980 = arith.constant 11 : i32
          %swap3A_981 = arith.index_cast %swap3A_980 : i32 to index
          %swap3A_982 = arith.constant 0 : index
          %swap3A_983 = tpu.vector_load %arg11[%swap3A_981, %swap3A_982] {strides = array<i32>} : memref<22x16xf32, #tpu.memory_space<vmem>>, vector<16xf32>,
          tpu.vector_store %arg11[%swap3A_981, %swap3A_982], %broadcast_in_dim3A_979 {strides = array<i32>} : memref<22x16xf32, #tpu.memory_space<vmem>>, vector<16xf32>,
          %broadcast_in_dim3A_984 = arith.constant 0.000000e+00 : f32
          %broadcast_in_dim3A_985 = vector.broadcast %broadcast_in_dim3A_984 : f32 to vector<16xf32>
          %swap3A_986 = arith.constant 12 : i32
          %swap3A_987 = arith.index_cast %swap3A_986 : i32 to index
          %swap3A_988 = arith.constant 0 : index
          %swap3A_989 = tpu.vector_load %arg11[%swap3A_987, %swap3A_988] {strides = array<i32>} : memref<22x16xf32, #tpu.memory_space<vmem>>, vector<16xf32>,
          tpu.vector_store %arg11[%swap3A_987, %swap3A_988], %broadcast_in_dim3A_985 {strides = array<i32>} : memref<22x16xf32, #tpu.memory_space<vmem>>, vector<16xf32>,
          %broadcast_in_dim3A_990 = arith.constant 0.000000e+00 : f32
          %broadcast_in_dim3A_991 = vector.broadcast %broadcast_in_dim3A_990 : f32 to vector<16xf32>
          %swap3A_992 = arith.constant 13 : i32
          %swap3A_993 = arith.index_cast %swap3A_992 : i32 to index
          %swap3A_994 = arith.constant 0 : index
          %swap3A_995 = tpu.vector_load %arg11[%swap3A_993, %swap3A_994] {strides = array<i32>} : memref<22x16xf32, #tpu.memory_space<vmem>>, vector<16xf32>,
          tpu.vector_store %arg11[%swap3A_993, %swap3A_994], %broadcast_in_dim3A_991 {strides = array<i32>} : memref<22x16xf32, #tpu.memory_space<vmem>>, vector<16xf32>,
          %broadcast_in_dim3A_996 = arith.constant 0.000000e+00 : f32
          %broadcast_in_dim3A_997 = vector.broadcast %broadcast_in_dim3A_996 : f32 to vector<16xf32>
          %swap3A_998 = arith.constant 14 : i32
          %swap3A_999 = arith.index_cast %swap3A_998 : i32 to index
          %swap3A_1000 = arith.constant 0 : index
          %swap3A_1001 = tpu.vector_load %arg11[%swap3A_999, %swap3A_1000] {strides = array<i32>} : memref<22x16xf32, #tpu.memory_space<vmem>>, vector<16xf32>,
          tpu.vector_store %arg11[%swap3A_999, %swap3A_1000], %broadcast_in_dim3A_997 {strides = array<i32>} : memref<22x16xf32, #tpu.memory_space<vmem>>, vector<16xf32>,
          %broadcast_in_dim3A_1002 = arith.constant 0.000000e+00 : f32
          %broadcast_in_dim3A_1003 = vector.broadcast %broadcast_in_dim3A_1002 : f32 to vector<16xf32>
          %swap3A_1004 = arith.constant 15 : i32
          %swap3A_1005 = arith.index_cast %swap3A_1004 : i32 to index
          %swap3A_1006 = arith.constant 0 : index
          %swap3A_1007 = tpu.vector_load %arg11[%swap3A_1005, %swap3A_1006] {strides = array<i32>} : memref<22x16xf32, #tpu.memory_space<vmem>>, vector<16xf32>,
          tpu.vector_store %arg11[%swap3A_1005, %swap3A_1006], %broadcast_in_dim3A_1003 {strides = array<i32>} : memref<22x16xf32, #tpu.memory_space<vmem>>, vector<16xf32>,
          %broadcast_in_dim3A_1008 = arith.constant 0.000000e+00 : f32
          %broadcast_in_dim3A_1009 = vector.broadcast %broadcast_in_dim3A_1008 : f32 to vector<16xf32>
          %swap3A_1010 = arith.constant 16 : i32
          %swap3A_1011 = arith.index_cast %swap3A_1010 : i32 to index
          %swap3A_1012 = arith.constant 0 : index
          %swap3A_1013 = tpu.vector_load %arg11[%swap3A_1011, %swap3A_1012] {strides = array<i32>} : memref<22x16xf32, #tpu.memory_space<vmem>>, vector<16xf32>,
          tpu.vector_store %arg11[%swap3A_1011, %swap3A_1012], %broadcast_in_dim3A_1009 {strides = array<i32>} : memref<22x16xf32, #tpu.memory_space<vmem>>, vector<16xf32>,
          %broadcast_in_dim3A_1014 = arith.constant 0.000000e+00 : f32
          %broadcast_in_dim3A_1015 = vector.broadcast %broadcast_in_dim3A_1014 : f32 to vector<16xf32>
          %swap3A_1016 = arith.constant 17 : i32
          %swap3A_1017 = arith.index_cast %swap3A_1016 : i32 to index
          %swap3A_1018 = arith.constant 0 : index
          %swap3A_1019 = tpu.vector_load %arg11[%swap3A_1017, %swap3A_1018] {strides = array<i32>} : memref<22x16xf32, #tpu.memory_space<vmem>>, vector<16xf32>,
          tpu.vector_store %arg11[%swap3A_1017, %swap3A_1018], %broadcast_in_dim3A_1015 {strides = array<i32>} : memref<22x16xf32, #tpu.memory_space<vmem>>, vector<16xf32>,
          %broadcast_in_dim3A_1020 = arith.constant 0.000000e+00 : f32
          %broadcast_in_dim3A_1021 = vector.broadcast %broadcast_in_dim3A_1020 : f32 to vector<16xf32>
          %swap3A_1022 = arith.constant 18 : i32
          %swap3A_1023 = arith.index_cast %swap3A_1022 : i32 to index
          %swap3A_1024 = arith.constant 0 : index
          %swap3A_1025 = tpu.vector_load %arg11[%swap3A_1023, %swap3A_1024] {strides = array<i32>} : memref<22x16xf32, #tpu.memory_space<vmem>>, vector<16xf32>,
          tpu.vector_store %arg11[%swap3A_1023, %swap3A_1024], %broadcast_in_dim3A_1021 {strides = array<i32>} : memref<22x16xf32, #tpu.memory_space<vmem>>, vector<16xf32>,
          %broadcast_in_dim3A_1026 = arith.constant 0.000000e+00 : f32
          %broadcast_in_dim3A_1027 = vector.broadcast %broadcast_in_dim3A_1026 : f32 to vector<16xf32>
          %swap3A_1028 = arith.constant 19 : i32
          %swap3A_1029 = arith.index_cast %swap3A_1028 : i32 to index
          %swap3A_1030 = arith.constant 0 : index
          %swap3A_1031 = tpu.vector_load %arg11[%swap3A_1029, %swap3A_1030] {strides = array<i32>} : memref<22x16xf32, #tpu.memory_space<vmem>>, vector<16xf32>,
          tpu.vector_store %arg11[%swap3A_1029, %swap3A_1030], %broadcast_in_dim3A_1027 {strides = array<i32>} : memref<22x16xf32, #tpu.memory_space<vmem>>, vector<16xf32>,
          %broadcast_in_dim3A_1032 = arith.constant 0.000000e+00 : f32
          %broadcast_in_dim3A_1033 = vector.broadcast %broadcast_in_dim3A_1032 : f32 to vector<16xf32>
          %swap3A_1034 = arith.constant 20 : i32
          %swap3A_1035 = arith.index_cast %swap3A_1034 : i32 to index
          %swap3A_1036 = arith.constant 0 : index
          %swap3A_1037 = tpu.vector_load %arg11[%swap3A_1035, %swap3A_1036] {strides = array<i32>} : memref<22x16xf32, #tpu.memory_space<vmem>>, vector<16xf32>,
          tpu.vector_store %arg11[%swap3A_1035, %swap3A_1036], %broadcast_in_dim3A_1033 {strides = array<i32>} : memref<22x16xf32, #tpu.memory_space<vmem>>, vector<16xf32>,
          %broadcast_in_dim3A_1038 = arith.constant 0.000000e+00 : f32
          %broadcast_in_dim3A_1039 = vector.broadcast %broadcast_in_dim3A_1038 : f32 to vector<16xf32>
          %swap3A_1040 = arith.constant 21 : i32
          %swap3A_1041 = arith.index_cast %swap3A_1040 : i32 to index
          %swap3A_1042 = arith.constant 0 : index
          %swap3A_1043 = tpu.vector_load %arg11[%swap3A_1041, %swap3A_1042] {strides = array<i32>} : memref<22x16xf32, #tpu.memory_space<vmem>>, vector<16xf32>,
          tpu.vector_store %arg11[%swap3A_1041, %swap3A_1042], %broadcast_in_dim3A_1039 {strides = array<i32>} : memref<22x16xf32, #tpu.memory_space<vmem>>, vector<16xf32>,
          %add3A_1044 = arith.constant 1 : i32
          %add3A_1045 = arith.addi %scan3A_558, %add3A_1044 : i32
          %while3A_1046 = arith.constant 0 : i32
          %while3A_1047 = arith.subi %squeeze3A_566, %add3A_1045 : i32
          %while3A_1048 = arith.addi %add3A_1045, %while3A_1047 : i32
          %while3A_1049 = arith.constant 1 : i32
          %while3A_1050 = arith.divsi %while3A_1047, %while3A_1049 : i32
          %while3A_1051 = arith.muli %while3A_1050, %while3A_1049 : i32
          %while3A_1052 = arith.addi %add3A_1045, %while3A_1051 : i32
          %while3A_1053 = arith.constant 1 : i32
          scf.for %while3A_1055 = %add3A_1045 to %while3A_1052 step %while3A_1053  : i32 {
            "tpu.region"() ({
              %run_scoped3A = tpu.sem_alloc : memref<!tpu.dma_semaphore, #tpu.memory_space<semaphore_mem>>
              %dma_start3A_1056 = arith.constant 0 : i32
              %dma_start3A_1057 = arith.constant 0 : i32
              %dma_start3A_1058 = tpu.memref_slice %arg13[%dma_start3A_1056, %dma_start3A_1057] : memref<22x16xf32, #tpu.memory_space<vmem>> -> memref<2x16xf32, #tpu.memory_space<vmem>>
              %dma_start3A_1059 = arith.constant 0 : i32
              %dma_start3A_1060 = arith.constant 0 : i32
              %dma_start3A_1061 = tpu.memref_slice %arg5[%while3A_1055, %dma_start3A_1059, %dma_start3A_1060] : memref<10000x2x16xf32, #tpu.memory_space<hbm>> -> memref<1x2x16xf32, #tpu.memory_space<hbm>>
              %dma_start3A_1062 = tpu.memref_squeeze %dma_start3A_1061 : memref<1x2x16xf32, #tpu.memory_space<hbm>> -> memref<2x16xf32, #tpu.memory_space<hbm>>
              %dma_start3A_1063 = arith.constant 0 : i32
              %dma_start3A_1064 = arith.constant 0 : i32
              %dma_start3A_1065 = tpu.memref_slice %arg5[%while3A_1055, %dma_start3A_1063, %dma_start3A_1064] : memref<10000x2x16xf32, #tpu.memory_space<hbm>> -> memref<1x2x16xf32, #tpu.memory_space<hbm>>
              %dma_start3A_1066 = tpu.memref_squeeze %dma_start3A_1065 : memref<1x2x16xf32, #tpu.memory_space<hbm>> -> memref<2x16xf32, #tpu.memory_space<hbm>>
              %dma_start3A_1067 = arith.constant 0 : i32
              %dma_start3A_1068 = arith.constant 0 : i32
              %dma_start3A_1069 = tpu.memref_slice %arg13[%dma_start3A_1067, %dma_start3A_1068] : memref<22x16xf32, #tpu.memory_space<vmem>> -> memref<2x16xf32, #tpu.memory_space<vmem>>
              tpu.enqueue_dma source(%dma_start3A_1069 : memref<2x16xf32, #tpu.memory_space<vmem>>) target(%dma_start3A_1066 : memref<2x16xf32, #tpu.memory_space<hbm>>) target_semaphore(%run_scoped3A : memref<!tpu.dma_semaphore, #tpu.memory_space<semaphore_mem>>)
              %dma_wait3A_1070 = arith.constant 0 : i32
              %dma_wait3A_1071 = arith.constant 0 : i32
              %dma_wait3A_1072 = tpu.memref_slice %arg13[%dma_wait3A_1070, %dma_wait3A_1071] : memref<22x16xf32, #tpu.memory_space<vmem>> -> memref<2x16xf32, #tpu.memory_space<vmem>>
              %dma_wait3A_1073 = arith.constant 0 : i32
              %dma_wait3A_1074 = arith.constant 0 : i32
              %dma_wait3A_1075 = tpu.memref_slice %arg5[%while3A_1055, %dma_wait3A_1073, %dma_wait3A_1074] : memref<10000x2x16xf32, #tpu.memory_space<hbm>> -> memref<1x2x16xf32, #tpu.memory_space<hbm>>
              %dma_wait3A_1076 = tpu.memref_squeeze %dma_wait3A_1075 : memref<1x2x16xf32, #tpu.memory_space<hbm>> -> memref<2x16xf32, #tpu.memory_space<hbm>>
              %dma_wait3A_1077 = arith.constant 0 : i32
              %dma_wait3A_1078 = arith.constant 0 : i32
              %dma_wait3A_1079 = tpu.memref_slice %arg5[%while3A_1055, %dma_wait3A_1077, %dma_wait3A_1078] : memref<10000x2x16xf32, #tpu.memory_space<hbm>> -> memref<1x2x16xf32, #tpu.memory_space<hbm>>
              %dma_wait3A_1080 = tpu.memref_squeeze %dma_wait3A_1079 : memref<1x2x16xf32, #tpu.memory_space<hbm>> -> memref<2x16xf32, #tpu.memory_space<hbm>>
              %dma_wait3A_1081 = arith.constant 0 : i32
              %dma_wait3A_1082 = arith.constant 0 : i32
              %dma_wait3A_1083 = tpu.memref_slice %arg13[%dma_wait3A_1081, %dma_wait3A_1082] : memref<22x16xf32, #tpu.memory_space<vmem>> -> memref<2x16xf32, #tpu.memory_space<vmem>>
              tpu.wait_dma2 semaphore(%run_scoped3A : memref<!tpu.dma_semaphore, #tpu.memory_space<semaphore_mem>>) src(%dma_wait3A_1083 : memref<2x16xf32, #tpu.memory_space<vmem>>) dst(%dma_wait3A_1080 : memref<2x16xf32, #tpu.memory_space<hbm>>)
              tpu.yield
            }) : () -> ()
          }
          %while3A_1054 = arith.constant 1 : i32
          scf.for %while3A_1055 = %while3A_1052 to %while3A_1048 step %while3A_1054  : i32 {
            "tpu.region"() ({
              %run_scoped3A = tpu.sem_alloc : memref<!tpu.dma_semaphore, #tpu.memory_space<semaphore_mem>>
              %dma_start3A_1056 = arith.constant 0 : i32
              %dma_start3A_1057 = arith.constant 0 : i32
              %dma_start3A_1058 = tpu.memref_slice %arg13[%dma_start3A_1056, %dma_start3A_1057] : memref<22x16xf32, #tpu.memory_space<vmem>> -> memref<2x16xf32, #tpu.memory_space<vmem>>
              %dma_start3A_1059 = arith.constant 0 : i32
              %dma_start3A_1060 = arith.constant 0 : i32
              %dma_start3A_1061 = tpu.memref_slice %arg5[%while3A_1055, %dma_start3A_1059, %dma_start3A_1060] : memref<10000x2x16xf32, #tpu.memory_space<hbm>> -> memref<1x2x16xf32, #tpu.memory_space<hbm>>
              %dma_start3A_1062 = tpu.memref_squeeze %dma_start3A_1061 : memref<1x2x16xf32, #tpu.memory_space<hbm>> -> memref<2x16xf32, #tpu.memory_space<hbm>>
              %dma_start3A_1063 = arith.constant 0 : i32
              %dma_start3A_1064 = arith.constant 0 : i32
              %dma_start3A_1065 = tpu.memref_slice %arg5[%while3A_1055, %dma_start3A_1063, %dma_start3A_1064] : memref<10000x2x16xf32, #tpu.memory_space<hbm>> -> memref<1x2x16xf32, #tpu.memory_space<hbm>>
              %dma_start3A_1066 = tpu.memref_squeeze %dma_start3A_1065 : memref<1x2x16xf32, #tpu.memory_space<hbm>> -> memref<2x16xf32, #tpu.memory_space<hbm>>
              %dma_start3A_1067 = arith.constant 0 : i32
              %dma_start3A_1068 = arith.constant 0 : i32
              %dma_start3A_1069 = tpu.memref_slice %arg13[%dma_start3A_1067, %dma_start3A_1068] : memref<22x16xf32, #tpu.memory_space<vmem>> -> memref<2x16xf32, #tpu.memory_space<vmem>>
              tpu.enqueue_dma source(%dma_start3A_1069 : memref<2x16xf32, #tpu.memory_space<vmem>>) target(%dma_start3A_1066 : memref<2x16xf32, #tpu.memory_space<hbm>>) target_semaphore(%run_scoped3A : memref<!tpu.dma_semaphore, #tpu.memory_space<semaphore_mem>>)
              %dma_wait3A_1070 = arith.constant 0 : i32
              %dma_wait3A_1071 = arith.constant 0 : i32
              %dma_wait3A_1072 = tpu.memref_slice %arg13[%dma_wait3A_1070, %dma_wait3A_1071] : memref<22x16xf32, #tpu.memory_space<vmem>> -> memref<2x16xf32, #tpu.memory_space<vmem>>
              %dma_wait3A_1073 = arith.constant 0 : i32
              %dma_wait3A_1074 = arith.constant 0 : i32
              %dma_wait3A_1075 = tpu.memref_slice %arg5[%while3A_1055, %dma_wait3A_1073, %dma_wait3A_1074] : memref<10000x2x16xf32, #tpu.memory_space<hbm>> -> memref<1x2x16xf32, #tpu.memory_space<hbm>>
              %dma_wait3A_1076 = tpu.memref_squeeze %dma_wait3A_1075 : memref<1x2x16xf32, #tpu.memory_space<hbm>> -> memref<2x16xf32, #tpu.memory_space<hbm>>
              %dma_wait3A_1077 = arith.constant 0 : i32
              %dma_wait3A_1078 = arith.constant 0 : i32
              %dma_wait3A_1079 = tpu.memref_slice %arg5[%while3A_1055, %dma_wait3A_1077, %dma_wait3A_1078] : memref<10000x2x16xf32, #tpu.memory_space<hbm>> -> memref<1x2x16xf32, #tpu.memory_space<hbm>>
              %dma_wait3A_1080 = tpu.memref_squeeze %dma_wait3A_1079 : memref<1x2x16xf32, #tpu.memory_space<hbm>> -> memref<2x16xf32, #tpu.memory_space<hbm>>
              %dma_wait3A_1081 = arith.constant 0 : i32
              %dma_wait3A_1082 = arith.constant 0 : i32
              %dma_wait3A_1083 = tpu.memref_slice %arg13[%dma_wait3A_1081, %dma_wait3A_1082] : memref<22x16xf32, #tpu.memory_space<vmem>> -> memref<2x16xf32, #tpu.memory_space<vmem>>
              tpu.wait_dma2 semaphore(%run_scoped3A : memref<!tpu.dma_semaphore, #tpu.memory_space<semaphore_mem>>) src(%dma_wait3A_1083 : memref<2x16xf32, #tpu.memory_space<vmem>>) dst(%dma_wait3A_1080 : memref<2x16xf32, #tpu.memory_space<hbm>>)
              tpu.yield
            }) : () -> ()
          }
        } else {
        }
        %broadcast_in_dim3A_571 = vector.broadcast %scan3A_557 : i32 to vector<16xi32>
        %broadcast_in_dim3A_572 = arith.constant 0 : i32
        %broadcast_in_dim3A_573 = vector.broadcast %broadcast_in_dim3A_572 : i32 to vector<16xi32>
        %gather3A = arith.constant 1 : i32
        %gather3A_574 = arith.constant 0 : i32
        %gather3A_575 = arith.constant 0 : i32
        %gather3A_576 = arith.constant 0 : i32
        %gather3A_577 = arith.constant 0 : i32
        %gather3A_578 = arith.constant 0 : i32
        %gather3A_579 = tpu.memref_slice %arg9[%gather3A, %gather3A_574, %gather3A_575, %gather3A_576, %gather3A_577, %gather3A_578] : memref<2x9x2x1x8x128xf32, #tpu.memory_space<vmem>> -> memref<1x9x2x1x8x128xf32, #tpu.memory_space<vmem>>
        %gather3A_580 = tpu.memref_squeeze %gather3A_579 : memref<1x9x2x1x8x128xf32, #tpu.memory_space<vmem>> -> memref<9x2x1x8x128xf32, #tpu.memory_space<vmem>>
        %gather3A_581 = tpu.vector_load_idx %gather3A_580[%broadcast_in_dim3A_573, %select_n3A_218, %broadcast_in_dim3A_241, %select_n3A_239, %broadcast_in_dim3A_571] : memref<9x2x1x8x128xf32, #tpu.memory_space<vmem>>[vector<16xi32>, vector<16xi32>, vector<16xi32>, vector<16xi32>, vector<16xi32>], vector<16xf32>,
        %swap3A_582 = arith.constant 0 : i32
        %swap3A_583 = arith.index_cast %swap3A_582 : i32 to index
        %swap3A_584 = arith.constant 0 : index
        %swap3A_585 = tpu.vector_load %arg11[%swap3A_583, %swap3A_584] {strides = array<i32>} : memref<22x16xf32, #tpu.memory_space<vmem>>, vector<16xf32>,
        tpu.vector_store %arg11[%swap3A_583, %swap3A_584], %gather3A_581 {add = true, strides = array<i32>} : memref<22x16xf32, #tpu.memory_space<vmem>>, vector<16xf32>,
        %broadcast_in_dim3A_586 = arith.constant 1 : i32
        %broadcast_in_dim3A_587 = vector.broadcast %broadcast_in_dim3A_586 : i32 to vector<16xi32>
        %gather3A_588 = arith.constant 1 : i32
        %gather3A_589 = arith.constant 0 : i32
        %gather3A_590 = arith.constant 0 : i32
        %gather3A_591 = arith.constant 0 : i32
        %gather3A_592 = arith.constant 0 : i32
        %gather3A_593 = arith.constant 0 : i32
        %gather3A_594 = tpu.memref_slice %arg9[%gather3A_588, %gather3A_589, %gather3A_590, %gather3A_591, %gather3A_592, %gather3A_593] : memref<2x9x2x1x8x128xf32, #tpu.memory_space<vmem>> -> memref<1x9x2x1x8x128xf32, #tpu.memory_space<vmem>>
        %gather3A_595 = tpu.memref_squeeze %gather3A_594 : memref<1x9x2x1x8x128xf32, #tpu.memory_space<vmem>> -> memref<9x2x1x8x128xf32, #tpu.memory_space<vmem>>
        %gather3A_596 = tpu.vector_load_idx %gather3A_595[%broadcast_in_dim3A_587, %select_n3A_218, %broadcast_in_dim3A_241, %select_n3A_239, %broadcast_in_dim3A_571] : memref<9x2x1x8x128xf32, #tpu.memory_space<vmem>>[vector<16xi32>, vector<16xi32>, vector<16xi32>, vector<16xi32>, vector<16xi32>], vector<16xf32>,
        %swap3A_597 = arith.constant 1 : i32
        %swap3A_598 = arith.index_cast %swap3A_597 : i32 to index
        %swap3A_599 = arith.constant 0 : index
        %swap3A_600 = tpu.vector_load %arg11[%swap3A_598, %swap3A_599] {strides = array<i32>} : memref<22x16xf32, #tpu.memory_space<vmem>>, vector<16xf32>,
        tpu.vector_store %arg11[%swap3A_598, %swap3A_599], %gather3A_596 {add = true, strides = array<i32>} : memref<22x16xf32, #tpu.memory_space<vmem>>, vector<16xf32>,
        %broadcast_in_dim3A_601 = arith.constant 2 : i32
        %broadcast_in_dim3A_602 = vector.broadcast %broadcast_in_dim3A_601 : i32 to vector<16xi32>
        %gather3A_603 = arith.constant 1 : i32
        %gather3A_604 = arith.constant 0 : i32
        %gather3A_605 = arith.constant 0 : i32
        %gather3A_606 = arith.constant 0 : i32
        %gather3A_607 = arith.constant 0 : i32
        %gather3A_608 = arith.constant 0 : i32
        %gather3A_609 = tpu.memref_slice %arg9[%gather3A_603, %gather3A_604, %gather3A_605, %gather3A_606, %gather3A_607, %gather3A_608] : memref<2x9x2x1x8x128xf32, #tpu.memory_space<vmem>> -> memref<1x9x2x1x8x128xf32, #tpu.memory_space<vmem>>
        %gather3A_610 = tpu.memref_squeeze %gather3A_609 : memref<1x9x2x1x8x128xf32, #tpu.memory_space<vmem>> -> memref<9x2x1x8x128xf32, #tpu.memory_space<vmem>>
        %gather3A_611 = tpu.vector_load_idx %gather3A_610[%broadcast_in_dim3A_602, %select_n3A_218, %broadcast_in_dim3A_241, %select_n3A_239, %broadcast_in_dim3A_571] : memref<9x2x1x8x128xf32, #tpu.memory_space<vmem>>[vector<16xi32>, vector<16xi32>, vector<16xi32>, vector<16xi32>, vector<16xi32>], vector<16xf32>,
        %swap3A_612 = arith.constant 2 : i32
        %swap3A_613 = arith.index_cast %swap3A_612 : i32 to index
        %swap3A_614 = arith.constant 0 : index
        %swap3A_615 = tpu.vector_load %arg11[%swap3A_613, %swap3A_614] {strides = array<i32>} : memref<22x16xf32, #tpu.memory_space<vmem>>, vector<16xf32>,
        tpu.vector_store %arg11[%swap3A_613, %swap3A_614], %gather3A_611 {add = true, strides = array<i32>} : memref<22x16xf32, #tpu.memory_space<vmem>>, vector<16xf32>,
        %broadcast_in_dim3A_616 = arith.constant 3 : i32
        %broadcast_in_dim3A_617 = vector.broadcast %broadcast_in_dim3A_616 : i32 to vector<16xi32>
        %gather3A_618 = arith.constant 1 : i32
        %gather3A_619 = arith.constant 0 : i32
        %gather3A_620 = arith.constant 0 : i32
        %gather3A_621 = arith.constant 0 : i32
        %gather3A_622 = arith.constant 0 : i32
        %gather3A_623 = arith.constant 0 : i32
        %gather3A_624 = tpu.memref_slice %arg9[%gather3A_618, %gather3A_619, %gather3A_620, %gather3A_621, %gather3A_622, %gather3A_623] : memref<2x9x2x1x8x128xf32, #tpu.memory_space<vmem>> -> memref<1x9x2x1x8x128xf32, #tpu.memory_space<vmem>>
        %gather3A_625 = tpu.memref_squeeze %gather3A_624 : memref<1x9x2x1x8x128xf32, #tpu.memory_space<vmem>> -> memref<9x2x1x8x128xf32, #tpu.memory_space<vmem>>
        %gather3A_626 = tpu.vector_load_idx %gather3A_625[%broadcast_in_dim3A_617, %select_n3A_218, %broadcast_in_dim3A_241, %select_n3A_239, %broadcast_in_dim3A_571] : memref<9x2x1x8x128xf32, #tpu.memory_space<vmem>>[vector<16xi32>, vector<16xi32>, vector<16xi32>, vector<16xi32>, vector<16xi32>], vector<16xf32>,
        %swap3A_627 = arith.constant 3 : i32
        %swap3A_628 = arith.index_cast %swap3A_627 : i32 to index
        %swap3A_629 = arith.constant 0 : index
        %swap3A_630 = tpu.vector_load %arg11[%swap3A_628, %swap3A_629] {strides = array<i32>} : memref<22x16xf32, #tpu.memory_space<vmem>>, vector<16xf32>,
        tpu.vector_store %arg11[%swap3A_628, %swap3A_629], %gather3A_626 {add = true, strides = array<i32>} : memref<22x16xf32, #tpu.memory_space<vmem>>, vector<16xf32>,
        %broadcast_in_dim3A_631 = arith.constant 4 : i32
        %broadcast_in_dim3A_632 = vector.broadcast %broadcast_in_dim3A_631 : i32 to vector<16xi32>
        %gather3A_633 = arith.constant 1 : i32
        %gather3A_634 = arith.constant 0 : i32
        %gather3A_635 = arith.constant 0 : i32
        %gather3A_636 = arith.constant 0 : i32
        %gather3A_637 = arith.constant 0 : i32
        %gather3A_638 = arith.constant 0 : i32
        %gather3A_639 = tpu.memref_slice %arg9[%gather3A_633, %gather3A_634, %gather3A_635, %gather3A_636, %gather3A_637, %gather3A_638] : memref<2x9x2x1x8x128xf32, #tpu.memory_space<vmem>> -> memref<1x9x2x1x8x128xf32, #tpu.memory_space<vmem>>
        %gather3A_640 = tpu.memref_squeeze %gather3A_639 : memref<1x9x2x1x8x128xf32, #tpu.memory_space<vmem>> -> memref<9x2x1x8x128xf32, #tpu.memory_space<vmem>>
        %gather3A_641 = tpu.vector_load_idx %gather3A_640[%broadcast_in_dim3A_632, %select_n3A_218, %broadcast_in_dim3A_241, %select_n3A_239, %broadcast_in_dim3A_571] : memref<9x2x1x8x128xf32, #tpu.memory_space<vmem>>[vector<16xi32>, vector<16xi32>, vector<16xi32>, vector<16xi32>, vector<16xi32>], vector<16xf32>,
        %swap3A_642 = arith.constant 4 : i32
        %swap3A_643 = arith.index_cast %swap3A_642 : i32 to index
        %swap3A_644 = arith.constant 0 : index
        %swap3A_645 = tpu.vector_load %arg11[%swap3A_643, %swap3A_644] {strides = array<i32>} : memref<22x16xf32, #tpu.memory_space<vmem>>, vector<16xf32>,
        tpu.vector_store %arg11[%swap3A_643, %swap3A_644], %gather3A_641 {add = true, strides = array<i32>} : memref<22x16xf32, #tpu.memory_space<vmem>>, vector<16xf32>,
        %broadcast_in_dim3A_646 = arith.constant 5 : i32
        %broadcast_in_dim3A_647 = vector.broadcast %broadcast_in_dim3A_646 : i32 to vector<16xi32>
        %gather3A_648 = arith.constant 1 : i32
        %gather3A_649 = arith.constant 0 : i32
        %gather3A_650 = arith.constant 0 : i32
        %gather3A_651 = arith.constant 0 : i32
        %gather3A_652 = arith.constant 0 : i32
        %gather3A_653 = arith.constant 0 : i32
        %gather3A_654 = tpu.memref_slice %arg9[%gather3A_648, %gather3A_649, %gather3A_650, %gather3A_651, %gather3A_652, %gather3A_653] : memref<2x9x2x1x8x128xf32, #tpu.memory_space<vmem>> -> memref<1x9x2x1x8x128xf32, #tpu.memory_space<vmem>>
        %gather3A_655 = tpu.memref_squeeze %gather3A_654 : memref<1x9x2x1x8x128xf32, #tpu.memory_space<vmem>> -> memref<9x2x1x8x128xf32, #tpu.memory_space<vmem>>
        %gather3A_656 = tpu.vector_load_idx %gather3A_655[%broadcast_in_dim3A_647, %select_n3A_218, %broadcast_in_dim3A_241, %select_n3A_239, %broadcast_in_dim3A_571] : memref<9x2x1x8x128xf32, #tpu.memory_space<vmem>>[vector<16xi32>, vector<16xi32>, vector<16xi32>, vector<16xi32>, vector<16xi32>], vector<16xf32>,
        %swap3A_657 = arith.constant 5 : i32
        %swap3A_658 = arith.index_cast %swap3A_657 : i32 to index
        %swap3A_659 = arith.constant 0 : index
        %swap3A_660 = tpu.vector_load %arg11[%swap3A_658, %swap3A_659] {strides = array<i32>} : memref<22x16xf32, #tpu.memory_space<vmem>>, vector<16xf32>,
        tpu.vector_store %arg11[%swap3A_658, %swap3A_659], %gather3A_656 {add = true, strides = array<i32>} : memref<22x16xf32, #tpu.memory_space<vmem>>, vector<16xf32>,
        %broadcast_in_dim3A_661 = arith.constant 6 : i32
        %broadcast_in_dim3A_662 = vector.broadcast %broadcast_in_dim3A_661 : i32 to vector<16xi32>
        %gather3A_663 = arith.constant 1 : i32
        %gather3A_664 = arith.constant 0 : i32
        %gather3A_665 = arith.constant 0 : i32
        %gather3A_666 = arith.constant 0 : i32
        %gather3A_667 = arith.constant 0 : i32
        %gather3A_668 = arith.constant 0 : i32
        %gather3A_669 = tpu.memref_slice %arg9[%gather3A_663, %gather3A_664, %gather3A_665, %gather3A_666, %gather3A_667, %gather3A_668] : memref<2x9x2x1x8x128xf32, #tpu.memory_space<vmem>> -> memref<1x9x2x1x8x128xf32, #tpu.memory_space<vmem>>
        %gather3A_670 = tpu.memref_squeeze %gather3A_669 : memref<1x9x2x1x8x128xf32, #tpu.memory_space<vmem>> -> memref<9x2x1x8x128xf32, #tpu.memory_space<vmem>>
        %gather3A_671 = tpu.vector_load_idx %gather3A_670[%broadcast_in_dim3A_662, %select_n3A_218, %broadcast_in_dim3A_241, %select_n3A_239, %broadcast_in_dim3A_571] : memref<9x2x1x8x128xf32, #tpu.memory_space<vmem>>[vector<16xi32>, vector<16xi32>, vector<16xi32>, vector<16xi32>, vector<16xi32>], vector<16xf32>,
        %swap3A_672 = arith.constant 6 : i32
        %swap3A_673 = arith.index_cast %swap3A_672 : i32 to index
        %swap3A_674 = arith.constant 0 : index
        %swap3A_675 = tpu.vector_load %arg11[%swap3A_673, %swap3A_674] {strides = array<i32>} : memref<22x16xf32, #tpu.memory_space<vmem>>, vector<16xf32>,
        tpu.vector_store %arg11[%swap3A_673, %swap3A_674], %gather3A_671 {add = true, strides = array<i32>} : memref<22x16xf32, #tpu.memory_space<vmem>>, vector<16xf32>,
        %broadcast_in_dim3A_676 = arith.constant 7 : i32
        %broadcast_in_dim3A_677 = vector.broadcast %broadcast_in_dim3A_676 : i32 to vector<16xi32>
        %gather3A_678 = arith.constant 1 : i32
        %gather3A_679 = arith.constant 0 : i32
        %gather3A_680 = arith.constant 0 : i32
        %gather3A_681 = arith.constant 0 : i32
        %gather3A_682 = arith.constant 0 : i32
        %gather3A_683 = arith.constant 0 : i32
        %gather3A_684 = tpu.memref_slice %arg9[%gather3A_678, %gather3A_679, %gather3A_680, %gather3A_681, %gather3A_682, %gather3A_683] : memref<2x9x2x1x8x128xf32, #tpu.memory_space<vmem>> -> memref<1x9x2x1x8x128xf32, #tpu.memory_space<vmem>>
        %gather3A_685 = tpu.memref_squeeze %gather3A_684 : memref<1x9x2x1x8x128xf32, #tpu.memory_space<vmem>> -> memref<9x2x1x8x128xf32, #tpu.memory_space<vmem>>
        %gather3A_686 = tpu.vector_load_idx %gather3A_685[%broadcast_in_dim3A_677, %select_n3A_218, %broadcast_in_dim3A_241, %select_n3A_239, %broadcast_in_dim3A_571] : memref<9x2x1x8x128xf32, #tpu.memory_space<vmem>>[vector<16xi32>, vector<16xi32>, vector<16xi32>, vector<16xi32>, vector<16xi32>], vector<16xf32>,
        %swap3A_687 = arith.constant 7 : i32
        %swap3A_688 = arith.index_cast %swap3A_687 : i32 to index
        %swap3A_689 = arith.constant 0 : index
        %swap3A_690 = tpu.vector_load %arg11[%swap3A_688, %swap3A_689] {strides = array<i32>} : memref<22x16xf32, #tpu.memory_space<vmem>>, vector<16xf32>,
        tpu.vector_store %arg11[%swap3A_688, %swap3A_689], %gather3A_686 {add = true, strides = array<i32>} : memref<22x16xf32, #tpu.memory_space<vmem>>, vector<16xf32>,
        %broadcast_in_dim3A_691 = arith.constant 8 : i32
        %broadcast_in_dim3A_692 = vector.broadcast %broadcast_in_dim3A_691 : i32 to vector<16xi32>
        %gather3A_693 = arith.constant 1 : i32
        %gather3A_694 = arith.constant 0 : i32
        %gather3A_695 = arith.constant 0 : i32
        %gather3A_696 = arith.constant 0 : i32
        %gather3A_697 = arith.constant 0 : i32
        %gather3A_698 = arith.constant 0 : i32
        %gather3A_699 = tpu.memref_slice %arg9[%gather3A_693, %gather3A_694, %gather3A_695, %gather3A_696, %gather3A_697, %gather3A_698] : memref<2x9x2x1x8x128xf32, #tpu.memory_space<vmem>> -> memref<1x9x2x1x8x128xf32, #tpu.memory_space<vmem>>
        %gather3A_700 = tpu.memref_squeeze %gather3A_699 : memref<1x9x2x1x8x128xf32, #tpu.memory_space<vmem>> -> memref<9x2x1x8x128xf32, #tpu.memory_space<vmem>>
        %gather3A_701 = tpu.vector_load_idx %gather3A_700[%broadcast_in_dim3A_692, %select_n3A_218, %broadcast_in_dim3A_241, %select_n3A_239, %broadcast_in_dim3A_571] : memref<9x2x1x8x128xf32, #tpu.memory_space<vmem>>[vector<16xi32>, vector<16xi32>, vector<16xi32>, vector<16xi32>, vector<16xi32>], vector<16xf32>,
        %swap3A_702 = arith.constant 8 : i32
        %swap3A_703 = arith.index_cast %swap3A_702 : i32 to index
        %swap3A_704 = arith.constant 0 : index
        %swap3A_705 = tpu.vector_load %arg11[%swap3A_703, %swap3A_704] {strides = array<i32>} : memref<22x16xf32, #tpu.memory_space<vmem>>, vector<16xf32>,
        tpu.vector_store %arg11[%swap3A_703, %swap3A_704], %gather3A_701 {add = true, strides = array<i32>} : memref<22x16xf32, #tpu.memory_space<vmem>>, vector<16xf32>,
        %broadcast_in_dim3A_706 = arith.constant 0 : i32
        %broadcast_in_dim3A_707 = vector.broadcast %broadcast_in_dim3A_706 : i32 to vector<16xi32>
        %gather3A_708 = arith.constant 1 : i32
        %gather3A_709 = arith.constant 0 : i32
        %gather3A_710 = arith.constant 0 : i32
        %gather3A_711 = arith.constant 0 : i32
        %gather3A_712 = arith.constant 0 : i32
        %gather3A_713 = arith.constant 0 : i32
        %gather3A_714 = tpu.memref_slice %arg10[%gather3A_708, %gather3A_709, %gather3A_710, %gather3A_711, %gather3A_712, %gather3A_713] : memref<2x13x2x1x8x128xf32, #tpu.memory_space<vmem>> -> memref<1x13x2x1x8x128xf32, #tpu.memory_space<vmem>>
        %gather3A_715 = tpu.memref_squeeze %gather3A_714 : memref<1x13x2x1x8x128xf32, #tpu.memory_space<vmem>> -> memref<13x2x1x8x128xf32, #tpu.memory_space<vmem>>
        %gather3A_716 = tpu.vector_load_idx %gather3A_715[%broadcast_in_dim3A_707, %select_n3A_218, %broadcast_in_dim3A_241, %select_n3A_239, %broadcast_in_dim3A_571] : memref<13x2x1x8x128xf32, #tpu.memory_space<vmem>>[vector<16xi32>, vector<16xi32>, vector<16xi32>, vector<16xi32>, vector<16xi32>], vector<16xf32>,
        %swap3A_717 = arith.constant 9 : i32
        %swap3A_718 = arith.index_cast %swap3A_717 : i32 to index
        %swap3A_719 = arith.constant 0 : index
        %swap3A_720 = tpu.vector_load %arg11[%swap3A_718, %swap3A_719] {strides = array<i32>} : memref<22x16xf32, #tpu.memory_space<vmem>>, vector<16xf32>,
        tpu.vector_store %arg11[%swap3A_718, %swap3A_719], %gather3A_716 {add = true, strides = array<i32>} : memref<22x16xf32, #tpu.memory_space<vmem>>, vector<16xf32>,
        %broadcast_in_dim3A_721 = arith.constant 1 : i32
        %broadcast_in_dim3A_722 = vector.broadcast %broadcast_in_dim3A_721 : i32 to vector<16xi32>
        %gather3A_723 = arith.constant 1 : i32
        %gather3A_724 = arith.constant 0 : i32
        %gather3A_725 = arith.constant 0 : i32
        %gather3A_726 = arith.constant 0 : i32
        %gather3A_727 = arith.constant 0 : i32
        %gather3A_728 = arith.constant 0 : i32
        %gather3A_729 = tpu.memref_slice %arg10[%gather3A_723, %gather3A_724, %gather3A_725, %gather3A_726, %gather3A_727, %gather3A_728] : memref<2x13x2x1x8x128xf32, #tpu.memory_space<vmem>> -> memref<1x13x2x1x8x128xf32, #tpu.memory_space<vmem>>
        %gather3A_730 = tpu.memref_squeeze %gather3A_729 : memref<1x13x2x1x8x128xf32, #tpu.memory_space<vmem>> -> memref<13x2x1x8x128xf32, #tpu.memory_space<vmem>>
        %gather3A_731 = tpu.vector_load_idx %gather3A_730[%broadcast_in_dim3A_722, %select_n3A_218, %broadcast_in_dim3A_241, %select_n3A_239, %broadcast_in_dim3A_571] : memref<13x2x1x8x128xf32, #tpu.memory_space<vmem>>[vector<16xi32>, vector<16xi32>, vector<16xi32>, vector<16xi32>, vector<16xi32>], vector<16xf32>,
        %swap3A_732 = arith.constant 10 : i32
        %swap3A_733 = arith.index_cast %swap3A_732 : i32 to index
        %swap3A_734 = arith.constant 0 : index
        %swap3A_735 = tpu.vector_load %arg11[%swap3A_733, %swap3A_734] {strides = array<i32>} : memref<22x16xf32, #tpu.memory_space<vmem>>, vector<16xf32>,
        tpu.vector_store %arg11[%swap3A_733, %swap3A_734], %gather3A_731 {add = true, strides = array<i32>} : memref<22x16xf32, #tpu.memory_space<vmem>>, vector<16xf32>,
        %broadcast_in_dim3A_736 = arith.constant 2 : i32
        %broadcast_in_dim3A_737 = vector.broadcast %broadcast_in_dim3A_736 : i32 to vector<16xi32>
        %gather3A_738 = arith.constant 1 : i32
        %gather3A_739 = arith.constant 0 : i32
        %gather3A_740 = arith.constant 0 : i32
        %gather3A_741 = arith.constant 0 : i32
        %gather3A_742 = arith.constant 0 : i32
        %gather3A_743 = arith.constant 0 : i32
        %gather3A_744 = tpu.memref_slice %arg10[%gather3A_738, %gather3A_739, %gather3A_740, %gather3A_741, %gather3A_742, %gather3A_743] : memref<2x13x2x1x8x128xf32, #tpu.memory_space<vmem>> -> memref<1x13x2x1x8x128xf32, #tpu.memory_space<vmem>>
        %gather3A_745 = tpu.memref_squeeze %gather3A_744 : memref<1x13x2x1x8x128xf32, #tpu.memory_space<vmem>> -> memref<13x2x1x8x128xf32, #tpu.memory_space<vmem>>
        %gather3A_746 = tpu.vector_load_idx %gather3A_745[%broadcast_in_dim3A_737, %select_n3A_218, %broadcast_in_dim3A_241, %select_n3A_239, %broadcast_in_dim3A_571] : memref<13x2x1x8x128xf32, #tpu.memory_space<vmem>>[vector<16xi32>, vector<16xi32>, vector<16xi32>, vector<16xi32>, vector<16xi32>], vector<16xf32>,
        %swap3A_747 = arith.constant 11 : i32
        %swap3A_748 = arith.index_cast %swap3A_747 : i32 to index
        %swap3A_749 = arith.constant 0 : index
        %swap3A_750 = tpu.vector_load %arg11[%swap3A_748, %swap3A_749] {strides = array<i32>} : memref<22x16xf32, #tpu.memory_space<vmem>>, vector<16xf32>,
        tpu.vector_store %arg11[%swap3A_748, %swap3A_749], %gather3A_746 {add = true, strides = array<i32>} : memref<22x16xf32, #tpu.memory_space<vmem>>, vector<16xf32>,
        %broadcast_in_dim3A_751 = arith.constant 3 : i32
        %broadcast_in_dim3A_752 = vector.broadcast %broadcast_in_dim3A_751 : i32 to vector<16xi32>
        %gather3A_753 = arith.constant 1 : i32
        %gather3A_754 = arith.constant 0 : i32
        %gather3A_755 = arith.constant 0 : i32
        %gather3A_756 = arith.constant 0 : i32
        %gather3A_757 = arith.constant 0 : i32
        %gather3A_758 = arith.constant 0 : i32
        %gather3A_759 = tpu.memref_slice %arg10[%gather3A_753, %gather3A_754, %gather3A_755, %gather3A_756, %gather3A_757, %gather3A_758] : memref<2x13x2x1x8x128xf32, #tpu.memory_space<vmem>> -> memref<1x13x2x1x8x128xf32, #tpu.memory_space<vmem>>
        %gather3A_760 = tpu.memref_squeeze %gather3A_759 : memref<1x13x2x1x8x128xf32, #tpu.memory_space<vmem>> -> memref<13x2x1x8x128xf32, #tpu.memory_space<vmem>>
        %gather3A_761 = tpu.vector_load_idx %gather3A_760[%broadcast_in_dim3A_752, %select_n3A_218, %broadcast_in_dim3A_241, %select_n3A_239, %broadcast_in_dim3A_571] : memref<13x2x1x8x128xf32, #tpu.memory_space<vmem>>[vector<16xi32>, vector<16xi32>, vector<16xi32>, vector<16xi32>, vector<16xi32>], vector<16xf32>,
        %swap3A_762 = arith.constant 12 : i32
        %swap3A_763 = arith.index_cast %swap3A_762 : i32 to index
        %swap3A_764 = arith.constant 0 : index
        %swap3A_765 = tpu.vector_load %arg11[%swap3A_763, %swap3A_764] {strides = array<i32>} : memref<22x16xf32, #tpu.memory_space<vmem>>, vector<16xf32>,
        tpu.vector_store %arg11[%swap3A_763, %swap3A_764], %gather3A_761 {add = true, strides = array<i32>} : memref<22x16xf32, #tpu.memory_space<vmem>>, vector<16xf32>,
        %broadcast_in_dim3A_766 = arith.constant 4 : i32
        %broadcast_in_dim3A_767 = vector.broadcast %broadcast_in_dim3A_766 : i32 to vector<16xi32>
        %gather3A_768 = arith.constant 1 : i32
        %gather3A_769 = arith.constant 0 : i32
        %gather3A_770 = arith.constant 0 : i32
        %gather3A_771 = arith.constant 0 : i32
        %gather3A_772 = arith.constant 0 : i32
        %gather3A_773 = arith.constant 0 : i32
        %gather3A_774 = tpu.memref_slice %arg10[%gather3A_768, %gather3A_769, %gather3A_770, %gather3A_771, %gather3A_772, %gather3A_773] : memref<2x13x2x1x8x128xf32, #tpu.memory_space<vmem>> -> memref<1x13x2x1x8x128xf32, #tpu.memory_space<vmem>>
        %gather3A_775 = tpu.memref_squeeze %gather3A_774 : memref<1x13x2x1x8x128xf32, #tpu.memory_space<vmem>> -> memref<13x2x1x8x128xf32, #tpu.memory_space<vmem>>
        %gather3A_776 = tpu.vector_load_idx %gather3A_775[%broadcast_in_dim3A_767, %select_n3A_218, %broadcast_in_dim3A_241, %select_n3A_239, %broadcast_in_dim3A_571] : memref<13x2x1x8x128xf32, #tpu.memory_space<vmem>>[vector<16xi32>, vector<16xi32>, vector<16xi32>, vector<16xi32>, vector<16xi32>], vector<16xf32>,
        %swap3A_777 = arith.constant 13 : i32
        %swap3A_778 = arith.index_cast %swap3A_777 : i32 to index
        %swap3A_779 = arith.constant 0 : index
        %swap3A_780 = tpu.vector_load %arg11[%swap3A_778, %swap3A_779] {strides = array<i32>} : memref<22x16xf32, #tpu.memory_space<vmem>>, vector<16xf32>,
        tpu.vector_store %arg11[%swap3A_778, %swap3A_779], %gather3A_776 {add = true, strides = array<i32>} : memref<22x16xf32, #tpu.memory_space<vmem>>, vector<16xf32>,
        %broadcast_in_dim3A_781 = arith.constant 5 : i32
        %broadcast_in_dim3A_782 = vector.broadcast %broadcast_in_dim3A_781 : i32 to vector<16xi32>
        %gather3A_783 = arith.constant 1 : i32
        %gather3A_784 = arith.constant 0 : i32
        %gather3A_785 = arith.constant 0 : i32
        %gather3A_786 = arith.constant 0 : i32
        %gather3A_787 = arith.constant 0 : i32
        %gather3A_788 = arith.constant 0 : i32
        %gather3A_789 = tpu.memref_slice %arg10[%gather3A_783, %gather3A_784, %gather3A_785, %gather3A_786, %gather3A_787, %gather3A_788] : memref<2x13x2x1x8x128xf32, #tpu.memory_space<vmem>> -> memref<1x13x2x1x8x128xf32, #tpu.memory_space<vmem>>
        %gather3A_790 = tpu.memref_squeeze %gather3A_789 : memref<1x13x2x1x8x128xf32, #tpu.memory_space<vmem>> -> memref<13x2x1x8x128xf32, #tpu.memory_space<vmem>>
        %gather3A_791 = tpu.vector_load_idx %gather3A_790[%broadcast_in_dim3A_782, %select_n3A_218, %broadcast_in_dim3A_241, %select_n3A_239, %broadcast_in_dim3A_571] : memref<13x2x1x8x128xf32, #tpu.memory_space<vmem>>[vector<16xi32>, vector<16xi32>, vector<16xi32>, vector<16xi32>, vector<16xi32>], vector<16xf32>,
        %swap3A_792 = arith.constant 14 : i32
        %swap3A_793 = arith.index_cast %swap3A_792 : i32 to index
        %swap3A_794 = arith.constant 0 : index
        %swap3A_795 = tpu.vector_load %arg11[%swap3A_793, %swap3A_794] {strides = array<i32>} : memref<22x16xf32, #tpu.memory_space<vmem>>, vector<16xf32>,
        tpu.vector_store %arg11[%swap3A_793, %swap3A_794], %gather3A_791 {add = true, strides = array<i32>} : memref<22x16xf32, #tpu.memory_space<vmem>>, vector<16xf32>,
        %broadcast_in_dim3A_796 = arith.constant 6 : i32
        %broadcast_in_dim3A_797 = vector.broadcast %broadcast_in_dim3A_796 : i32 to vector<16xi32>
        %gather3A_798 = arith.constant 1 : i32
        %gather3A_799 = arith.constant 0 : i32
        %gather3A_800 = arith.constant 0 : i32
        %gather3A_801 = arith.constant 0 : i32
        %gather3A_802 = arith.constant 0 : i32
        %gather3A_803 = arith.constant 0 : i32
        %gather3A_804 = tpu.memref_slice %arg10[%gather3A_798, %gather3A_799, %gather3A_800, %gather3A_801, %gather3A_802, %gather3A_803] : memref<2x13x2x1x8x128xf32, #tpu.memory_space<vmem>> -> memref<1x13x2x1x8x128xf32, #tpu.memory_space<vmem>>
        %gather3A_805 = tpu.memref_squeeze %gather3A_804 : memref<1x13x2x1x8x128xf32, #tpu.memory_space<vmem>> -> memref<13x2x1x8x128xf32, #tpu.memory_space<vmem>>
        %gather3A_806 = tpu.vector_load_idx %gather3A_805[%broadcast_in_dim3A_797, %select_n3A_218, %broadcast_in_dim3A_241, %select_n3A_239, %broadcast_in_dim3A_571] : memref<13x2x1x8x128xf32, #tpu.memory_space<vmem>>[vector<16xi32>, vector<16xi32>, vector<16xi32>, vector<16xi32>, vector<16xi32>], vector<16xf32>,
        %swap3A_807 = arith.constant 15 : i32
        %swap3A_808 = arith.index_cast %swap3A_807 : i32 to index
        %swap3A_809 = arith.constant 0 : index
        %swap3A_810 = tpu.vector_load %arg11[%swap3A_808, %swap3A_809] {strides = array<i32>} : memref<22x16xf32, #tpu.memory_space<vmem>>, vector<16xf32>,
        tpu.vector_store %arg11[%swap3A_808, %swap3A_809], %gather3A_806 {add = true, strides = array<i32>} : memref<22x16xf32, #tpu.memory_space<vmem>>, vector<16xf32>,
        %broadcast_in_dim3A_811 = arith.constant 7 : i32
        %broadcast_in_dim3A_812 = vector.broadcast %broadcast_in_dim3A_811 : i32 to vector<16xi32>
        %gather3A_813 = arith.constant 1 : i32
        %gather3A_814 = arith.constant 0 : i32
        %gather3A_815 = arith.constant 0 : i32
        %gather3A_816 = arith.constant 0 : i32
        %gather3A_817 = arith.constant 0 : i32
        %gather3A_818 = arith.constant 0 : i32
        %gather3A_819 = tpu.memref_slice %arg10[%gather3A_813, %gather3A_814, %gather3A_815, %gather3A_816, %gather3A_817, %gather3A_818] : memref<2x13x2x1x8x128xf32, #tpu.memory_space<vmem>> -> memref<1x13x2x1x8x128xf32, #tpu.memory_space<vmem>>
        %gather3A_820 = tpu.memref_squeeze %gather3A_819 : memref<1x13x2x1x8x128xf32, #tpu.memory_space<vmem>> -> memref<13x2x1x8x128xf32, #tpu.memory_space<vmem>>
        %gather3A_821 = tpu.vector_load_idx %gather3A_820[%broadcast_in_dim3A_812, %select_n3A_218, %broadcast_in_dim3A_241, %select_n3A_239, %broadcast_in_dim3A_571] : memref<13x2x1x8x128xf32, #tpu.memory_space<vmem>>[vector<16xi32>, vector<16xi32>, vector<16xi32>, vector<16xi32>, vector<16xi32>], vector<16xf32>,
        %swap3A_822 = arith.constant 16 : i32
        %swap3A_823 = arith.index_cast %swap3A_822 : i32 to index
        %swap3A_824 = arith.constant 0 : index
        %swap3A_825 = tpu.vector_load %arg11[%swap3A_823, %swap3A_824] {strides = array<i32>} : memref<22x16xf32, #tpu.memory_space<vmem>>, vector<16xf32>,
        tpu.vector_store %arg11[%swap3A_823, %swap3A_824], %gather3A_821 {add = true, strides = array<i32>} : memref<22x16xf32, #tpu.memory_space<vmem>>, vector<16xf32>,
        %broadcast_in_dim3A_826 = arith.constant 8 : i32
        %broadcast_in_dim3A_827 = vector.broadcast %broadcast_in_dim3A_826 : i32 to vector<16xi32>
        %gather3A_828 = arith.constant 1 : i32
        %gather3A_829 = arith.constant 0 : i32
        %gather3A_830 = arith.constant 0 : i32
        %gather3A_831 = arith.constant 0 : i32
        %gather3A_832 = arith.constant 0 : i32
        %gather3A_833 = arith.constant 0 : i32
        %gather3A_834 = tpu.memref_slice %arg10[%gather3A_828, %gather3A_829, %gather3A_830, %gather3A_831, %gather3A_832, %gather3A_833] : memref<2x13x2x1x8x128xf32, #tpu.memory_space<vmem>> -> memref<1x13x2x1x8x128xf32, #tpu.memory_space<vmem>>
        %gather3A_835 = tpu.memref_squeeze %gather3A_834 : memref<1x13x2x1x8x128xf32, #tpu.memory_space<vmem>> -> memref<13x2x1x8x128xf32, #tpu.memory_space<vmem>>
        %gather3A_836 = tpu.vector_load_idx %gather3A_835[%broadcast_in_dim3A_827, %select_n3A_218, %broadcast_in_dim3A_241, %select_n3A_239, %broadcast_in_dim3A_571] : memref<13x2x1x8x128xf32, #tpu.memory_space<vmem>>[vector<16xi32>, vector<16xi32>, vector<16xi32>, vector<16xi32>, vector<16xi32>], vector<16xf32>,
        %swap3A_837 = arith.constant 17 : i32
        %swap3A_838 = arith.index_cast %swap3A_837 : i32 to index
        %swap3A_839 = arith.constant 0 : index
        %swap3A_840 = tpu.vector_load %arg11[%swap3A_838, %swap3A_839] {strides = array<i32>} : memref<22x16xf32, #tpu.memory_space<vmem>>, vector<16xf32>,
        tpu.vector_store %arg11[%swap3A_838, %swap3A_839], %gather3A_836 {add = true, strides = array<i32>} : memref<22x16xf32, #tpu.memory_space<vmem>>, vector<16xf32>,
        %broadcast_in_dim3A_841 = arith.constant 9 : i32
        %broadcast_in_dim3A_842 = vector.broadcast %broadcast_in_dim3A_841 : i32 to vector<16xi32>
        %gather3A_843 = arith.constant 1 : i32
        %gather3A_844 = arith.constant 0 : i32
        %gather3A_845 = arith.constant 0 : i32
        %gather3A_846 = arith.constant 0 : i32
        %gather3A_847 = arith.constant 0 : i32
        %gather3A_848 = arith.constant 0 : i32
        %gather3A_849 = tpu.memref_slice %arg10[%gather3A_843, %gather3A_844, %gather3A_845, %gather3A_846, %gather3A_847, %gather3A_848] : memref<2x13x2x1x8x128xf32, #tpu.memory_space<vmem>> -> memref<1x13x2x1x8x128xf32, #tpu.memory_space<vmem>>
        %gather3A_850 = tpu.memref_squeeze %gather3A_849 : memref<1x13x2x1x8x128xf32, #tpu.memory_space<vmem>> -> memref<13x2x1x8x128xf32, #tpu.memory_space<vmem>>
        %gather3A_851 = tpu.vector_load_idx %gather3A_850[%broadcast_in_dim3A_842, %select_n3A_218, %broadcast_in_dim3A_241, %select_n3A_239, %broadcast_in_dim3A_571] : memref<13x2x1x8x128xf32, #tpu.memory_space<vmem>>[vector<16xi32>, vector<16xi32>, vector<16xi32>, vector<16xi32>, vector<16xi32>], vector<16xf32>,
        %swap3A_852 = arith.constant 18 : i32
        %swap3A_853 = arith.index_cast %swap3A_852 : i32 to index
        %swap3A_854 = arith.constant 0 : index
        %swap3A_855 = tpu.vector_load %arg11[%swap3A_853, %swap3A_854] {strides = array<i32>} : memref<22x16xf32, #tpu.memory_space<vmem>>, vector<16xf32>,
        tpu.vector_store %arg11[%swap3A_853, %swap3A_854], %gather3A_851 {add = true, strides = array<i32>} : memref<22x16xf32, #tpu.memory_space<vmem>>, vector<16xf32>,
        %broadcast_in_dim3A_856 = arith.constant 10 : i32
        %broadcast_in_dim3A_857 = vector.broadcast %broadcast_in_dim3A_856 : i32 to vector<16xi32>
        %gather3A_858 = arith.constant 1 : i32
        %gather3A_859 = arith.constant 0 : i32
        %gather3A_860 = arith.constant 0 : i32
        %gather3A_861 = arith.constant 0 : i32
        %gather3A_862 = arith.constant 0 : i32
        %gather3A_863 = arith.constant 0 : i32
        %gather3A_864 = tpu.memref_slice %arg10[%gather3A_858, %gather3A_859, %gather3A_860, %gather3A_861, %gather3A_862, %gather3A_863] : memref<2x13x2x1x8x128xf32, #tpu.memory_space<vmem>> -> memref<1x13x2x1x8x128xf32, #tpu.memory_space<vmem>>
        %gather3A_865 = tpu.memref_squeeze %gather3A_864 : memref<1x13x2x1x8x128xf32, #tpu.memory_space<vmem>> -> memref<13x2x1x8x128xf32, #tpu.memory_space<vmem>>
        %gather3A_866 = tpu.vector_load_idx %gather3A_865[%broadcast_in_dim3A_857, %select_n3A_218, %broadcast_in_dim3A_241, %select_n3A_239, %broadcast_in_dim3A_571] : memref<13x2x1x8x128xf32, #tpu.memory_space<vmem>>[vector<16xi32>, vector<16xi32>, vector<16xi32>, vector<16xi32>, vector<16xi32>], vector<16xf32>,
        %swap3A_867 = arith.constant 19 : i32
        %swap3A_868 = arith.index_cast %swap3A_867 : i32 to index
        %swap3A_869 = arith.constant 0 : index
        %swap3A_870 = tpu.vector_load %arg11[%swap3A_868, %swap3A_869] {strides = array<i32>} : memref<22x16xf32, #tpu.memory_space<vmem>>, vector<16xf32>,
        tpu.vector_store %arg11[%swap3A_868, %swap3A_869], %gather3A_866 {add = true, strides = array<i32>} : memref<22x16xf32, #tpu.memory_space<vmem>>, vector<16xf32>,
        %broadcast_in_dim3A_871 = arith.constant 11 : i32
        %broadcast_in_dim3A_872 = vector.broadcast %broadcast_in_dim3A_871 : i32 to vector<16xi32>
        %gather3A_873 = arith.constant 1 : i32
        %gather3A_874 = arith.constant 0 : i32
        %gather3A_875 = arith.constant 0 : i32
        %gather3A_876 = arith.constant 0 : i32
        %gather3A_877 = arith.constant 0 : i32
        %gather3A_878 = arith.constant 0 : i32
        %gather3A_879 = tpu.memref_slice %arg10[%gather3A_873, %gather3A_874, %gather3A_875, %gather3A_876, %gather3A_877, %gather3A_878] : memref<2x13x2x1x8x128xf32, #tpu.memory_space<vmem>> -> memref<1x13x2x1x8x128xf32, #tpu.memory_space<vmem>>
        %gather3A_880 = tpu.memref_squeeze %gather3A_879 : memref<1x13x2x1x8x128xf32, #tpu.memory_space<vmem>> -> memref<13x2x1x8x128xf32, #tpu.memory_space<vmem>>
        %gather3A_881 = tpu.vector_load_idx %gather3A_880[%broadcast_in_dim3A_872, %select_n3A_218, %broadcast_in_dim3A_241, %select_n3A_239, %broadcast_in_dim3A_571] : memref<13x2x1x8x128xf32, #tpu.memory_space<vmem>>[vector<16xi32>, vector<16xi32>, vector<16xi32>, vector<16xi32>, vector<16xi32>], vector<16xf32>,
        %swap3A_882 = arith.constant 20 : i32
        %swap3A_883 = arith.index_cast %swap3A_882 : i32 to index
        %swap3A_884 = arith.constant 0 : index
        %swap3A_885 = tpu.vector_load %arg11[%swap3A_883, %swap3A_884] {strides = array<i32>} : memref<22x16xf32, #tpu.memory_space<vmem>>, vector<16xf32>,
        tpu.vector_store %arg11[%swap3A_883, %swap3A_884], %gather3A_881 {add = true, strides = array<i32>} : memref<22x16xf32, #tpu.memory_space<vmem>>, vector<16xf32>,
        %broadcast_in_dim3A_886 = arith.constant 12 : i32
        %broadcast_in_dim3A_887 = vector.broadcast %broadcast_in_dim3A_886 : i32 to vector<16xi32>
        %gather3A_888 = arith.constant 1 : i32
        %gather3A_889 = arith.constant 0 : i32
        %gather3A_890 = arith.constant 0 : i32
        %gather3A_891 = arith.constant 0 : i32
        %gather3A_892 = arith.constant 0 : i32
        %gather3A_893 = arith.constant 0 : i32
        %gather3A_894 = tpu.memref_slice %arg10[%gather3A_888, %gather3A_889, %gather3A_890, %gather3A_891, %gather3A_892, %gather3A_893] : memref<2x13x2x1x8x128xf32, #tpu.memory_space<vmem>> -> memref<1x13x2x1x8x128xf32, #tpu.memory_space<vmem>>
        %gather3A_895 = tpu.memref_squeeze %gather3A_894 : memref<1x13x2x1x8x128xf32, #tpu.memory_space<vmem>> -> memref<13x2x1x8x128xf32, #tpu.memory_space<vmem>>
        %gather3A_896 = tpu.vector_load_idx %gather3A_895[%broadcast_in_dim3A_887, %select_n3A_218, %broadcast_in_dim3A_241, %select_n3A_239, %broadcast_in_dim3A_571] : memref<13x2x1x8x128xf32, #tpu.memory_space<vmem>>[vector<16xi32>, vector<16xi32>, vector<16xi32>, vector<16xi32>, vector<16xi32>], vector<16xf32>,
        %swap3A_897 = arith.constant 21 : i32
        %swap3A_898 = arith.index_cast %swap3A_897 : i32 to index
        %swap3A_899 = arith.constant 0 : index
        %swap3A_900 = tpu.vector_load %arg11[%swap3A_898, %swap3A_899] {strides = array<i32>} : memref<22x16xf32, #tpu.memory_space<vmem>>, vector<16xf32>,
        tpu.vector_store %arg11[%swap3A_898, %swap3A_899], %gather3A_896 {add = true, strides = array<i32>} : memref<22x16xf32, #tpu.memory_space<vmem>>, vector<16xf32>,
        %convert_element_type3A_901 = arith.extui %ne3A_567 : i1 to i32
        %add3A_902 = arith.addi %scan3A_559, %convert_element_type3A_901 : i32
        scf.yield %squeeze3A_566, %add3A_902 : i32, i32
      }
      %scan3A_548 = arith.constant 128 : i32
      %mul3A_549 = arith.constant 2 : i32
      %mul3A_550 = arith.muli %mul3A_549, %while3A_414 : i32
      %add3A_551 = arith.constant 3 : i32
      %add3A_552 = arith.addi %mul3A_550, %add3A_551 : i32
      %lt3A_553 = arith.cmpi slt, %add3A_552, %select_n3A : i32
      %convert_element_type3A_554 = arith.extui %lt3A_553 : i1 to i32
      %cond3A_555 = arith.constant 0 : i32
      %cond3A_556 = arith.cmpi ne, %convert_element_type3A_554, %cond3A_555 : i32
      scf.if %cond3A_556 {
        %mul3A_557 = arith.constant 2 : i32
        %mul3A_558 = arith.muli %mul3A_557, %while3A_414 : i32
        %add3A_559 = arith.constant 3 : i32
        %add3A_560 = arith.addi %mul3A_558, %add3A_559 : i32
        %add3A_561 = arith.addi %add3A_7, %add3A_560 : i32
        %dma_start3A_562 = arith.constant 1 : i32
        %dma_start3A_563 = arith.constant 0 : i32
        %dma_start3A_564 = arith.constant 0 : i32
        %dma_start3A_565 = arith.constant 0 : i32
        %dma_start3A_566 = arith.constant 0 : i32
        %dma_start3A_567 = arith.constant 0 : i32
        %dma_start3A_568 = tpu.memref_slice %arg9[%dma_start3A_562, %dma_start3A_563, %dma_start3A_564, %dma_start3A_565, %dma_start3A_566, %dma_start3A_567] : memref<2x9x2x1x8x128xf32, #tpu.memory_space<vmem>> -> memref<1x9x2x1x8x128xf32, #tpu.memory_space<vmem>>
        %dma_start3A_569 = tpu.memref_squeeze %dma_start3A_568 : memref<1x9x2x1x8x128xf32, #tpu.memory_space<vmem>> -> memref<9x2x1x8x128xf32, #tpu.memory_space<vmem>>
        %dma_start3A_570 = arith.constant 0 : i32
        %dma_start3A_571 = arith.constant 0 : i32
        %dma_start3A_572 = arith.constant 0 : i32
        %dma_start3A_573 = arith.constant 0 : i32
        %dma_start3A_574 = tpu.memref_slice %arg2[%dma_start3A_570, %dma_start3A_571, %add3A_561, %dma_start3A_572, %dma_start3A_573] : memref<9x2x1250x8x128xf32, #tpu.memory_space<hbm>> -> memref<9x2x1x8x128xf32, #tpu.memory_space<hbm>>
        %dma_start3A_575 = arith.constant 0 : i32
        %dma_start3A_576 = arith.constant 0 : i32
        %dma_start3A_577 = arith.constant 0 : i32
        %dma_start3A_578 = arith.constant 0 : i32
        %dma_start3A_579 = arith.constant 0 : i32
        %dma_start3A_580 = tpu.memref_slice %arg9[%dma_start3A_562, %dma_start3A_575, %dma_start3A_576, %dma_start3A_577, %dma_start3A_578, %dma_start3A_579] : memref<2x9x2x1x8x128xf32, #tpu.memory_space<vmem>> -> memref<1x9x2x1x8x128xf32, #tpu.memory_space<vmem>>
        %dma_start3A_581 = tpu.memref_squeeze %dma_start3A_580 : memref<1x9x2x1x8x128xf32, #tpu.memory_space<vmem>> -> memref<9x2x1x8x128xf32, #tpu.memory_space<vmem>>
        %dma_start3A_582 = arith.constant 0 : i32
        %dma_start3A_583 = arith.constant 0 : i32
        %dma_start3A_584 = arith.constant 0 : i32
        %dma_start3A_585 = arith.constant 0 : i32
        %dma_start3A_586 = tpu.memref_slice %arg2[%dma_start3A_582, %dma_start3A_583, %add3A_561, %dma_start3A_584, %dma_start3A_585] : memref<9x2x1250x8x128xf32, #tpu.memory_space<hbm>> -> memref<9x2x1x8x128xf32, #tpu.memory_space<hbm>>
        tpu.enqueue_dma source(%dma_start3A_586 : memref<9x2x1x8x128xf32, #tpu.memory_space<hbm>>) target(%dma_start3A_581 : memref<9x2x1x8x128xf32, #tpu.memory_space<vmem>>) target_semaphore(%arg16 : memref<!tpu.dma_semaphore, #tpu.memory_space<semaphore_mem>>)
        %dma_start3A_587 = arith.constant 1 : i32
        %dma_start3A_588 = arith.constant 0 : i32
        %dma_start3A_589 = arith.constant 0 : i32
        %dma_start3A_590 = arith.constant 0 : i32
        %dma_start3A_591 = arith.constant 0 : i32
        %dma_start3A_592 = arith.constant 0 : i32
        %dma_start3A_593 = tpu.memref_slice %arg10[%dma_start3A_587, %dma_start3A_588, %dma_start3A_589, %dma_start3A_590, %dma_start3A_591, %dma_start3A_592] : memref<2x13x2x1x8x128xf32, #tpu.memory_space<vmem>> -> memref<1x13x2x1x8x128xf32, #tpu.memory_space<vmem>>
        %dma_start3A_594 = tpu.memref_squeeze %dma_start3A_593 : memref<1x13x2x1x8x128xf32, #tpu.memory_space<vmem>> -> memref<13x2x1x8x128xf32, #tpu.memory_space<vmem>>
        %dma_start3A_595 = arith.constant 0 : i32
        %dma_start3A_596 = arith.constant 0 : i32
        %dma_start3A_597 = arith.constant 0 : i32
        %dma_start3A_598 = arith.constant 0 : i32
        %dma_start3A_599 = tpu.memref_slice %arg3[%dma_start3A_595, %dma_start3A_596, %add3A_561, %dma_start3A_597, %dma_start3A_598] : memref<13x2x1250x8x128xf32, #tpu.memory_space<hbm>> -> memref<13x2x1x8x128xf32, #tpu.memory_space<hbm>>
        %dma_start3A_600 = arith.constant 0 : i32
        %dma_start3A_601 = arith.constant 0 : i32
        %dma_start3A_602 = arith.constant 0 : i32
        %dma_start3A_603 = arith.constant 0 : i32
        %dma_start3A_604 = arith.constant 0 : i32
        %dma_start3A_605 = tpu.memref_slice %arg10[%dma_start3A_587, %dma_start3A_600, %dma_start3A_601, %dma_start3A_602, %dma_start3A_603, %dma_start3A_604] : memref<2x13x2x1x8x128xf32, #tpu.memory_space<vmem>> -> memref<1x13x2x1x8x128xf32, #tpu.memory_space<vmem>>
        %dma_start3A_606 = tpu.memref_squeeze %dma_start3A_605 : memref<1x13x2x1x8x128xf32, #tpu.memory_space<vmem>> -> memref<13x2x1x8x128xf32, #tpu.memory_space<vmem>>
        %dma_start3A_607 = arith.constant 0 : i32
        %dma_start3A_608 = arith.constant 0 : i32
        %dma_start3A_609 = arith.constant 0 : i32
        %dma_start3A_610 = arith.constant 0 : i32
        %dma_start3A_611 = tpu.memref_slice %arg3[%dma_start3A_607, %dma_start3A_608, %add3A_561, %dma_start3A_609, %dma_start3A_610] : memref<13x2x1250x8x128xf32, #tpu.memory_space<hbm>> -> memref<13x2x1x8x128xf32, #tpu.memory_space<hbm>>
        tpu.enqueue_dma source(%dma_start3A_611 : memref<13x2x1x8x128xf32, #tpu.memory_space<hbm>>) target(%dma_start3A_606 : memref<13x2x1x8x128xf32, #tpu.memory_space<vmem>>) target_semaphore(%arg18 : memref<!tpu.dma_semaphore, #tpu.memory_space<semaphore_mem>>)
      } else {
      }
      scf.yield %scan3A_547#0, %scan3A_547#1 : i32, i32
    }
    %while3A_379 = arith.constant 1 : i32
    %while3A_380:2 = scf.for %while3A_414 = %while3A_376 to %while3A_372 step %while3A_379 iter_args(%while3A_415 = %while3A_378#0, %while3A_416 = %while3A_378#1) -> (i32, i32)  : i32 {
      %dma_wait3A = arith.constant 0 : i32
      %dma_wait3A_417 = arith.constant 0 : i32
      %dma_wait3A_418 = arith.constant 0 : i32
      %dma_wait3A_419 = arith.constant 0 : i32
      %dma_wait3A_420 = arith.constant 0 : i32
      %dma_wait3A_421 = arith.constant 0 : i32
      %dma_wait3A_422 = tpu.memref_slice %arg9[%dma_wait3A, %dma_wait3A_417, %dma_wait3A_418, %dma_wait3A_419, %dma_wait3A_420, %dma_wait3A_421] : memref<2x9x2x1x8x128xf32, #tpu.memory_space<vmem>> -> memref<1x9x2x1x8x128xf32, #tpu.memory_space<vmem>>
      %dma_wait3A_423 = tpu.memref_squeeze %dma_wait3A_422 : memref<1x9x2x1x8x128xf32, #tpu.memory_space<vmem>> -> memref<9x2x1x8x128xf32, #tpu.memory_space<vmem>>
      %dma_wait3A_424 = arith.constant 0 : i32
      %dma_wait3A_425 = arith.constant 0 : i32
      %dma_wait3A_426 = arith.constant 0 : i32
      %dma_wait3A_427 = arith.constant 0 : i32
      %dma_wait3A_428 = arith.constant 0 : i32
      %dma_wait3A_429 = tpu.memref_slice %arg2[%dma_wait3A_424, %dma_wait3A_425, %dma_wait3A_426, %dma_wait3A_427, %dma_wait3A_428] : memref<9x2x1250x8x128xf32, #tpu.memory_space<hbm>> -> memref<9x2x1x8x128xf32, #tpu.memory_space<hbm>>
      %dma_wait3A_430 = arith.constant 0 : i32
      %dma_wait3A_431 = arith.constant 0 : i32
      %dma_wait3A_432 = arith.constant 0 : i32
      %dma_wait3A_433 = arith.constant 0 : i32
      %dma_wait3A_434 = arith.constant 0 : i32
      %dma_wait3A_435 = tpu.memref_slice %arg9[%dma_wait3A, %dma_wait3A_430, %dma_wait3A_431, %dma_wait3A_432, %dma_wait3A_433, %dma_wait3A_434] : memref<2x9x2x1x8x128xf32, #tpu.memory_space<vmem>> -> memref<1x9x2x1x8x128xf32, #tpu.memory_space<vmem>>
      %dma_wait3A_436 = tpu.memref_squeeze %dma_wait3A_435 : memref<1x9x2x1x8x128xf32, #tpu.memory_space<vmem>> -> memref<9x2x1x8x128xf32, #tpu.memory_space<vmem>>
      %dma_wait3A_437 = arith.constant 0 : i32
      %dma_wait3A_438 = arith.constant 0 : i32
      %dma_wait3A_439 = arith.constant 0 : i32
      %dma_wait3A_440 = arith.constant 0 : i32
      %dma_wait3A_441 = arith.constant 0 : i32
      %dma_wait3A_442 = tpu.memref_slice %arg2[%dma_wait3A_437, %dma_wait3A_438, %dma_wait3A_439, %dma_wait3A_440, %dma_wait3A_441] : memref<9x2x1250x8x128xf32, #tpu.memory_space<hbm>> -> memref<9x2x1x8x128xf32, #tpu.memory_space<hbm>>
      tpu.wait_dma2 semaphore(%arg15 : memref<!tpu.dma_semaphore, #tpu.memory_space<semaphore_mem>>) src(%dma_wait3A_442 : memref<9x2x1x8x128xf32, #tpu.memory_space<hbm>>) dst(%dma_wait3A_436 : memref<9x2x1x8x128xf32, #tpu.memory_space<vmem>>)
      %dma_wait3A_443 = arith.constant 0 : i32
      %dma_wait3A_444 = arith.constant 0 : i32
      %dma_wait3A_445 = arith.constant 0 : i32
      %dma_wait3A_446 = arith.constant 0 : i32
      %dma_wait3A_447 = arith.constant 0 : i32
      %dma_wait3A_448 = arith.constant 0 : i32
      %dma_wait3A_449 = tpu.memref_slice %arg10[%dma_wait3A_443, %dma_wait3A_444, %dma_wait3A_445, %dma_wait3A_446, %dma_wait3A_447, %dma_wait3A_448] : memref<2x13x2x1x8x128xf32, #tpu.memory_space<vmem>> -> memref<1x13x2x1x8x128xf32, #tpu.memory_space<vmem>>
      %dma_wait3A_450 = tpu.memref_squeeze %dma_wait3A_449 : memref<1x13x2x1x8x128xf32, #tpu.memory_space<vmem>> -> memref<13x2x1x8x128xf32, #tpu.memory_space<vmem>>
      %dma_wait3A_451 = arith.constant 0 : i32
      %dma_wait3A_452 = arith.constant 0 : i32
      %dma_wait3A_453 = arith.constant 0 : i32
      %dma_wait3A_454 = arith.constant 0 : i32
      %dma_wait3A_455 = arith.constant 0 : i32
      %dma_wait3A_456 = tpu.memref_slice %arg3[%dma_wait3A_451, %dma_wait3A_452, %dma_wait3A_453, %dma_wait3A_454, %dma_wait3A_455] : memref<13x2x1250x8x128xf32, #tpu.memory_space<hbm>> -> memref<13x2x1x8x128xf32, #tpu.memory_space<hbm>>
      %dma_wait3A_457 = arith.constant 0 : i32
      %dma_wait3A_458 = arith.constant 0 : i32
      %dma_wait3A_459 = arith.constant 0 : i32
      %dma_wait3A_460 = arith.constant 0 : i32
      %dma_wait3A_461 = arith.constant 0 : i32
      %dma_wait3A_462 = tpu.memref_slice %arg10[%dma_wait3A_443, %dma_wait3A_457, %dma_wait3A_458, %dma_wait3A_459, %dma_wait3A_460, %dma_wait3A_461] : memref<2x13x2x1x8x128xf32, #tpu.memory_space<vmem>> -> memref<1x13x2x1x8x128xf32, #tpu.memory_space<vmem>>
      %dma_wait3A_463 = tpu.memref_squeeze %dma_wait3A_462 : memref<1x13x2x1x8x128xf32, #tpu.memory_space<vmem>> -> memref<13x2x1x8x128xf32, #tpu.memory_space<vmem>>
      %dma_wait3A_464 = arith.constant 0 : i32
      %dma_wait3A_465 = arith.constant 0 : i32
      %dma_wait3A_466 = arith.constant 0 : i32
      %dma_wait3A_467 = arith.constant 0 : i32
      %dma_wait3A_468 = arith.constant 0 : i32
      %dma_wait3A_469 = tpu.memref_slice %arg3[%dma_wait3A_464, %dma_wait3A_465, %dma_wait3A_466, %dma_wait3A_467, %dma_wait3A_468] : memref<13x2x1250x8x128xf32, #tpu.memory_space<hbm>> -> memref<13x2x1x8x128xf32, #tpu.memory_space<hbm>>
      tpu.wait_dma2 semaphore(%arg17 : memref<!tpu.dma_semaphore, #tpu.memory_space<semaphore_mem>>) src(%dma_wait3A_469 : memref<13x2x1x8x128xf32, #tpu.memory_space<hbm>>) dst(%dma_wait3A_463 : memref<13x2x1x8x128xf32, #tpu.memory_space<vmem>>)
      %mul3A_470 = arith.constant 2 : i32
      %mul3A_471 = arith.muli %mul3A_470, %while3A_414 : i32
      %scan3A = arith.constant 0 : i32
      %scan3A_472 = arith.constant 128 : i32
      %scan3A_473 = arith.addi %scan3A, %scan3A_472 : i32
      %scan3A_474 = arith.constant 1 : i32
      %scan3A_475:2 = scf.for %scan3A_557 = %scan3A to %scan3A_473 step %scan3A_474 iter_args(%scan3A_558 = %while3A_415, %scan3A_559 = %while3A_416) -> (i32, i32)  : i32 {
        %mul3A_560 = arith.constant 128 : i32
        %mul3A_561 = arith.muli %mul3A_471, %mul3A_560 : i32
        %add3A_562 = arith.addi %mul3A_561, %scan3A_557 : i32
        %get3A_563 = arith.index_cast %add3A_562 : i32 to index
        %get3A_564 = tpu.vector_load %arg8[%get3A_563] {strides = array<i32>} : memref<5136xi32, #tpu.memory_space<vmem>>, vector<16xi32>,
        %slice3A_565 = vector.extract_strided_slice %get3A_564 {offsets = [0], sizes = [1], strides = [1]} : vector<16xi32> to vector<1xi32>
        %squeeze3A_566 = vector.extract %slice3A_565[0] : i32 from vector<1xi32>
        %ne3A_567 = arith.cmpi ne, %squeeze3A_566, %scan3A_558 : i32
        %convert_element_type3A_568 = arith.extui %ne3A_567 : i1 to i32
        %cond3A_569 = arith.constant 0 : i32
        %cond3A_570 = arith.cmpi ne, %convert_element_type3A_568, %cond3A_569 : i32
        scf.if %cond3A_570 {
          %eq3A_903 = arith.constant 0 : i32
          %eq3A_904 = arith.cmpi eq, %scan3A_559, %eq3A_903 : i32
          %convert_element_type3A_905 = arith.extui %eq3A_904 : i1 to i32
          %cond3A_906 = arith.constant 0 : i32
          %cond3A_907 = arith.cmpi ne, %convert_element_type3A_905, %cond3A_906 : i32
          scf.if %cond3A_907 {
            %mul3A_1055 = arith.constant 2 : i32
            %mul3A_1056 = arith.muli %mul3A_1055, %add3A : i32
            "tpu.region"() ({
              %run_scoped3A = tpu.sem_alloc : memref<!tpu.dma_semaphore, #tpu.memory_space<semaphore_mem>>
              %dma_start3A_1057 = arith.constant 0 : i32
              %dma_start3A_1058 = arith.constant 0 : i32
              %dma_start3A_1059 = tpu.memref_slice %arg6[%mul3A_1056, %dma_start3A_1057, %dma_start3A_1058] : memref<64x22x16xf32, #tpu.memory_space<hbm>> -> memref<1x22x16xf32, #tpu.memory_space<hbm>>
              %dma_start3A_1060 = tpu.memref_squeeze %dma_start3A_1059 : memref<1x22x16xf32, #tpu.memory_space<hbm>> -> memref<22x16xf32, #tpu.memory_space<hbm>>
              %dma_start3A_1061 = arith.constant 0 : i32
              %dma_start3A_1062 = arith.constant 0 : i32
              %dma_start3A_1063 = tpu.memref_slice %arg6[%mul3A_1056, %dma_start3A_1061, %dma_start3A_1062] : memref<64x22x16xf32, #tpu.memory_space<hbm>> -> memref<1x22x16xf32, #tpu.memory_space<hbm>>
              %dma_start3A_1064 = tpu.memref_squeeze %dma_start3A_1063 : memref<1x22x16xf32, #tpu.memory_space<hbm>> -> memref<22x16xf32, #tpu.memory_space<hbm>>
              tpu.enqueue_dma source(%arg11 : memref<22x16xf32, #tpu.memory_space<vmem>>) target(%dma_start3A_1064 : memref<22x16xf32, #tpu.memory_space<hbm>>) target_semaphore(%run_scoped3A : memref<!tpu.dma_semaphore, #tpu.memory_space<semaphore_mem>>)
              %dma_wait3A_1065 = arith.constant 0 : i32
              %dma_wait3A_1066 = arith.constant 0 : i32
              %dma_wait3A_1067 = tpu.memref_slice %arg6[%mul3A_1056, %dma_wait3A_1065, %dma_wait3A_1066] : memref<64x22x16xf32, #tpu.memory_space<hbm>> -> memref<1x22x16xf32, #tpu.memory_space<hbm>>
              %dma_wait3A_1068 = tpu.memref_squeeze %dma_wait3A_1067 : memref<1x22x16xf32, #tpu.memory_space<hbm>> -> memref<22x16xf32, #tpu.memory_space<hbm>>
              %dma_wait3A_1069 = arith.constant 0 : i32
              %dma_wait3A_1070 = arith.constant 0 : i32
              %dma_wait3A_1071 = tpu.memref_slice %arg6[%mul3A_1056, %dma_wait3A_1069, %dma_wait3A_1070] : memref<64x22x16xf32, #tpu.memory_space<hbm>> -> memref<1x22x16xf32, #tpu.memory_space<hbm>>
              %dma_wait3A_1072 = tpu.memref_squeeze %dma_wait3A_1071 : memref<1x22x16xf32, #tpu.memory_space<hbm>> -> memref<22x16xf32, #tpu.memory_space<hbm>>
              tpu.wait_dma2 semaphore(%run_scoped3A : memref<!tpu.dma_semaphore, #tpu.memory_space<semaphore_mem>>) src(%arg11 : memref<22x16xf32, #tpu.memory_space<vmem>>) dst(%dma_wait3A_1072 : memref<22x16xf32, #tpu.memory_space<hbm>>)
              tpu.yield
            }) : () -> ()
          } else {
          }
          %gt3A = arith.constant 0 : i32
          %gt3A_908 = arith.cmpi sgt, %scan3A_559, %gt3A : i32
          %convert_element_type3A_909 = arith.extui %gt3A_908 : i1 to i32
          %cond3A_910 = arith.constant 0 : i32
          %cond3A_911 = arith.cmpi ne, %convert_element_type3A_909, %cond3A_910 : i32
          scf.if %cond3A_911 {
            %get3A_1055 = arith.constant 0 : i32
            %get3A_1056 = arith.index_cast %get3A_1055 : i32 to index
            %get3A_1057 = arith.constant 0 : index
            %get3A_1058 = tpu.vector_load %arg11[%get3A_1056, %get3A_1057] {strides = array<i32>} : memref<22x16xf32, #tpu.memory_space<vmem>>, vector<16xf32>,
            %get3A_1059 = arith.constant 0 : i32
            %get3A_1060 = arith.index_cast %get3A_1059 : i32 to index
            %get3A_1061 = arith.constant 0 : index
            %get3A_1062 = tpu.vector_load %arg11[%get3A_1060, %get3A_1061] {strides = array<i32>} : memref<22x16xf32, #tpu.memory_space<vmem>>, vector<16xf32>,
            %mul3A_1063 = arith.mulf %get3A_1058, %get3A_1062 : vector<16xf32>
            %get3A_1064 = arith.constant 1 : i32
            %get3A_1065 = arith.index_cast %get3A_1064 : i32 to index
            %get3A_1066 = arith.constant 0 : index
            %get3A_1067 = tpu.vector_load %arg11[%get3A_1065, %get3A_1066] {strides = array<i32>} : memref<22x16xf32, #tpu.memory_space<vmem>>, vector<16xf32>,
            %get3A_1068 = arith.constant 1 : i32
            %get3A_1069 = arith.index_cast %get3A_1068 : i32 to index
            %get3A_1070 = arith.constant 0 : index
            %get3A_1071 = tpu.vector_load %arg11[%get3A_1069, %get3A_1070] {strides = array<i32>} : memref<22x16xf32, #tpu.memory_space<vmem>>, vector<16xf32>,
            %mul3A_1072 = arith.mulf %get3A_1067, %get3A_1071 : vector<16xf32>
            %add3A_1073 = arith.addf %mul3A_1063, %mul3A_1072 : vector<16xf32>
            %get3A_1074 = arith.constant 2 : i32
            %get3A_1075 = arith.index_cast %get3A_1074 : i32 to index
            %get3A_1076 = arith.constant 0 : index
            %get3A_1077 = tpu.vector_load %arg11[%get3A_1075, %get3A_1076] {strides = array<i32>} : memref<22x16xf32, #tpu.memory_space<vmem>>, vector<16xf32>,
            %get3A_1078 = arith.constant 2 : i32
            %get3A_1079 = arith.index_cast %get3A_1078 : i32 to index
            %get3A_1080 = arith.constant 0 : index
            %get3A_1081 = tpu.vector_load %arg11[%get3A_1079, %get3A_1080] {strides = array<i32>} : memref<22x16xf32, #tpu.memory_space<vmem>>, vector<16xf32>,
            %mul3A_1082 = arith.mulf %get3A_1077, %get3A_1081 : vector<16xf32>
            %add3A_1083 = arith.addf %add3A_1073, %mul3A_1082 : vector<16xf32>
            %get3A_1084 = arith.constant 3 : i32
            %get3A_1085 = arith.index_cast %get3A_1084 : i32 to index
            %get3A_1086 = arith.constant 0 : index
            %get3A_1087 = tpu.vector_load %arg11[%get3A_1085, %get3A_1086] {strides = array<i32>} : memref<22x16xf32, #tpu.memory_space<vmem>>, vector<16xf32>,
            %get3A_1088 = arith.constant 3 : i32
            %get3A_1089 = arith.index_cast %get3A_1088 : i32 to index
            %get3A_1090 = arith.constant 0 : index
            %get3A_1091 = tpu.vector_load %arg11[%get3A_1089, %get3A_1090] {strides = array<i32>} : memref<22x16xf32, #tpu.memory_space<vmem>>, vector<16xf32>,
            %mul3A_1092 = arith.mulf %get3A_1087, %get3A_1091 : vector<16xf32>
            %add3A_1093 = arith.addf %add3A_1083, %mul3A_1092 : vector<16xf32>
            %get3A_1094 = arith.constant 4 : i32
            %get3A_1095 = arith.index_cast %get3A_1094 : i32 to index
            %get3A_1096 = arith.constant 0 : index
            %get3A_1097 = tpu.vector_load %arg11[%get3A_1095, %get3A_1096] {strides = array<i32>} : memref<22x16xf32, #tpu.memory_space<vmem>>, vector<16xf32>,
            %get3A_1098 = arith.constant 4 : i32
            %get3A_1099 = arith.index_cast %get3A_1098 : i32 to index
            %get3A_1100 = arith.constant 0 : index
            %get3A_1101 = tpu.vector_load %arg11[%get3A_1099, %get3A_1100] {strides = array<i32>} : memref<22x16xf32, #tpu.memory_space<vmem>>, vector<16xf32>,
            %mul3A_1102 = arith.mulf %get3A_1097, %get3A_1101 : vector<16xf32>
            %add3A_1103 = arith.addf %add3A_1093, %mul3A_1102 : vector<16xf32>
            %get3A_1104 = arith.constant 5 : i32
            %get3A_1105 = arith.index_cast %get3A_1104 : i32 to index
            %get3A_1106 = arith.constant 0 : index
            %get3A_1107 = tpu.vector_load %arg11[%get3A_1105, %get3A_1106] {strides = array<i32>} : memref<22x16xf32, #tpu.memory_space<vmem>>, vector<16xf32>,
            %get3A_1108 = arith.constant 5 : i32
            %get3A_1109 = arith.index_cast %get3A_1108 : i32 to index
            %get3A_1110 = arith.constant 0 : index
            %get3A_1111 = tpu.vector_load %arg11[%get3A_1109, %get3A_1110] {strides = array<i32>} : memref<22x16xf32, #tpu.memory_space<vmem>>, vector<16xf32>,
            %mul3A_1112 = arith.mulf %get3A_1107, %get3A_1111 : vector<16xf32>
            %add3A_1113 = arith.addf %add3A_1103, %mul3A_1112 : vector<16xf32>
            %get3A_1114 = arith.constant 6 : i32
            %get3A_1115 = arith.index_cast %get3A_1114 : i32 to index
            %get3A_1116 = arith.constant 0 : index
            %get3A_1117 = tpu.vector_load %arg11[%get3A_1115, %get3A_1116] {strides = array<i32>} : memref<22x16xf32, #tpu.memory_space<vmem>>, vector<16xf32>,
            %get3A_1118 = arith.constant 6 : i32
            %get3A_1119 = arith.index_cast %get3A_1118 : i32 to index
            %get3A_1120 = arith.constant 0 : index
            %get3A_1121 = tpu.vector_load %arg11[%get3A_1119, %get3A_1120] {strides = array<i32>} : memref<22x16xf32, #tpu.memory_space<vmem>>, vector<16xf32>,
            %mul3A_1122 = arith.mulf %get3A_1117, %get3A_1121 : vector<16xf32>
            %add3A_1123 = arith.addf %add3A_1113, %mul3A_1122 : vector<16xf32>
            %get3A_1124 = arith.constant 7 : i32
            %get3A_1125 = arith.index_cast %get3A_1124 : i32 to index
            %get3A_1126 = arith.constant 0 : index
            %get3A_1127 = tpu.vector_load %arg11[%get3A_1125, %get3A_1126] {strides = array<i32>} : memref<22x16xf32, #tpu.memory_space<vmem>>, vector<16xf32>,
            %get3A_1128 = arith.constant 7 : i32
            %get3A_1129 = arith.index_cast %get3A_1128 : i32 to index
            %get3A_1130 = arith.constant 0 : index
            %get3A_1131 = tpu.vector_load %arg11[%get3A_1129, %get3A_1130] {strides = array<i32>} : memref<22x16xf32, #tpu.memory_space<vmem>>, vector<16xf32>,
            %mul3A_1132 = arith.mulf %get3A_1127, %get3A_1131 : vector<16xf32>
            %add3A_1133 = arith.addf %add3A_1123, %mul3A_1132 : vector<16xf32>
            %get3A_1134 = arith.constant 8 : i32
            %get3A_1135 = arith.index_cast %get3A_1134 : i32 to index
            %get3A_1136 = arith.constant 0 : index
            %get3A_1137 = tpu.vector_load %arg11[%get3A_1135, %get3A_1136] {strides = array<i32>} : memref<22x16xf32, #tpu.memory_space<vmem>>, vector<16xf32>,
            %get3A_1138 = arith.constant 8 : i32
            %get3A_1139 = arith.index_cast %get3A_1138 : i32 to index
            %get3A_1140 = arith.constant 0 : index
            %get3A_1141 = tpu.vector_load %arg11[%get3A_1139, %get3A_1140] {strides = array<i32>} : memref<22x16xf32, #tpu.memory_space<vmem>>, vector<16xf32>,
            %mul3A_1142 = arith.mulf %get3A_1137, %get3A_1141 : vector<16xf32>
            %add3A_1143 = arith.addf %add3A_1133, %mul3A_1142 : vector<16xf32>
            %get3A_1144 = arith.constant 9 : i32
            %get3A_1145 = arith.index_cast %get3A_1144 : i32 to index
            %get3A_1146 = arith.constant 0 : index
            %get3A_1147 = tpu.vector_load %arg11[%get3A_1145, %get3A_1146] {strides = array<i32>} : memref<22x16xf32, #tpu.memory_space<vmem>>, vector<16xf32>,
            %get3A_1148 = arith.constant 9 : i32
            %get3A_1149 = arith.index_cast %get3A_1148 : i32 to index
            %get3A_1150 = arith.constant 0 : index
            %get3A_1151 = tpu.vector_load %arg11[%get3A_1149, %get3A_1150] {strides = array<i32>} : memref<22x16xf32, #tpu.memory_space<vmem>>, vector<16xf32>,
            %mul3A_1152 = arith.mulf %get3A_1147, %get3A_1151 : vector<16xf32>
            %get3A_1153 = arith.constant 10 : i32
            %get3A_1154 = arith.index_cast %get3A_1153 : i32 to index
            %get3A_1155 = arith.constant 0 : index
            %get3A_1156 = tpu.vector_load %arg11[%get3A_1154, %get3A_1155] {strides = array<i32>} : memref<22x16xf32, #tpu.memory_space<vmem>>, vector<16xf32>,
            %get3A_1157 = arith.constant 10 : i32
            %get3A_1158 = arith.index_cast %get3A_1157 : i32 to index
            %get3A_1159 = arith.constant 0 : index
            %get3A_1160 = tpu.vector_load %arg11[%get3A_1158, %get3A_1159] {strides = array<i32>} : memref<22x16xf32, #tpu.memory_space<vmem>>, vector<16xf32>,
            %mul3A_1161 = arith.mulf %get3A_1156, %get3A_1160 : vector<16xf32>
            %add3A_1162 = arith.addf %mul3A_1152, %mul3A_1161 : vector<16xf32>
            %get3A_1163 = arith.constant 11 : i32
            %get3A_1164 = arith.index_cast %get3A_1163 : i32 to index
            %get3A_1165 = arith.constant 0 : index
            %get3A_1166 = tpu.vector_load %arg11[%get3A_1164, %get3A_1165] {strides = array<i32>} : memref<22x16xf32, #tpu.memory_space<vmem>>, vector<16xf32>,
            %get3A_1167 = arith.constant 11 : i32
            %get3A_1168 = arith.index_cast %get3A_1167 : i32 to index
            %get3A_1169 = arith.constant 0 : index
            %get3A_1170 = tpu.vector_load %arg11[%get3A_1168, %get3A_1169] {strides = array<i32>} : memref<22x16xf32, #tpu.memory_space<vmem>>, vector<16xf32>,
            %mul3A_1171 = arith.mulf %get3A_1166, %get3A_1170 : vector<16xf32>
            %add3A_1172 = arith.addf %add3A_1162, %mul3A_1171 : vector<16xf32>
            %get3A_1173 = arith.constant 12 : i32
            %get3A_1174 = arith.index_cast %get3A_1173 : i32 to index
            %get3A_1175 = arith.constant 0 : index
            %get3A_1176 = tpu.vector_load %arg11[%get3A_1174, %get3A_1175] {strides = array<i32>} : memref<22x16xf32, #tpu.memory_space<vmem>>, vector<16xf32>,
            %get3A_1177 = arith.constant 12 : i32
            %get3A_1178 = arith.index_cast %get3A_1177 : i32 to index
            %get3A_1179 = arith.constant 0 : index
            %get3A_1180 = tpu.vector_load %arg11[%get3A_1178, %get3A_1179] {strides = array<i32>} : memref<22x16xf32, #tpu.memory_space<vmem>>, vector<16xf32>,
            %mul3A_1181 = arith.mulf %get3A_1176, %get3A_1180 : vector<16xf32>
            %add3A_1182 = arith.addf %add3A_1172, %mul3A_1181 : vector<16xf32>
            %get3A_1183 = arith.constant 13 : i32
            %get3A_1184 = arith.index_cast %get3A_1183 : i32 to index
            %get3A_1185 = arith.constant 0 : index
            %get3A_1186 = tpu.vector_load %arg11[%get3A_1184, %get3A_1185] {strides = array<i32>} : memref<22x16xf32, #tpu.memory_space<vmem>>, vector<16xf32>,
            %get3A_1187 = arith.constant 13 : i32
            %get3A_1188 = arith.index_cast %get3A_1187 : i32 to index
            %get3A_1189 = arith.constant 0 : index
            %get3A_1190 = tpu.vector_load %arg11[%get3A_1188, %get3A_1189] {strides = array<i32>} : memref<22x16xf32, #tpu.memory_space<vmem>>, vector<16xf32>,
            %mul3A_1191 = arith.mulf %get3A_1186, %get3A_1190 : vector<16xf32>
            %add3A_1192 = arith.addf %add3A_1182, %mul3A_1191 : vector<16xf32>
            %get3A_1193 = arith.constant 14 : i32
            %get3A_1194 = arith.index_cast %get3A_1193 : i32 to index
            %get3A_1195 = arith.constant 0 : index
            %get3A_1196 = tpu.vector_load %arg11[%get3A_1194, %get3A_1195] {strides = array<i32>} : memref<22x16xf32, #tpu.memory_space<vmem>>, vector<16xf32>,
            %get3A_1197 = arith.constant 14 : i32
            %get3A_1198 = arith.index_cast %get3A_1197 : i32 to index
            %get3A_1199 = arith.constant 0 : index
            %get3A_1200 = tpu.vector_load %arg11[%get3A_1198, %get3A_1199] {strides = array<i32>} : memref<22x16xf32, #tpu.memory_space<vmem>>, vector<16xf32>,
            %mul3A_1201 = arith.mulf %get3A_1196, %get3A_1200 : vector<16xf32>
            %add3A_1202 = arith.addf %add3A_1192, %mul3A_1201 : vector<16xf32>
            %get3A_1203 = arith.constant 15 : i32
            %get3A_1204 = arith.index_cast %get3A_1203 : i32 to index
            %get3A_1205 = arith.constant 0 : index
            %get3A_1206 = tpu.vector_load %arg11[%get3A_1204, %get3A_1205] {strides = array<i32>} : memref<22x16xf32, #tpu.memory_space<vmem>>, vector<16xf32>,
            %get3A_1207 = arith.constant 15 : i32
            %get3A_1208 = arith.index_cast %get3A_1207 : i32 to index
            %get3A_1209 = arith.constant 0 : index
            %get3A_1210 = tpu.vector_load %arg11[%get3A_1208, %get3A_1209] {strides = array<i32>} : memref<22x16xf32, #tpu.memory_space<vmem>>, vector<16xf32>,
            %mul3A_1211 = arith.mulf %get3A_1206, %get3A_1210 : vector<16xf32>
            %add3A_1212 = arith.addf %add3A_1202, %mul3A_1211 : vector<16xf32>
            %get3A_1213 = arith.constant 16 : i32
            %get3A_1214 = arith.index_cast %get3A_1213 : i32 to index
            %get3A_1215 = arith.constant 0 : index
            %get3A_1216 = tpu.vector_load %arg11[%get3A_1214, %get3A_1215] {strides = array<i32>} : memref<22x16xf32, #tpu.memory_space<vmem>>, vector<16xf32>,
            %get3A_1217 = arith.constant 16 : i32
            %get3A_1218 = arith.index_cast %get3A_1217 : i32 to index
            %get3A_1219 = arith.constant 0 : index
            %get3A_1220 = tpu.vector_load %arg11[%get3A_1218, %get3A_1219] {strides = array<i32>} : memref<22x16xf32, #tpu.memory_space<vmem>>, vector<16xf32>,
            %mul3A_1221 = arith.mulf %get3A_1216, %get3A_1220 : vector<16xf32>
            %add3A_1222 = arith.addf %add3A_1212, %mul3A_1221 : vector<16xf32>
            %get3A_1223 = arith.constant 17 : i32
            %get3A_1224 = arith.index_cast %get3A_1223 : i32 to index
            %get3A_1225 = arith.constant 0 : index
            %get3A_1226 = tpu.vector_load %arg11[%get3A_1224, %get3A_1225] {strides = array<i32>} : memref<22x16xf32, #tpu.memory_space<vmem>>, vector<16xf32>,
            %get3A_1227 = arith.constant 17 : i32
            %get3A_1228 = arith.index_cast %get3A_1227 : i32 to index
            %get3A_1229 = arith.constant 0 : index
            %get3A_1230 = tpu.vector_load %arg11[%get3A_1228, %get3A_1229] {strides = array<i32>} : memref<22x16xf32, #tpu.memory_space<vmem>>, vector<16xf32>,
            %mul3A_1231 = arith.mulf %get3A_1226, %get3A_1230 : vector<16xf32>
            %add3A_1232 = arith.addf %add3A_1222, %mul3A_1231 : vector<16xf32>
            %get3A_1233 = arith.constant 18 : i32
            %get3A_1234 = arith.index_cast %get3A_1233 : i32 to index
            %get3A_1235 = arith.constant 0 : index
            %get3A_1236 = tpu.vector_load %arg11[%get3A_1234, %get3A_1235] {strides = array<i32>} : memref<22x16xf32, #tpu.memory_space<vmem>>, vector<16xf32>,
            %get3A_1237 = arith.constant 18 : i32
            %get3A_1238 = arith.index_cast %get3A_1237 : i32 to index
            %get3A_1239 = arith.constant 0 : index
            %get3A_1240 = tpu.vector_load %arg11[%get3A_1238, %get3A_1239] {strides = array<i32>} : memref<22x16xf32, #tpu.memory_space<vmem>>, vector<16xf32>,
            %mul3A_1241 = arith.mulf %get3A_1236, %get3A_1240 : vector<16xf32>
            %add3A_1242 = arith.addf %add3A_1232, %mul3A_1241 : vector<16xf32>
            %get3A_1243 = arith.constant 19 : i32
            %get3A_1244 = arith.index_cast %get3A_1243 : i32 to index
            %get3A_1245 = arith.constant 0 : index
            %get3A_1246 = tpu.vector_load %arg11[%get3A_1244, %get3A_1245] {strides = array<i32>} : memref<22x16xf32, #tpu.memory_space<vmem>>, vector<16xf32>,
            %get3A_1247 = arith.constant 19 : i32
            %get3A_1248 = arith.index_cast %get3A_1247 : i32 to index
            %get3A_1249 = arith.constant 0 : index
            %get3A_1250 = tpu.vector_load %arg11[%get3A_1248, %get3A_1249] {strides = array<i32>} : memref<22x16xf32, #tpu.memory_space<vmem>>, vector<16xf32>,
            %mul3A_1251 = arith.mulf %get3A_1246, %get3A_1250 : vector<16xf32>
            %add3A_1252 = arith.addf %add3A_1242, %mul3A_1251 : vector<16xf32>
            %get3A_1253 = arith.constant 20 : i32
            %get3A_1254 = arith.index_cast %get3A_1253 : i32 to index
            %get3A_1255 = arith.constant 0 : index
            %get3A_1256 = tpu.vector_load %arg11[%get3A_1254, %get3A_1255] {strides = array<i32>} : memref<22x16xf32, #tpu.memory_space<vmem>>, vector<16xf32>,
            %get3A_1257 = arith.constant 20 : i32
            %get3A_1258 = arith.index_cast %get3A_1257 : i32 to index
            %get3A_1259 = arith.constant 0 : index
            %get3A_1260 = tpu.vector_load %arg11[%get3A_1258, %get3A_1259] {strides = array<i32>} : memref<22x16xf32, #tpu.memory_space<vmem>>, vector<16xf32>,
            %mul3A_1261 = arith.mulf %get3A_1256, %get3A_1260 : vector<16xf32>
            %add3A_1262 = arith.addf %add3A_1252, %mul3A_1261 : vector<16xf32>
            %get3A_1263 = arith.constant 21 : i32
            %get3A_1264 = arith.index_cast %get3A_1263 : i32 to index
            %get3A_1265 = arith.constant 0 : index
            %get3A_1266 = tpu.vector_load %arg11[%get3A_1264, %get3A_1265] {strides = array<i32>} : memref<22x16xf32, #tpu.memory_space<vmem>>, vector<16xf32>,
            %get3A_1267 = arith.constant 21 : i32
            %get3A_1268 = arith.index_cast %get3A_1267 : i32 to index
            %get3A_1269 = arith.constant 0 : index
            %get3A_1270 = tpu.vector_load %arg11[%get3A_1268, %get3A_1269] {strides = array<i32>} : memref<22x16xf32, #tpu.memory_space<vmem>>, vector<16xf32>,
            %mul3A_1271 = arith.mulf %get3A_1266, %get3A_1270 : vector<16xf32>
            %add3A_1272 = arith.addf %add3A_1262, %mul3A_1271 : vector<16xf32>
            %swap3A_1273 = arith.constant 0 : i32
            %swap3A_1274 = arith.index_cast %swap3A_1273 : i32 to index
            %swap3A_1275 = arith.constant 0 : index
            %swap3A_1276 = tpu.vector_load %arg12[%swap3A_1274, %swap3A_1275] {strides = array<i32>} : memref<2x16xf32, #tpu.memory_space<vmem>>, vector<16xf32>,
            tpu.vector_store %arg12[%swap3A_1274, %swap3A_1275], %add3A_1143 {strides = array<i32>} : memref<2x16xf32, #tpu.memory_space<vmem>>, vector<16xf32>,
            %swap3A_1277 = arith.constant 1 : i32
            %swap3A_1278 = arith.index_cast %swap3A_1277 : i32 to index
            %swap3A_1279 = arith.constant 0 : index
            %swap3A_1280 = tpu.vector_load %arg12[%swap3A_1278, %swap3A_1279] {strides = array<i32>} : memref<2x16xf32, #tpu.memory_space<vmem>>, vector<16xf32>,
            tpu.vector_store %arg12[%swap3A_1278, %swap3A_1279], %add3A_1272 {strides = array<i32>} : memref<2x16xf32, #tpu.memory_space<vmem>>, vector<16xf32>,
            "tpu.region"() ({
              %run_scoped3A = tpu.sem_alloc : memref<!tpu.dma_semaphore, #tpu.memory_space<semaphore_mem>>
              %dma_start3A_1281 = arith.constant 0 : i32
              %dma_start3A_1282 = arith.constant 0 : i32
              %dma_start3A_1283 = tpu.memref_slice %arg5[%scan3A_558, %dma_start3A_1281, %dma_start3A_1282] : memref<10000x2x16xf32, #tpu.memory_space<hbm>> -> memref<1x2x16xf32, #tpu.memory_space<hbm>>
              %dma_start3A_1284 = tpu.memref_squeeze %dma_start3A_1283 : memref<1x2x16xf32, #tpu.memory_space<hbm>> -> memref<2x16xf32, #tpu.memory_space<hbm>>
              %dma_start3A_1285 = arith.constant 0 : i32
              %dma_start3A_1286 = arith.constant 0 : i32
              %dma_start3A_1287 = tpu.memref_slice %arg5[%scan3A_558, %dma_start3A_1285, %dma_start3A_1286] : memref<10000x2x16xf32, #tpu.memory_space<hbm>> -> memref<1x2x16xf32, #tpu.memory_space<hbm>>
              %dma_start3A_1288 = tpu.memref_squeeze %dma_start3A_1287 : memref<1x2x16xf32, #tpu.memory_space<hbm>> -> memref<2x16xf32, #tpu.memory_space<hbm>>
              tpu.enqueue_dma source(%arg12 : memref<2x16xf32, #tpu.memory_space<vmem>>) target(%dma_start3A_1288 : memref<2x16xf32, #tpu.memory_space<hbm>>) target_semaphore(%run_scoped3A : memref<!tpu.dma_semaphore, #tpu.memory_space<semaphore_mem>>)
              %dma_wait3A_1289 = arith.constant 0 : i32
              %dma_wait3A_1290 = arith.constant 0 : i32
              %dma_wait3A_1291 = tpu.memref_slice %arg5[%scan3A_558, %dma_wait3A_1289, %dma_wait3A_1290] : memref<10000x2x16xf32, #tpu.memory_space<hbm>> -> memref<1x2x16xf32, #tpu.memory_space<hbm>>
              %dma_wait3A_1292 = tpu.memref_squeeze %dma_wait3A_1291 : memref<1x2x16xf32, #tpu.memory_space<hbm>> -> memref<2x16xf32, #tpu.memory_space<hbm>>
              %dma_wait3A_1293 = arith.constant 0 : i32
              %dma_wait3A_1294 = arith.constant 0 : i32
              %dma_wait3A_1295 = tpu.memref_slice %arg5[%scan3A_558, %dma_wait3A_1293, %dma_wait3A_1294] : memref<10000x2x16xf32, #tpu.memory_space<hbm>> -> memref<1x2x16xf32, #tpu.memory_space<hbm>>
              %dma_wait3A_1296 = tpu.memref_squeeze %dma_wait3A_1295 : memref<1x2x16xf32, #tpu.memory_space<hbm>> -> memref<2x16xf32, #tpu.memory_space<hbm>>
              tpu.wait_dma2 semaphore(%run_scoped3A : memref<!tpu.dma_semaphore, #tpu.memory_space<semaphore_mem>>) src(%arg12 : memref<2x16xf32, #tpu.memory_space<vmem>>) dst(%dma_wait3A_1296 : memref<2x16xf32, #tpu.memory_space<hbm>>)
              tpu.yield
            }) : () -> ()
          } else {
          }
          %broadcast_in_dim3A_912 = arith.constant 0.000000e+00 : f32
          %broadcast_in_dim3A_913 = vector.broadcast %broadcast_in_dim3A_912 : f32 to vector<16xf32>
          %swap3A_914 = arith.constant 0 : i32
          %swap3A_915 = arith.index_cast %swap3A_914 : i32 to index
          %swap3A_916 = arith.constant 0 : index
          %swap3A_917 = tpu.vector_load %arg11[%swap3A_915, %swap3A_916] {strides = array<i32>} : memref<22x16xf32, #tpu.memory_space<vmem>>, vector<16xf32>,
          tpu.vector_store %arg11[%swap3A_915, %swap3A_916], %broadcast_in_dim3A_913 {strides = array<i32>} : memref<22x16xf32, #tpu.memory_space<vmem>>, vector<16xf32>,
          %broadcast_in_dim3A_918 = arith.constant 0.000000e+00 : f32
          %broadcast_in_dim3A_919 = vector.broadcast %broadcast_in_dim3A_918 : f32 to vector<16xf32>
          %swap3A_920 = arith.constant 1 : i32
          %swap3A_921 = arith.index_cast %swap3A_920 : i32 to index
          %swap3A_922 = arith.constant 0 : index
          %swap3A_923 = tpu.vector_load %arg11[%swap3A_921, %swap3A_922] {strides = array<i32>} : memref<22x16xf32, #tpu.memory_space<vmem>>, vector<16xf32>,
          tpu.vector_store %arg11[%swap3A_921, %swap3A_922], %broadcast_in_dim3A_919 {strides = array<i32>} : memref<22x16xf32, #tpu.memory_space<vmem>>, vector<16xf32>,
          %broadcast_in_dim3A_924 = arith.constant 0.000000e+00 : f32
          %broadcast_in_dim3A_925 = vector.broadcast %broadcast_in_dim3A_924 : f32 to vector<16xf32>
          %swap3A_926 = arith.constant 2 : i32
          %swap3A_927 = arith.index_cast %swap3A_926 : i32 to index
          %swap3A_928 = arith.constant 0 : index
          %swap3A_929 = tpu.vector_load %arg11[%swap3A_927, %swap3A_928] {strides = array<i32>} : memref<22x16xf32, #tpu.memory_space<vmem>>, vector<16xf32>,
          tpu.vector_store %arg11[%swap3A_927, %swap3A_928], %broadcast_in_dim3A_925 {strides = array<i32>} : memref<22x16xf32, #tpu.memory_space<vmem>>, vector<16xf32>,
          %broadcast_in_dim3A_930 = arith.constant 0.000000e+00 : f32
          %broadcast_in_dim3A_931 = vector.broadcast %broadcast_in_dim3A_930 : f32 to vector<16xf32>
          %swap3A_932 = arith.constant 3 : i32
          %swap3A_933 = arith.index_cast %swap3A_932 : i32 to index
          %swap3A_934 = arith.constant 0 : index
          %swap3A_935 = tpu.vector_load %arg11[%swap3A_933, %swap3A_934] {strides = array<i32>} : memref<22x16xf32, #tpu.memory_space<vmem>>, vector<16xf32>,
          tpu.vector_store %arg11[%swap3A_933, %swap3A_934], %broadcast_in_dim3A_931 {strides = array<i32>} : memref<22x16xf32, #tpu.memory_space<vmem>>, vector<16xf32>,
          %broadcast_in_dim3A_936 = arith.constant 0.000000e+00 : f32
          %broadcast_in_dim3A_937 = vector.broadcast %broadcast_in_dim3A_936 : f32 to vector<16xf32>
          %swap3A_938 = arith.constant 4 : i32
          %swap3A_939 = arith.index_cast %swap3A_938 : i32 to index
          %swap3A_940 = arith.constant 0 : index
          %swap3A_941 = tpu.vector_load %arg11[%swap3A_939, %swap3A_940] {strides = array<i32>} : memref<22x16xf32, #tpu.memory_space<vmem>>, vector<16xf32>,
          tpu.vector_store %arg11[%swap3A_939, %swap3A_940], %broadcast_in_dim3A_937 {strides = array<i32>} : memref<22x16xf32, #tpu.memory_space<vmem>>, vector<16xf32>,
          %broadcast_in_dim3A_942 = arith.constant 0.000000e+00 : f32
          %broadcast_in_dim3A_943 = vector.broadcast %broadcast_in_dim3A_942 : f32 to vector<16xf32>
          %swap3A_944 = arith.constant 5 : i32
          %swap3A_945 = arith.index_cast %swap3A_944 : i32 to index
          %swap3A_946 = arith.constant 0 : index
          %swap3A_947 = tpu.vector_load %arg11[%swap3A_945, %swap3A_946] {strides = array<i32>} : memref<22x16xf32, #tpu.memory_space<vmem>>, vector<16xf32>,
          tpu.vector_store %arg11[%swap3A_945, %swap3A_946], %broadcast_in_dim3A_943 {strides = array<i32>} : memref<22x16xf32, #tpu.memory_space<vmem>>, vector<16xf32>,
          %broadcast_in_dim3A_948 = arith.constant 0.000000e+00 : f32
          %broadcast_in_dim3A_949 = vector.broadcast %broadcast_in_dim3A_948 : f32 to vector<16xf32>
          %swap3A_950 = arith.constant 6 : i32
          %swap3A_951 = arith.index_cast %swap3A_950 : i32 to index
          %swap3A_952 = arith.constant 0 : index
          %swap3A_953 = tpu.vector_load %arg11[%swap3A_951, %swap3A_952] {strides = array<i32>} : memref<22x16xf32, #tpu.memory_space<vmem>>, vector<16xf32>,
          tpu.vector_store %arg11[%swap3A_951, %swap3A_952], %broadcast_in_dim3A_949 {strides = array<i32>} : memref<22x16xf32, #tpu.memory_space<vmem>>, vector<16xf32>,
          %broadcast_in_dim3A_954 = arith.constant 0.000000e+00 : f32
          %broadcast_in_dim3A_955 = vector.broadcast %broadcast_in_dim3A_954 : f32 to vector<16xf32>
          %swap3A_956 = arith.constant 7 : i32
          %swap3A_957 = arith.index_cast %swap3A_956 : i32 to index
          %swap3A_958 = arith.constant 0 : index
          %swap3A_959 = tpu.vector_load %arg11[%swap3A_957, %swap3A_958] {strides = array<i32>} : memref<22x16xf32, #tpu.memory_space<vmem>>, vector<16xf32>,
          tpu.vector_store %arg11[%swap3A_957, %swap3A_958], %broadcast_in_dim3A_955 {strides = array<i32>} : memref<22x16xf32, #tpu.memory_space<vmem>>, vector<16xf32>,
          %broadcast_in_dim3A_960 = arith.constant 0.000000e+00 : f32
          %broadcast_in_dim3A_961 = vector.broadcast %broadcast_in_dim3A_960 : f32 to vector<16xf32>
          %swap3A_962 = arith.constant 8 : i32
          %swap3A_963 = arith.index_cast %swap3A_962 : i32 to index
          %swap3A_964 = arith.constant 0 : index
          %swap3A_965 = tpu.vector_load %arg11[%swap3A_963, %swap3A_964] {strides = array<i32>} : memref<22x16xf32, #tpu.memory_space<vmem>>, vector<16xf32>,
          tpu.vector_store %arg11[%swap3A_963, %swap3A_964], %broadcast_in_dim3A_961 {strides = array<i32>} : memref<22x16xf32, #tpu.memory_space<vmem>>, vector<16xf32>,
          %broadcast_in_dim3A_966 = arith.constant 0.000000e+00 : f32
          %broadcast_in_dim3A_967 = vector.broadcast %broadcast_in_dim3A_966 : f32 to vector<16xf32>
          %swap3A_968 = arith.constant 9 : i32
          %swap3A_969 = arith.index_cast %swap3A_968 : i32 to index
          %swap3A_970 = arith.constant 0 : index
          %swap3A_971 = tpu.vector_load %arg11[%swap3A_969, %swap3A_970] {strides = array<i32>} : memref<22x16xf32, #tpu.memory_space<vmem>>, vector<16xf32>,
          tpu.vector_store %arg11[%swap3A_969, %swap3A_970], %broadcast_in_dim3A_967 {strides = array<i32>} : memref<22x16xf32, #tpu.memory_space<vmem>>, vector<16xf32>,
          %broadcast_in_dim3A_972 = arith.constant 0.000000e+00 : f32
          %broadcast_in_dim3A_973 = vector.broadcast %broadcast_in_dim3A_972 : f32 to vector<16xf32>
          %swap3A_974 = arith.constant 10 : i32
          %swap3A_975 = arith.index_cast %swap3A_974 : i32 to index
          %swap3A_976 = arith.constant 0 : index
          %swap3A_977 = tpu.vector_load %arg11[%swap3A_975, %swap3A_976] {strides = array<i32>} : memref<22x16xf32, #tpu.memory_space<vmem>>, vector<16xf32>,
          tpu.vector_store %arg11[%swap3A_975, %swap3A_976], %broadcast_in_dim3A_973 {strides = array<i32>} : memref<22x16xf32, #tpu.memory_space<vmem>>, vector<16xf32>,
          %broadcast_in_dim3A_978 = arith.constant 0.000000e+00 : f32
          %broadcast_in_dim3A_979 = vector.broadcast %broadcast_in_dim3A_978 : f32 to vector<16xf32>
          %swap3A_980 = arith.constant 11 : i32
          %swap3A_981 = arith.index_cast %swap3A_980 : i32 to index
          %swap3A_982 = arith.constant 0 : index
          %swap3A_983 = tpu.vector_load %arg11[%swap3A_981, %swap3A_982] {strides = array<i32>} : memref<22x16xf32, #tpu.memory_space<vmem>>, vector<16xf32>,
          tpu.vector_store %arg11[%swap3A_981, %swap3A_982], %broadcast_in_dim3A_979 {strides = array<i32>} : memref<22x16xf32, #tpu.memory_space<vmem>>, vector<16xf32>,
          %broadcast_in_dim3A_984 = arith.constant 0.000000e+00 : f32
          %broadcast_in_dim3A_985 = vector.broadcast %broadcast_in_dim3A_984 : f32 to vector<16xf32>
          %swap3A_986 = arith.constant 12 : i32
          %swap3A_987 = arith.index_cast %swap3A_986 : i32 to index
          %swap3A_988 = arith.constant 0 : index
          %swap3A_989 = tpu.vector_load %arg11[%swap3A_987, %swap3A_988] {strides = array<i32>} : memref<22x16xf32, #tpu.memory_space<vmem>>, vector<16xf32>,
          tpu.vector_store %arg11[%swap3A_987, %swap3A_988], %broadcast_in_dim3A_985 {strides = array<i32>} : memref<22x16xf32, #tpu.memory_space<vmem>>, vector<16xf32>,
          %broadcast_in_dim3A_990 = arith.constant 0.000000e+00 : f32
          %broadcast_in_dim3A_991 = vector.broadcast %broadcast_in_dim3A_990 : f32 to vector<16xf32>
          %swap3A_992 = arith.constant 13 : i32
          %swap3A_993 = arith.index_cast %swap3A_992 : i32 to index
          %swap3A_994 = arith.constant 0 : index
          %swap3A_995 = tpu.vector_load %arg11[%swap3A_993, %swap3A_994] {strides = array<i32>} : memref<22x16xf32, #tpu.memory_space<vmem>>, vector<16xf32>,
          tpu.vector_store %arg11[%swap3A_993, %swap3A_994], %broadcast_in_dim3A_991 {strides = array<i32>} : memref<22x16xf32, #tpu.memory_space<vmem>>, vector<16xf32>,
          %broadcast_in_dim3A_996 = arith.constant 0.000000e+00 : f32
          %broadcast_in_dim3A_997 = vector.broadcast %broadcast_in_dim3A_996 : f32 to vector<16xf32>
          %swap3A_998 = arith.constant 14 : i32
          %swap3A_999 = arith.index_cast %swap3A_998 : i32 to index
          %swap3A_1000 = arith.constant 0 : index
          %swap3A_1001 = tpu.vector_load %arg11[%swap3A_999, %swap3A_1000] {strides = array<i32>} : memref<22x16xf32, #tpu.memory_space<vmem>>, vector<16xf32>,
          tpu.vector_store %arg11[%swap3A_999, %swap3A_1000], %broadcast_in_dim3A_997 {strides = array<i32>} : memref<22x16xf32, #tpu.memory_space<vmem>>, vector<16xf32>,
          %broadcast_in_dim3A_1002 = arith.constant 0.000000e+00 : f32
          %broadcast_in_dim3A_1003 = vector.broadcast %broadcast_in_dim3A_1002 : f32 to vector<16xf32>
          %swap3A_1004 = arith.constant 15 : i32
          %swap3A_1005 = arith.index_cast %swap3A_1004 : i32 to index
          %swap3A_1006 = arith.constant 0 : index
          %swap3A_1007 = tpu.vector_load %arg11[%swap3A_1005, %swap3A_1006] {strides = array<i32>} : memref<22x16xf32, #tpu.memory_space<vmem>>, vector<16xf32>,
          tpu.vector_store %arg11[%swap3A_1005, %swap3A_1006], %broadcast_in_dim3A_1003 {strides = array<i32>} : memref<22x16xf32, #tpu.memory_space<vmem>>, vector<16xf32>,
          %broadcast_in_dim3A_1008 = arith.constant 0.000000e+00 : f32
          %broadcast_in_dim3A_1009 = vector.broadcast %broadcast_in_dim3A_1008 : f32 to vector<16xf32>
          %swap3A_1010 = arith.constant 16 : i32
          %swap3A_1011 = arith.index_cast %swap3A_1010 : i32 to index
          %swap3A_1012 = arith.constant 0 : index
          %swap3A_1013 = tpu.vector_load %arg11[%swap3A_1011, %swap3A_1012] {strides = array<i32>} : memref<22x16xf32, #tpu.memory_space<vmem>>, vector<16xf32>,
          tpu.vector_store %arg11[%swap3A_1011, %swap3A_1012], %broadcast_in_dim3A_1009 {strides = array<i32>} : memref<22x16xf32, #tpu.memory_space<vmem>>, vector<16xf32>,
          %broadcast_in_dim3A_1014 = arith.constant 0.000000e+00 : f32
          %broadcast_in_dim3A_1015 = vector.broadcast %broadcast_in_dim3A_1014 : f32 to vector<16xf32>
          %swap3A_1016 = arith.constant 17 : i32
          %swap3A_1017 = arith.index_cast %swap3A_1016 : i32 to index
          %swap3A_1018 = arith.constant 0 : index
          %swap3A_1019 = tpu.vector_load %arg11[%swap3A_1017, %swap3A_1018] {strides = array<i32>} : memref<22x16xf32, #tpu.memory_space<vmem>>, vector<16xf32>,
          tpu.vector_store %arg11[%swap3A_1017, %swap3A_1018], %broadcast_in_dim3A_1015 {strides = array<i32>} : memref<22x16xf32, #tpu.memory_space<vmem>>, vector<16xf32>,
          %broadcast_in_dim3A_1020 = arith.constant 0.000000e+00 : f32
          %broadcast_in_dim3A_1021 = vector.broadcast %broadcast_in_dim3A_1020 : f32 to vector<16xf32>
          %swap3A_1022 = arith.constant 18 : i32
          %swap3A_1023 = arith.index_cast %swap3A_1022 : i32 to index
          %swap3A_1024 = arith.constant 0 : index
          %swap3A_1025 = tpu.vector_load %arg11[%swap3A_1023, %swap3A_1024] {strides = array<i32>} : memref<22x16xf32, #tpu.memory_space<vmem>>, vector<16xf32>,
          tpu.vector_store %arg11[%swap3A_1023, %swap3A_1024], %broadcast_in_dim3A_1021 {strides = array<i32>} : memref<22x16xf32, #tpu.memory_space<vmem>>, vector<16xf32>,
          %broadcast_in_dim3A_1026 = arith.constant 0.000000e+00 : f32
          %broadcast_in_dim3A_1027 = vector.broadcast %broadcast_in_dim3A_1026 : f32 to vector<16xf32>
          %swap3A_1028 = arith.constant 19 : i32
          %swap3A_1029 = arith.index_cast %swap3A_1028 : i32 to index
          %swap3A_1030 = arith.constant 0 : index
          %swap3A_1031 = tpu.vector_load %arg11[%swap3A_1029, %swap3A_1030] {strides = array<i32>} : memref<22x16xf32, #tpu.memory_space<vmem>>, vector<16xf32>,
          tpu.vector_store %arg11[%swap3A_1029, %swap3A_1030], %broadcast_in_dim3A_1027 {strides = array<i32>} : memref<22x16xf32, #tpu.memory_space<vmem>>, vector<16xf32>,
          %broadcast_in_dim3A_1032 = arith.constant 0.000000e+00 : f32
          %broadcast_in_dim3A_1033 = vector.broadcast %broadcast_in_dim3A_1032 : f32 to vector<16xf32>
          %swap3A_1034 = arith.constant 20 : i32
          %swap3A_1035 = arith.index_cast %swap3A_1034 : i32 to index
          %swap3A_1036 = arith.constant 0 : index
          %swap3A_1037 = tpu.vector_load %arg11[%swap3A_1035, %swap3A_1036] {strides = array<i32>} : memref<22x16xf32, #tpu.memory_space<vmem>>, vector<16xf32>,
          tpu.vector_store %arg11[%swap3A_1035, %swap3A_1036], %broadcast_in_dim3A_1033 {strides = array<i32>} : memref<22x16xf32, #tpu.memory_space<vmem>>, vector<16xf32>,
          %broadcast_in_dim3A_1038 = arith.constant 0.000000e+00 : f32
          %broadcast_in_dim3A_1039 = vector.broadcast %broadcast_in_dim3A_1038 : f32 to vector<16xf32>
          %swap3A_1040 = arith.constant 21 : i32
          %swap3A_1041 = arith.index_cast %swap3A_1040 : i32 to index
          %swap3A_1042 = arith.constant 0 : index
          %swap3A_1043 = tpu.vector_load %arg11[%swap3A_1041, %swap3A_1042] {strides = array<i32>} : memref<22x16xf32, #tpu.memory_space<vmem>>, vector<16xf32>,
          tpu.vector_store %arg11[%swap3A_1041, %swap3A_1042], %broadcast_in_dim3A_1039 {strides = array<i32>} : memref<22x16xf32, #tpu.memory_space<vmem>>, vector<16xf32>,
          %add3A_1044 = arith.constant 1 : i32
          %add3A_1045 = arith.addi %scan3A_558, %add3A_1044 : i32
          %while3A_1046 = arith.constant 0 : i32
          %while3A_1047 = arith.subi %squeeze3A_566, %add3A_1045 : i32
          %while3A_1048 = arith.addi %add3A_1045, %while3A_1047 : i32
          %while3A_1049 = arith.constant 1 : i32
          %while3A_1050 = arith.divsi %while3A_1047, %while3A_1049 : i32
          %while3A_1051 = arith.muli %while3A_1050, %while3A_1049 : i32
          %while3A_1052 = arith.addi %add3A_1045, %while3A_1051 : i32
          %while3A_1053 = arith.constant 1 : i32
          scf.for %while3A_1055 = %add3A_1045 to %while3A_1052 step %while3A_1053  : i32 {
            "tpu.region"() ({
              %run_scoped3A = tpu.sem_alloc : memref<!tpu.dma_semaphore, #tpu.memory_space<semaphore_mem>>
              %dma_start3A_1056 = arith.constant 0 : i32
              %dma_start3A_1057 = arith.constant 0 : i32
              %dma_start3A_1058 = tpu.memref_slice %arg13[%dma_start3A_1056, %dma_start3A_1057] : memref<22x16xf32, #tpu.memory_space<vmem>> -> memref<2x16xf32, #tpu.memory_space<vmem>>
              %dma_start3A_1059 = arith.constant 0 : i32
              %dma_start3A_1060 = arith.constant 0 : i32
              %dma_start3A_1061 = tpu.memref_slice %arg5[%while3A_1055, %dma_start3A_1059, %dma_start3A_1060] : memref<10000x2x16xf32, #tpu.memory_space<hbm>> -> memref<1x2x16xf32, #tpu.memory_space<hbm>>
              %dma_start3A_1062 = tpu.memref_squeeze %dma_start3A_1061 : memref<1x2x16xf32, #tpu.memory_space<hbm>> -> memref<2x16xf32, #tpu.memory_space<hbm>>
              %dma_start3A_1063 = arith.constant 0 : i32
              %dma_start3A_1064 = arith.constant 0 : i32
              %dma_start3A_1065 = tpu.memref_slice %arg5[%while3A_1055, %dma_start3A_1063, %dma_start3A_1064] : memref<10000x2x16xf32, #tpu.memory_space<hbm>> -> memref<1x2x16xf32, #tpu.memory_space<hbm>>
              %dma_start3A_1066 = tpu.memref_squeeze %dma_start3A_1065 : memref<1x2x16xf32, #tpu.memory_space<hbm>> -> memref<2x16xf32, #tpu.memory_space<hbm>>
              %dma_start3A_1067 = arith.constant 0 : i32
              %dma_start3A_1068 = arith.constant 0 : i32
              %dma_start3A_1069 = tpu.memref_slice %arg13[%dma_start3A_1067, %dma_start3A_1068] : memref<22x16xf32, #tpu.memory_space<vmem>> -> memref<2x16xf32, #tpu.memory_space<vmem>>
              tpu.enqueue_dma source(%dma_start3A_1069 : memref<2x16xf32, #tpu.memory_space<vmem>>) target(%dma_start3A_1066 : memref<2x16xf32, #tpu.memory_space<hbm>>) target_semaphore(%run_scoped3A : memref<!tpu.dma_semaphore, #tpu.memory_space<semaphore_mem>>)
              %dma_wait3A_1070 = arith.constant 0 : i32
              %dma_wait3A_1071 = arith.constant 0 : i32
              %dma_wait3A_1072 = tpu.memref_slice %arg13[%dma_wait3A_1070, %dma_wait3A_1071] : memref<22x16xf32, #tpu.memory_space<vmem>> -> memref<2x16xf32, #tpu.memory_space<vmem>>
              %dma_wait3A_1073 = arith.constant 0 : i32
              %dma_wait3A_1074 = arith.constant 0 : i32
              %dma_wait3A_1075 = tpu.memref_slice %arg5[%while3A_1055, %dma_wait3A_1073, %dma_wait3A_1074] : memref<10000x2x16xf32, #tpu.memory_space<hbm>> -> memref<1x2x16xf32, #tpu.memory_space<hbm>>
              %dma_wait3A_1076 = tpu.memref_squeeze %dma_wait3A_1075 : memref<1x2x16xf32, #tpu.memory_space<hbm>> -> memref<2x16xf32, #tpu.memory_space<hbm>>
              %dma_wait3A_1077 = arith.constant 0 : i32
              %dma_wait3A_1078 = arith.constant 0 : i32
              %dma_wait3A_1079 = tpu.memref_slice %arg5[%while3A_1055, %dma_wait3A_1077, %dma_wait3A_1078] : memref<10000x2x16xf32, #tpu.memory_space<hbm>> -> memref<1x2x16xf32, #tpu.memory_space<hbm>>
              %dma_wait3A_1080 = tpu.memref_squeeze %dma_wait3A_1079 : memref<1x2x16xf32, #tpu.memory_space<hbm>> -> memref<2x16xf32, #tpu.memory_space<hbm>>
              %dma_wait3A_1081 = arith.constant 0 : i32
              %dma_wait3A_1082 = arith.constant 0 : i32
              %dma_wait3A_1083 = tpu.memref_slice %arg13[%dma_wait3A_1081, %dma_wait3A_1082] : memref<22x16xf32, #tpu.memory_space<vmem>> -> memref<2x16xf32, #tpu.memory_space<vmem>>
              tpu.wait_dma2 semaphore(%run_scoped3A : memref<!tpu.dma_semaphore, #tpu.memory_space<semaphore_mem>>) src(%dma_wait3A_1083 : memref<2x16xf32, #tpu.memory_space<vmem>>) dst(%dma_wait3A_1080 : memref<2x16xf32, #tpu.memory_space<hbm>>)
              tpu.yield
            }) : () -> ()
          }
          %while3A_1054 = arith.constant 1 : i32
          scf.for %while3A_1055 = %while3A_1052 to %while3A_1048 step %while3A_1054  : i32 {
            "tpu.region"() ({
              %run_scoped3A = tpu.sem_alloc : memref<!tpu.dma_semaphore, #tpu.memory_space<semaphore_mem>>
              %dma_start3A_1056 = arith.constant 0 : i32
              %dma_start3A_1057 = arith.constant 0 : i32
              %dma_start3A_1058 = tpu.memref_slice %arg13[%dma_start3A_1056, %dma_start3A_1057] : memref<22x16xf32, #tpu.memory_space<vmem>> -> memref<2x16xf32, #tpu.memory_space<vmem>>
              %dma_start3A_1059 = arith.constant 0 : i32
              %dma_start3A_1060 = arith.constant 0 : i32
              %dma_start3A_1061 = tpu.memref_slice %arg5[%while3A_1055, %dma_start3A_1059, %dma_start3A_1060] : memref<10000x2x16xf32, #tpu.memory_space<hbm>> -> memref<1x2x16xf32, #tpu.memory_space<hbm>>
              %dma_start3A_1062 = tpu.memref_squeeze %dma_start3A_1061 : memref<1x2x16xf32, #tpu.memory_space<hbm>> -> memref<2x16xf32, #tpu.memory_space<hbm>>
              %dma_start3A_1063 = arith.constant 0 : i32
              %dma_start3A_1064 = arith.constant 0 : i32
              %dma_start3A_1065 = tpu.memref_slice %arg5[%while3A_1055, %dma_start3A_1063, %dma_start3A_1064] : memref<10000x2x16xf32, #tpu.memory_space<hbm>> -> memref<1x2x16xf32, #tpu.memory_space<hbm>>
              %dma_start3A_1066 = tpu.memref_squeeze %dma_start3A_1065 : memref<1x2x16xf32, #tpu.memory_space<hbm>> -> memref<2x16xf32, #tpu.memory_space<hbm>>
              %dma_start3A_1067 = arith.constant 0 : i32
              %dma_start3A_1068 = arith.constant 0 : i32
              %dma_start3A_1069 = tpu.memref_slice %arg13[%dma_start3A_1067, %dma_start3A_1068] : memref<22x16xf32, #tpu.memory_space<vmem>> -> memref<2x16xf32, #tpu.memory_space<vmem>>
              tpu.enqueue_dma source(%dma_start3A_1069 : memref<2x16xf32, #tpu.memory_space<vmem>>) target(%dma_start3A_1066 : memref<2x16xf32, #tpu.memory_space<hbm>>) target_semaphore(%run_scoped3A : memref<!tpu.dma_semaphore, #tpu.memory_space<semaphore_mem>>)
              %dma_wait3A_1070 = arith.constant 0 : i32
              %dma_wait3A_1071 = arith.constant 0 : i32
              %dma_wait3A_1072 = tpu.memref_slice %arg13[%dma_wait3A_1070, %dma_wait3A_1071] : memref<22x16xf32, #tpu.memory_space<vmem>> -> memref<2x16xf32, #tpu.memory_space<vmem>>
              %dma_wait3A_1073 = arith.constant 0 : i32
              %dma_wait3A_1074 = arith.constant 0 : i32
              %dma_wait3A_1075 = tpu.memref_slice %arg5[%while3A_1055, %dma_wait3A_1073, %dma_wait3A_1074] : memref<10000x2x16xf32, #tpu.memory_space<hbm>> -> memref<1x2x16xf32, #tpu.memory_space<hbm>>
              %dma_wait3A_1076 = tpu.memref_squeeze %dma_wait3A_1075 : memref<1x2x16xf32, #tpu.memory_space<hbm>> -> memref<2x16xf32, #tpu.memory_space<hbm>>
              %dma_wait3A_1077 = arith.constant 0 : i32
              %dma_wait3A_1078 = arith.constant 0 : i32
              %dma_wait3A_1079 = tpu.memref_slice %arg5[%while3A_1055, %dma_wait3A_1077, %dma_wait3A_1078] : memref<10000x2x16xf32, #tpu.memory_space<hbm>> -> memref<1x2x16xf32, #tpu.memory_space<hbm>>
              %dma_wait3A_1080 = tpu.memref_squeeze %dma_wait3A_1079 : memref<1x2x16xf32, #tpu.memory_space<hbm>> -> memref<2x16xf32, #tpu.memory_space<hbm>>
              %dma_wait3A_1081 = arith.constant 0 : i32
              %dma_wait3A_1082 = arith.constant 0 : i32
              %dma_wait3A_1083 = tpu.memref_slice %arg13[%dma_wait3A_1081, %dma_wait3A_1082] : memref<22x16xf32, #tpu.memory_space<vmem>> -> memref<2x16xf32, #tpu.memory_space<vmem>>
              tpu.wait_dma2 semaphore(%run_scoped3A : memref<!tpu.dma_semaphore, #tpu.memory_space<semaphore_mem>>) src(%dma_wait3A_1083 : memref<2x16xf32, #tpu.memory_space<vmem>>) dst(%dma_wait3A_1080 : memref<2x16xf32, #tpu.memory_space<hbm>>)
              tpu.yield
            }) : () -> ()
          }
        } else {
        }
        %broadcast_in_dim3A_571 = vector.broadcast %scan3A_557 : i32 to vector<16xi32>
        %broadcast_in_dim3A_572 = arith.constant 0 : i32
        %broadcast_in_dim3A_573 = vector.broadcast %broadcast_in_dim3A_572 : i32 to vector<16xi32>
        %gather3A = arith.constant 0 : i32
        %gather3A_574 = arith.constant 0 : i32
        %gather3A_575 = arith.constant 0 : i32
        %gather3A_576 = arith.constant 0 : i32
        %gather3A_577 = arith.constant 0 : i32
        %gather3A_578 = arith.constant 0 : i32
        %gather3A_579 = tpu.memref_slice %arg9[%gather3A, %gather3A_574, %gather3A_575, %gather3A_576, %gather3A_577, %gather3A_578] : memref<2x9x2x1x8x128xf32, #tpu.memory_space<vmem>> -> memref<1x9x2x1x8x128xf32, #tpu.memory_space<vmem>>
        %gather3A_580 = tpu.memref_squeeze %gather3A_579 : memref<1x9x2x1x8x128xf32, #tpu.memory_space<vmem>> -> memref<9x2x1x8x128xf32, #tpu.memory_space<vmem>>
        %gather3A_581 = tpu.vector_load_idx %gather3A_580[%broadcast_in_dim3A_573, %select_n3A_218, %broadcast_in_dim3A_241, %select_n3A_239, %broadcast_in_dim3A_571] : memref<9x2x1x8x128xf32, #tpu.memory_space<vmem>>[vector<16xi32>, vector<16xi32>, vector<16xi32>, vector<16xi32>, vector<16xi32>], vector<16xf32>,
        %swap3A_582 = arith.constant 0 : i32
        %swap3A_583 = arith.index_cast %swap3A_582 : i32 to index
        %swap3A_584 = arith.constant 0 : index
        %swap3A_585 = tpu.vector_load %arg11[%swap3A_583, %swap3A_584] {strides = array<i32>} : memref<22x16xf32, #tpu.memory_space<vmem>>, vector<16xf32>,
        tpu.vector_store %arg11[%swap3A_583, %swap3A_584], %gather3A_581 {add = true, strides = array<i32>} : memref<22x16xf32, #tpu.memory_space<vmem>>, vector<16xf32>,
        %broadcast_in_dim3A_586 = arith.constant 1 : i32
        %broadcast_in_dim3A_587 = vector.broadcast %broadcast_in_dim3A_586 : i32 to vector<16xi32>
        %gather3A_588 = arith.constant 0 : i32
        %gather3A_589 = arith.constant 0 : i32
        %gather3A_590 = arith.constant 0 : i32
        %gather3A_591 = arith.constant 0 : i32
        %gather3A_592 = arith.constant 0 : i32
        %gather3A_593 = arith.constant 0 : i32
        %gather3A_594 = tpu.memref_slice %arg9[%gather3A_588, %gather3A_589, %gather3A_590, %gather3A_591, %gather3A_592, %gather3A_593] : memref<2x9x2x1x8x128xf32, #tpu.memory_space<vmem>> -> memref<1x9x2x1x8x128xf32, #tpu.memory_space<vmem>>
        %gather3A_595 = tpu.memref_squeeze %gather3A_594 : memref<1x9x2x1x8x128xf32, #tpu.memory_space<vmem>> -> memref<9x2x1x8x128xf32, #tpu.memory_space<vmem>>
        %gather3A_596 = tpu.vector_load_idx %gather3A_595[%broadcast_in_dim3A_587, %select_n3A_218, %broadcast_in_dim3A_241, %select_n3A_239, %broadcast_in_dim3A_571] : memref<9x2x1x8x128xf32, #tpu.memory_space<vmem>>[vector<16xi32>, vector<16xi32>, vector<16xi32>, vector<16xi32>, vector<16xi32>], vector<16xf32>,
        %swap3A_597 = arith.constant 1 : i32
        %swap3A_598 = arith.index_cast %swap3A_597 : i32 to index
        %swap3A_599 = arith.constant 0 : index
        %swap3A_600 = tpu.vector_load %arg11[%swap3A_598, %swap3A_599] {strides = array<i32>} : memref<22x16xf32, #tpu.memory_space<vmem>>, vector<16xf32>,
        tpu.vector_store %arg11[%swap3A_598, %swap3A_599], %gather3A_596 {add = true, strides = array<i32>} : memref<22x16xf32, #tpu.memory_space<vmem>>, vector<16xf32>,
        %broadcast_in_dim3A_601 = arith.constant 2 : i32
        %broadcast_in_dim3A_602 = vector.broadcast %broadcast_in_dim3A_601 : i32 to vector<16xi32>
        %gather3A_603 = arith.constant 0 : i32
        %gather3A_604 = arith.constant 0 : i32
        %gather3A_605 = arith.constant 0 : i32
        %gather3A_606 = arith.constant 0 : i32
        %gather3A_607 = arith.constant 0 : i32
        %gather3A_608 = arith.constant 0 : i32
        %gather3A_609 = tpu.memref_slice %arg9[%gather3A_603, %gather3A_604, %gather3A_605, %gather3A_606, %gather3A_607, %gather3A_608] : memref<2x9x2x1x8x128xf32, #tpu.memory_space<vmem>> -> memref<1x9x2x1x8x128xf32, #tpu.memory_space<vmem>>
        %gather3A_610 = tpu.memref_squeeze %gather3A_609 : memref<1x9x2x1x8x128xf32, #tpu.memory_space<vmem>> -> memref<9x2x1x8x128xf32, #tpu.memory_space<vmem>>
        %gather3A_611 = tpu.vector_load_idx %gather3A_610[%broadcast_in_dim3A_602, %select_n3A_218, %broadcast_in_dim3A_241, %select_n3A_239, %broadcast_in_dim3A_571] : memref<9x2x1x8x128xf32, #tpu.memory_space<vmem>>[vector<16xi32>, vector<16xi32>, vector<16xi32>, vector<16xi32>, vector<16xi32>], vector<16xf32>,
        %swap3A_612 = arith.constant 2 : i32
        %swap3A_613 = arith.index_cast %swap3A_612 : i32 to index
        %swap3A_614 = arith.constant 0 : index
        %swap3A_615 = tpu.vector_load %arg11[%swap3A_613, %swap3A_614] {strides = array<i32>} : memref<22x16xf32, #tpu.memory_space<vmem>>, vector<16xf32>,
        tpu.vector_store %arg11[%swap3A_613, %swap3A_614], %gather3A_611 {add = true, strides = array<i32>} : memref<22x16xf32, #tpu.memory_space<vmem>>, vector<16xf32>,
        %broadcast_in_dim3A_616 = arith.constant 3 : i32
        %broadcast_in_dim3A_617 = vector.broadcast %broadcast_in_dim3A_616 : i32 to vector<16xi32>
        %gather3A_618 = arith.constant 0 : i32
        %gather3A_619 = arith.constant 0 : i32
        %gather3A_620 = arith.constant 0 : i32
        %gather3A_621 = arith.constant 0 : i32
        %gather3A_622 = arith.constant 0 : i32
        %gather3A_623 = arith.constant 0 : i32
        %gather3A_624 = tpu.memref_slice %arg9[%gather3A_618, %gather3A_619, %gather3A_620, %gather3A_621, %gather3A_622, %gather3A_623] : memref<2x9x2x1x8x128xf32, #tpu.memory_space<vmem>> -> memref<1x9x2x1x8x128xf32, #tpu.memory_space<vmem>>
        %gather3A_625 = tpu.memref_squeeze %gather3A_624 : memref<1x9x2x1x8x128xf32, #tpu.memory_space<vmem>> -> memref<9x2x1x8x128xf32, #tpu.memory_space<vmem>>
        %gather3A_626 = tpu.vector_load_idx %gather3A_625[%broadcast_in_dim3A_617, %select_n3A_218, %broadcast_in_dim3A_241, %select_n3A_239, %broadcast_in_dim3A_571] : memref<9x2x1x8x128xf32, #tpu.memory_space<vmem>>[vector<16xi32>, vector<16xi32>, vector<16xi32>, vector<16xi32>, vector<16xi32>], vector<16xf32>,
        %swap3A_627 = arith.constant 3 : i32
        %swap3A_628 = arith.index_cast %swap3A_627 : i32 to index
        %swap3A_629 = arith.constant 0 : index
        %swap3A_630 = tpu.vector_load %arg11[%swap3A_628, %swap3A_629] {strides = array<i32>} : memref<22x16xf32, #tpu.memory_space<vmem>>, vector<16xf32>,
        tpu.vector_store %arg11[%swap3A_628, %swap3A_629], %gather3A_626 {add = true, strides = array<i32>} : memref<22x16xf32, #tpu.memory_space<vmem>>, vector<16xf32>,
        %broadcast_in_dim3A_631 = arith.constant 4 : i32
        %broadcast_in_dim3A_632 = vector.broadcast %broadcast_in_dim3A_631 : i32 to vector<16xi32>
        %gather3A_633 = arith.constant 0 : i32
        %gather3A_634 = arith.constant 0 : i32
        %gather3A_635 = arith.constant 0 : i32
        %gather3A_636 = arith.constant 0 : i32
        %gather3A_637 = arith.constant 0 : i32
        %gather3A_638 = arith.constant 0 : i32
        %gather3A_639 = tpu.memref_slice %arg9[%gather3A_633, %gather3A_634, %gather3A_635, %gather3A_636, %gather3A_637, %gather3A_638] : memref<2x9x2x1x8x128xf32, #tpu.memory_space<vmem>> -> memref<1x9x2x1x8x128xf32, #tpu.memory_space<vmem>>
        %gather3A_640 = tpu.memref_squeeze %gather3A_639 : memref<1x9x2x1x8x128xf32, #tpu.memory_space<vmem>> -> memref<9x2x1x8x128xf32, #tpu.memory_space<vmem>>
        %gather3A_641 = tpu.vector_load_idx %gather3A_640[%broadcast_in_dim3A_632, %select_n3A_218, %broadcast_in_dim3A_241, %select_n3A_239, %broadcast_in_dim3A_571] : memref<9x2x1x8x128xf32, #tpu.memory_space<vmem>>[vector<16xi32>, vector<16xi32>, vector<16xi32>, vector<16xi32>, vector<16xi32>], vector<16xf32>,
        %swap3A_642 = arith.constant 4 : i32
        %swap3A_643 = arith.index_cast %swap3A_642 : i32 to index
        %swap3A_644 = arith.constant 0 : index
        %swap3A_645 = tpu.vector_load %arg11[%swap3A_643, %swap3A_644] {strides = array<i32>} : memref<22x16xf32, #tpu.memory_space<vmem>>, vector<16xf32>,
        tpu.vector_store %arg11[%swap3A_643, %swap3A_644], %gather3A_641 {add = true, strides = array<i32>} : memref<22x16xf32, #tpu.memory_space<vmem>>, vector<16xf32>,
        %broadcast_in_dim3A_646 = arith.constant 5 : i32
        %broadcast_in_dim3A_647 = vector.broadcast %broadcast_in_dim3A_646 : i32 to vector<16xi32>
        %gather3A_648 = arith.constant 0 : i32
        %gather3A_649 = arith.constant 0 : i32
        %gather3A_650 = arith.constant 0 : i32
        %gather3A_651 = arith.constant 0 : i32
        %gather3A_652 = arith.constant 0 : i32
        %gather3A_653 = arith.constant 0 : i32
        %gather3A_654 = tpu.memref_slice %arg9[%gather3A_648, %gather3A_649, %gather3A_650, %gather3A_651, %gather3A_652, %gather3A_653] : memref<2x9x2x1x8x128xf32, #tpu.memory_space<vmem>> -> memref<1x9x2x1x8x128xf32, #tpu.memory_space<vmem>>
        %gather3A_655 = tpu.memref_squeeze %gather3A_654 : memref<1x9x2x1x8x128xf32, #tpu.memory_space<vmem>> -> memref<9x2x1x8x128xf32, #tpu.memory_space<vmem>>
        %gather3A_656 = tpu.vector_load_idx %gather3A_655[%broadcast_in_dim3A_647, %select_n3A_218, %broadcast_in_dim3A_241, %select_n3A_239, %broadcast_in_dim3A_571] : memref<9x2x1x8x128xf32, #tpu.memory_space<vmem>>[vector<16xi32>, vector<16xi32>, vector<16xi32>, vector<16xi32>, vector<16xi32>], vector<16xf32>,
        %swap3A_657 = arith.constant 5 : i32
        %swap3A_658 = arith.index_cast %swap3A_657 : i32 to index
        %swap3A_659 = arith.constant 0 : index
        %swap3A_660 = tpu.vector_load %arg11[%swap3A_658, %swap3A_659] {strides = array<i32>} : memref<22x16xf32, #tpu.memory_space<vmem>>, vector<16xf32>,
        tpu.vector_store %arg11[%swap3A_658, %swap3A_659], %gather3A_656 {add = true, strides = array<i32>} : memref<22x16xf32, #tpu.memory_space<vmem>>, vector<16xf32>,
        %broadcast_in_dim3A_661 = arith.constant 6 : i32
        %broadcast_in_dim3A_662 = vector.broadcast %broadcast_in_dim3A_661 : i32 to vector<16xi32>
        %gather3A_663 = arith.constant 0 : i32
        %gather3A_664 = arith.constant 0 : i32
        %gather3A_665 = arith.constant 0 : i32
        %gather3A_666 = arith.constant 0 : i32
        %gather3A_667 = arith.constant 0 : i32
        %gather3A_668 = arith.constant 0 : i32
        %gather3A_669 = tpu.memref_slice %arg9[%gather3A_663, %gather3A_664, %gather3A_665, %gather3A_666, %gather3A_667, %gather3A_668] : memref<2x9x2x1x8x128xf32, #tpu.memory_space<vmem>> -> memref<1x9x2x1x8x128xf32, #tpu.memory_space<vmem>>
        %gather3A_670 = tpu.memref_squeeze %gather3A_669 : memref<1x9x2x1x8x128xf32, #tpu.memory_space<vmem>> -> memref<9x2x1x8x128xf32, #tpu.memory_space<vmem>>
        %gather3A_671 = tpu.vector_load_idx %gather3A_670[%broadcast_in_dim3A_662, %select_n3A_218, %broadcast_in_dim3A_241, %select_n3A_239, %broadcast_in_dim3A_571] : memref<9x2x1x8x128xf32, #tpu.memory_space<vmem>>[vector<16xi32>, vector<16xi32>, vector<16xi32>, vector<16xi32>, vector<16xi32>], vector<16xf32>,
        %swap3A_672 = arith.constant 6 : i32
        %swap3A_673 = arith.index_cast %swap3A_672 : i32 to index
        %swap3A_674 = arith.constant 0 : index
        %swap3A_675 = tpu.vector_load %arg11[%swap3A_673, %swap3A_674] {strides = array<i32>} : memref<22x16xf32, #tpu.memory_space<vmem>>, vector<16xf32>,
        tpu.vector_store %arg11[%swap3A_673, %swap3A_674], %gather3A_671 {add = true, strides = array<i32>} : memref<22x16xf32, #tpu.memory_space<vmem>>, vector<16xf32>,
        %broadcast_in_dim3A_676 = arith.constant 7 : i32
        %broadcast_in_dim3A_677 = vector.broadcast %broadcast_in_dim3A_676 : i32 to vector<16xi32>
        %gather3A_678 = arith.constant 0 : i32
        %gather3A_679 = arith.constant 0 : i32
        %gather3A_680 = arith.constant 0 : i32
        %gather3A_681 = arith.constant 0 : i32
        %gather3A_682 = arith.constant 0 : i32
        %gather3A_683 = arith.constant 0 : i32
        %gather3A_684 = tpu.memref_slice %arg9[%gather3A_678, %gather3A_679, %gather3A_680, %gather3A_681, %gather3A_682, %gather3A_683] : memref<2x9x2x1x8x128xf32, #tpu.memory_space<vmem>> -> memref<1x9x2x1x8x128xf32, #tpu.memory_space<vmem>>
        %gather3A_685 = tpu.memref_squeeze %gather3A_684 : memref<1x9x2x1x8x128xf32, #tpu.memory_space<vmem>> -> memref<9x2x1x8x128xf32, #tpu.memory_space<vmem>>
        %gather3A_686 = tpu.vector_load_idx %gather3A_685[%broadcast_in_dim3A_677, %select_n3A_218, %broadcast_in_dim3A_241, %select_n3A_239, %broadcast_in_dim3A_571] : memref<9x2x1x8x128xf32, #tpu.memory_space<vmem>>[vector<16xi32>, vector<16xi32>, vector<16xi32>, vector<16xi32>, vector<16xi32>], vector<16xf32>,
        %swap3A_687 = arith.constant 7 : i32
        %swap3A_688 = arith.index_cast %swap3A_687 : i32 to index
        %swap3A_689 = arith.constant 0 : index
        %swap3A_690 = tpu.vector_load %arg11[%swap3A_688, %swap3A_689] {strides = array<i32>} : memref<22x16xf32, #tpu.memory_space<vmem>>, vector<16xf32>,
        tpu.vector_store %arg11[%swap3A_688, %swap3A_689], %gather3A_686 {add = true, strides = array<i32>} : memref<22x16xf32, #tpu.memory_space<vmem>>, vector<16xf32>,
        %broadcast_in_dim3A_691 = arith.constant 8 : i32
        %broadcast_in_dim3A_692 = vector.broadcast %broadcast_in_dim3A_691 : i32 to vector<16xi32>
        %gather3A_693 = arith.constant 0 : i32
        %gather3A_694 = arith.constant 0 : i32
        %gather3A_695 = arith.constant 0 : i32
        %gather3A_696 = arith.constant 0 : i32
        %gather3A_697 = arith.constant 0 : i32
        %gather3A_698 = arith.constant 0 : i32
        %gather3A_699 = tpu.memref_slice %arg9[%gather3A_693, %gather3A_694, %gather3A_695, %gather3A_696, %gather3A_697, %gather3A_698] : memref<2x9x2x1x8x128xf32, #tpu.memory_space<vmem>> -> memref<1x9x2x1x8x128xf32, #tpu.memory_space<vmem>>
        %gather3A_700 = tpu.memref_squeeze %gather3A_699 : memref<1x9x2x1x8x128xf32, #tpu.memory_space<vmem>> -> memref<9x2x1x8x128xf32, #tpu.memory_space<vmem>>
        %gather3A_701 = tpu.vector_load_idx %gather3A_700[%broadcast_in_dim3A_692, %select_n3A_218, %broadcast_in_dim3A_241, %select_n3A_239, %broadcast_in_dim3A_571] : memref<9x2x1x8x128xf32, #tpu.memory_space<vmem>>[vector<16xi32>, vector<16xi32>, vector<16xi32>, vector<16xi32>, vector<16xi32>], vector<16xf32>,
        %swap3A_702 = arith.constant 8 : i32
        %swap3A_703 = arith.index_cast %swap3A_702 : i32 to index
        %swap3A_704 = arith.constant 0 : index
        %swap3A_705 = tpu.vector_load %arg11[%swap3A_703, %swap3A_704] {strides = array<i32>} : memref<22x16xf32, #tpu.memory_space<vmem>>, vector<16xf32>,
        tpu.vector_store %arg11[%swap3A_703, %swap3A_704], %gather3A_701 {add = true, strides = array<i32>} : memref<22x16xf32, #tpu.memory_space<vmem>>, vector<16xf32>,
        %broadcast_in_dim3A_706 = arith.constant 0 : i32
        %broadcast_in_dim3A_707 = vector.broadcast %broadcast_in_dim3A_706 : i32 to vector<16xi32>
        %gather3A_708 = arith.constant 0 : i32
        %gather3A_709 = arith.constant 0 : i32
        %gather3A_710 = arith.constant 0 : i32
        %gather3A_711 = arith.constant 0 : i32
        %gather3A_712 = arith.constant 0 : i32
        %gather3A_713 = arith.constant 0 : i32
        %gather3A_714 = tpu.memref_slice %arg10[%gather3A_708, %gather3A_709, %gather3A_710, %gather3A_711, %gather3A_712, %gather3A_713] : memref<2x13x2x1x8x128xf32, #tpu.memory_space<vmem>> -> memref<1x13x2x1x8x128xf32, #tpu.memory_space<vmem>>
        %gather3A_715 = tpu.memref_squeeze %gather3A_714 : memref<1x13x2x1x8x128xf32, #tpu.memory_space<vmem>> -> memref<13x2x1x8x128xf32, #tpu.memory_space<vmem>>
        %gather3A_716 = tpu.vector_load_idx %gather3A_715[%broadcast_in_dim3A_707, %select_n3A_218, %broadcast_in_dim3A_241, %select_n3A_239, %broadcast_in_dim3A_571] : memref<13x2x1x8x128xf32, #tpu.memory_space<vmem>>[vector<16xi32>, vector<16xi32>, vector<16xi32>, vector<16xi32>, vector<16xi32>], vector<16xf32>,
        %swap3A_717 = arith.constant 9 : i32
        %swap3A_718 = arith.index_cast %swap3A_717 : i32 to index
        %swap3A_719 = arith.constant 0 : index
        %swap3A_720 = tpu.vector_load %arg11[%swap3A_718, %swap3A_719] {strides = array<i32>} : memref<22x16xf32, #tpu.memory_space<vmem>>, vector<16xf32>,
        tpu.vector_store %arg11[%swap3A_718, %swap3A_719], %gather3A_716 {add = true, strides = array<i32>} : memref<22x16xf32, #tpu.memory_space<vmem>>, vector<16xf32>,
        %broadcast_in_dim3A_721 = arith.constant 1 : i32
        %broadcast_in_dim3A_722 = vector.broadcast %broadcast_in_dim3A_721 : i32 to vector<16xi32>
        %gather3A_723 = arith.constant 0 : i32
        %gather3A_724 = arith.constant 0 : i32
        %gather3A_725 = arith.constant 0 : i32
        %gather3A_726 = arith.constant 0 : i32
        %gather3A_727 = arith.constant 0 : i32
        %gather3A_728 = arith.constant 0 : i32
        %gather3A_729 = tpu.memref_slice %arg10[%gather3A_723, %gather3A_724, %gather3A_725, %gather3A_726, %gather3A_727, %gather3A_728] : memref<2x13x2x1x8x128xf32, #tpu.memory_space<vmem>> -> memref<1x13x2x1x8x128xf32, #tpu.memory_space<vmem>>
        %gather3A_730 = tpu.memref_squeeze %gather3A_729 : memref<1x13x2x1x8x128xf32, #tpu.memory_space<vmem>> -> memref<13x2x1x8x128xf32, #tpu.memory_space<vmem>>
        %gather3A_731 = tpu.vector_load_idx %gather3A_730[%broadcast_in_dim3A_722, %select_n3A_218, %broadcast_in_dim3A_241, %select_n3A_239, %broadcast_in_dim3A_571] : memref<13x2x1x8x128xf32, #tpu.memory_space<vmem>>[vector<16xi32>, vector<16xi32>, vector<16xi32>, vector<16xi32>, vector<16xi32>], vector<16xf32>,
        %swap3A_732 = arith.constant 10 : i32
        %swap3A_733 = arith.index_cast %swap3A_732 : i32 to index
        %swap3A_734 = arith.constant 0 : index
        %swap3A_735 = tpu.vector_load %arg11[%swap3A_733, %swap3A_734] {strides = array<i32>} : memref<22x16xf32, #tpu.memory_space<vmem>>, vector<16xf32>,
        tpu.vector_store %arg11[%swap3A_733, %swap3A_734], %gather3A_731 {add = true, strides = array<i32>} : memref<22x16xf32, #tpu.memory_space<vmem>>, vector<16xf32>,
        %broadcast_in_dim3A_736 = arith.constant 2 : i32
        %broadcast_in_dim3A_737 = vector.broadcast %broadcast_in_dim3A_736 : i32 to vector<16xi32>
        %gather3A_738 = arith.constant 0 : i32
        %gather3A_739 = arith.constant 0 : i32
        %gather3A_740 = arith.constant 0 : i32
        %gather3A_741 = arith.constant 0 : i32
        %gather3A_742 = arith.constant 0 : i32
        %gather3A_743 = arith.constant 0 : i32
        %gather3A_744 = tpu.memref_slice %arg10[%gather3A_738, %gather3A_739, %gather3A_740, %gather3A_741, %gather3A_742, %gather3A_743] : memref<2x13x2x1x8x128xf32, #tpu.memory_space<vmem>> -> memref<1x13x2x1x8x128xf32, #tpu.memory_space<vmem>>
        %gather3A_745 = tpu.memref_squeeze %gather3A_744 : memref<1x13x2x1x8x128xf32, #tpu.memory_space<vmem>> -> memref<13x2x1x8x128xf32, #tpu.memory_space<vmem>>
        %gather3A_746 = tpu.vector_load_idx %gather3A_745[%broadcast_in_dim3A_737, %select_n3A_218, %broadcast_in_dim3A_241, %select_n3A_239, %broadcast_in_dim3A_571] : memref<13x2x1x8x128xf32, #tpu.memory_space<vmem>>[vector<16xi32>, vector<16xi32>, vector<16xi32>, vector<16xi32>, vector<16xi32>], vector<16xf32>,
        %swap3A_747 = arith.constant 11 : i32
        %swap3A_748 = arith.index_cast %swap3A_747 : i32 to index
        %swap3A_749 = arith.constant 0 : index
        %swap3A_750 = tpu.vector_load %arg11[%swap3A_748, %swap3A_749] {strides = array<i32>} : memref<22x16xf32, #tpu.memory_space<vmem>>, vector<16xf32>,
        tpu.vector_store %arg11[%swap3A_748, %swap3A_749], %gather3A_746 {add = true, strides = array<i32>} : memref<22x16xf32, #tpu.memory_space<vmem>>, vector<16xf32>,
        %broadcast_in_dim3A_751 = arith.constant 3 : i32
        %broadcast_in_dim3A_752 = vector.broadcast %broadcast_in_dim3A_751 : i32 to vector<16xi32>
        %gather3A_753 = arith.constant 0 : i32
        %gather3A_754 = arith.constant 0 : i32
        %gather3A_755 = arith.constant 0 : i32
        %gather3A_756 = arith.constant 0 : i32
        %gather3A_757 = arith.constant 0 : i32
        %gather3A_758 = arith.constant 0 : i32
        %gather3A_759 = tpu.memref_slice %arg10[%gather3A_753, %gather3A_754, %gather3A_755, %gather3A_756, %gather3A_757, %gather3A_758] : memref<2x13x2x1x8x128xf32, #tpu.memory_space<vmem>> -> memref<1x13x2x1x8x128xf32, #tpu.memory_space<vmem>>
        %gather3A_760 = tpu.memref_squeeze %gather3A_759 : memref<1x13x2x1x8x128xf32, #tpu.memory_space<vmem>> -> memref<13x2x1x8x128xf32, #tpu.memory_space<vmem>>
        %gather3A_761 = tpu.vector_load_idx %gather3A_760[%broadcast_in_dim3A_752, %select_n3A_218, %broadcast_in_dim3A_241, %select_n3A_239, %broadcast_in_dim3A_571] : memref<13x2x1x8x128xf32, #tpu.memory_space<vmem>>[vector<16xi32>, vector<16xi32>, vector<16xi32>, vector<16xi32>, vector<16xi32>], vector<16xf32>,
        %swap3A_762 = arith.constant 12 : i32
        %swap3A_763 = arith.index_cast %swap3A_762 : i32 to index
        %swap3A_764 = arith.constant 0 : index
        %swap3A_765 = tpu.vector_load %arg11[%swap3A_763, %swap3A_764] {strides = array<i32>} : memref<22x16xf32, #tpu.memory_space<vmem>>, vector<16xf32>,
        tpu.vector_store %arg11[%swap3A_763, %swap3A_764], %gather3A_761 {add = true, strides = array<i32>} : memref<22x16xf32, #tpu.memory_space<vmem>>, vector<16xf32>,
        %broadcast_in_dim3A_766 = arith.constant 4 : i32
        %broadcast_in_dim3A_767 = vector.broadcast %broadcast_in_dim3A_766 : i32 to vector<16xi32>
        %gather3A_768 = arith.constant 0 : i32
        %gather3A_769 = arith.constant 0 : i32
        %gather3A_770 = arith.constant 0 : i32
        %gather3A_771 = arith.constant 0 : i32
        %gather3A_772 = arith.constant 0 : i32
        %gather3A_773 = arith.constant 0 : i32
        %gather3A_774 = tpu.memref_slice %arg10[%gather3A_768, %gather3A_769, %gather3A_770, %gather3A_771, %gather3A_772, %gather3A_773] : memref<2x13x2x1x8x128xf32, #tpu.memory_space<vmem>> -> memref<1x13x2x1x8x128xf32, #tpu.memory_space<vmem>>
        %gather3A_775 = tpu.memref_squeeze %gather3A_774 : memref<1x13x2x1x8x128xf32, #tpu.memory_space<vmem>> -> memref<13x2x1x8x128xf32, #tpu.memory_space<vmem>>
        %gather3A_776 = tpu.vector_load_idx %gather3A_775[%broadcast_in_dim3A_767, %select_n3A_218, %broadcast_in_dim3A_241, %select_n3A_239, %broadcast_in_dim3A_571] : memref<13x2x1x8x128xf32, #tpu.memory_space<vmem>>[vector<16xi32>, vector<16xi32>, vector<16xi32>, vector<16xi32>, vector<16xi32>], vector<16xf32>,
        %swap3A_777 = arith.constant 13 : i32
        %swap3A_778 = arith.index_cast %swap3A_777 : i32 to index
        %swap3A_779 = arith.constant 0 : index
        %swap3A_780 = tpu.vector_load %arg11[%swap3A_778, %swap3A_779] {strides = array<i32>} : memref<22x16xf32, #tpu.memory_space<vmem>>, vector<16xf32>,
        tpu.vector_store %arg11[%swap3A_778, %swap3A_779], %gather3A_776 {add = true, strides = array<i32>} : memref<22x16xf32, #tpu.memory_space<vmem>>, vector<16xf32>,
        %broadcast_in_dim3A_781 = arith.constant 5 : i32
        %broadcast_in_dim3A_782 = vector.broadcast %broadcast_in_dim3A_781 : i32 to vector<16xi32>
        %gather3A_783 = arith.constant 0 : i32
        %gather3A_784 = arith.constant 0 : i32
        %gather3A_785 = arith.constant 0 : i32
        %gather3A_786 = arith.constant 0 : i32
        %gather3A_787 = arith.constant 0 : i32
        %gather3A_788 = arith.constant 0 : i32
        %gather3A_789 = tpu.memref_slice %arg10[%gather3A_783, %gather3A_784, %gather3A_785, %gather3A_786, %gather3A_787, %gather3A_788] : memref<2x13x2x1x8x128xf32, #tpu.memory_space<vmem>> -> memref<1x13x2x1x8x128xf32, #tpu.memory_space<vmem>>
        %gather3A_790 = tpu.memref_squeeze %gather3A_789 : memref<1x13x2x1x8x128xf32, #tpu.memory_space<vmem>> -> memref<13x2x1x8x128xf32, #tpu.memory_space<vmem>>
        %gather3A_791 = tpu.vector_load_idx %gather3A_790[%broadcast_in_dim3A_782, %select_n3A_218, %broadcast_in_dim3A_241, %select_n3A_239, %broadcast_in_dim3A_571] : memref<13x2x1x8x128xf32, #tpu.memory_space<vmem>>[vector<16xi32>, vector<16xi32>, vector<16xi32>, vector<16xi32>, vector<16xi32>], vector<16xf32>,
        %swap3A_792 = arith.constant 14 : i32
        %swap3A_793 = arith.index_cast %swap3A_792 : i32 to index
        %swap3A_794 = arith.constant 0 : index
        %swap3A_795 = tpu.vector_load %arg11[%swap3A_793, %swap3A_794] {strides = array<i32>} : memref<22x16xf32, #tpu.memory_space<vmem>>, vector<16xf32>,
        tpu.vector_store %arg11[%swap3A_793, %swap3A_794], %gather3A_791 {add = true, strides = array<i32>} : memref<22x16xf32, #tpu.memory_space<vmem>>, vector<16xf32>,
        %broadcast_in_dim3A_796 = arith.constant 6 : i32
        %broadcast_in_dim3A_797 = vector.broadcast %broadcast_in_dim3A_796 : i32 to vector<16xi32>
        %gather3A_798 = arith.constant 0 : i32
        %gather3A_799 = arith.constant 0 : i32
        %gather3A_800 = arith.constant 0 : i32
        %gather3A_801 = arith.constant 0 : i32
        %gather3A_802 = arith.constant 0 : i32
        %gather3A_803 = arith.constant 0 : i32
        %gather3A_804 = tpu.memref_slice %arg10[%gather3A_798, %gather3A_799, %gather3A_800, %gather3A_801, %gather3A_802, %gather3A_803] : memref<2x13x2x1x8x128xf32, #tpu.memory_space<vmem>> -> memref<1x13x2x1x8x128xf32, #tpu.memory_space<vmem>>
        %gather3A_805 = tpu.memref_squeeze %gather3A_804 : memref<1x13x2x1x8x128xf32, #tpu.memory_space<vmem>> -> memref<13x2x1x8x128xf32, #tpu.memory_space<vmem>>
        %gather3A_806 = tpu.vector_load_idx %gather3A_805[%broadcast_in_dim3A_797, %select_n3A_218, %broadcast_in_dim3A_241, %select_n3A_239, %broadcast_in_dim3A_571] : memref<13x2x1x8x128xf32, #tpu.memory_space<vmem>>[vector<16xi32>, vector<16xi32>, vector<16xi32>, vector<16xi32>, vector<16xi32>], vector<16xf32>,
        %swap3A_807 = arith.constant 15 : i32
        %swap3A_808 = arith.index_cast %swap3A_807 : i32 to index
        %swap3A_809 = arith.constant 0 : index
        %swap3A_810 = tpu.vector_load %arg11[%swap3A_808, %swap3A_809] {strides = array<i32>} : memref<22x16xf32, #tpu.memory_space<vmem>>, vector<16xf32>,
        tpu.vector_store %arg11[%swap3A_808, %swap3A_809], %gather3A_806 {add = true, strides = array<i32>} : memref<22x16xf32, #tpu.memory_space<vmem>>, vector<16xf32>,
        %broadcast_in_dim3A_811 = arith.constant 7 : i32
        %broadcast_in_dim3A_812 = vector.broadcast %broadcast_in_dim3A_811 : i32 to vector<16xi32>
        %gather3A_813 = arith.constant 0 : i32
        %gather3A_814 = arith.constant 0 : i32
        %gather3A_815 = arith.constant 0 : i32
        %gather3A_816 = arith.constant 0 : i32
        %gather3A_817 = arith.constant 0 : i32
        %gather3A_818 = arith.constant 0 : i32
        %gather3A_819 = tpu.memref_slice %arg10[%gather3A_813, %gather3A_814, %gather3A_815, %gather3A_816, %gather3A_817, %gather3A_818] : memref<2x13x2x1x8x128xf32, #tpu.memory_space<vmem>> -> memref<1x13x2x1x8x128xf32, #tpu.memory_space<vmem>>
        %gather3A_820 = tpu.memref_squeeze %gather3A_819 : memref<1x13x2x1x8x128xf32, #tpu.memory_space<vmem>> -> memref<13x2x1x8x128xf32, #tpu.memory_space<vmem>>
        %gather3A_821 = tpu.vector_load_idx %gather3A_820[%broadcast_in_dim3A_812, %select_n3A_218, %broadcast_in_dim3A_241, %select_n3A_239, %broadcast_in_dim3A_571] : memref<13x2x1x8x128xf32, #tpu.memory_space<vmem>>[vector<16xi32>, vector<16xi32>, vector<16xi32>, vector<16xi32>, vector<16xi32>], vector<16xf32>,
        %swap3A_822 = arith.constant 16 : i32
        %swap3A_823 = arith.index_cast %swap3A_822 : i32 to index
        %swap3A_824 = arith.constant 0 : index
        %swap3A_825 = tpu.vector_load %arg11[%swap3A_823, %swap3A_824] {strides = array<i32>} : memref<22x16xf32, #tpu.memory_space<vmem>>, vector<16xf32>,
        tpu.vector_store %arg11[%swap3A_823, %swap3A_824], %gather3A_821 {add = true, strides = array<i32>} : memref<22x16xf32, #tpu.memory_space<vmem>>, vector<16xf32>,
        %broadcast_in_dim3A_826 = arith.constant 8 : i32
        %broadcast_in_dim3A_827 = vector.broadcast %broadcast_in_dim3A_826 : i32 to vector<16xi32>
        %gather3A_828 = arith.constant 0 : i32
        %gather3A_829 = arith.constant 0 : i32
        %gather3A_830 = arith.constant 0 : i32
        %gather3A_831 = arith.constant 0 : i32
        %gather3A_832 = arith.constant 0 : i32
        %gather3A_833 = arith.constant 0 : i32
        %gather3A_834 = tpu.memref_slice %arg10[%gather3A_828, %gather3A_829, %gather3A_830, %gather3A_831, %gather3A_832, %gather3A_833] : memref<2x13x2x1x8x128xf32, #tpu.memory_space<vmem>> -> memref<1x13x2x1x8x128xf32, #tpu.memory_space<vmem>>
        %gather3A_835 = tpu.memref_squeeze %gather3A_834 : memref<1x13x2x1x8x128xf32, #tpu.memory_space<vmem>> -> memref<13x2x1x8x128xf32, #tpu.memory_space<vmem>>
        %gather3A_836 = tpu.vector_load_idx %gather3A_835[%broadcast_in_dim3A_827, %select_n3A_218, %broadcast_in_dim3A_241, %select_n3A_239, %broadcast_in_dim3A_571] : memref<13x2x1x8x128xf32, #tpu.memory_space<vmem>>[vector<16xi32>, vector<16xi32>, vector<16xi32>, vector<16xi32>, vector<16xi32>], vector<16xf32>,
        %swap3A_837 = arith.constant 17 : i32
        %swap3A_838 = arith.index_cast %swap3A_837 : i32 to index
        %swap3A_839 = arith.constant 0 : index
        %swap3A_840 = tpu.vector_load %arg11[%swap3A_838, %swap3A_839] {strides = array<i32>} : memref<22x16xf32, #tpu.memory_space<vmem>>, vector<16xf32>,
        tpu.vector_store %arg11[%swap3A_838, %swap3A_839], %gather3A_836 {add = true, strides = array<i32>} : memref<22x16xf32, #tpu.memory_space<vmem>>, vector<16xf32>,
        %broadcast_in_dim3A_841 = arith.constant 9 : i32
        %broadcast_in_dim3A_842 = vector.broadcast %broadcast_in_dim3A_841 : i32 to vector<16xi32>
        %gather3A_843 = arith.constant 0 : i32
        %gather3A_844 = arith.constant 0 : i32
        %gather3A_845 = arith.constant 0 : i32
        %gather3A_846 = arith.constant 0 : i32
        %gather3A_847 = arith.constant 0 : i32
        %gather3A_848 = arith.constant 0 : i32
        %gather3A_849 = tpu.memref_slice %arg10[%gather3A_843, %gather3A_844, %gather3A_845, %gather3A_846, %gather3A_847, %gather3A_848] : memref<2x13x2x1x8x128xf32, #tpu.memory_space<vmem>> -> memref<1x13x2x1x8x128xf32, #tpu.memory_space<vmem>>
        %gather3A_850 = tpu.memref_squeeze %gather3A_849 : memref<1x13x2x1x8x128xf32, #tpu.memory_space<vmem>> -> memref<13x2x1x8x128xf32, #tpu.memory_space<vmem>>
        %gather3A_851 = tpu.vector_load_idx %gather3A_850[%broadcast_in_dim3A_842, %select_n3A_218, %broadcast_in_dim3A_241, %select_n3A_239, %broadcast_in_dim3A_571] : memref<13x2x1x8x128xf32, #tpu.memory_space<vmem>>[vector<16xi32>, vector<16xi32>, vector<16xi32>, vector<16xi32>, vector<16xi32>], vector<16xf32>,
        %swap3A_852 = arith.constant 18 : i32
        %swap3A_853 = arith.index_cast %swap3A_852 : i32 to index
        %swap3A_854 = arith.constant 0 : index
        %swap3A_855 = tpu.vector_load %arg11[%swap3A_853, %swap3A_854] {strides = array<i32>} : memref<22x16xf32, #tpu.memory_space<vmem>>, vector<16xf32>,
        tpu.vector_store %arg11[%swap3A_853, %swap3A_854], %gather3A_851 {add = true, strides = array<i32>} : memref<22x16xf32, #tpu.memory_space<vmem>>, vector<16xf32>,
        %broadcast_in_dim3A_856 = arith.constant 10 : i32
        %broadcast_in_dim3A_857 = vector.broadcast %broadcast_in_dim3A_856 : i32 to vector<16xi32>
        %gather3A_858 = arith.constant 0 : i32
        %gather3A_859 = arith.constant 0 : i32
        %gather3A_860 = arith.constant 0 : i32
        %gather3A_861 = arith.constant 0 : i32
        %gather3A_862 = arith.constant 0 : i32
        %gather3A_863 = arith.constant 0 : i32
        %gather3A_864 = tpu.memref_slice %arg10[%gather3A_858, %gather3A_859, %gather3A_860, %gather3A_861, %gather3A_862, %gather3A_863] : memref<2x13x2x1x8x128xf32, #tpu.memory_space<vmem>> -> memref<1x13x2x1x8x128xf32, #tpu.memory_space<vmem>>
        %gather3A_865 = tpu.memref_squeeze %gather3A_864 : memref<1x13x2x1x8x128xf32, #tpu.memory_space<vmem>> -> memref<13x2x1x8x128xf32, #tpu.memory_space<vmem>>
        %gather3A_866 = tpu.vector_load_idx %gather3A_865[%broadcast_in_dim3A_857, %select_n3A_218, %broadcast_in_dim3A_241, %select_n3A_239, %broadcast_in_dim3A_571] : memref<13x2x1x8x128xf32, #tpu.memory_space<vmem>>[vector<16xi32>, vector<16xi32>, vector<16xi32>, vector<16xi32>, vector<16xi32>], vector<16xf32>,
        %swap3A_867 = arith.constant 19 : i32
        %swap3A_868 = arith.index_cast %swap3A_867 : i32 to index
        %swap3A_869 = arith.constant 0 : index
        %swap3A_870 = tpu.vector_load %arg11[%swap3A_868, %swap3A_869] {strides = array<i32>} : memref<22x16xf32, #tpu.memory_space<vmem>>, vector<16xf32>,
        tpu.vector_store %arg11[%swap3A_868, %swap3A_869], %gather3A_866 {add = true, strides = array<i32>} : memref<22x16xf32, #tpu.memory_space<vmem>>, vector<16xf32>,
        %broadcast_in_dim3A_871 = arith.constant 11 : i32
        %broadcast_in_dim3A_872 = vector.broadcast %broadcast_in_dim3A_871 : i32 to vector<16xi32>
        %gather3A_873 = arith.constant 0 : i32
        %gather3A_874 = arith.constant 0 : i32
        %gather3A_875 = arith.constant 0 : i32
        %gather3A_876 = arith.constant 0 : i32
        %gather3A_877 = arith.constant 0 : i32
        %gather3A_878 = arith.constant 0 : i32
        %gather3A_879 = tpu.memref_slice %arg10[%gather3A_873, %gather3A_874, %gather3A_875, %gather3A_876, %gather3A_877, %gather3A_878] : memref<2x13x2x1x8x128xf32, #tpu.memory_space<vmem>> -> memref<1x13x2x1x8x128xf32, #tpu.memory_space<vmem>>
        %gather3A_880 = tpu.memref_squeeze %gather3A_879 : memref<1x13x2x1x8x128xf32, #tpu.memory_space<vmem>> -> memref<13x2x1x8x128xf32, #tpu.memory_space<vmem>>
        %gather3A_881 = tpu.vector_load_idx %gather3A_880[%broadcast_in_dim3A_872, %select_n3A_218, %broadcast_in_dim3A_241, %select_n3A_239, %broadcast_in_dim3A_571] : memref<13x2x1x8x128xf32, #tpu.memory_space<vmem>>[vector<16xi32>, vector<16xi32>, vector<16xi32>, vector<16xi32>, vector<16xi32>], vector<16xf32>,
        %swap3A_882 = arith.constant 20 : i32
        %swap3A_883 = arith.index_cast %swap3A_882 : i32 to index
        %swap3A_884 = arith.constant 0 : index
        %swap3A_885 = tpu.vector_load %arg11[%swap3A_883, %swap3A_884] {strides = array<i32>} : memref<22x16xf32, #tpu.memory_space<vmem>>, vector<16xf32>,
        tpu.vector_store %arg11[%swap3A_883, %swap3A_884], %gather3A_881 {add = true, strides = array<i32>} : memref<22x16xf32, #tpu.memory_space<vmem>>, vector<16xf32>,
        %broadcast_in_dim3A_886 = arith.constant 12 : i32
        %broadcast_in_dim3A_887 = vector.broadcast %broadcast_in_dim3A_886 : i32 to vector<16xi32>
        %gather3A_888 = arith.constant 0 : i32
        %gather3A_889 = arith.constant 0 : i32
        %gather3A_890 = arith.constant 0 : i32
        %gather3A_891 = arith.constant 0 : i32
        %gather3A_892 = arith.constant 0 : i32
        %gather3A_893 = arith.constant 0 : i32
        %gather3A_894 = tpu.memref_slice %arg10[%gather3A_888, %gather3A_889, %gather3A_890, %gather3A_891, %gather3A_892, %gather3A_893] : memref<2x13x2x1x8x128xf32, #tpu.memory_space<vmem>> -> memref<1x13x2x1x8x128xf32, #tpu.memory_space<vmem>>
        %gather3A_895 = tpu.memref_squeeze %gather3A_894 : memref<1x13x2x1x8x128xf32, #tpu.memory_space<vmem>> -> memref<13x2x1x8x128xf32, #tpu.memory_space<vmem>>
        %gather3A_896 = tpu.vector_load_idx %gather3A_895[%broadcast_in_dim3A_887, %select_n3A_218, %broadcast_in_dim3A_241, %select_n3A_239, %broadcast_in_dim3A_571] : memref<13x2x1x8x128xf32, #tpu.memory_space<vmem>>[vector<16xi32>, vector<16xi32>, vector<16xi32>, vector<16xi32>, vector<16xi32>], vector<16xf32>,
        %swap3A_897 = arith.constant 21 : i32
        %swap3A_898 = arith.index_cast %swap3A_897 : i32 to index
        %swap3A_899 = arith.constant 0 : index
        %swap3A_900 = tpu.vector_load %arg11[%swap3A_898, %swap3A_899] {strides = array<i32>} : memref<22x16xf32, #tpu.memory_space<vmem>>, vector<16xf32>,
        tpu.vector_store %arg11[%swap3A_898, %swap3A_899], %gather3A_896 {add = true, strides = array<i32>} : memref<22x16xf32, #tpu.memory_space<vmem>>, vector<16xf32>,
        %convert_element_type3A_901 = arith.extui %ne3A_567 : i1 to i32
        %add3A_902 = arith.addi %scan3A_559, %convert_element_type3A_901 : i32
        scf.yield %squeeze3A_566, %add3A_902 : i32, i32
      }
      %scan3A_476 = arith.constant 128 : i32
      %mul3A_477 = arith.constant 2 : i32
      %mul3A_478 = arith.muli %mul3A_477, %while3A_414 : i32
      %add3A_479 = arith.constant 2 : i32
      %add3A_480 = arith.addi %mul3A_478, %add3A_479 : i32
      %lt3A_481 = arith.cmpi slt, %add3A_480, %select_n3A : i32
      %convert_element_type3A_482 = arith.extui %lt3A_481 : i1 to i32
      %cond3A_483 = arith.constant 0 : i32
      %cond3A_484 = arith.cmpi ne, %convert_element_type3A_482, %cond3A_483 : i32
      scf.if %cond3A_484 {
        %mul3A_557 = arith.constant 2 : i32
        %mul3A_558 = arith.muli %mul3A_557, %while3A_414 : i32
        %add3A_559 = arith.constant 2 : i32
        %add3A_560 = arith.addi %mul3A_558, %add3A_559 : i32
        %add3A_561 = arith.addi %add3A_7, %add3A_560 : i32
        %dma_start3A_562 = arith.constant 0 : i32
        %dma_start3A_563 = arith.constant 0 : i32
        %dma_start3A_564 = arith.constant 0 : i32
        %dma_start3A_565 = arith.constant 0 : i32
        %dma_start3A_566 = arith.constant 0 : i32
        %dma_start3A_567 = arith.constant 0 : i32
        %dma_start3A_568 = tpu.memref_slice %arg9[%dma_start3A_562, %dma_start3A_563, %dma_start3A_564, %dma_start3A_565, %dma_start3A_566, %dma_start3A_567] : memref<2x9x2x1x8x128xf32, #tpu.memory_space<vmem>> -> memref<1x9x2x1x8x128xf32, #tpu.memory_space<vmem>>
        %dma_start3A_569 = tpu.memref_squeeze %dma_start3A_568 : memref<1x9x2x1x8x128xf32, #tpu.memory_space<vmem>> -> memref<9x2x1x8x128xf32, #tpu.memory_space<vmem>>
        %dma_start3A_570 = arith.constant 0 : i32
        %dma_start3A_571 = arith.constant 0 : i32
        %dma_start3A_572 = arith.constant 0 : i32
        %dma_start3A_573 = arith.constant 0 : i32
        %dma_start3A_574 = tpu.memref_slice %arg2[%dma_start3A_570, %dma_start3A_571, %add3A_561, %dma_start3A_572, %dma_start3A_573] : memref<9x2x1250x8x128xf32, #tpu.memory_space<hbm>> -> memref<9x2x1x8x128xf32, #tpu.memory_space<hbm>>
        %dma_start3A_575 = arith.constant 0 : i32
        %dma_start3A_576 = arith.constant 0 : i32
        %dma_start3A_577 = arith.constant 0 : i32
        %dma_start3A_578 = arith.constant 0 : i32
        %dma_start3A_579 = arith.constant 0 : i32
        %dma_start3A_580 = tpu.memref_slice %arg9[%dma_start3A_562, %dma_start3A_575, %dma_start3A_576, %dma_start3A_577, %dma_start3A_578, %dma_start3A_579] : memref<2x9x2x1x8x128xf32, #tpu.memory_space<vmem>> -> memref<1x9x2x1x8x128xf32, #tpu.memory_space<vmem>>
        %dma_start3A_581 = tpu.memref_squeeze %dma_start3A_580 : memref<1x9x2x1x8x128xf32, #tpu.memory_space<vmem>> -> memref<9x2x1x8x128xf32, #tpu.memory_space<vmem>>
        %dma_start3A_582 = arith.constant 0 : i32
        %dma_start3A_583 = arith.constant 0 : i32
        %dma_start3A_584 = arith.constant 0 : i32
        %dma_start3A_585 = arith.constant 0 : i32
        %dma_start3A_586 = tpu.memref_slice %arg2[%dma_start3A_582, %dma_start3A_583, %add3A_561, %dma_start3A_584, %dma_start3A_585] : memref<9x2x1250x8x128xf32, #tpu.memory_space<hbm>> -> memref<9x2x1x8x128xf32, #tpu.memory_space<hbm>>
        tpu.enqueue_dma source(%dma_start3A_586 : memref<9x2x1x8x128xf32, #tpu.memory_space<hbm>>) target(%dma_start3A_581 : memref<9x2x1x8x128xf32, #tpu.memory_space<vmem>>) target_semaphore(%arg15 : memref<!tpu.dma_semaphore, #tpu.memory_space<semaphore_mem>>)
        %dma_start3A_587 = arith.constant 0 : i32
        %dma_start3A_588 = arith.constant 0 : i32
        %dma_start3A_589 = arith.constant 0 : i32
        %dma_start3A_590 = arith.constant 0 : i32
        %dma_start3A_591 = arith.constant 0 : i32
        %dma_start3A_592 = arith.constant 0 : i32
        %dma_start3A_593 = tpu.memref_slice %arg10[%dma_start3A_587, %dma_start3A_588, %dma_start3A_589, %dma_start3A_590, %dma_start3A_591, %dma_start3A_592] : memref<2x13x2x1x8x128xf32, #tpu.memory_space<vmem>> -> memref<1x13x2x1x8x128xf32, #tpu.memory_space<vmem>>
        %dma_start3A_594 = tpu.memref_squeeze %dma_start3A_593 : memref<1x13x2x1x8x128xf32, #tpu.memory_space<vmem>> -> memref<13x2x1x8x128xf32, #tpu.memory_space<vmem>>
        %dma_start3A_595 = arith.constant 0 : i32
        %dma_start3A_596 = arith.constant 0 : i32
        %dma_start3A_597 = arith.constant 0 : i32
        %dma_start3A_598 = arith.constant 0 : i32
        %dma_start3A_599 = tpu.memref_slice %arg3[%dma_start3A_595, %dma_start3A_596, %add3A_561, %dma_start3A_597, %dma_start3A_598] : memref<13x2x1250x8x128xf32, #tpu.memory_space<hbm>> -> memref<13x2x1x8x128xf32, #tpu.memory_space<hbm>>
        %dma_start3A_600 = arith.constant 0 : i32
        %dma_start3A_601 = arith.constant 0 : i32
        %dma_start3A_602 = arith.constant 0 : i32
        %dma_start3A_603 = arith.constant 0 : i32
        %dma_start3A_604 = arith.constant 0 : i32
        %dma_start3A_605 = tpu.memref_slice %arg10[%dma_start3A_587, %dma_start3A_600, %dma_start3A_601, %dma_start3A_602, %dma_start3A_603, %dma_start3A_604] : memref<2x13x2x1x8x128xf32, #tpu.memory_space<vmem>> -> memref<1x13x2x1x8x128xf32, #tpu.memory_space<vmem>>
        %dma_start3A_606 = tpu.memref_squeeze %dma_start3A_605 : memref<1x13x2x1x8x128xf32, #tpu.memory_space<vmem>> -> memref<13x2x1x8x128xf32, #tpu.memory_space<vmem>>
        %dma_start3A_607 = arith.constant 0 : i32
        %dma_start3A_608 = arith.constant 0 : i32
        %dma_start3A_609 = arith.constant 0 : i32
        %dma_start3A_610 = arith.constant 0 : i32
        %dma_start3A_611 = tpu.memref_slice %arg3[%dma_start3A_607, %dma_start3A_608, %add3A_561, %dma_start3A_609, %dma_start3A_610] : memref<13x2x1250x8x128xf32, #tpu.memory_space<hbm>> -> memref<13x2x1x8x128xf32, #tpu.memory_space<hbm>>
        tpu.enqueue_dma source(%dma_start3A_611 : memref<13x2x1x8x128xf32, #tpu.memory_space<hbm>>) target(%dma_start3A_606 : memref<13x2x1x8x128xf32, #tpu.memory_space<vmem>>) target_semaphore(%arg17 : memref<!tpu.dma_semaphore, #tpu.memory_space<semaphore_mem>>)
      } else {
      }
      %dma_wait3A_485 = arith.constant 1 : i32
      %dma_wait3A_486 = arith.constant 0 : i32
      %dma_wait3A_487 = arith.constant 0 : i32
      %dma_wait3A_488 = arith.constant 0 : i32
      %dma_wait3A_489 = arith.constant 0 : i32
      %dma_wait3A_490 = arith.constant 0 : i32
      %dma_wait3A_491 = tpu.memref_slice %arg9[%dma_wait3A_485, %dma_wait3A_486, %dma_wait3A_487, %dma_wait3A_488, %dma_wait3A_489, %dma_wait3A_490] : memref<2x9x2x1x8x128xf32, #tpu.memory_space<vmem>> -> memref<1x9x2x1x8x128xf32, #tpu.memory_space<vmem>>
      %dma_wait3A_492 = tpu.memref_squeeze %dma_wait3A_491 : memref<1x9x2x1x8x128xf32, #tpu.memory_space<vmem>> -> memref<9x2x1x8x128xf32, #tpu.memory_space<vmem>>
      %dma_wait3A_493 = arith.constant 0 : i32
      %dma_wait3A_494 = arith.constant 0 : i32
      %dma_wait3A_495 = arith.constant 0 : i32
      %dma_wait3A_496 = arith.constant 0 : i32
      %dma_wait3A_497 = arith.constant 0 : i32
      %dma_wait3A_498 = tpu.memref_slice %arg2[%dma_wait3A_493, %dma_wait3A_494, %dma_wait3A_495, %dma_wait3A_496, %dma_wait3A_497] : memref<9x2x1250x8x128xf32, #tpu.memory_space<hbm>> -> memref<9x2x1x8x128xf32, #tpu.memory_space<hbm>>
      %dma_wait3A_499 = arith.constant 0 : i32
      %dma_wait3A_500 = arith.constant 0 : i32
      %dma_wait3A_501 = arith.constant 0 : i32
      %dma_wait3A_502 = arith.constant 0 : i32
      %dma_wait3A_503 = arith.constant 0 : i32
      %dma_wait3A_504 = tpu.memref_slice %arg9[%dma_wait3A_485, %dma_wait3A_499, %dma_wait3A_500, %dma_wait3A_501, %dma_wait3A_502, %dma_wait3A_503] : memref<2x9x2x1x8x128xf32, #tpu.memory_space<vmem>> -> memref<1x9x2x1x8x128xf32, #tpu.memory_space<vmem>>
      %dma_wait3A_505 = tpu.memref_squeeze %dma_wait3A_504 : memref<1x9x2x1x8x128xf32, #tpu.memory_space<vmem>> -> memref<9x2x1x8x128xf32, #tpu.memory_space<vmem>>
      %dma_wait3A_506 = arith.constant 0 : i32
      %dma_wait3A_507 = arith.constant 0 : i32
      %dma_wait3A_508 = arith.constant 0 : i32
      %dma_wait3A_509 = arith.constant 0 : i32
      %dma_wait3A_510 = arith.constant 0 : i32
      %dma_wait3A_511 = tpu.memref_slice %arg2[%dma_wait3A_506, %dma_wait3A_507, %dma_wait3A_508, %dma_wait3A_509, %dma_wait3A_510] : memref<9x2x1250x8x128xf32, #tpu.memory_space<hbm>> -> memref<9x2x1x8x128xf32, #tpu.memory_space<hbm>>
      tpu.wait_dma2 semaphore(%arg16 : memref<!tpu.dma_semaphore, #tpu.memory_space<semaphore_mem>>) src(%dma_wait3A_511 : memref<9x2x1x8x128xf32, #tpu.memory_space<hbm>>) dst(%dma_wait3A_505 : memref<9x2x1x8x128xf32, #tpu.memory_space<vmem>>)
      %dma_wait3A_512 = arith.constant 1 : i32
      %dma_wait3A_513 = arith.constant 0 : i32
      %dma_wait3A_514 = arith.constant 0 : i32
      %dma_wait3A_515 = arith.constant 0 : i32
      %dma_wait3A_516 = arith.constant 0 : i32
      %dma_wait3A_517 = arith.constant 0 : i32
      %dma_wait3A_518 = tpu.memref_slice %arg10[%dma_wait3A_512, %dma_wait3A_513, %dma_wait3A_514, %dma_wait3A_515, %dma_wait3A_516, %dma_wait3A_517] : memref<2x13x2x1x8x128xf32, #tpu.memory_space<vmem>> -> memref<1x13x2x1x8x128xf32, #tpu.memory_space<vmem>>
      %dma_wait3A_519 = tpu.memref_squeeze %dma_wait3A_518 : memref<1x13x2x1x8x128xf32, #tpu.memory_space<vmem>> -> memref<13x2x1x8x128xf32, #tpu.memory_space<vmem>>
      %dma_wait3A_520 = arith.constant 0 : i32
      %dma_wait3A_521 = arith.constant 0 : i32
      %dma_wait3A_522 = arith.constant 0 : i32
      %dma_wait3A_523 = arith.constant 0 : i32
      %dma_wait3A_524 = arith.constant 0 : i32
      %dma_wait3A_525 = tpu.memref_slice %arg3[%dma_wait3A_520, %dma_wait3A_521, %dma_wait3A_522, %dma_wait3A_523, %dma_wait3A_524] : memref<13x2x1250x8x128xf32, #tpu.memory_space<hbm>> -> memref<13x2x1x8x128xf32, #tpu.memory_space<hbm>>
      %dma_wait3A_526 = arith.constant 0 : i32
      %dma_wait3A_527 = arith.constant 0 : i32
      %dma_wait3A_528 = arith.constant 0 : i32
      %dma_wait3A_529 = arith.constant 0 : i32
      %dma_wait3A_530 = arith.constant 0 : i32
      %dma_wait3A_531 = tpu.memref_slice %arg10[%dma_wait3A_512, %dma_wait3A_526, %dma_wait3A_527, %dma_wait3A_528, %dma_wait3A_529, %dma_wait3A_530] : memref<2x13x2x1x8x128xf32, #tpu.memory_space<vmem>> -> memref<1x13x2x1x8x128xf32, #tpu.memory_space<vmem>>
      %dma_wait3A_532 = tpu.memref_squeeze %dma_wait3A_531 : memref<1x13x2x1x8x128xf32, #tpu.memory_space<vmem>> -> memref<13x2x1x8x128xf32, #tpu.memory_space<vmem>>
      %dma_wait3A_533 = arith.constant 0 : i32
      %dma_wait3A_534 = arith.constant 0 : i32
      %dma_wait3A_535 = arith.constant 0 : i32
      %dma_wait3A_536 = arith.constant 0 : i32
      %dma_wait3A_537 = arith.constant 0 : i32
      %dma_wait3A_538 = tpu.memref_slice %arg3[%dma_wait3A_533, %dma_wait3A_534, %dma_wait3A_535, %dma_wait3A_536, %dma_wait3A_537] : memref<13x2x1250x8x128xf32, #tpu.memory_space<hbm>> -> memref<13x2x1x8x128xf32, #tpu.memory_space<hbm>>
      tpu.wait_dma2 semaphore(%arg18 : memref<!tpu.dma_semaphore, #tpu.memory_space<semaphore_mem>>) src(%dma_wait3A_538 : memref<13x2x1x8x128xf32, #tpu.memory_space<hbm>>) dst(%dma_wait3A_532 : memref<13x2x1x8x128xf32, #tpu.memory_space<vmem>>)
      %mul3A_539 = arith.constant 2 : i32
      %mul3A_540 = arith.muli %mul3A_539, %while3A_414 : i32
      %add3A_541 = arith.constant 1 : i32
      %add3A_542 = arith.addi %mul3A_540, %add3A_541 : i32
      %scan3A_543 = arith.constant 0 : i32
      %scan3A_544 = arith.constant 128 : i32
      %scan3A_545 = arith.addi %scan3A_543, %scan3A_544 : i32
      %scan3A_546 = arith.constant 1 : i32
      %scan3A_547:2 = scf.for %scan3A_557 = %scan3A_543 to %scan3A_545 step %scan3A_546 iter_args(%scan3A_558 = %scan3A_475#0, %scan3A_559 = %scan3A_475#1) -> (i32, i32)  : i32 {
        %mul3A_560 = arith.constant 128 : i32
        %mul3A_561 = arith.muli %add3A_542, %mul3A_560 : i32
        %add3A_562 = arith.addi %mul3A_561, %scan3A_557 : i32
        %get3A_563 = arith.index_cast %add3A_562 : i32 to index
        %get3A_564 = tpu.vector_load %arg8[%get3A_563] {strides = array<i32>} : memref<5136xi32, #tpu.memory_space<vmem>>, vector<16xi32>,
        %slice3A_565 = vector.extract_strided_slice %get3A_564 {offsets = [0], sizes = [1], strides = [1]} : vector<16xi32> to vector<1xi32>
        %squeeze3A_566 = vector.extract %slice3A_565[0] : i32 from vector<1xi32>
        %ne3A_567 = arith.cmpi ne, %squeeze3A_566, %scan3A_558 : i32
        %convert_element_type3A_568 = arith.extui %ne3A_567 : i1 to i32
        %cond3A_569 = arith.constant 0 : i32
        %cond3A_570 = arith.cmpi ne, %convert_element_type3A_568, %cond3A_569 : i32
        scf.if %cond3A_570 {
          %eq3A_903 = arith.constant 0 : i32
          %eq3A_904 = arith.cmpi eq, %scan3A_559, %eq3A_903 : i32
          %convert_element_type3A_905 = arith.extui %eq3A_904 : i1 to i32
          %cond3A_906 = arith.constant 0 : i32
          %cond3A_907 = arith.cmpi ne, %convert_element_type3A_905, %cond3A_906 : i32
          scf.if %cond3A_907 {
            %mul3A_1055 = arith.constant 2 : i32
            %mul3A_1056 = arith.muli %mul3A_1055, %add3A : i32
            "tpu.region"() ({
              %run_scoped3A = tpu.sem_alloc : memref<!tpu.dma_semaphore, #tpu.memory_space<semaphore_mem>>
              %dma_start3A_1057 = arith.constant 0 : i32
              %dma_start3A_1058 = arith.constant 0 : i32
              %dma_start3A_1059 = tpu.memref_slice %arg6[%mul3A_1056, %dma_start3A_1057, %dma_start3A_1058] : memref<64x22x16xf32, #tpu.memory_space<hbm>> -> memref<1x22x16xf32, #tpu.memory_space<hbm>>
              %dma_start3A_1060 = tpu.memref_squeeze %dma_start3A_1059 : memref<1x22x16xf32, #tpu.memory_space<hbm>> -> memref<22x16xf32, #tpu.memory_space<hbm>>
              %dma_start3A_1061 = arith.constant 0 : i32
              %dma_start3A_1062 = arith.constant 0 : i32
              %dma_start3A_1063 = tpu.memref_slice %arg6[%mul3A_1056, %dma_start3A_1061, %dma_start3A_1062] : memref<64x22x16xf32, #tpu.memory_space<hbm>> -> memref<1x22x16xf32, #tpu.memory_space<hbm>>
              %dma_start3A_1064 = tpu.memref_squeeze %dma_start3A_1063 : memref<1x22x16xf32, #tpu.memory_space<hbm>> -> memref<22x16xf32, #tpu.memory_space<hbm>>
              tpu.enqueue_dma source(%arg11 : memref<22x16xf32, #tpu.memory_space<vmem>>) target(%dma_start3A_1064 : memref<22x16xf32, #tpu.memory_space<hbm>>) target_semaphore(%run_scoped3A : memref<!tpu.dma_semaphore, #tpu.memory_space<semaphore_mem>>)
              %dma_wait3A_1065 = arith.constant 0 : i32
              %dma_wait3A_1066 = arith.constant 0 : i32
              %dma_wait3A_1067 = tpu.memref_slice %arg6[%mul3A_1056, %dma_wait3A_1065, %dma_wait3A_1066] : memref<64x22x16xf32, #tpu.memory_space<hbm>> -> memref<1x22x16xf32, #tpu.memory_space<hbm>>
              %dma_wait3A_1068 = tpu.memref_squeeze %dma_wait3A_1067 : memref<1x22x16xf32, #tpu.memory_space<hbm>> -> memref<22x16xf32, #tpu.memory_space<hbm>>
              %dma_wait3A_1069 = arith.constant 0 : i32
              %dma_wait3A_1070 = arith.constant 0 : i32
              %dma_wait3A_1071 = tpu.memref_slice %arg6[%mul3A_1056, %dma_wait3A_1069, %dma_wait3A_1070] : memref<64x22x16xf32, #tpu.memory_space<hbm>> -> memref<1x22x16xf32, #tpu.memory_space<hbm>>
              %dma_wait3A_1072 = tpu.memref_squeeze %dma_wait3A_1071 : memref<1x22x16xf32, #tpu.memory_space<hbm>> -> memref<22x16xf32, #tpu.memory_space<hbm>>
              tpu.wait_dma2 semaphore(%run_scoped3A : memref<!tpu.dma_semaphore, #tpu.memory_space<semaphore_mem>>) src(%arg11 : memref<22x16xf32, #tpu.memory_space<vmem>>) dst(%dma_wait3A_1072 : memref<22x16xf32, #tpu.memory_space<hbm>>)
              tpu.yield
            }) : () -> ()
          } else {
          }
          %gt3A = arith.constant 0 : i32
          %gt3A_908 = arith.cmpi sgt, %scan3A_559, %gt3A : i32
          %convert_element_type3A_909 = arith.extui %gt3A_908 : i1 to i32
          %cond3A_910 = arith.constant 0 : i32
          %cond3A_911 = arith.cmpi ne, %convert_element_type3A_909, %cond3A_910 : i32
          scf.if %cond3A_911 {
            %get3A_1055 = arith.constant 0 : i32
            %get3A_1056 = arith.index_cast %get3A_1055 : i32 to index
            %get3A_1057 = arith.constant 0 : index
            %get3A_1058 = tpu.vector_load %arg11[%get3A_1056, %get3A_1057] {strides = array<i32>} : memref<22x16xf32, #tpu.memory_space<vmem>>, vector<16xf32>,
            %get3A_1059 = arith.constant 0 : i32
            %get3A_1060 = arith.index_cast %get3A_1059 : i32 to index
            %get3A_1061 = arith.constant 0 : index
            %get3A_1062 = tpu.vector_load %arg11[%get3A_1060, %get3A_1061] {strides = array<i32>} : memref<22x16xf32, #tpu.memory_space<vmem>>, vector<16xf32>,
            %mul3A_1063 = arith.mulf %get3A_1058, %get3A_1062 : vector<16xf32>
            %get3A_1064 = arith.constant 1 : i32
            %get3A_1065 = arith.index_cast %get3A_1064 : i32 to index
            %get3A_1066 = arith.constant 0 : index
            %get3A_1067 = tpu.vector_load %arg11[%get3A_1065, %get3A_1066] {strides = array<i32>} : memref<22x16xf32, #tpu.memory_space<vmem>>, vector<16xf32>,
            %get3A_1068 = arith.constant 1 : i32
            %get3A_1069 = arith.index_cast %get3A_1068 : i32 to index
            %get3A_1070 = arith.constant 0 : index
            %get3A_1071 = tpu.vector_load %arg11[%get3A_1069, %get3A_1070] {strides = array<i32>} : memref<22x16xf32, #tpu.memory_space<vmem>>, vector<16xf32>,
            %mul3A_1072 = arith.mulf %get3A_1067, %get3A_1071 : vector<16xf32>
            %add3A_1073 = arith.addf %mul3A_1063, %mul3A_1072 : vector<16xf32>
            %get3A_1074 = arith.constant 2 : i32
            %get3A_1075 = arith.index_cast %get3A_1074 : i32 to index
            %get3A_1076 = arith.constant 0 : index
            %get3A_1077 = tpu.vector_load %arg11[%get3A_1075, %get3A_1076] {strides = array<i32>} : memref<22x16xf32, #tpu.memory_space<vmem>>, vector<16xf32>,
            %get3A_1078 = arith.constant 2 : i32
            %get3A_1079 = arith.index_cast %get3A_1078 : i32 to index
            %get3A_1080 = arith.constant 0 : index
            %get3A_1081 = tpu.vector_load %arg11[%get3A_1079, %get3A_1080] {strides = array<i32>} : memref<22x16xf32, #tpu.memory_space<vmem>>, vector<16xf32>,
            %mul3A_1082 = arith.mulf %get3A_1077, %get3A_1081 : vector<16xf32>
            %add3A_1083 = arith.addf %add3A_1073, %mul3A_1082 : vector<16xf32>
            %get3A_1084 = arith.constant 3 : i32
            %get3A_1085 = arith.index_cast %get3A_1084 : i32 to index
            %get3A_1086 = arith.constant 0 : index
            %get3A_1087 = tpu.vector_load %arg11[%get3A_1085, %get3A_1086] {strides = array<i32>} : memref<22x16xf32, #tpu.memory_space<vmem>>, vector<16xf32>,
            %get3A_1088 = arith.constant 3 : i32
            %get3A_1089 = arith.index_cast %get3A_1088 : i32 to index
            %get3A_1090 = arith.constant 0 : index
            %get3A_1091 = tpu.vector_load %arg11[%get3A_1089, %get3A_1090] {strides = array<i32>} : memref<22x16xf32, #tpu.memory_space<vmem>>, vector<16xf32>,
            %mul3A_1092 = arith.mulf %get3A_1087, %get3A_1091 : vector<16xf32>
            %add3A_1093 = arith.addf %add3A_1083, %mul3A_1092 : vector<16xf32>
            %get3A_1094 = arith.constant 4 : i32
            %get3A_1095 = arith.index_cast %get3A_1094 : i32 to index
            %get3A_1096 = arith.constant 0 : index
            %get3A_1097 = tpu.vector_load %arg11[%get3A_1095, %get3A_1096] {strides = array<i32>} : memref<22x16xf32, #tpu.memory_space<vmem>>, vector<16xf32>,
            %get3A_1098 = arith.constant 4 : i32
            %get3A_1099 = arith.index_cast %get3A_1098 : i32 to index
            %get3A_1100 = arith.constant 0 : index
            %get3A_1101 = tpu.vector_load %arg11[%get3A_1099, %get3A_1100] {strides = array<i32>} : memref<22x16xf32, #tpu.memory_space<vmem>>, vector<16xf32>,
            %mul3A_1102 = arith.mulf %get3A_1097, %get3A_1101 : vector<16xf32>
            %add3A_1103 = arith.addf %add3A_1093, %mul3A_1102 : vector<16xf32>
            %get3A_1104 = arith.constant 5 : i32
            %get3A_1105 = arith.index_cast %get3A_1104 : i32 to index
            %get3A_1106 = arith.constant 0 : index
            %get3A_1107 = tpu.vector_load %arg11[%get3A_1105, %get3A_1106] {strides = array<i32>} : memref<22x16xf32, #tpu.memory_space<vmem>>, vector<16xf32>,
            %get3A_1108 = arith.constant 5 : i32
            %get3A_1109 = arith.index_cast %get3A_1108 : i32 to index
            %get3A_1110 = arith.constant 0 : index
            %get3A_1111 = tpu.vector_load %arg11[%get3A_1109, %get3A_1110] {strides = array<i32>} : memref<22x16xf32, #tpu.memory_space<vmem>>, vector<16xf32>,
            %mul3A_1112 = arith.mulf %get3A_1107, %get3A_1111 : vector<16xf32>
            %add3A_1113 = arith.addf %add3A_1103, %mul3A_1112 : vector<16xf32>
            %get3A_1114 = arith.constant 6 : i32
            %get3A_1115 = arith.index_cast %get3A_1114 : i32 to index
            %get3A_1116 = arith.constant 0 : index
            %get3A_1117 = tpu.vector_load %arg11[%get3A_1115, %get3A_1116] {strides = array<i32>} : memref<22x16xf32, #tpu.memory_space<vmem>>, vector<16xf32>,
            %get3A_1118 = arith.constant 6 : i32
            %get3A_1119 = arith.index_cast %get3A_1118 : i32 to index
            %get3A_1120 = arith.constant 0 : index
            %get3A_1121 = tpu.vector_load %arg11[%get3A_1119, %get3A_1120] {strides = array<i32>} : memref<22x16xf32, #tpu.memory_space<vmem>>, vector<16xf32>,
            %mul3A_1122 = arith.mulf %get3A_1117, %get3A_1121 : vector<16xf32>
            %add3A_1123 = arith.addf %add3A_1113, %mul3A_1122 : vector<16xf32>
            %get3A_1124 = arith.constant 7 : i32
            %get3A_1125 = arith.index_cast %get3A_1124 : i32 to index
            %get3A_1126 = arith.constant 0 : index
            %get3A_1127 = tpu.vector_load %arg11[%get3A_1125, %get3A_1126] {strides = array<i32>} : memref<22x16xf32, #tpu.memory_space<vmem>>, vector<16xf32>,
            %get3A_1128 = arith.constant 7 : i32
            %get3A_1129 = arith.index_cast %get3A_1128 : i32 to index
            %get3A_1130 = arith.constant 0 : index
            %get3A_1131 = tpu.vector_load %arg11[%get3A_1129, %get3A_1130] {strides = array<i32>} : memref<22x16xf32, #tpu.memory_space<vmem>>, vector<16xf32>,
            %mul3A_1132 = arith.mulf %get3A_1127, %get3A_1131 : vector<16xf32>
            %add3A_1133 = arith.addf %add3A_1123, %mul3A_1132 : vector<16xf32>
            %get3A_1134 = arith.constant 8 : i32
            %get3A_1135 = arith.index_cast %get3A_1134 : i32 to index
            %get3A_1136 = arith.constant 0 : index
            %get3A_1137 = tpu.vector_load %arg11[%get3A_1135, %get3A_1136] {strides = array<i32>} : memref<22x16xf32, #tpu.memory_space<vmem>>, vector<16xf32>,
            %get3A_1138 = arith.constant 8 : i32
            %get3A_1139 = arith.index_cast %get3A_1138 : i32 to index
            %get3A_1140 = arith.constant 0 : index
            %get3A_1141 = tpu.vector_load %arg11[%get3A_1139, %get3A_1140] {strides = array<i32>} : memref<22x16xf32, #tpu.memory_space<vmem>>, vector<16xf32>,
            %mul3A_1142 = arith.mulf %get3A_1137, %get3A_1141 : vector<16xf32>
            %add3A_1143 = arith.addf %add3A_1133, %mul3A_1142 : vector<16xf32>
            %get3A_1144 = arith.constant 9 : i32
            %get3A_1145 = arith.index_cast %get3A_1144 : i32 to index
            %get3A_1146 = arith.constant 0 : index
            %get3A_1147 = tpu.vector_load %arg11[%get3A_1145, %get3A_1146] {strides = array<i32>} : memref<22x16xf32, #tpu.memory_space<vmem>>, vector<16xf32>,
            %get3A_1148 = arith.constant 9 : i32
            %get3A_1149 = arith.index_cast %get3A_1148 : i32 to index
            %get3A_1150 = arith.constant 0 : index
            %get3A_1151 = tpu.vector_load %arg11[%get3A_1149, %get3A_1150] {strides = array<i32>} : memref<22x16xf32, #tpu.memory_space<vmem>>, vector<16xf32>,
            %mul3A_1152 = arith.mulf %get3A_1147, %get3A_1151 : vector<16xf32>
            %get3A_1153 = arith.constant 10 : i32
            %get3A_1154 = arith.index_cast %get3A_1153 : i32 to index
            %get3A_1155 = arith.constant 0 : index
            %get3A_1156 = tpu.vector_load %arg11[%get3A_1154, %get3A_1155] {strides = array<i32>} : memref<22x16xf32, #tpu.memory_space<vmem>>, vector<16xf32>,
            %get3A_1157 = arith.constant 10 : i32
            %get3A_1158 = arith.index_cast %get3A_1157 : i32 to index
            %get3A_1159 = arith.constant 0 : index
            %get3A_1160 = tpu.vector_load %arg11[%get3A_1158, %get3A_1159] {strides = array<i32>} : memref<22x16xf32, #tpu.memory_space<vmem>>, vector<16xf32>,
            %mul3A_1161 = arith.mulf %get3A_1156, %get3A_1160 : vector<16xf32>
            %add3A_1162 = arith.addf %mul3A_1152, %mul3A_1161 : vector<16xf32>
            %get3A_1163 = arith.constant 11 : i32
            %get3A_1164 = arith.index_cast %get3A_1163 : i32 to index
            %get3A_1165 = arith.constant 0 : index
            %get3A_1166 = tpu.vector_load %arg11[%get3A_1164, %get3A_1165] {strides = array<i32>} : memref<22x16xf32, #tpu.memory_space<vmem>>, vector<16xf32>,
            %get3A_1167 = arith.constant 11 : i32
            %get3A_1168 = arith.index_cast %get3A_1167 : i32 to index
            %get3A_1169 = arith.constant 0 : index
            %get3A_1170 = tpu.vector_load %arg11[%get3A_1168, %get3A_1169] {strides = array<i32>} : memref<22x16xf32, #tpu.memory_space<vmem>>, vector<16xf32>,
            %mul3A_1171 = arith.mulf %get3A_1166, %get3A_1170 : vector<16xf32>
            %add3A_1172 = arith.addf %add3A_1162, %mul3A_1171 : vector<16xf32>
            %get3A_1173 = arith.constant 12 : i32
            %get3A_1174 = arith.index_cast %get3A_1173 : i32 to index
            %get3A_1175 = arith.constant 0 : index
            %get3A_1176 = tpu.vector_load %arg11[%get3A_1174, %get3A_1175] {strides = array<i32>} : memref<22x16xf32, #tpu.memory_space<vmem>>, vector<16xf32>,
            %get3A_1177 = arith.constant 12 : i32
            %get3A_1178 = arith.index_cast %get3A_1177 : i32 to index
            %get3A_1179 = arith.constant 0 : index
            %get3A_1180 = tpu.vector_load %arg11[%get3A_1178, %get3A_1179] {strides = array<i32>} : memref<22x16xf32, #tpu.memory_space<vmem>>, vector<16xf32>,
            %mul3A_1181 = arith.mulf %get3A_1176, %get3A_1180 : vector<16xf32>
            %add3A_1182 = arith.addf %add3A_1172, %mul3A_1181 : vector<16xf32>
            %get3A_1183 = arith.constant 13 : i32
            %get3A_1184 = arith.index_cast %get3A_1183 : i32 to index
            %get3A_1185 = arith.constant 0 : index
            %get3A_1186 = tpu.vector_load %arg11[%get3A_1184, %get3A_1185] {strides = array<i32>} : memref<22x16xf32, #tpu.memory_space<vmem>>, vector<16xf32>,
            %get3A_1187 = arith.constant 13 : i32
            %get3A_1188 = arith.index_cast %get3A_1187 : i32 to index
            %get3A_1189 = arith.constant 0 : index
            %get3A_1190 = tpu.vector_load %arg11[%get3A_1188, %get3A_1189] {strides = array<i32>} : memref<22x16xf32, #tpu.memory_space<vmem>>, vector<16xf32>,
            %mul3A_1191 = arith.mulf %get3A_1186, %get3A_1190 : vector<16xf32>
            %add3A_1192 = arith.addf %add3A_1182, %mul3A_1191 : vector<16xf32>
            %get3A_1193 = arith.constant 14 : i32
            %get3A_1194 = arith.index_cast %get3A_1193 : i32 to index
            %get3A_1195 = arith.constant 0 : index
            %get3A_1196 = tpu.vector_load %arg11[%get3A_1194, %get3A_1195] {strides = array<i32>} : memref<22x16xf32, #tpu.memory_space<vmem>>, vector<16xf32>,
            %get3A_1197 = arith.constant 14 : i32
            %get3A_1198 = arith.index_cast %get3A_1197 : i32 to index
            %get3A_1199 = arith.constant 0 : index
            %get3A_1200 = tpu.vector_load %arg11[%get3A_1198, %get3A_1199] {strides = array<i32>} : memref<22x16xf32, #tpu.memory_space<vmem>>, vector<16xf32>,
            %mul3A_1201 = arith.mulf %get3A_1196, %get3A_1200 : vector<16xf32>
            %add3A_1202 = arith.addf %add3A_1192, %mul3A_1201 : vector<16xf32>
            %get3A_1203 = arith.constant 15 : i32
            %get3A_1204 = arith.index_cast %get3A_1203 : i32 to index
            %get3A_1205 = arith.constant 0 : index
            %get3A_1206 = tpu.vector_load %arg11[%get3A_1204, %get3A_1205] {strides = array<i32>} : memref<22x16xf32, #tpu.memory_space<vmem>>, vector<16xf32>,
            %get3A_1207 = arith.constant 15 : i32
            %get3A_1208 = arith.index_cast %get3A_1207 : i32 to index
            %get3A_1209 = arith.constant 0 : index
            %get3A_1210 = tpu.vector_load %arg11[%get3A_1208, %get3A_1209] {strides = array<i32>} : memref<22x16xf32, #tpu.memory_space<vmem>>, vector<16xf32>,
            %mul3A_1211 = arith.mulf %get3A_1206, %get3A_1210 : vector<16xf32>
            %add3A_1212 = arith.addf %add3A_1202, %mul3A_1211 : vector<16xf32>
            %get3A_1213 = arith.constant 16 : i32
            %get3A_1214 = arith.index_cast %get3A_1213 : i32 to index
            %get3A_1215 = arith.constant 0 : index
            %get3A_1216 = tpu.vector_load %arg11[%get3A_1214, %get3A_1215] {strides = array<i32>} : memref<22x16xf32, #tpu.memory_space<vmem>>, vector<16xf32>,
            %get3A_1217 = arith.constant 16 : i32
            %get3A_1218 = arith.index_cast %get3A_1217 : i32 to index
            %get3A_1219 = arith.constant 0 : index
            %get3A_1220 = tpu.vector_load %arg11[%get3A_1218, %get3A_1219] {strides = array<i32>} : memref<22x16xf32, #tpu.memory_space<vmem>>, vector<16xf32>,
            %mul3A_1221 = arith.mulf %get3A_1216, %get3A_1220 : vector<16xf32>
            %add3A_1222 = arith.addf %add3A_1212, %mul3A_1221 : vector<16xf32>
            %get3A_1223 = arith.constant 17 : i32
            %get3A_1224 = arith.index_cast %get3A_1223 : i32 to index
            %get3A_1225 = arith.constant 0 : index
            %get3A_1226 = tpu.vector_load %arg11[%get3A_1224, %get3A_1225] {strides = array<i32>} : memref<22x16xf32, #tpu.memory_space<vmem>>, vector<16xf32>,
            %get3A_1227 = arith.constant 17 : i32
            %get3A_1228 = arith.index_cast %get3A_1227 : i32 to index
            %get3A_1229 = arith.constant 0 : index
            %get3A_1230 = tpu.vector_load %arg11[%get3A_1228, %get3A_1229] {strides = array<i32>} : memref<22x16xf32, #tpu.memory_space<vmem>>, vector<16xf32>,
            %mul3A_1231 = arith.mulf %get3A_1226, %get3A_1230 : vector<16xf32>
            %add3A_1232 = arith.addf %add3A_1222, %mul3A_1231 : vector<16xf32>
            %get3A_1233 = arith.constant 18 : i32
            %get3A_1234 = arith.index_cast %get3A_1233 : i32 to index
            %get3A_1235 = arith.constant 0 : index
            %get3A_1236 = tpu.vector_load %arg11[%get3A_1234, %get3A_1235] {strides = array<i32>} : memref<22x16xf32, #tpu.memory_space<vmem>>, vector<16xf32>,
            %get3A_1237 = arith.constant 18 : i32
            %get3A_1238 = arith.index_cast %get3A_1237 : i32 to index
            %get3A_1239 = arith.constant 0 : index
            %get3A_1240 = tpu.vector_load %arg11[%get3A_1238, %get3A_1239] {strides = array<i32>} : memref<22x16xf32, #tpu.memory_space<vmem>>, vector<16xf32>,
            %mul3A_1241 = arith.mulf %get3A_1236, %get3A_1240 : vector<16xf32>
            %add3A_1242 = arith.addf %add3A_1232, %mul3A_1241 : vector<16xf32>
            %get3A_1243 = arith.constant 19 : i32
            %get3A_1244 = arith.index_cast %get3A_1243 : i32 to index
            %get3A_1245 = arith.constant 0 : index
            %get3A_1246 = tpu.vector_load %arg11[%get3A_1244, %get3A_1245] {strides = array<i32>} : memref<22x16xf32, #tpu.memory_space<vmem>>, vector<16xf32>,
            %get3A_1247 = arith.constant 19 : i32
            %get3A_1248 = arith.index_cast %get3A_1247 : i32 to index
            %get3A_1249 = arith.constant 0 : index
            %get3A_1250 = tpu.vector_load %arg11[%get3A_1248, %get3A_1249] {strides = array<i32>} : memref<22x16xf32, #tpu.memory_space<vmem>>, vector<16xf32>,
            %mul3A_1251 = arith.mulf %get3A_1246, %get3A_1250 : vector<16xf32>
            %add3A_1252 = arith.addf %add3A_1242, %mul3A_1251 : vector<16xf32>
            %get3A_1253 = arith.constant 20 : i32
            %get3A_1254 = arith.index_cast %get3A_1253 : i32 to index
            %get3A_1255 = arith.constant 0 : index
            %get3A_1256 = tpu.vector_load %arg11[%get3A_1254, %get3A_1255] {strides = array<i32>} : memref<22x16xf32, #tpu.memory_space<vmem>>, vector<16xf32>,
            %get3A_1257 = arith.constant 20 : i32
            %get3A_1258 = arith.index_cast %get3A_1257 : i32 to index
            %get3A_1259 = arith.constant 0 : index
            %get3A_1260 = tpu.vector_load %arg11[%get3A_1258, %get3A_1259] {strides = array<i32>} : memref<22x16xf32, #tpu.memory_space<vmem>>, vector<16xf32>,
            %mul3A_1261 = arith.mulf %get3A_1256, %get3A_1260 : vector<16xf32>
            %add3A_1262 = arith.addf %add3A_1252, %mul3A_1261 : vector<16xf32>
            %get3A_1263 = arith.constant 21 : i32
            %get3A_1264 = arith.index_cast %get3A_1263 : i32 to index
            %get3A_1265 = arith.constant 0 : index
            %get3A_1266 = tpu.vector_load %arg11[%get3A_1264, %get3A_1265] {strides = array<i32>} : memref<22x16xf32, #tpu.memory_space<vmem>>, vector<16xf32>,
            %get3A_1267 = arith.constant 21 : i32
            %get3A_1268 = arith.index_cast %get3A_1267 : i32 to index
            %get3A_1269 = arith.constant 0 : index
            %get3A_1270 = tpu.vector_load %arg11[%get3A_1268, %get3A_1269] {strides = array<i32>} : memref<22x16xf32, #tpu.memory_space<vmem>>, vector<16xf32>,
            %mul3A_1271 = arith.mulf %get3A_1266, %get3A_1270 : vector<16xf32>
            %add3A_1272 = arith.addf %add3A_1262, %mul3A_1271 : vector<16xf32>
            %swap3A_1273 = arith.constant 0 : i32
            %swap3A_1274 = arith.index_cast %swap3A_1273 : i32 to index
            %swap3A_1275 = arith.constant 0 : index
            %swap3A_1276 = tpu.vector_load %arg12[%swap3A_1274, %swap3A_1275] {strides = array<i32>} : memref<2x16xf32, #tpu.memory_space<vmem>>, vector<16xf32>,
            tpu.vector_store %arg12[%swap3A_1274, %swap3A_1275], %add3A_1143 {strides = array<i32>} : memref<2x16xf32, #tpu.memory_space<vmem>>, vector<16xf32>,
            %swap3A_1277 = arith.constant 1 : i32
            %swap3A_1278 = arith.index_cast %swap3A_1277 : i32 to index
            %swap3A_1279 = arith.constant 0 : index
            %swap3A_1280 = tpu.vector_load %arg12[%swap3A_1278, %swap3A_1279] {strides = array<i32>} : memref<2x16xf32, #tpu.memory_space<vmem>>, vector<16xf32>,
            tpu.vector_store %arg12[%swap3A_1278, %swap3A_1279], %add3A_1272 {strides = array<i32>} : memref<2x16xf32, #tpu.memory_space<vmem>>, vector<16xf32>,
            "tpu.region"() ({
              %run_scoped3A = tpu.sem_alloc : memref<!tpu.dma_semaphore, #tpu.memory_space<semaphore_mem>>
              %dma_start3A_1281 = arith.constant 0 : i32
              %dma_start3A_1282 = arith.constant 0 : i32
              %dma_start3A_1283 = tpu.memref_slice %arg5[%scan3A_558, %dma_start3A_1281, %dma_start3A_1282] : memref<10000x2x16xf32, #tpu.memory_space<hbm>> -> memref<1x2x16xf32, #tpu.memory_space<hbm>>
              %dma_start3A_1284 = tpu.memref_squeeze %dma_start3A_1283 : memref<1x2x16xf32, #tpu.memory_space<hbm>> -> memref<2x16xf32, #tpu.memory_space<hbm>>
              %dma_start3A_1285 = arith.constant 0 : i32
              %dma_start3A_1286 = arith.constant 0 : i32
              %dma_start3A_1287 = tpu.memref_slice %arg5[%scan3A_558, %dma_start3A_1285, %dma_start3A_1286] : memref<10000x2x16xf32, #tpu.memory_space<hbm>> -> memref<1x2x16xf32, #tpu.memory_space<hbm>>
              %dma_start3A_1288 = tpu.memref_squeeze %dma_start3A_1287 : memref<1x2x16xf32, #tpu.memory_space<hbm>> -> memref<2x16xf32, #tpu.memory_space<hbm>>
              tpu.enqueue_dma source(%arg12 : memref<2x16xf32, #tpu.memory_space<vmem>>) target(%dma_start3A_1288 : memref<2x16xf32, #tpu.memory_space<hbm>>) target_semaphore(%run_scoped3A : memref<!tpu.dma_semaphore, #tpu.memory_space<semaphore_mem>>)
              %dma_wait3A_1289 = arith.constant 0 : i32
              %dma_wait3A_1290 = arith.constant 0 : i32
              %dma_wait3A_1291 = tpu.memref_slice %arg5[%scan3A_558, %dma_wait3A_1289, %dma_wait3A_1290] : memref<10000x2x16xf32, #tpu.memory_space<hbm>> -> memref<1x2x16xf32, #tpu.memory_space<hbm>>
              %dma_wait3A_1292 = tpu.memref_squeeze %dma_wait3A_1291 : memref<1x2x16xf32, #tpu.memory_space<hbm>> -> memref<2x16xf32, #tpu.memory_space<hbm>>
              %dma_wait3A_1293 = arith.constant 0 : i32
              %dma_wait3A_1294 = arith.constant 0 : i32
              %dma_wait3A_1295 = tpu.memref_slice %arg5[%scan3A_558, %dma_wait3A_1293, %dma_wait3A_1294] : memref<10000x2x16xf32, #tpu.memory_space<hbm>> -> memref<1x2x16xf32, #tpu.memory_space<hbm>>
              %dma_wait3A_1296 = tpu.memref_squeeze %dma_wait3A_1295 : memref<1x2x16xf32, #tpu.memory_space<hbm>> -> memref<2x16xf32, #tpu.memory_space<hbm>>
              tpu.wait_dma2 semaphore(%run_scoped3A : memref<!tpu.dma_semaphore, #tpu.memory_space<semaphore_mem>>) src(%arg12 : memref<2x16xf32, #tpu.memory_space<vmem>>) dst(%dma_wait3A_1296 : memref<2x16xf32, #tpu.memory_space<hbm>>)
              tpu.yield
            }) : () -> ()
          } else {
          }
          %broadcast_in_dim3A_912 = arith.constant 0.000000e+00 : f32
          %broadcast_in_dim3A_913 = vector.broadcast %broadcast_in_dim3A_912 : f32 to vector<16xf32>
          %swap3A_914 = arith.constant 0 : i32
          %swap3A_915 = arith.index_cast %swap3A_914 : i32 to index
          %swap3A_916 = arith.constant 0 : index
          %swap3A_917 = tpu.vector_load %arg11[%swap3A_915, %swap3A_916] {strides = array<i32>} : memref<22x16xf32, #tpu.memory_space<vmem>>, vector<16xf32>,
          tpu.vector_store %arg11[%swap3A_915, %swap3A_916], %broadcast_in_dim3A_913 {strides = array<i32>} : memref<22x16xf32, #tpu.memory_space<vmem>>, vector<16xf32>,
          %broadcast_in_dim3A_918 = arith.constant 0.000000e+00 : f32
          %broadcast_in_dim3A_919 = vector.broadcast %broadcast_in_dim3A_918 : f32 to vector<16xf32>
          %swap3A_920 = arith.constant 1 : i32
          %swap3A_921 = arith.index_cast %swap3A_920 : i32 to index
          %swap3A_922 = arith.constant 0 : index
          %swap3A_923 = tpu.vector_load %arg11[%swap3A_921, %swap3A_922] {strides = array<i32>} : memref<22x16xf32, #tpu.memory_space<vmem>>, vector<16xf32>,
          tpu.vector_store %arg11[%swap3A_921, %swap3A_922], %broadcast_in_dim3A_919 {strides = array<i32>} : memref<22x16xf32, #tpu.memory_space<vmem>>, vector<16xf32>,
          %broadcast_in_dim3A_924 = arith.constant 0.000000e+00 : f32
          %broadcast_in_dim3A_925 = vector.broadcast %broadcast_in_dim3A_924 : f32 to vector<16xf32>
          %swap3A_926 = arith.constant 2 : i32
          %swap3A_927 = arith.index_cast %swap3A_926 : i32 to index
          %swap3A_928 = arith.constant 0 : index
          %swap3A_929 = tpu.vector_load %arg11[%swap3A_927, %swap3A_928] {strides = array<i32>} : memref<22x16xf32, #tpu.memory_space<vmem>>, vector<16xf32>,
          tpu.vector_store %arg11[%swap3A_927, %swap3A_928], %broadcast_in_dim3A_925 {strides = array<i32>} : memref<22x16xf32, #tpu.memory_space<vmem>>, vector<16xf32>,
          %broadcast_in_dim3A_930 = arith.constant 0.000000e+00 : f32
          %broadcast_in_dim3A_931 = vector.broadcast %broadcast_in_dim3A_930 : f32 to vector<16xf32>
          %swap3A_932 = arith.constant 3 : i32
          %swap3A_933 = arith.index_cast %swap3A_932 : i32 to index
          %swap3A_934 = arith.constant 0 : index
          %swap3A_935 = tpu.vector_load %arg11[%swap3A_933, %swap3A_934] {strides = array<i32>} : memref<22x16xf32, #tpu.memory_space<vmem>>, vector<16xf32>,
          tpu.vector_store %arg11[%swap3A_933, %swap3A_934], %broadcast_in_dim3A_931 {strides = array<i32>} : memref<22x16xf32, #tpu.memory_space<vmem>>, vector<16xf32>,
          %broadcast_in_dim3A_936 = arith.constant 0.000000e+00 : f32
          %broadcast_in_dim3A_937 = vector.broadcast %broadcast_in_dim3A_936 : f32 to vector<16xf32>
          %swap3A_938 = arith.constant 4 : i32
          %swap3A_939 = arith.index_cast %swap3A_938 : i32 to index
          %swap3A_940 = arith.constant 0 : index
          %swap3A_941 = tpu.vector_load %arg11[%swap3A_939, %swap3A_940] {strides = array<i32>} : memref<22x16xf32, #tpu.memory_space<vmem>>, vector<16xf32>,
          tpu.vector_store %arg11[%swap3A_939, %swap3A_940], %broadcast_in_dim3A_937 {strides = array<i32>} : memref<22x16xf32, #tpu.memory_space<vmem>>, vector<16xf32>,
          %broadcast_in_dim3A_942 = arith.constant 0.000000e+00 : f32
          %broadcast_in_dim3A_943 = vector.broadcast %broadcast_in_dim3A_942 : f32 to vector<16xf32>
          %swap3A_944 = arith.constant 5 : i32
          %swap3A_945 = arith.index_cast %swap3A_944 : i32 to index
          %swap3A_946 = arith.constant 0 : index
          %swap3A_947 = tpu.vector_load %arg11[%swap3A_945, %swap3A_946] {strides = array<i32>} : memref<22x16xf32, #tpu.memory_space<vmem>>, vector<16xf32>,
          tpu.vector_store %arg11[%swap3A_945, %swap3A_946], %broadcast_in_dim3A_943 {strides = array<i32>} : memref<22x16xf32, #tpu.memory_space<vmem>>, vector<16xf32>,
          %broadcast_in_dim3A_948 = arith.constant 0.000000e+00 : f32
          %broadcast_in_dim3A_949 = vector.broadcast %broadcast_in_dim3A_948 : f32 to vector<16xf32>
          %swap3A_950 = arith.constant 6 : i32
          %swap3A_951 = arith.index_cast %swap3A_950 : i32 to index
          %swap3A_952 = arith.constant 0 : index
          %swap3A_953 = tpu.vector_load %arg11[%swap3A_951, %swap3A_952] {strides = array<i32>} : memref<22x16xf32, #tpu.memory_space<vmem>>, vector<16xf32>,
          tpu.vector_store %arg11[%swap3A_951, %swap3A_952], %broadcast_in_dim3A_949 {strides = array<i32>} : memref<22x16xf32, #tpu.memory_space<vmem>>, vector<16xf32>,
          %broadcast_in_dim3A_954 = arith.constant 0.000000e+00 : f32
          %broadcast_in_dim3A_955 = vector.broadcast %broadcast_in_dim3A_954 : f32 to vector<16xf32>
          %swap3A_956 = arith.constant 7 : i32
          %swap3A_957 = arith.index_cast %swap3A_956 : i32 to index
          %swap3A_958 = arith.constant 0 : index
          %swap3A_959 = tpu.vector_load %arg11[%swap3A_957, %swap3A_958] {strides = array<i32>} : memref<22x16xf32, #tpu.memory_space<vmem>>, vector<16xf32>,
          tpu.vector_store %arg11[%swap3A_957, %swap3A_958], %broadcast_in_dim3A_955 {strides = array<i32>} : memref<22x16xf32, #tpu.memory_space<vmem>>, vector<16xf32>,
          %broadcast_in_dim3A_960 = arith.constant 0.000000e+00 : f32
          %broadcast_in_dim3A_961 = vector.broadcast %broadcast_in_dim3A_960 : f32 to vector<16xf32>
          %swap3A_962 = arith.constant 8 : i32
          %swap3A_963 = arith.index_cast %swap3A_962 : i32 to index
          %swap3A_964 = arith.constant 0 : index
          %swap3A_965 = tpu.vector_load %arg11[%swap3A_963, %swap3A_964] {strides = array<i32>} : memref<22x16xf32, #tpu.memory_space<vmem>>, vector<16xf32>,
          tpu.vector_store %arg11[%swap3A_963, %swap3A_964], %broadcast_in_dim3A_961 {strides = array<i32>} : memref<22x16xf32, #tpu.memory_space<vmem>>, vector<16xf32>,
          %broadcast_in_dim3A_966 = arith.constant 0.000000e+00 : f32
          %broadcast_in_dim3A_967 = vector.broadcast %broadcast_in_dim3A_966 : f32 to vector<16xf32>
          %swap3A_968 = arith.constant 9 : i32
          %swap3A_969 = arith.index_cast %swap3A_968 : i32 to index
          %swap3A_970 = arith.constant 0 : index
          %swap3A_971 = tpu.vector_load %arg11[%swap3A_969, %swap3A_970] {strides = array<i32>} : memref<22x16xf32, #tpu.memory_space<vmem>>, vector<16xf32>,
          tpu.vector_store %arg11[%swap3A_969, %swap3A_970], %broadcast_in_dim3A_967 {strides = array<i32>} : memref<22x16xf32, #tpu.memory_space<vmem>>, vector<16xf32>,
          %broadcast_in_dim3A_972 = arith.constant 0.000000e+00 : f32
          %broadcast_in_dim3A_973 = vector.broadcast %broadcast_in_dim3A_972 : f32 to vector<16xf32>
          %swap3A_974 = arith.constant 10 : i32
          %swap3A_975 = arith.index_cast %swap3A_974 : i32 to index
          %swap3A_976 = arith.constant 0 : index
          %swap3A_977 = tpu.vector_load %arg11[%swap3A_975, %swap3A_976] {strides = array<i32>} : memref<22x16xf32, #tpu.memory_space<vmem>>, vector<16xf32>,
          tpu.vector_store %arg11[%swap3A_975, %swap3A_976], %broadcast_in_dim3A_973 {strides = array<i32>} : memref<22x16xf32, #tpu.memory_space<vmem>>, vector<16xf32>,
          %broadcast_in_dim3A_978 = arith.constant 0.000000e+00 : f32
          %broadcast_in_dim3A_979 = vector.broadcast %broadcast_in_dim3A_978 : f32 to vector<16xf32>
          %swap3A_980 = arith.constant 11 : i32
          %swap3A_981 = arith.index_cast %swap3A_980 : i32 to index
          %swap3A_982 = arith.constant 0 : index
          %swap3A_983 = tpu.vector_load %arg11[%swap3A_981, %swap3A_982] {strides = array<i32>} : memref<22x16xf32, #tpu.memory_space<vmem>>, vector<16xf32>,
          tpu.vector_store %arg11[%swap3A_981, %swap3A_982], %broadcast_in_dim3A_979 {strides = array<i32>} : memref<22x16xf32, #tpu.memory_space<vmem>>, vector<16xf32>,
          %broadcast_in_dim3A_984 = arith.constant 0.000000e+00 : f32
          %broadcast_in_dim3A_985 = vector.broadcast %broadcast_in_dim3A_984 : f32 to vector<16xf32>
          %swap3A_986 = arith.constant 12 : i32
          %swap3A_987 = arith.index_cast %swap3A_986 : i32 to index
          %swap3A_988 = arith.constant 0 : index
          %swap3A_989 = tpu.vector_load %arg11[%swap3A_987, %swap3A_988] {strides = array<i32>} : memref<22x16xf32, #tpu.memory_space<vmem>>, vector<16xf32>,
          tpu.vector_store %arg11[%swap3A_987, %swap3A_988], %broadcast_in_dim3A_985 {strides = array<i32>} : memref<22x16xf32, #tpu.memory_space<vmem>>, vector<16xf32>,
          %broadcast_in_dim3A_990 = arith.constant 0.000000e+00 : f32
          %broadcast_in_dim3A_991 = vector.broadcast %broadcast_in_dim3A_990 : f32 to vector<16xf32>
          %swap3A_992 = arith.constant 13 : i32
          %swap3A_993 = arith.index_cast %swap3A_992 : i32 to index
          %swap3A_994 = arith.constant 0 : index
          %swap3A_995 = tpu.vector_load %arg11[%swap3A_993, %swap3A_994] {strides = array<i32>} : memref<22x16xf32, #tpu.memory_space<vmem>>, vector<16xf32>,
          tpu.vector_store %arg11[%swap3A_993, %swap3A_994], %broadcast_in_dim3A_991 {strides = array<i32>} : memref<22x16xf32, #tpu.memory_space<vmem>>, vector<16xf32>,
          %broadcast_in_dim3A_996 = arith.constant 0.000000e+00 : f32
          %broadcast_in_dim3A_997 = vector.broadcast %broadcast_in_dim3A_996 : f32 to vector<16xf32>
          %swap3A_998 = arith.constant 14 : i32
          %swap3A_999 = arith.index_cast %swap3A_998 : i32 to index
          %swap3A_1000 = arith.constant 0 : index
          %swap3A_1001 = tpu.vector_load %arg11[%swap3A_999, %swap3A_1000] {strides = array<i32>} : memref<22x16xf32, #tpu.memory_space<vmem>>, vector<16xf32>,
          tpu.vector_store %arg11[%swap3A_999, %swap3A_1000], %broadcast_in_dim3A_997 {strides = array<i32>} : memref<22x16xf32, #tpu.memory_space<vmem>>, vector<16xf32>,
          %broadcast_in_dim3A_1002 = arith.constant 0.000000e+00 : f32
          %broadcast_in_dim3A_1003 = vector.broadcast %broadcast_in_dim3A_1002 : f32 to vector<16xf32>
          %swap3A_1004 = arith.constant 15 : i32
          %swap3A_1005 = arith.index_cast %swap3A_1004 : i32 to index
          %swap3A_1006 = arith.constant 0 : index
          %swap3A_1007 = tpu.vector_load %arg11[%swap3A_1005, %swap3A_1006] {strides = array<i32>} : memref<22x16xf32, #tpu.memory_space<vmem>>, vector<16xf32>,
          tpu.vector_store %arg11[%swap3A_1005, %swap3A_1006], %broadcast_in_dim3A_1003 {strides = array<i32>} : memref<22x16xf32, #tpu.memory_space<vmem>>, vector<16xf32>,
          %broadcast_in_dim3A_1008 = arith.constant 0.000000e+00 : f32
          %broadcast_in_dim3A_1009 = vector.broadcast %broadcast_in_dim3A_1008 : f32 to vector<16xf32>
          %swap3A_1010 = arith.constant 16 : i32
          %swap3A_1011 = arith.index_cast %swap3A_1010 : i32 to index
          %swap3A_1012 = arith.constant 0 : index
          %swap3A_1013 = tpu.vector_load %arg11[%swap3A_1011, %swap3A_1012] {strides = array<i32>} : memref<22x16xf32, #tpu.memory_space<vmem>>, vector<16xf32>,
          tpu.vector_store %arg11[%swap3A_1011, %swap3A_1012], %broadcast_in_dim3A_1009 {strides = array<i32>} : memref<22x16xf32, #tpu.memory_space<vmem>>, vector<16xf32>,
          %broadcast_in_dim3A_1014 = arith.constant 0.000000e+00 : f32
          %broadcast_in_dim3A_1015 = vector.broadcast %broadcast_in_dim3A_1014 : f32 to vector<16xf32>
          %swap3A_1016 = arith.constant 17 : i32
          %swap3A_1017 = arith.index_cast %swap3A_1016 : i32 to index
          %swap3A_1018 = arith.constant 0 : index
          %swap3A_1019 = tpu.vector_load %arg11[%swap3A_1017, %swap3A_1018] {strides = array<i32>} : memref<22x16xf32, #tpu.memory_space<vmem>>, vector<16xf32>,
          tpu.vector_store %arg11[%swap3A_1017, %swap3A_1018], %broadcast_in_dim3A_1015 {strides = array<i32>} : memref<22x16xf32, #tpu.memory_space<vmem>>, vector<16xf32>,
          %broadcast_in_dim3A_1020 = arith.constant 0.000000e+00 : f32
          %broadcast_in_dim3A_1021 = vector.broadcast %broadcast_in_dim3A_1020 : f32 to vector<16xf32>
          %swap3A_1022 = arith.constant 18 : i32
          %swap3A_1023 = arith.index_cast %swap3A_1022 : i32 to index
          %swap3A_1024 = arith.constant 0 : index
          %swap3A_1025 = tpu.vector_load %arg11[%swap3A_1023, %swap3A_1024] {strides = array<i32>} : memref<22x16xf32, #tpu.memory_space<vmem>>, vector<16xf32>,
          tpu.vector_store %arg11[%swap3A_1023, %swap3A_1024], %broadcast_in_dim3A_1021 {strides = array<i32>} : memref<22x16xf32, #tpu.memory_space<vmem>>, vector<16xf32>,
          %broadcast_in_dim3A_1026 = arith.constant 0.000000e+00 : f32
          %broadcast_in_dim3A_1027 = vector.broadcast %broadcast_in_dim3A_1026 : f32 to vector<16xf32>
          %swap3A_1028 = arith.constant 19 : i32
          %swap3A_1029 = arith.index_cast %swap3A_1028 : i32 to index
          %swap3A_1030 = arith.constant 0 : index
          %swap3A_1031 = tpu.vector_load %arg11[%swap3A_1029, %swap3A_1030] {strides = array<i32>} : memref<22x16xf32, #tpu.memory_space<vmem>>, vector<16xf32>,
          tpu.vector_store %arg11[%swap3A_1029, %swap3A_1030], %broadcast_in_dim3A_1027 {strides = array<i32>} : memref<22x16xf32, #tpu.memory_space<vmem>>, vector<16xf32>,
          %broadcast_in_dim3A_1032 = arith.constant 0.000000e+00 : f32
          %broadcast_in_dim3A_1033 = vector.broadcast %broadcast_in_dim3A_1032 : f32 to vector<16xf32>
          %swap3A_1034 = arith.constant 20 : i32
          %swap3A_1035 = arith.index_cast %swap3A_1034 : i32 to index
          %swap3A_1036 = arith.constant 0 : index
          %swap3A_1037 = tpu.vector_load %arg11[%swap3A_1035, %swap3A_1036] {strides = array<i32>} : memref<22x16xf32, #tpu.memory_space<vmem>>, vector<16xf32>,
          tpu.vector_store %arg11[%swap3A_1035, %swap3A_1036], %broadcast_in_dim3A_1033 {strides = array<i32>} : memref<22x16xf32, #tpu.memory_space<vmem>>, vector<16xf32>,
          %broadcast_in_dim3A_1038 = arith.constant 0.000000e+00 : f32
          %broadcast_in_dim3A_1039 = vector.broadcast %broadcast_in_dim3A_1038 : f32 to vector<16xf32>
          %swap3A_1040 = arith.constant 21 : i32
          %swap3A_1041 = arith.index_cast %swap3A_1040 : i32 to index
          %swap3A_1042 = arith.constant 0 : index
          %swap3A_1043 = tpu.vector_load %arg11[%swap3A_1041, %swap3A_1042] {strides = array<i32>} : memref<22x16xf32, #tpu.memory_space<vmem>>, vector<16xf32>,
          tpu.vector_store %arg11[%swap3A_1041, %swap3A_1042], %broadcast_in_dim3A_1039 {strides = array<i32>} : memref<22x16xf32, #tpu.memory_space<vmem>>, vector<16xf32>,
          %add3A_1044 = arith.constant 1 : i32
          %add3A_1045 = arith.addi %scan3A_558, %add3A_1044 : i32
          %while3A_1046 = arith.constant 0 : i32
          %while3A_1047 = arith.subi %squeeze3A_566, %add3A_1045 : i32
          %while3A_1048 = arith.addi %add3A_1045, %while3A_1047 : i32
          %while3A_1049 = arith.constant 1 : i32
          %while3A_1050 = arith.divsi %while3A_1047, %while3A_1049 : i32
          %while3A_1051 = arith.muli %while3A_1050, %while3A_1049 : i32
          %while3A_1052 = arith.addi %add3A_1045, %while3A_1051 : i32
          %while3A_1053 = arith.constant 1 : i32
          scf.for %while3A_1055 = %add3A_1045 to %while3A_1052 step %while3A_1053  : i32 {
            "tpu.region"() ({
              %run_scoped3A = tpu.sem_alloc : memref<!tpu.dma_semaphore, #tpu.memory_space<semaphore_mem>>
              %dma_start3A_1056 = arith.constant 0 : i32
              %dma_start3A_1057 = arith.constant 0 : i32
              %dma_start3A_1058 = tpu.memref_slice %arg13[%dma_start3A_1056, %dma_start3A_1057] : memref<22x16xf32, #tpu.memory_space<vmem>> -> memref<2x16xf32, #tpu.memory_space<vmem>>
              %dma_start3A_1059 = arith.constant 0 : i32
              %dma_start3A_1060 = arith.constant 0 : i32
              %dma_start3A_1061 = tpu.memref_slice %arg5[%while3A_1055, %dma_start3A_1059, %dma_start3A_1060] : memref<10000x2x16xf32, #tpu.memory_space<hbm>> -> memref<1x2x16xf32, #tpu.memory_space<hbm>>
              %dma_start3A_1062 = tpu.memref_squeeze %dma_start3A_1061 : memref<1x2x16xf32, #tpu.memory_space<hbm>> -> memref<2x16xf32, #tpu.memory_space<hbm>>
              %dma_start3A_1063 = arith.constant 0 : i32
              %dma_start3A_1064 = arith.constant 0 : i32
              %dma_start3A_1065 = tpu.memref_slice %arg5[%while3A_1055, %dma_start3A_1063, %dma_start3A_1064] : memref<10000x2x16xf32, #tpu.memory_space<hbm>> -> memref<1x2x16xf32, #tpu.memory_space<hbm>>
              %dma_start3A_1066 = tpu.memref_squeeze %dma_start3A_1065 : memref<1x2x16xf32, #tpu.memory_space<hbm>> -> memref<2x16xf32, #tpu.memory_space<hbm>>
              %dma_start3A_1067 = arith.constant 0 : i32
              %dma_start3A_1068 = arith.constant 0 : i32
              %dma_start3A_1069 = tpu.memref_slice %arg13[%dma_start3A_1067, %dma_start3A_1068] : memref<22x16xf32, #tpu.memory_space<vmem>> -> memref<2x16xf32, #tpu.memory_space<vmem>>
              tpu.enqueue_dma source(%dma_start3A_1069 : memref<2x16xf32, #tpu.memory_space<vmem>>) target(%dma_start3A_1066 : memref<2x16xf32, #tpu.memory_space<hbm>>) target_semaphore(%run_scoped3A : memref<!tpu.dma_semaphore, #tpu.memory_space<semaphore_mem>>)
              %dma_wait3A_1070 = arith.constant 0 : i32
              %dma_wait3A_1071 = arith.constant 0 : i32
              %dma_wait3A_1072 = tpu.memref_slice %arg13[%dma_wait3A_1070, %dma_wait3A_1071] : memref<22x16xf32, #tpu.memory_space<vmem>> -> memref<2x16xf32, #tpu.memory_space<vmem>>
              %dma_wait3A_1073 = arith.constant 0 : i32
              %dma_wait3A_1074 = arith.constant 0 : i32
              %dma_wait3A_1075 = tpu.memref_slice %arg5[%while3A_1055, %dma_wait3A_1073, %dma_wait3A_1074] : memref<10000x2x16xf32, #tpu.memory_space<hbm>> -> memref<1x2x16xf32, #tpu.memory_space<hbm>>
              %dma_wait3A_1076 = tpu.memref_squeeze %dma_wait3A_1075 : memref<1x2x16xf32, #tpu.memory_space<hbm>> -> memref<2x16xf32, #tpu.memory_space<hbm>>
              %dma_wait3A_1077 = arith.constant 0 : i32
              %dma_wait3A_1078 = arith.constant 0 : i32
              %dma_wait3A_1079 = tpu.memref_slice %arg5[%while3A_1055, %dma_wait3A_1077, %dma_wait3A_1078] : memref<10000x2x16xf32, #tpu.memory_space<hbm>> -> memref<1x2x16xf32, #tpu.memory_space<hbm>>
              %dma_wait3A_1080 = tpu.memref_squeeze %dma_wait3A_1079 : memref<1x2x16xf32, #tpu.memory_space<hbm>> -> memref<2x16xf32, #tpu.memory_space<hbm>>
              %dma_wait3A_1081 = arith.constant 0 : i32
              %dma_wait3A_1082 = arith.constant 0 : i32
              %dma_wait3A_1083 = tpu.memref_slice %arg13[%dma_wait3A_1081, %dma_wait3A_1082] : memref<22x16xf32, #tpu.memory_space<vmem>> -> memref<2x16xf32, #tpu.memory_space<vmem>>
              tpu.wait_dma2 semaphore(%run_scoped3A : memref<!tpu.dma_semaphore, #tpu.memory_space<semaphore_mem>>) src(%dma_wait3A_1083 : memref<2x16xf32, #tpu.memory_space<vmem>>) dst(%dma_wait3A_1080 : memref<2x16xf32, #tpu.memory_space<hbm>>)
              tpu.yield
            }) : () -> ()
          }
          %while3A_1054 = arith.constant 1 : i32
          scf.for %while3A_1055 = %while3A_1052 to %while3A_1048 step %while3A_1054  : i32 {
            "tpu.region"() ({
              %run_scoped3A = tpu.sem_alloc : memref<!tpu.dma_semaphore, #tpu.memory_space<semaphore_mem>>
              %dma_start3A_1056 = arith.constant 0 : i32
              %dma_start3A_1057 = arith.constant 0 : i32
              %dma_start3A_1058 = tpu.memref_slice %arg13[%dma_start3A_1056, %dma_start3A_1057] : memref<22x16xf32, #tpu.memory_space<vmem>> -> memref<2x16xf32, #tpu.memory_space<vmem>>
              %dma_start3A_1059 = arith.constant 0 : i32
              %dma_start3A_1060 = arith.constant 0 : i32
              %dma_start3A_1061 = tpu.memref_slice %arg5[%while3A_1055, %dma_start3A_1059, %dma_start3A_1060] : memref<10000x2x16xf32, #tpu.memory_space<hbm>> -> memref<1x2x16xf32, #tpu.memory_space<hbm>>
              %dma_start3A_1062 = tpu.memref_squeeze %dma_start3A_1061 : memref<1x2x16xf32, #tpu.memory_space<hbm>> -> memref<2x16xf32, #tpu.memory_space<hbm>>
              %dma_start3A_1063 = arith.constant 0 : i32
              %dma_start3A_1064 = arith.constant 0 : i32
              %dma_start3A_1065 = tpu.memref_slice %arg5[%while3A_1055, %dma_start3A_1063, %dma_start3A_1064] : memref<10000x2x16xf32, #tpu.memory_space<hbm>> -> memref<1x2x16xf32, #tpu.memory_space<hbm>>
              %dma_start3A_1066 = tpu.memref_squeeze %dma_start3A_1065 : memref<1x2x16xf32, #tpu.memory_space<hbm>> -> memref<2x16xf32, #tpu.memory_space<hbm>>
              %dma_start3A_1067 = arith.constant 0 : i32
              %dma_start3A_1068 = arith.constant 0 : i32
              %dma_start3A_1069 = tpu.memref_slice %arg13[%dma_start3A_1067, %dma_start3A_1068] : memref<22x16xf32, #tpu.memory_space<vmem>> -> memref<2x16xf32, #tpu.memory_space<vmem>>
              tpu.enqueue_dma source(%dma_start3A_1069 : memref<2x16xf32, #tpu.memory_space<vmem>>) target(%dma_start3A_1066 : memref<2x16xf32, #tpu.memory_space<hbm>>) target_semaphore(%run_scoped3A : memref<!tpu.dma_semaphore, #tpu.memory_space<semaphore_mem>>)
              %dma_wait3A_1070 = arith.constant 0 : i32
              %dma_wait3A_1071 = arith.constant 0 : i32
              %dma_wait3A_1072 = tpu.memref_slice %arg13[%dma_wait3A_1070, %dma_wait3A_1071] : memref<22x16xf32, #tpu.memory_space<vmem>> -> memref<2x16xf32, #tpu.memory_space<vmem>>
              %dma_wait3A_1073 = arith.constant 0 : i32
              %dma_wait3A_1074 = arith.constant 0 : i32
              %dma_wait3A_1075 = tpu.memref_slice %arg5[%while3A_1055, %dma_wait3A_1073, %dma_wait3A_1074] : memref<10000x2x16xf32, #tpu.memory_space<hbm>> -> memref<1x2x16xf32, #tpu.memory_space<hbm>>
              %dma_wait3A_1076 = tpu.memref_squeeze %dma_wait3A_1075 : memref<1x2x16xf32, #tpu.memory_space<hbm>> -> memref<2x16xf32, #tpu.memory_space<hbm>>
              %dma_wait3A_1077 = arith.constant 0 : i32
              %dma_wait3A_1078 = arith.constant 0 : i32
              %dma_wait3A_1079 = tpu.memref_slice %arg5[%while3A_1055, %dma_wait3A_1077, %dma_wait3A_1078] : memref<10000x2x16xf32, #tpu.memory_space<hbm>> -> memref<1x2x16xf32, #tpu.memory_space<hbm>>
              %dma_wait3A_1080 = tpu.memref_squeeze %dma_wait3A_1079 : memref<1x2x16xf32, #tpu.memory_space<hbm>> -> memref<2x16xf32, #tpu.memory_space<hbm>>
              %dma_wait3A_1081 = arith.constant 0 : i32
              %dma_wait3A_1082 = arith.constant 0 : i32
              %dma_wait3A_1083 = tpu.memref_slice %arg13[%dma_wait3A_1081, %dma_wait3A_1082] : memref<22x16xf32, #tpu.memory_space<vmem>> -> memref<2x16xf32, #tpu.memory_space<vmem>>
              tpu.wait_dma2 semaphore(%run_scoped3A : memref<!tpu.dma_semaphore, #tpu.memory_space<semaphore_mem>>) src(%dma_wait3A_1083 : memref<2x16xf32, #tpu.memory_space<vmem>>) dst(%dma_wait3A_1080 : memref<2x16xf32, #tpu.memory_space<hbm>>)
              tpu.yield
            }) : () -> ()
          }
        } else {
        }
        %broadcast_in_dim3A_571 = vector.broadcast %scan3A_557 : i32 to vector<16xi32>
        %broadcast_in_dim3A_572 = arith.constant 0 : i32
        %broadcast_in_dim3A_573 = vector.broadcast %broadcast_in_dim3A_572 : i32 to vector<16xi32>
        %gather3A = arith.constant 1 : i32
        %gather3A_574 = arith.constant 0 : i32
        %gather3A_575 = arith.constant 0 : i32
        %gather3A_576 = arith.constant 0 : i32
        %gather3A_577 = arith.constant 0 : i32
        %gather3A_578 = arith.constant 0 : i32
        %gather3A_579 = tpu.memref_slice %arg9[%gather3A, %gather3A_574, %gather3A_575, %gather3A_576, %gather3A_577, %gather3A_578] : memref<2x9x2x1x8x128xf32, #tpu.memory_space<vmem>> -> memref<1x9x2x1x8x128xf32, #tpu.memory_space<vmem>>
        %gather3A_580 = tpu.memref_squeeze %gather3A_579 : memref<1x9x2x1x8x128xf32, #tpu.memory_space<vmem>> -> memref<9x2x1x8x128xf32, #tpu.memory_space<vmem>>
        %gather3A_581 = tpu.vector_load_idx %gather3A_580[%broadcast_in_dim3A_573, %select_n3A_218, %broadcast_in_dim3A_241, %select_n3A_239, %broadcast_in_dim3A_571] : memref<9x2x1x8x128xf32, #tpu.memory_space<vmem>>[vector<16xi32>, vector<16xi32>, vector<16xi32>, vector<16xi32>, vector<16xi32>], vector<16xf32>,
        %swap3A_582 = arith.constant 0 : i32
        %swap3A_583 = arith.index_cast %swap3A_582 : i32 to index
        %swap3A_584 = arith.constant 0 : index
        %swap3A_585 = tpu.vector_load %arg11[%swap3A_583, %swap3A_584] {strides = array<i32>} : memref<22x16xf32, #tpu.memory_space<vmem>>, vector<16xf32>,
        tpu.vector_store %arg11[%swap3A_583, %swap3A_584], %gather3A_581 {add = true, strides = array<i32>} : memref<22x16xf32, #tpu.memory_space<vmem>>, vector<16xf32>,
        %broadcast_in_dim3A_586 = arith.constant 1 : i32
        %broadcast_in_dim3A_587 = vector.broadcast %broadcast_in_dim3A_586 : i32 to vector<16xi32>
        %gather3A_588 = arith.constant 1 : i32
        %gather3A_589 = arith.constant 0 : i32
        %gather3A_590 = arith.constant 0 : i32
        %gather3A_591 = arith.constant 0 : i32
        %gather3A_592 = arith.constant 0 : i32
        %gather3A_593 = arith.constant 0 : i32
        %gather3A_594 = tpu.memref_slice %arg9[%gather3A_588, %gather3A_589, %gather3A_590, %gather3A_591, %gather3A_592, %gather3A_593] : memref<2x9x2x1x8x128xf32, #tpu.memory_space<vmem>> -> memref<1x9x2x1x8x128xf32, #tpu.memory_space<vmem>>
        %gather3A_595 = tpu.memref_squeeze %gather3A_594 : memref<1x9x2x1x8x128xf32, #tpu.memory_space<vmem>> -> memref<9x2x1x8x128xf32, #tpu.memory_space<vmem>>
        %gather3A_596 = tpu.vector_load_idx %gather3A_595[%broadcast_in_dim3A_587, %select_n3A_218, %broadcast_in_dim3A_241, %select_n3A_239, %broadcast_in_dim3A_571] : memref<9x2x1x8x128xf32, #tpu.memory_space<vmem>>[vector<16xi32>, vector<16xi32>, vector<16xi32>, vector<16xi32>, vector<16xi32>], vector<16xf32>,
        %swap3A_597 = arith.constant 1 : i32
        %swap3A_598 = arith.index_cast %swap3A_597 : i32 to index
        %swap3A_599 = arith.constant 0 : index
        %swap3A_600 = tpu.vector_load %arg11[%swap3A_598, %swap3A_599] {strides = array<i32>} : memref<22x16xf32, #tpu.memory_space<vmem>>, vector<16xf32>,
        tpu.vector_store %arg11[%swap3A_598, %swap3A_599], %gather3A_596 {add = true, strides = array<i32>} : memref<22x16xf32, #tpu.memory_space<vmem>>, vector<16xf32>,
        %broadcast_in_dim3A_601 = arith.constant 2 : i32
        %broadcast_in_dim3A_602 = vector.broadcast %broadcast_in_dim3A_601 : i32 to vector<16xi32>
        %gather3A_603 = arith.constant 1 : i32
        %gather3A_604 = arith.constant 0 : i32
        %gather3A_605 = arith.constant 0 : i32
        %gather3A_606 = arith.constant 0 : i32
        %gather3A_607 = arith.constant 0 : i32
        %gather3A_608 = arith.constant 0 : i32
        %gather3A_609 = tpu.memref_slice %arg9[%gather3A_603, %gather3A_604, %gather3A_605, %gather3A_606, %gather3A_607, %gather3A_608] : memref<2x9x2x1x8x128xf32, #tpu.memory_space<vmem>> -> memref<1x9x2x1x8x128xf32, #tpu.memory_space<vmem>>
        %gather3A_610 = tpu.memref_squeeze %gather3A_609 : memref<1x9x2x1x8x128xf32, #tpu.memory_space<vmem>> -> memref<9x2x1x8x128xf32, #tpu.memory_space<vmem>>
        %gather3A_611 = tpu.vector_load_idx %gather3A_610[%broadcast_in_dim3A_602, %select_n3A_218, %broadcast_in_dim3A_241, %select_n3A_239, %broadcast_in_dim3A_571] : memref<9x2x1x8x128xf32, #tpu.memory_space<vmem>>[vector<16xi32>, vector<16xi32>, vector<16xi32>, vector<16xi32>, vector<16xi32>], vector<16xf32>,
        %swap3A_612 = arith.constant 2 : i32
        %swap3A_613 = arith.index_cast %swap3A_612 : i32 to index
        %swap3A_614 = arith.constant 0 : index
        %swap3A_615 = tpu.vector_load %arg11[%swap3A_613, %swap3A_614] {strides = array<i32>} : memref<22x16xf32, #tpu.memory_space<vmem>>, vector<16xf32>,
        tpu.vector_store %arg11[%swap3A_613, %swap3A_614], %gather3A_611 {add = true, strides = array<i32>} : memref<22x16xf32, #tpu.memory_space<vmem>>, vector<16xf32>,
        %broadcast_in_dim3A_616 = arith.constant 3 : i32
        %broadcast_in_dim3A_617 = vector.broadcast %broadcast_in_dim3A_616 : i32 to vector<16xi32>
        %gather3A_618 = arith.constant 1 : i32
        %gather3A_619 = arith.constant 0 : i32
        %gather3A_620 = arith.constant 0 : i32
        %gather3A_621 = arith.constant 0 : i32
        %gather3A_622 = arith.constant 0 : i32
        %gather3A_623 = arith.constant 0 : i32
        %gather3A_624 = tpu.memref_slice %arg9[%gather3A_618, %gather3A_619, %gather3A_620, %gather3A_621, %gather3A_622, %gather3A_623] : memref<2x9x2x1x8x128xf32, #tpu.memory_space<vmem>> -> memref<1x9x2x1x8x128xf32, #tpu.memory_space<vmem>>
        %gather3A_625 = tpu.memref_squeeze %gather3A_624 : memref<1x9x2x1x8x128xf32, #tpu.memory_space<vmem>> -> memref<9x2x1x8x128xf32, #tpu.memory_space<vmem>>
        %gather3A_626 = tpu.vector_load_idx %gather3A_625[%broadcast_in_dim3A_617, %select_n3A_218, %broadcast_in_dim3A_241, %select_n3A_239, %broadcast_in_dim3A_571] : memref<9x2x1x8x128xf32, #tpu.memory_space<vmem>>[vector<16xi32>, vector<16xi32>, vector<16xi32>, vector<16xi32>, vector<16xi32>], vector<16xf32>,
        %swap3A_627 = arith.constant 3 : i32
        %swap3A_628 = arith.index_cast %swap3A_627 : i32 to index
        %swap3A_629 = arith.constant 0 : index
        %swap3A_630 = tpu.vector_load %arg11[%swap3A_628, %swap3A_629] {strides = array<i32>} : memref<22x16xf32, #tpu.memory_space<vmem>>, vector<16xf32>,
        tpu.vector_store %arg11[%swap3A_628, %swap3A_629], %gather3A_626 {add = true, strides = array<i32>} : memref<22x16xf32, #tpu.memory_space<vmem>>, vector<16xf32>,
        %broadcast_in_dim3A_631 = arith.constant 4 : i32
        %broadcast_in_dim3A_632 = vector.broadcast %broadcast_in_dim3A_631 : i32 to vector<16xi32>
        %gather3A_633 = arith.constant 1 : i32
        %gather3A_634 = arith.constant 0 : i32
        %gather3A_635 = arith.constant 0 : i32
        %gather3A_636 = arith.constant 0 : i32
        %gather3A_637 = arith.constant 0 : i32
        %gather3A_638 = arith.constant 0 : i32
        %gather3A_639 = tpu.memref_slice %arg9[%gather3A_633, %gather3A_634, %gather3A_635, %gather3A_636, %gather3A_637, %gather3A_638] : memref<2x9x2x1x8x128xf32, #tpu.memory_space<vmem>> -> memref<1x9x2x1x8x128xf32, #tpu.memory_space<vmem>>
        %gather3A_640 = tpu.memref_squeeze %gather3A_639 : memref<1x9x2x1x8x128xf32, #tpu.memory_space<vmem>> -> memref<9x2x1x8x128xf32, #tpu.memory_space<vmem>>
        %gather3A_641 = tpu.vector_load_idx %gather3A_640[%broadcast_in_dim3A_632, %select_n3A_218, %broadcast_in_dim3A_241, %select_n3A_239, %broadcast_in_dim3A_571] : memref<9x2x1x8x128xf32, #tpu.memory_space<vmem>>[vector<16xi32>, vector<16xi32>, vector<16xi32>, vector<16xi32>, vector<16xi32>], vector<16xf32>,
        %swap3A_642 = arith.constant 4 : i32
        %swap3A_643 = arith.index_cast %swap3A_642 : i32 to index
        %swap3A_644 = arith.constant 0 : index
        %swap3A_645 = tpu.vector_load %arg11[%swap3A_643, %swap3A_644] {strides = array<i32>} : memref<22x16xf32, #tpu.memory_space<vmem>>, vector<16xf32>,
        tpu.vector_store %arg11[%swap3A_643, %swap3A_644], %gather3A_641 {add = true, strides = array<i32>} : memref<22x16xf32, #tpu.memory_space<vmem>>, vector<16xf32>,
        %broadcast_in_dim3A_646 = arith.constant 5 : i32
        %broadcast_in_dim3A_647 = vector.broadcast %broadcast_in_dim3A_646 : i32 to vector<16xi32>
        %gather3A_648 = arith.constant 1 : i32
        %gather3A_649 = arith.constant 0 : i32
        %gather3A_650 = arith.constant 0 : i32
        %gather3A_651 = arith.constant 0 : i32
        %gather3A_652 = arith.constant 0 : i32
        %gather3A_653 = arith.constant 0 : i32
        %gather3A_654 = tpu.memref_slice %arg9[%gather3A_648, %gather3A_649, %gather3A_650, %gather3A_651, %gather3A_652, %gather3A_653] : memref<2x9x2x1x8x128xf32, #tpu.memory_space<vmem>> -> memref<1x9x2x1x8x128xf32, #tpu.memory_space<vmem>>
        %gather3A_655 = tpu.memref_squeeze %gather3A_654 : memref<1x9x2x1x8x128xf32, #tpu.memory_space<vmem>> -> memref<9x2x1x8x128xf32, #tpu.memory_space<vmem>>
        %gather3A_656 = tpu.vector_load_idx %gather3A_655[%broadcast_in_dim3A_647, %select_n3A_218, %broadcast_in_dim3A_241, %select_n3A_239, %broadcast_in_dim3A_571] : memref<9x2x1x8x128xf32, #tpu.memory_space<vmem>>[vector<16xi32>, vector<16xi32>, vector<16xi32>, vector<16xi32>, vector<16xi32>], vector<16xf32>,
        %swap3A_657 = arith.constant 5 : i32
        %swap3A_658 = arith.index_cast %swap3A_657 : i32 to index
        %swap3A_659 = arith.constant 0 : index
        %swap3A_660 = tpu.vector_load %arg11[%swap3A_658, %swap3A_659] {strides = array<i32>} : memref<22x16xf32, #tpu.memory_space<vmem>>, vector<16xf32>,
        tpu.vector_store %arg11[%swap3A_658, %swap3A_659], %gather3A_656 {add = true, strides = array<i32>} : memref<22x16xf32, #tpu.memory_space<vmem>>, vector<16xf32>,
        %broadcast_in_dim3A_661 = arith.constant 6 : i32
        %broadcast_in_dim3A_662 = vector.broadcast %broadcast_in_dim3A_661 : i32 to vector<16xi32>
        %gather3A_663 = arith.constant 1 : i32
        %gather3A_664 = arith.constant 0 : i32
        %gather3A_665 = arith.constant 0 : i32
        %gather3A_666 = arith.constant 0 : i32
        %gather3A_667 = arith.constant 0 : i32
        %gather3A_668 = arith.constant 0 : i32
        %gather3A_669 = tpu.memref_slice %arg9[%gather3A_663, %gather3A_664, %gather3A_665, %gather3A_666, %gather3A_667, %gather3A_668] : memref<2x9x2x1x8x128xf32, #tpu.memory_space<vmem>> -> memref<1x9x2x1x8x128xf32, #tpu.memory_space<vmem>>
        %gather3A_670 = tpu.memref_squeeze %gather3A_669 : memref<1x9x2x1x8x128xf32, #tpu.memory_space<vmem>> -> memref<9x2x1x8x128xf32, #tpu.memory_space<vmem>>
        %gather3A_671 = tpu.vector_load_idx %gather3A_670[%broadcast_in_dim3A_662, %select_n3A_218, %broadcast_in_dim3A_241, %select_n3A_239, %broadcast_in_dim3A_571] : memref<9x2x1x8x128xf32, #tpu.memory_space<vmem>>[vector<16xi32>, vector<16xi32>, vector<16xi32>, vector<16xi32>, vector<16xi32>], vector<16xf32>,
        %swap3A_672 = arith.constant 6 : i32
        %swap3A_673 = arith.index_cast %swap3A_672 : i32 to index
        %swap3A_674 = arith.constant 0 : index
        %swap3A_675 = tpu.vector_load %arg11[%swap3A_673, %swap3A_674] {strides = array<i32>} : memref<22x16xf32, #tpu.memory_space<vmem>>, vector<16xf32>,
        tpu.vector_store %arg11[%swap3A_673, %swap3A_674], %gather3A_671 {add = true, strides = array<i32>} : memref<22x16xf32, #tpu.memory_space<vmem>>, vector<16xf32>,
        %broadcast_in_dim3A_676 = arith.constant 7 : i32
        %broadcast_in_dim3A_677 = vector.broadcast %broadcast_in_dim3A_676 : i32 to vector<16xi32>
        %gather3A_678 = arith.constant 1 : i32
        %gather3A_679 = arith.constant 0 : i32
        %gather3A_680 = arith.constant 0 : i32
        %gather3A_681 = arith.constant 0 : i32
        %gather3A_682 = arith.constant 0 : i32
        %gather3A_683 = arith.constant 0 : i32
        %gather3A_684 = tpu.memref_slice %arg9[%gather3A_678, %gather3A_679, %gather3A_680, %gather3A_681, %gather3A_682, %gather3A_683] : memref<2x9x2x1x8x128xf32, #tpu.memory_space<vmem>> -> memref<1x9x2x1x8x128xf32, #tpu.memory_space<vmem>>
        %gather3A_685 = tpu.memref_squeeze %gather3A_684 : memref<1x9x2x1x8x128xf32, #tpu.memory_space<vmem>> -> memref<9x2x1x8x128xf32, #tpu.memory_space<vmem>>
        %gather3A_686 = tpu.vector_load_idx %gather3A_685[%broadcast_in_dim3A_677, %select_n3A_218, %broadcast_in_dim3A_241, %select_n3A_239, %broadcast_in_dim3A_571] : memref<9x2x1x8x128xf32, #tpu.memory_space<vmem>>[vector<16xi32>, vector<16xi32>, vector<16xi32>, vector<16xi32>, vector<16xi32>], vector<16xf32>,
        %swap3A_687 = arith.constant 7 : i32
        %swap3A_688 = arith.index_cast %swap3A_687 : i32 to index
        %swap3A_689 = arith.constant 0 : index
        %swap3A_690 = tpu.vector_load %arg11[%swap3A_688, %swap3A_689] {strides = array<i32>} : memref<22x16xf32, #tpu.memory_space<vmem>>, vector<16xf32>,
        tpu.vector_store %arg11[%swap3A_688, %swap3A_689], %gather3A_686 {add = true, strides = array<i32>} : memref<22x16xf32, #tpu.memory_space<vmem>>, vector<16xf32>,
        %broadcast_in_dim3A_691 = arith.constant 8 : i32
        %broadcast_in_dim3A_692 = vector.broadcast %broadcast_in_dim3A_691 : i32 to vector<16xi32>
        %gather3A_693 = arith.constant 1 : i32
        %gather3A_694 = arith.constant 0 : i32
        %gather3A_695 = arith.constant 0 : i32
        %gather3A_696 = arith.constant 0 : i32
        %gather3A_697 = arith.constant 0 : i32
        %gather3A_698 = arith.constant 0 : i32
        %gather3A_699 = tpu.memref_slice %arg9[%gather3A_693, %gather3A_694, %gather3A_695, %gather3A_696, %gather3A_697, %gather3A_698] : memref<2x9x2x1x8x128xf32, #tpu.memory_space<vmem>> -> memref<1x9x2x1x8x128xf32, #tpu.memory_space<vmem>>
        %gather3A_700 = tpu.memref_squeeze %gather3A_699 : memref<1x9x2x1x8x128xf32, #tpu.memory_space<vmem>> -> memref<9x2x1x8x128xf32, #tpu.memory_space<vmem>>
        %gather3A_701 = tpu.vector_load_idx %gather3A_700[%broadcast_in_dim3A_692, %select_n3A_218, %broadcast_in_dim3A_241, %select_n3A_239, %broadcast_in_dim3A_571] : memref<9x2x1x8x128xf32, #tpu.memory_space<vmem>>[vector<16xi32>, vector<16xi32>, vector<16xi32>, vector<16xi32>, vector<16xi32>], vector<16xf32>,
        %swap3A_702 = arith.constant 8 : i32
        %swap3A_703 = arith.index_cast %swap3A_702 : i32 to index
        %swap3A_704 = arith.constant 0 : index
        %swap3A_705 = tpu.vector_load %arg11[%swap3A_703, %swap3A_704] {strides = array<i32>} : memref<22x16xf32, #tpu.memory_space<vmem>>, vector<16xf32>,
        tpu.vector_store %arg11[%swap3A_703, %swap3A_704], %gather3A_701 {add = true, strides = array<i32>} : memref<22x16xf32, #tpu.memory_space<vmem>>, vector<16xf32>,
        %broadcast_in_dim3A_706 = arith.constant 0 : i32
        %broadcast_in_dim3A_707 = vector.broadcast %broadcast_in_dim3A_706 : i32 to vector<16xi32>
        %gather3A_708 = arith.constant 1 : i32
        %gather3A_709 = arith.constant 0 : i32
        %gather3A_710 = arith.constant 0 : i32
        %gather3A_711 = arith.constant 0 : i32
        %gather3A_712 = arith.constant 0 : i32
        %gather3A_713 = arith.constant 0 : i32
        %gather3A_714 = tpu.memref_slice %arg10[%gather3A_708, %gather3A_709, %gather3A_710, %gather3A_711, %gather3A_712, %gather3A_713] : memref<2x13x2x1x8x128xf32, #tpu.memory_space<vmem>> -> memref<1x13x2x1x8x128xf32, #tpu.memory_space<vmem>>
        %gather3A_715 = tpu.memref_squeeze %gather3A_714 : memref<1x13x2x1x8x128xf32, #tpu.memory_space<vmem>> -> memref<13x2x1x8x128xf32, #tpu.memory_space<vmem>>
        %gather3A_716 = tpu.vector_load_idx %gather3A_715[%broadcast_in_dim3A_707, %select_n3A_218, %broadcast_in_dim3A_241, %select_n3A_239, %broadcast_in_dim3A_571] : memref<13x2x1x8x128xf32, #tpu.memory_space<vmem>>[vector<16xi32>, vector<16xi32>, vector<16xi32>, vector<16xi32>, vector<16xi32>], vector<16xf32>,
        %swap3A_717 = arith.constant 9 : i32
        %swap3A_718 = arith.index_cast %swap3A_717 : i32 to index
        %swap3A_719 = arith.constant 0 : index
        %swap3A_720 = tpu.vector_load %arg11[%swap3A_718, %swap3A_719] {strides = array<i32>} : memref<22x16xf32, #tpu.memory_space<vmem>>, vector<16xf32>,
        tpu.vector_store %arg11[%swap3A_718, %swap3A_719], %gather3A_716 {add = true, strides = array<i32>} : memref<22x16xf32, #tpu.memory_space<vmem>>, vector<16xf32>,
        %broadcast_in_dim3A_721 = arith.constant 1 : i32
        %broadcast_in_dim3A_722 = vector.broadcast %broadcast_in_dim3A_721 : i32 to vector<16xi32>
        %gather3A_723 = arith.constant 1 : i32
        %gather3A_724 = arith.constant 0 : i32
        %gather3A_725 = arith.constant 0 : i32
        %gather3A_726 = arith.constant 0 : i32
        %gather3A_727 = arith.constant 0 : i32
        %gather3A_728 = arith.constant 0 : i32
        %gather3A_729 = tpu.memref_slice %arg10[%gather3A_723, %gather3A_724, %gather3A_725, %gather3A_726, %gather3A_727, %gather3A_728] : memref<2x13x2x1x8x128xf32, #tpu.memory_space<vmem>> -> memref<1x13x2x1x8x128xf32, #tpu.memory_space<vmem>>
        %gather3A_730 = tpu.memref_squeeze %gather3A_729 : memref<1x13x2x1x8x128xf32, #tpu.memory_space<vmem>> -> memref<13x2x1x8x128xf32, #tpu.memory_space<vmem>>
        %gather3A_731 = tpu.vector_load_idx %gather3A_730[%broadcast_in_dim3A_722, %select_n3A_218, %broadcast_in_dim3A_241, %select_n3A_239, %broadcast_in_dim3A_571] : memref<13x2x1x8x128xf32, #tpu.memory_space<vmem>>[vector<16xi32>, vector<16xi32>, vector<16xi32>, vector<16xi32>, vector<16xi32>], vector<16xf32>,
        %swap3A_732 = arith.constant 10 : i32
        %swap3A_733 = arith.index_cast %swap3A_732 : i32 to index
        %swap3A_734 = arith.constant 0 : index
        %swap3A_735 = tpu.vector_load %arg11[%swap3A_733, %swap3A_734] {strides = array<i32>} : memref<22x16xf32, #tpu.memory_space<vmem>>, vector<16xf32>,
        tpu.vector_store %arg11[%swap3A_733, %swap3A_734], %gather3A_731 {add = true, strides = array<i32>} : memref<22x16xf32, #tpu.memory_space<vmem>>, vector<16xf32>,
        %broadcast_in_dim3A_736 = arith.constant 2 : i32
        %broadcast_in_dim3A_737 = vector.broadcast %broadcast_in_dim3A_736 : i32 to vector<16xi32>
        %gather3A_738 = arith.constant 1 : i32
        %gather3A_739 = arith.constant 0 : i32
        %gather3A_740 = arith.constant 0 : i32
        %gather3A_741 = arith.constant 0 : i32
        %gather3A_742 = arith.constant 0 : i32
        %gather3A_743 = arith.constant 0 : i32
        %gather3A_744 = tpu.memref_slice %arg10[%gather3A_738, %gather3A_739, %gather3A_740, %gather3A_741, %gather3A_742, %gather3A_743] : memref<2x13x2x1x8x128xf32, #tpu.memory_space<vmem>> -> memref<1x13x2x1x8x128xf32, #tpu.memory_space<vmem>>
        %gather3A_745 = tpu.memref_squeeze %gather3A_744 : memref<1x13x2x1x8x128xf32, #tpu.memory_space<vmem>> -> memref<13x2x1x8x128xf32, #tpu.memory_space<vmem>>
        %gather3A_746 = tpu.vector_load_idx %gather3A_745[%broadcast_in_dim3A_737, %select_n3A_218, %broadcast_in_dim3A_241, %select_n3A_239, %broadcast_in_dim3A_571] : memref<13x2x1x8x128xf32, #tpu.memory_space<vmem>>[vector<16xi32>, vector<16xi32>, vector<16xi32>, vector<16xi32>, vector<16xi32>], vector<16xf32>,
        %swap3A_747 = arith.constant 11 : i32
        %swap3A_748 = arith.index_cast %swap3A_747 : i32 to index
        %swap3A_749 = arith.constant 0 : index
        %swap3A_750 = tpu.vector_load %arg11[%swap3A_748, %swap3A_749] {strides = array<i32>} : memref<22x16xf32, #tpu.memory_space<vmem>>, vector<16xf32>,
        tpu.vector_store %arg11[%swap3A_748, %swap3A_749], %gather3A_746 {add = true, strides = array<i32>} : memref<22x16xf32, #tpu.memory_space<vmem>>, vector<16xf32>,
        %broadcast_in_dim3A_751 = arith.constant 3 : i32
        %broadcast_in_dim3A_752 = vector.broadcast %broadcast_in_dim3A_751 : i32 to vector<16xi32>
        %gather3A_753 = arith.constant 1 : i32
        %gather3A_754 = arith.constant 0 : i32
        %gather3A_755 = arith.constant 0 : i32
        %gather3A_756 = arith.constant 0 : i32
        %gather3A_757 = arith.constant 0 : i32
        %gather3A_758 = arith.constant 0 : i32
        %gather3A_759 = tpu.memref_slice %arg10[%gather3A_753, %gather3A_754, %gather3A_755, %gather3A_756, %gather3A_757, %gather3A_758] : memref<2x13x2x1x8x128xf32, #tpu.memory_space<vmem>> -> memref<1x13x2x1x8x128xf32, #tpu.memory_space<vmem>>
        %gather3A_760 = tpu.memref_squeeze %gather3A_759 : memref<1x13x2x1x8x128xf32, #tpu.memory_space<vmem>> -> memref<13x2x1x8x128xf32, #tpu.memory_space<vmem>>
        %gather3A_761 = tpu.vector_load_idx %gather3A_760[%broadcast_in_dim3A_752, %select_n3A_218, %broadcast_in_dim3A_241, %select_n3A_239, %broadcast_in_dim3A_571] : memref<13x2x1x8x128xf32, #tpu.memory_space<vmem>>[vector<16xi32>, vector<16xi32>, vector<16xi32>, vector<16xi32>, vector<16xi32>], vector<16xf32>,
        %swap3A_762 = arith.constant 12 : i32
        %swap3A_763 = arith.index_cast %swap3A_762 : i32 to index
        %swap3A_764 = arith.constant 0 : index
        %swap3A_765 = tpu.vector_load %arg11[%swap3A_763, %swap3A_764] {strides = array<i32>} : memref<22x16xf32, #tpu.memory_space<vmem>>, vector<16xf32>,
        tpu.vector_store %arg11[%swap3A_763, %swap3A_764], %gather3A_761 {add = true, strides = array<i32>} : memref<22x16xf32, #tpu.memory_space<vmem>>, vector<16xf32>,
        %broadcast_in_dim3A_766 = arith.constant 4 : i32
        %broadcast_in_dim3A_767 = vector.broadcast %broadcast_in_dim3A_766 : i32 to vector<16xi32>
        %gather3A_768 = arith.constant 1 : i32
        %gather3A_769 = arith.constant 0 : i32
        %gather3A_770 = arith.constant 0 : i32
        %gather3A_771 = arith.constant 0 : i32
        %gather3A_772 = arith.constant 0 : i32
        %gather3A_773 = arith.constant 0 : i32
        %gather3A_774 = tpu.memref_slice %arg10[%gather3A_768, %gather3A_769, %gather3A_770, %gather3A_771, %gather3A_772, %gather3A_773] : memref<2x13x2x1x8x128xf32, #tpu.memory_space<vmem>> -> memref<1x13x2x1x8x128xf32, #tpu.memory_space<vmem>>
        %gather3A_775 = tpu.memref_squeeze %gather3A_774 : memref<1x13x2x1x8x128xf32, #tpu.memory_space<vmem>> -> memref<13x2x1x8x128xf32, #tpu.memory_space<vmem>>
        %gather3A_776 = tpu.vector_load_idx %gather3A_775[%broadcast_in_dim3A_767, %select_n3A_218, %broadcast_in_dim3A_241, %select_n3A_239, %broadcast_in_dim3A_571] : memref<13x2x1x8x128xf32, #tpu.memory_space<vmem>>[vector<16xi32>, vector<16xi32>, vector<16xi32>, vector<16xi32>, vector<16xi32>], vector<16xf32>,
        %swap3A_777 = arith.constant 13 : i32
        %swap3A_778 = arith.index_cast %swap3A_777 : i32 to index
        %swap3A_779 = arith.constant 0 : index
        %swap3A_780 = tpu.vector_load %arg11[%swap3A_778, %swap3A_779] {strides = array<i32>} : memref<22x16xf32, #tpu.memory_space<vmem>>, vector<16xf32>,
        tpu.vector_store %arg11[%swap3A_778, %swap3A_779], %gather3A_776 {add = true, strides = array<i32>} : memref<22x16xf32, #tpu.memory_space<vmem>>, vector<16xf32>,
        %broadcast_in_dim3A_781 = arith.constant 5 : i32
        %broadcast_in_dim3A_782 = vector.broadcast %broadcast_in_dim3A_781 : i32 to vector<16xi32>
        %gather3A_783 = arith.constant 1 : i32
        %gather3A_784 = arith.constant 0 : i32
        %gather3A_785 = arith.constant 0 : i32
        %gather3A_786 = arith.constant 0 : i32
        %gather3A_787 = arith.constant 0 : i32
        %gather3A_788 = arith.constant 0 : i32
        %gather3A_789 = tpu.memref_slice %arg10[%gather3A_783, %gather3A_784, %gather3A_785, %gather3A_786, %gather3A_787, %gather3A_788] : memref<2x13x2x1x8x128xf32, #tpu.memory_space<vmem>> -> memref<1x13x2x1x8x128xf32, #tpu.memory_space<vmem>>
        %gather3A_790 = tpu.memref_squeeze %gather3A_789 : memref<1x13x2x1x8x128xf32, #tpu.memory_space<vmem>> -> memref<13x2x1x8x128xf32, #tpu.memory_space<vmem>>
        %gather3A_791 = tpu.vector_load_idx %gather3A_790[%broadcast_in_dim3A_782, %select_n3A_218, %broadcast_in_dim3A_241, %select_n3A_239, %broadcast_in_dim3A_571] : memref<13x2x1x8x128xf32, #tpu.memory_space<vmem>>[vector<16xi32>, vector<16xi32>, vector<16xi32>, vector<16xi32>, vector<16xi32>], vector<16xf32>,
        %swap3A_792 = arith.constant 14 : i32
        %swap3A_793 = arith.index_cast %swap3A_792 : i32 to index
        %swap3A_794 = arith.constant 0 : index
        %swap3A_795 = tpu.vector_load %arg11[%swap3A_793, %swap3A_794] {strides = array<i32>} : memref<22x16xf32, #tpu.memory_space<vmem>>, vector<16xf32>,
        tpu.vector_store %arg11[%swap3A_793, %swap3A_794], %gather3A_791 {add = true, strides = array<i32>} : memref<22x16xf32, #tpu.memory_space<vmem>>, vector<16xf32>,
        %broadcast_in_dim3A_796 = arith.constant 6 : i32
        %broadcast_in_dim3A_797 = vector.broadcast %broadcast_in_dim3A_796 : i32 to vector<16xi32>
        %gather3A_798 = arith.constant 1 : i32
        %gather3A_799 = arith.constant 0 : i32
        %gather3A_800 = arith.constant 0 : i32
        %gather3A_801 = arith.constant 0 : i32
        %gather3A_802 = arith.constant 0 : i32
        %gather3A_803 = arith.constant 0 : i32
        %gather3A_804 = tpu.memref_slice %arg10[%gather3A_798, %gather3A_799, %gather3A_800, %gather3A_801, %gather3A_802, %gather3A_803] : memref<2x13x2x1x8x128xf32, #tpu.memory_space<vmem>> -> memref<1x13x2x1x8x128xf32, #tpu.memory_space<vmem>>
        %gather3A_805 = tpu.memref_squeeze %gather3A_804 : memref<1x13x2x1x8x128xf32, #tpu.memory_space<vmem>> -> memref<13x2x1x8x128xf32, #tpu.memory_space<vmem>>
        %gather3A_806 = tpu.vector_load_idx %gather3A_805[%broadcast_in_dim3A_797, %select_n3A_218, %broadcast_in_dim3A_241, %select_n3A_239, %broadcast_in_dim3A_571] : memref<13x2x1x8x128xf32, #tpu.memory_space<vmem>>[vector<16xi32>, vector<16xi32>, vector<16xi32>, vector<16xi32>, vector<16xi32>], vector<16xf32>,
        %swap3A_807 = arith.constant 15 : i32
        %swap3A_808 = arith.index_cast %swap3A_807 : i32 to index
        %swap3A_809 = arith.constant 0 : index
        %swap3A_810 = tpu.vector_load %arg11[%swap3A_808, %swap3A_809] {strides = array<i32>} : memref<22x16xf32, #tpu.memory_space<vmem>>, vector<16xf32>,
        tpu.vector_store %arg11[%swap3A_808, %swap3A_809], %gather3A_806 {add = true, strides = array<i32>} : memref<22x16xf32, #tpu.memory_space<vmem>>, vector<16xf32>,
        %broadcast_in_dim3A_811 = arith.constant 7 : i32
        %broadcast_in_dim3A_812 = vector.broadcast %broadcast_in_dim3A_811 : i32 to vector<16xi32>
        %gather3A_813 = arith.constant 1 : i32
        %gather3A_814 = arith.constant 0 : i32
        %gather3A_815 = arith.constant 0 : i32
        %gather3A_816 = arith.constant 0 : i32
        %gather3A_817 = arith.constant 0 : i32
        %gather3A_818 = arith.constant 0 : i32
        %gather3A_819 = tpu.memref_slice %arg10[%gather3A_813, %gather3A_814, %gather3A_815, %gather3A_816, %gather3A_817, %gather3A_818] : memref<2x13x2x1x8x128xf32, #tpu.memory_space<vmem>> -> memref<1x13x2x1x8x128xf32, #tpu.memory_space<vmem>>
        %gather3A_820 = tpu.memref_squeeze %gather3A_819 : memref<1x13x2x1x8x128xf32, #tpu.memory_space<vmem>> -> memref<13x2x1x8x128xf32, #tpu.memory_space<vmem>>
        %gather3A_821 = tpu.vector_load_idx %gather3A_820[%broadcast_in_dim3A_812, %select_n3A_218, %broadcast_in_dim3A_241, %select_n3A_239, %broadcast_in_dim3A_571] : memref<13x2x1x8x128xf32, #tpu.memory_space<vmem>>[vector<16xi32>, vector<16xi32>, vector<16xi32>, vector<16xi32>, vector<16xi32>], vector<16xf32>,
        %swap3A_822 = arith.constant 16 : i32
        %swap3A_823 = arith.index_cast %swap3A_822 : i32 to index
        %swap3A_824 = arith.constant 0 : index
        %swap3A_825 = tpu.vector_load %arg11[%swap3A_823, %swap3A_824] {strides = array<i32>} : memref<22x16xf32, #tpu.memory_space<vmem>>, vector<16xf32>,
        tpu.vector_store %arg11[%swap3A_823, %swap3A_824], %gather3A_821 {add = true, strides = array<i32>} : memref<22x16xf32, #tpu.memory_space<vmem>>, vector<16xf32>,
        %broadcast_in_dim3A_826 = arith.constant 8 : i32
        %broadcast_in_dim3A_827 = vector.broadcast %broadcast_in_dim3A_826 : i32 to vector<16xi32>
        %gather3A_828 = arith.constant 1 : i32
        %gather3A_829 = arith.constant 0 : i32
        %gather3A_830 = arith.constant 0 : i32
        %gather3A_831 = arith.constant 0 : i32
        %gather3A_832 = arith.constant 0 : i32
        %gather3A_833 = arith.constant 0 : i32
        %gather3A_834 = tpu.memref_slice %arg10[%gather3A_828, %gather3A_829, %gather3A_830, %gather3A_831, %gather3A_832, %gather3A_833] : memref<2x13x2x1x8x128xf32, #tpu.memory_space<vmem>> -> memref<1x13x2x1x8x128xf32, #tpu.memory_space<vmem>>
        %gather3A_835 = tpu.memref_squeeze %gather3A_834 : memref<1x13x2x1x8x128xf32, #tpu.memory_space<vmem>> -> memref<13x2x1x8x128xf32, #tpu.memory_space<vmem>>
        %gather3A_836 = tpu.vector_load_idx %gather3A_835[%broadcast_in_dim3A_827, %select_n3A_218, %broadcast_in_dim3A_241, %select_n3A_239, %broadcast_in_dim3A_571] : memref<13x2x1x8x128xf32, #tpu.memory_space<vmem>>[vector<16xi32>, vector<16xi32>, vector<16xi32>, vector<16xi32>, vector<16xi32>], vector<16xf32>,
        %swap3A_837 = arith.constant 17 : i32
        %swap3A_838 = arith.index_cast %swap3A_837 : i32 to index
        %swap3A_839 = arith.constant 0 : index
        %swap3A_840 = tpu.vector_load %arg11[%swap3A_838, %swap3A_839] {strides = array<i32>} : memref<22x16xf32, #tpu.memory_space<vmem>>, vector<16xf32>,
        tpu.vector_store %arg11[%swap3A_838, %swap3A_839], %gather3A_836 {add = true, strides = array<i32>} : memref<22x16xf32, #tpu.memory_space<vmem>>, vector<16xf32>,
        %broadcast_in_dim3A_841 = arith.constant 9 : i32
        %broadcast_in_dim3A_842 = vector.broadcast %broadcast_in_dim3A_841 : i32 to vector<16xi32>
        %gather3A_843 = arith.constant 1 : i32
        %gather3A_844 = arith.constant 0 : i32
        %gather3A_845 = arith.constant 0 : i32
        %gather3A_846 = arith.constant 0 : i32
        %gather3A_847 = arith.constant 0 : i32
        %gather3A_848 = arith.constant 0 : i32
        %gather3A_849 = tpu.memref_slice %arg10[%gather3A_843, %gather3A_844, %gather3A_845, %gather3A_846, %gather3A_847, %gather3A_848] : memref<2x13x2x1x8x128xf32, #tpu.memory_space<vmem>> -> memref<1x13x2x1x8x128xf32, #tpu.memory_space<vmem>>
        %gather3A_850 = tpu.memref_squeeze %gather3A_849 : memref<1x13x2x1x8x128xf32, #tpu.memory_space<vmem>> -> memref<13x2x1x8x128xf32, #tpu.memory_space<vmem>>
        %gather3A_851 = tpu.vector_load_idx %gather3A_850[%broadcast_in_dim3A_842, %select_n3A_218, %broadcast_in_dim3A_241, %select_n3A_239, %broadcast_in_dim3A_571] : memref<13x2x1x8x128xf32, #tpu.memory_space<vmem>>[vector<16xi32>, vector<16xi32>, vector<16xi32>, vector<16xi32>, vector<16xi32>], vector<16xf32>,
        %swap3A_852 = arith.constant 18 : i32
        %swap3A_853 = arith.index_cast %swap3A_852 : i32 to index
        %swap3A_854 = arith.constant 0 : index
        %swap3A_855 = tpu.vector_load %arg11[%swap3A_853, %swap3A_854] {strides = array<i32>} : memref<22x16xf32, #tpu.memory_space<vmem>>, vector<16xf32>,
        tpu.vector_store %arg11[%swap3A_853, %swap3A_854], %gather3A_851 {add = true, strides = array<i32>} : memref<22x16xf32, #tpu.memory_space<vmem>>, vector<16xf32>,
        %broadcast_in_dim3A_856 = arith.constant 10 : i32
        %broadcast_in_dim3A_857 = vector.broadcast %broadcast_in_dim3A_856 : i32 to vector<16xi32>
        %gather3A_858 = arith.constant 1 : i32
        %gather3A_859 = arith.constant 0 : i32
        %gather3A_860 = arith.constant 0 : i32
        %gather3A_861 = arith.constant 0 : i32
        %gather3A_862 = arith.constant 0 : i32
        %gather3A_863 = arith.constant 0 : i32
        %gather3A_864 = tpu.memref_slice %arg10[%gather3A_858, %gather3A_859, %gather3A_860, %gather3A_861, %gather3A_862, %gather3A_863] : memref<2x13x2x1x8x128xf32, #tpu.memory_space<vmem>> -> memref<1x13x2x1x8x128xf32, #tpu.memory_space<vmem>>
        %gather3A_865 = tpu.memref_squeeze %gather3A_864 : memref<1x13x2x1x8x128xf32, #tpu.memory_space<vmem>> -> memref<13x2x1x8x128xf32, #tpu.memory_space<vmem>>
        %gather3A_866 = tpu.vector_load_idx %gather3A_865[%broadcast_in_dim3A_857, %select_n3A_218, %broadcast_in_dim3A_241, %select_n3A_239, %broadcast_in_dim3A_571] : memref<13x2x1x8x128xf32, #tpu.memory_space<vmem>>[vector<16xi32>, vector<16xi32>, vector<16xi32>, vector<16xi32>, vector<16xi32>], vector<16xf32>,
        %swap3A_867 = arith.constant 19 : i32
        %swap3A_868 = arith.index_cast %swap3A_867 : i32 to index
        %swap3A_869 = arith.constant 0 : index
        %swap3A_870 = tpu.vector_load %arg11[%swap3A_868, %swap3A_869] {strides = array<i32>} : memref<22x16xf32, #tpu.memory_space<vmem>>, vector<16xf32>,
        tpu.vector_store %arg11[%swap3A_868, %swap3A_869], %gather3A_866 {add = true, strides = array<i32>} : memref<22x16xf32, #tpu.memory_space<vmem>>, vector<16xf32>,
        %broadcast_in_dim3A_871 = arith.constant 11 : i32
        %broadcast_in_dim3A_872 = vector.broadcast %broadcast_in_dim3A_871 : i32 to vector<16xi32>
        %gather3A_873 = arith.constant 1 : i32
        %gather3A_874 = arith.constant 0 : i32
        %gather3A_875 = arith.constant 0 : i32
        %gather3A_876 = arith.constant 0 : i32
        %gather3A_877 = arith.constant 0 : i32
        %gather3A_878 = arith.constant 0 : i32
        %gather3A_879 = tpu.memref_slice %arg10[%gather3A_873, %gather3A_874, %gather3A_875, %gather3A_876, %gather3A_877, %gather3A_878] : memref<2x13x2x1x8x128xf32, #tpu.memory_space<vmem>> -> memref<1x13x2x1x8x128xf32, #tpu.memory_space<vmem>>
        %gather3A_880 = tpu.memref_squeeze %gather3A_879 : memref<1x13x2x1x8x128xf32, #tpu.memory_space<vmem>> -> memref<13x2x1x8x128xf32, #tpu.memory_space<vmem>>
        %gather3A_881 = tpu.vector_load_idx %gather3A_880[%broadcast_in_dim3A_872, %select_n3A_218, %broadcast_in_dim3A_241, %select_n3A_239, %broadcast_in_dim3A_571] : memref<13x2x1x8x128xf32, #tpu.memory_space<vmem>>[vector<16xi32>, vector<16xi32>, vector<16xi32>, vector<16xi32>, vector<16xi32>], vector<16xf32>,
        %swap3A_882 = arith.constant 20 : i32
        %swap3A_883 = arith.index_cast %swap3A_882 : i32 to index
        %swap3A_884 = arith.constant 0 : index
        %swap3A_885 = tpu.vector_load %arg11[%swap3A_883, %swap3A_884] {strides = array<i32>} : memref<22x16xf32, #tpu.memory_space<vmem>>, vector<16xf32>,
        tpu.vector_store %arg11[%swap3A_883, %swap3A_884], %gather3A_881 {add = true, strides = array<i32>} : memref<22x16xf32, #tpu.memory_space<vmem>>, vector<16xf32>,
        %broadcast_in_dim3A_886 = arith.constant 12 : i32
        %broadcast_in_dim3A_887 = vector.broadcast %broadcast_in_dim3A_886 : i32 to vector<16xi32>
        %gather3A_888 = arith.constant 1 : i32
        %gather3A_889 = arith.constant 0 : i32
        %gather3A_890 = arith.constant 0 : i32
        %gather3A_891 = arith.constant 0 : i32
        %gather3A_892 = arith.constant 0 : i32
        %gather3A_893 = arith.constant 0 : i32
        %gather3A_894 = tpu.memref_slice %arg10[%gather3A_888, %gather3A_889, %gather3A_890, %gather3A_891, %gather3A_892, %gather3A_893] : memref<2x13x2x1x8x128xf32, #tpu.memory_space<vmem>> -> memref<1x13x2x1x8x128xf32, #tpu.memory_space<vmem>>
        %gather3A_895 = tpu.memref_squeeze %gather3A_894 : memref<1x13x2x1x8x128xf32, #tpu.memory_space<vmem>> -> memref<13x2x1x8x128xf32, #tpu.memory_space<vmem>>
        %gather3A_896 = tpu.vector_load_idx %gather3A_895[%broadcast_in_dim3A_887, %select_n3A_218, %broadcast_in_dim3A_241, %select_n3A_239, %broadcast_in_dim3A_571] : memref<13x2x1x8x128xf32, #tpu.memory_space<vmem>>[vector<16xi32>, vector<16xi32>, vector<16xi32>, vector<16xi32>, vector<16xi32>], vector<16xf32>,
        %swap3A_897 = arith.constant 21 : i32
        %swap3A_898 = arith.index_cast %swap3A_897 : i32 to index
        %swap3A_899 = arith.constant 0 : index
        %swap3A_900 = tpu.vector_load %arg11[%swap3A_898, %swap3A_899] {strides = array<i32>} : memref<22x16xf32, #tpu.memory_space<vmem>>, vector<16xf32>,
        tpu.vector_store %arg11[%swap3A_898, %swap3A_899], %gather3A_896 {add = true, strides = array<i32>} : memref<22x16xf32, #tpu.memory_space<vmem>>, vector<16xf32>,
        %convert_element_type3A_901 = arith.extui %ne3A_567 : i1 to i32
        %add3A_902 = arith.addi %scan3A_559, %convert_element_type3A_901 : i32
        scf.yield %squeeze3A_566, %add3A_902 : i32, i32
      }
      %scan3A_548 = arith.constant 128 : i32
      %mul3A_549 = arith.constant 2 : i32
      %mul3A_550 = arith.muli %mul3A_549, %while3A_414 : i32
      %add3A_551 = arith.constant 3 : i32
      %add3A_552 = arith.addi %mul3A_550, %add3A_551 : i32
      %lt3A_553 = arith.cmpi slt, %add3A_552, %select_n3A : i32
      %convert_element_type3A_554 = arith.extui %lt3A_553 : i1 to i32
      %cond3A_555 = arith.constant 0 : i32
      %cond3A_556 = arith.cmpi ne, %convert_element_type3A_554, %cond3A_555 : i32
      scf.if %cond3A_556 {
        %mul3A_557 = arith.constant 2 : i32
        %mul3A_558 = arith.muli %mul3A_557, %while3A_414 : i32
        %add3A_559 = arith.constant 3 : i32
        %add3A_560 = arith.addi %mul3A_558, %add3A_559 : i32
        %add3A_561 = arith.addi %add3A_7, %add3A_560 : i32
        %dma_start3A_562 = arith.constant 1 : i32
        %dma_start3A_563 = arith.constant 0 : i32
        %dma_start3A_564 = arith.constant 0 : i32
        %dma_start3A_565 = arith.constant 0 : i32
        %dma_start3A_566 = arith.constant 0 : i32
        %dma_start3A_567 = arith.constant 0 : i32
        %dma_start3A_568 = tpu.memref_slice %arg9[%dma_start3A_562, %dma_start3A_563, %dma_start3A_564, %dma_start3A_565, %dma_start3A_566, %dma_start3A_567] : memref<2x9x2x1x8x128xf32, #tpu.memory_space<vmem>> -> memref<1x9x2x1x8x128xf32, #tpu.memory_space<vmem>>
        %dma_start3A_569 = tpu.memref_squeeze %dma_start3A_568 : memref<1x9x2x1x8x128xf32, #tpu.memory_space<vmem>> -> memref<9x2x1x8x128xf32, #tpu.memory_space<vmem>>
        %dma_start3A_570 = arith.constant 0 : i32
        %dma_start3A_571 = arith.constant 0 : i32
        %dma_start3A_572 = arith.constant 0 : i32
        %dma_start3A_573 = arith.constant 0 : i32
        %dma_start3A_574 = tpu.memref_slice %arg2[%dma_start3A_570, %dma_start3A_571, %add3A_561, %dma_start3A_572, %dma_start3A_573] : memref<9x2x1250x8x128xf32, #tpu.memory_space<hbm>> -> memref<9x2x1x8x128xf32, #tpu.memory_space<hbm>>
        %dma_start3A_575 = arith.constant 0 : i32
        %dma_start3A_576 = arith.constant 0 : i32
        %dma_start3A_577 = arith.constant 0 : i32
        %dma_start3A_578 = arith.constant 0 : i32
        %dma_start3A_579 = arith.constant 0 : i32
        %dma_start3A_580 = tpu.memref_slice %arg9[%dma_start3A_562, %dma_start3A_575, %dma_start3A_576, %dma_start3A_577, %dma_start3A_578, %dma_start3A_579] : memref<2x9x2x1x8x128xf32, #tpu.memory_space<vmem>> -> memref<1x9x2x1x8x128xf32, #tpu.memory_space<vmem>>
        %dma_start3A_581 = tpu.memref_squeeze %dma_start3A_580 : memref<1x9x2x1x8x128xf32, #tpu.memory_space<vmem>> -> memref<9x2x1x8x128xf32, #tpu.memory_space<vmem>>
        %dma_start3A_582 = arith.constant 0 : i32
        %dma_start3A_583 = arith.constant 0 : i32
        %dma_start3A_584 = arith.constant 0 : i32
        %dma_start3A_585 = arith.constant 0 : i32
        %dma_start3A_586 = tpu.memref_slice %arg2[%dma_start3A_582, %dma_start3A_583, %add3A_561, %dma_start3A_584, %dma_start3A_585] : memref<9x2x1250x8x128xf32, #tpu.memory_space<hbm>> -> memref<9x2x1x8x128xf32, #tpu.memory_space<hbm>>
        tpu.enqueue_dma source(%dma_start3A_586 : memref<9x2x1x8x128xf32, #tpu.memory_space<hbm>>) target(%dma_start3A_581 : memref<9x2x1x8x128xf32, #tpu.memory_space<vmem>>) target_semaphore(%arg16 : memref<!tpu.dma_semaphore, #tpu.memory_space<semaphore_mem>>)
        %dma_start3A_587 = arith.constant 1 : i32
        %dma_start3A_588 = arith.constant 0 : i32
        %dma_start3A_589 = arith.constant 0 : i32
        %dma_start3A_590 = arith.constant 0 : i32
        %dma_start3A_591 = arith.constant 0 : i32
        %dma_start3A_592 = arith.constant 0 : i32
        %dma_start3A_593 = tpu.memref_slice %arg10[%dma_start3A_587, %dma_start3A_588, %dma_start3A_589, %dma_start3A_590, %dma_start3A_591, %dma_start3A_592] : memref<2x13x2x1x8x128xf32, #tpu.memory_space<vmem>> -> memref<1x13x2x1x8x128xf32, #tpu.memory_space<vmem>>
        %dma_start3A_594 = tpu.memref_squeeze %dma_start3A_593 : memref<1x13x2x1x8x128xf32, #tpu.memory_space<vmem>> -> memref<13x2x1x8x128xf32, #tpu.memory_space<vmem>>
        %dma_start3A_595 = arith.constant 0 : i32
        %dma_start3A_596 = arith.constant 0 : i32
        %dma_start3A_597 = arith.constant 0 : i32
        %dma_start3A_598 = arith.constant 0 : i32
        %dma_start3A_599 = tpu.memref_slice %arg3[%dma_start3A_595, %dma_start3A_596, %add3A_561, %dma_start3A_597, %dma_start3A_598] : memref<13x2x1250x8x128xf32, #tpu.memory_space<hbm>> -> memref<13x2x1x8x128xf32, #tpu.memory_space<hbm>>
        %dma_start3A_600 = arith.constant 0 : i32
        %dma_start3A_601 = arith.constant 0 : i32
        %dma_start3A_602 = arith.constant 0 : i32
        %dma_start3A_603 = arith.constant 0 : i32
        %dma_start3A_604 = arith.constant 0 : i32
        %dma_start3A_605 = tpu.memref_slice %arg10[%dma_start3A_587, %dma_start3A_600, %dma_start3A_601, %dma_start3A_602, %dma_start3A_603, %dma_start3A_604] : memref<2x13x2x1x8x128xf32, #tpu.memory_space<vmem>> -> memref<1x13x2x1x8x128xf32, #tpu.memory_space<vmem>>
        %dma_start3A_606 = tpu.memref_squeeze %dma_start3A_605 : memref<1x13x2x1x8x128xf32, #tpu.memory_space<vmem>> -> memref<13x2x1x8x128xf32, #tpu.memory_space<vmem>>
        %dma_start3A_607 = arith.constant 0 : i32
        %dma_start3A_608 = arith.constant 0 : i32
        %dma_start3A_609 = arith.constant 0 : i32
        %dma_start3A_610 = arith.constant 0 : i32
        %dma_start3A_611 = tpu.memref_slice %arg3[%dma_start3A_607, %dma_start3A_608, %add3A_561, %dma_start3A_609, %dma_start3A_610] : memref<13x2x1250x8x128xf32, #tpu.memory_space<hbm>> -> memref<13x2x1x8x128xf32, #tpu.memory_space<hbm>>
        tpu.enqueue_dma source(%dma_start3A_611 : memref<13x2x1x8x128xf32, #tpu.memory_space<hbm>>) target(%dma_start3A_606 : memref<13x2x1x8x128xf32, #tpu.memory_space<vmem>>) target_semaphore(%arg18 : memref<!tpu.dma_semaphore, #tpu.memory_space<semaphore_mem>>)
      } else {
      }
      scf.yield %scan3A_547#0, %scan3A_547#1 : i32, i32
    }
    %mul3A_381 = arith.constant 2 : i32
    %mul3A_382 = arith.muli %mul3A_381, %add3A : i32
    %add3A_383 = arith.constant 1 : i32
    %add3A_384 = arith.addi %mul3A_382, %add3A_383 : i32
    "tpu.region"() ({
      %run_scoped3A = tpu.sem_alloc : memref<!tpu.dma_semaphore, #tpu.memory_space<semaphore_mem>>
      %dma_start3A_414 = arith.constant 0 : i32
      %dma_start3A_415 = arith.constant 0 : i32
      %dma_start3A_416 = tpu.memref_slice %arg6[%add3A_384, %dma_start3A_414, %dma_start3A_415] : memref<64x22x16xf32, #tpu.memory_space<hbm>> -> memref<1x22x16xf32, #tpu.memory_space<hbm>>
      %dma_start3A_417 = tpu.memref_squeeze %dma_start3A_416 : memref<1x22x16xf32, #tpu.memory_space<hbm>> -> memref<22x16xf32, #tpu.memory_space<hbm>>
      %dma_start3A_418 = arith.constant 0 : i32
      %dma_start3A_419 = arith.constant 0 : i32
      %dma_start3A_420 = tpu.memref_slice %arg6[%add3A_384, %dma_start3A_418, %dma_start3A_419] : memref<64x22x16xf32, #tpu.memory_space<hbm>> -> memref<1x22x16xf32, #tpu.memory_space<hbm>>
      %dma_start3A_421 = tpu.memref_squeeze %dma_start3A_420 : memref<1x22x16xf32, #tpu.memory_space<hbm>> -> memref<22x16xf32, #tpu.memory_space<hbm>>
      tpu.enqueue_dma source(%arg11 : memref<22x16xf32, #tpu.memory_space<vmem>>) target(%dma_start3A_421 : memref<22x16xf32, #tpu.memory_space<hbm>>) target_semaphore(%run_scoped3A : memref<!tpu.dma_semaphore, #tpu.memory_space<semaphore_mem>>)
      %dma_wait3A = arith.constant 0 : i32
      %dma_wait3A_422 = arith.constant 0 : i32
      %dma_wait3A_423 = tpu.memref_slice %arg6[%add3A_384, %dma_wait3A, %dma_wait3A_422] : memref<64x22x16xf32, #tpu.memory_space<hbm>> -> memref<1x22x16xf32, #tpu.memory_space<hbm>>
      %dma_wait3A_424 = tpu.memref_squeeze %dma_wait3A_423 : memref<1x22x16xf32, #tpu.memory_space<hbm>> -> memref<22x16xf32, #tpu.memory_space<hbm>>
      %dma_wait3A_425 = arith.constant 0 : i32
      %dma_wait3A_426 = arith.constant 0 : i32
      %dma_wait3A_427 = tpu.memref_slice %arg6[%add3A_384, %dma_wait3A_425, %dma_wait3A_426] : memref<64x22x16xf32, #tpu.memory_space<hbm>> -> memref<1x22x16xf32, #tpu.memory_space<hbm>>
      %dma_wait3A_428 = tpu.memref_squeeze %dma_wait3A_427 : memref<1x22x16xf32, #tpu.memory_space<hbm>> -> memref<22x16xf32, #tpu.memory_space<hbm>>
      tpu.wait_dma2 semaphore(%run_scoped3A : memref<!tpu.dma_semaphore, #tpu.memory_space<semaphore_mem>>) src(%arg11 : memref<22x16xf32, #tpu.memory_space<vmem>>) dst(%dma_wait3A_428 : memref<22x16xf32, #tpu.memory_space<hbm>>)
      tpu.yield
    }) : () -> ()
    %eq3A_385 = arith.constant 0 : i32
    %eq3A_386 = arith.cmpi eq, %while3A_380#1, %eq3A_385 : i32
    %convert_element_type3A_387 = arith.extui %eq3A_386 : i1 to i32
    %cond3A_388 = arith.constant 0 : i32
    %cond3A_389 = arith.cmpi ne, %convert_element_type3A_387, %cond3A_388 : i32
    scf.if %cond3A_389 {
      %mul3A_414 = arith.constant 2 : i32
      %mul3A_415 = arith.muli %mul3A_414, %add3A : i32
      "tpu.region"() ({
        %run_scoped3A = tpu.sem_alloc : memref<!tpu.dma_semaphore, #tpu.memory_space<semaphore_mem>>
        %dma_start3A_416 = arith.constant 0 : i32
        %dma_start3A_417 = arith.constant 0 : i32
        %dma_start3A_418 = tpu.memref_slice %arg6[%mul3A_415, %dma_start3A_416, %dma_start3A_417] : memref<64x22x16xf32, #tpu.memory_space<hbm>> -> memref<1x22x16xf32, #tpu.memory_space<hbm>>
        %dma_start3A_419 = tpu.memref_squeeze %dma_start3A_418 : memref<1x22x16xf32, #tpu.memory_space<hbm>> -> memref<22x16xf32, #tpu.memory_space<hbm>>
        %dma_start3A_420 = arith.constant 0 : i32
        %dma_start3A_421 = arith.constant 0 : i32
        %dma_start3A_422 = tpu.memref_slice %arg6[%mul3A_415, %dma_start3A_420, %dma_start3A_421] : memref<64x22x16xf32, #tpu.memory_space<hbm>> -> memref<1x22x16xf32, #tpu.memory_space<hbm>>
        %dma_start3A_423 = tpu.memref_squeeze %dma_start3A_422 : memref<1x22x16xf32, #tpu.memory_space<hbm>> -> memref<22x16xf32, #tpu.memory_space<hbm>>
        tpu.enqueue_dma source(%arg13 : memref<22x16xf32, #tpu.memory_space<vmem>>) target(%dma_start3A_423 : memref<22x16xf32, #tpu.memory_space<hbm>>) target_semaphore(%run_scoped3A : memref<!tpu.dma_semaphore, #tpu.memory_space<semaphore_mem>>)
        %dma_wait3A = arith.constant 0 : i32
        %dma_wait3A_424 = arith.constant 0 : i32
        %dma_wait3A_425 = tpu.memref_slice %arg6[%mul3A_415, %dma_wait3A, %dma_wait3A_424] : memref<64x22x16xf32, #tpu.memory_space<hbm>> -> memref<1x22x16xf32, #tpu.memory_space<hbm>>
        %dma_wait3A_426 = tpu.memref_squeeze %dma_wait3A_425 : memref<1x22x16xf32, #tpu.memory_space<hbm>> -> memref<22x16xf32, #tpu.memory_space<hbm>>
        %dma_wait3A_427 = arith.constant 0 : i32
        %dma_wait3A_428 = arith.constant 0 : i32
        %dma_wait3A_429 = tpu.memref_slice %arg6[%mul3A_415, %dma_wait3A_427, %dma_wait3A_428] : memref<64x22x16xf32, #tpu.memory_space<hbm>> -> memref<1x22x16xf32, #tpu.memory_space<hbm>>
        %dma_wait3A_430 = tpu.memref_squeeze %dma_wait3A_429 : memref<1x22x16xf32, #tpu.memory_space<hbm>> -> memref<22x16xf32, #tpu.memory_space<hbm>>
        tpu.wait_dma2 semaphore(%run_scoped3A : memref<!tpu.dma_semaphore, #tpu.memory_space<semaphore_mem>>) src(%arg13 : memref<22x16xf32, #tpu.memory_space<vmem>>) dst(%dma_wait3A_430 : memref<22x16xf32, #tpu.memory_space<hbm>>)
        tpu.yield
      }) : () -> ()
    } else {
    }
    %eq3A_390 = arith.constant 0 : i32
    %eq3A_391 = vector.broadcast %eq3A_390 : i32 to vector<16xi32>
    %eq3A_392 = arith.cmpi eq, %iota3A, %eq3A_391 : vector<16xi32>
    %get3A_393 = arith.constant 0 : index
    %get3A_394 = tpu.vector_load %arg8[%get3A_393] {strides = array<i32>} : memref<5136xi32, #tpu.memory_space<vmem>>, vector<16xi32>,
    %slice3A_395 = vector.extract_strided_slice %get3A_394 {offsets = [0], sizes = [1], strides = [1]} : vector<16xi32> to vector<1xi32>
    %squeeze3A_396 = vector.extract %slice3A_395[0] : i32 from vector<1xi32>
    %eq3A_397 = arith.constant 1 : i32
    %eq3A_398 = vector.broadcast %eq3A_397 : i32 to vector<16xi32>
    %eq3A_399 = arith.cmpi eq, %iota3A, %eq3A_398 : vector<16xi32>
    %sub3A_400 = arith.constant 1 : i32
    %sub3A_401 = arith.subi %mul3A_12, %sub3A_400 : i32
    %get3A_402 = arith.index_cast %sub3A_401 : i32 to index
    %get3A_403 = tpu.vector_load %arg8[%get3A_402] {strides = array<i32>} : memref<5136xi32, #tpu.memory_space<vmem>>, vector<16xi32>,
    %slice3A_404 = vector.extract_strided_slice %get3A_403 {offsets = [0], sizes = [1], strides = [1]} : vector<16xi32> to vector<1xi32>
    %squeeze3A_405 = vector.extract %slice3A_404[0] : i32 from vector<1xi32>
    %jit3A_406 = arith.constant 0 : i32
    %broadcast_in_dim3A_407 = vector.broadcast %squeeze3A_405 : i32 to vector<16xi32>
    %broadcast_in_dim3A_408 = vector.broadcast %jit3A_406 : i32 to vector<16xi32>
    %select_n3A_409 = arith.select %eq3A_399, %broadcast_in_dim3A_407, %broadcast_in_dim3A_408 : vector<16xi1>, vector<16xi32>
    %broadcast_in_dim3A_410 = vector.broadcast %squeeze3A_396 : i32 to vector<16xi32>
    %select_n3A_411 = arith.select %eq3A_392, %broadcast_in_dim3A_410, %select_n3A_409 : vector<16xi1>, vector<16xi32>
    %swap3A_412 = arith.constant 0 : index
    %swap3A_413 = tpu.vector_load %arg14[%swap3A_412] {strides = array<i32>} : memref<16xi32, #tpu.memory_space<vmem>>, vector<16xi32>,
    tpu.vector_store %arg14[%swap3A_412], %select_n3A_411 {strides = array<i32>} : memref<16xi32, #tpu.memory_space<vmem>>, vector<16xi32>,
    "tpu.region"() ({
      %run_scoped3A = tpu.sem_alloc : memref<!tpu.dma_semaphore, #tpu.memory_space<semaphore_mem>>
      %dma_start3A_414 = arith.constant 0 : i32
      %dma_start3A_415 = tpu.memref_slice %arg7[%add3A, %dma_start3A_414] : memref<32x16xi32, #tpu.memory_space<hbm>> -> memref<1x16xi32, #tpu.memory_space<hbm>>
      %dma_start3A_416 = tpu.memref_squeeze %dma_start3A_415 : memref<1x16xi32, #tpu.memory_space<hbm>> -> memref<16xi32, #tpu.memory_space<hbm>>
      %dma_start3A_417 = arith.constant 0 : i32
      %dma_start3A_418 = tpu.memref_slice %arg7[%add3A, %dma_start3A_417] : memref<32x16xi32, #tpu.memory_space<hbm>> -> memref<1x16xi32, #tpu.memory_space<hbm>>
      %dma_start3A_419 = tpu.memref_squeeze %dma_start3A_418 : memref<1x16xi32, #tpu.memory_space<hbm>> -> memref<16xi32, #tpu.memory_space<hbm>>
      tpu.enqueue_dma source(%arg14 : memref<16xi32, #tpu.memory_space<vmem>>) target(%dma_start3A_419 : memref<16xi32, #tpu.memory_space<hbm>>) target_semaphore(%run_scoped3A : memref<!tpu.dma_semaphore, #tpu.memory_space<semaphore_mem>>)
      %dma_wait3A = arith.constant 0 : i32
      %dma_wait3A_420 = tpu.memref_slice %arg7[%add3A, %dma_wait3A] : memref<32x16xi32, #tpu.memory_space<hbm>> -> memref<1x16xi32, #tpu.memory_space<hbm>>
      %dma_wait3A_421 = tpu.memref_squeeze %dma_wait3A_420 : memref<1x16xi32, #tpu.memory_space<hbm>> -> memref<16xi32, #tpu.memory_space<hbm>>
      %dma_wait3A_422 = arith.constant 0 : i32
      %dma_wait3A_423 = tpu.memref_slice %arg7[%add3A, %dma_wait3A_422] : memref<32x16xi32, #tpu.memory_space<hbm>> -> memref<1x16xi32, #tpu.memory_space<hbm>>
      %dma_wait3A_424 = tpu.memref_squeeze %dma_wait3A_423 : memref<1x16xi32, #tpu.memory_space<hbm>> -> memref<16xi32, #tpu.memory_space<hbm>>
      tpu.wait_dma2 semaphore(%run_scoped3A : memref<!tpu.dma_semaphore, #tpu.memory_space<semaphore_mem>>) src(%arg14 : memref<16xi32, #tpu.memory_space<vmem>>) dst(%dma_wait3A_424 : memref<16xi32, #tpu.memory_space<hbm>>)
      tpu.yield
    }) : () -> ()
    return
  }
}

module attributes {stable_mosaic.version = 14 : i64} {
  func.func @_fix_body(%arg0: memref<10000x32xf32, #tpu.memory_space<vmem>>, %arg1: memref<352x64xf32, #tpu.memory_space<vmem>>, %arg2: memref<64x1xf32, #tpu.memory_space<vmem>>, %arg3: memref<1x64xf32, #tpu.memory_space<vmem>>, %arg4: memref<1x32xf32, #tpu.memory_space<vmem>>, %arg5: memref<1x32xf32, #tpu.memory_space<vmem>>, %arg6: memref<10000x2xf32, #tpu.memory_space<vmem>>) attributes {dimension_semantics = [], scalar_prefetch = 0 : i64, scratch_operands = 0 : i64, tpu.core_type = #tpu.core_type<tc>} {
    %get3A = arith.constant 0 : index
    %get3A_0 = arith.constant 0 : index
    %get3A_1 = vector.load %arg0[%get3A, %get3A_0] : memref<10000x32xf32, #tpu.memory_space<vmem>>, vector<10000x32xf32>
    %slice3A = vector.extract_strided_slice %get3A_1 {offsets = [0, 0], sizes = [10000, 16], strides = [1, 1]} : vector<10000x32xf32> to vector<10000x16xf32>
    %reduce_sum3A = arith.constant dense<0.000000e+00> : vector<10000xf32>
    %reduce_sum3A_2 = vector.multi_reduction <add>, %slice3A, %reduce_sum3A [1] : vector<10000x16xf32> to vector<10000xf32>
    %broadcast_in_dim3A = vector.shape_cast %reduce_sum3A_2 : vector<10000xf32> to vector<10000x1xf32>
    %slice3A_3 = vector.extract_strided_slice %get3A_1 {offsets = [0, 16], sizes = [10000, 16], strides = [1, 1]} : vector<10000x32xf32> to vector<10000x16xf32>
    %reduce_sum3A_4 = arith.constant dense<0.000000e+00> : vector<10000xf32>
    %reduce_sum3A_5 = vector.multi_reduction <add>, %slice3A_3, %reduce_sum3A_4 [1] : vector<10000x16xf32> to vector<10000xf32>
    %broadcast_in_dim3A_6 = vector.shape_cast %reduce_sum3A_5 : vector<10000xf32> to vector<10000x1xf32>
    %get3A_7 = arith.constant 0 : index
    %get3A_8 = arith.constant 0 : index
    %get3A_9 = vector.load %arg2[%get3A_7, %get3A_8] : memref<64x1xf32, #tpu.memory_space<vmem>>, vector<64x1xf32>
    %get3A_10 = arith.constant 0 : index
    %get3A_11 = arith.constant 0 : index
    %get3A_12 = vector.load %arg3[%get3A_10, %get3A_11] : memref<1x64xf32, #tpu.memory_space<vmem>>, vector<1x64xf32>
    %get3A_13 = arith.constant 0 : index
    %get3A_14 = arith.constant 0 : index
    %get3A_15 = vector.load %arg1[%get3A_13, %get3A_14] : memref<352x64xf32, #tpu.memory_space<vmem>>, vector<352x64xf32>
    %eq3A = vector.broadcast %get3A_9 : vector<64x1xf32> to vector<64x64xf32>
    %eq3A_16 = vector.broadcast %get3A_12 : vector<1x64xf32> to vector<64x64xf32>
    %eq3A_17 = arith.cmpf oeq, %eq3A, %eq3A_16 : vector<64x64xf32>
    %convert_element_type3A = arith.extui %eq3A_17 : vector<64x64xi1> to vector<64x64xi32>
    %convert_element_type3A_18 = arith.sitofp %convert_element_type3A : vector<64x64xi32> to vector<64x64xf32>
    %broadcast_in_dim3A_19 = vector.shape_cast %get3A_15 : vector<352x64xf32> to vector<352x64x1xf32>
    %broadcast_in_dim3A_20 = vector.shape_cast %convert_element_type3A_18 : vector<64x64xf32> to vector<1x64x64xf32>
    %mul3A = vector.broadcast %broadcast_in_dim3A_19 : vector<352x64x1xf32> to vector<352x64x64xf32>
    %mul3A_21 = vector.broadcast %broadcast_in_dim3A_20 : vector<1x64x64xf32> to vector<352x64x64xf32>
    %mul3A_22 = arith.mulf %mul3A, %mul3A_21 : vector<352x64x64xf32>
    %reduce_sum3A_23 = arith.constant dense<0.000000e+00> : vector<352x64xf32>
    %reduce_sum3A_24 = vector.multi_reduction <add>, %mul3A_22, %reduce_sum3A_23 [1] : vector<352x64x64xf32> to vector<352x64xf32>
    %slice3A_25 = vector.extract_strided_slice %reduce_sum3A_24 {offsets = [0, 0], sizes = [144, 64], strides = [1, 1]} : vector<352x64xf32> to vector<144x64xf32>
    %integer_pow3A = arith.mulf %slice3A_25, %slice3A_25 : vector<144x64xf32>
    %reduce_sum3A_26 = arith.constant dense<0.000000e+00> : vector<64xf32>
    %reduce_sum3A_27 = vector.multi_reduction <add>, %integer_pow3A, %reduce_sum3A_26 [0] : vector<144x64xf32> to vector<64xf32>
    %broadcast_in_dim3A_28 = vector.shape_cast %reduce_sum3A_27 : vector<64xf32> to vector<1x64xf32>
    %slice3A_29 = vector.extract_strided_slice %reduce_sum3A_24 {offsets = [144, 0], sizes = [208, 64], strides = [1, 1]} : vector<352x64xf32> to vector<208x64xf32>
    %integer_pow3A_30 = arith.mulf %slice3A_29, %slice3A_29 : vector<208x64xf32>
    %reduce_sum3A_31 = arith.constant dense<0.000000e+00> : vector<64xf32>
    %reduce_sum3A_32 = vector.multi_reduction <add>, %integer_pow3A_30, %reduce_sum3A_31 [0] : vector<208x64xf32> to vector<64xf32>
    %broadcast_in_dim3A_33 = vector.shape_cast %reduce_sum3A_32 : vector<64xf32> to vector<1x64xf32>
    %iota3A = tpu.iota {dimensions = array<i32: 0>} : vector<10000x1xi32>
    %convert_element_type3A_34 = arith.sitofp %iota3A : vector<10000x1xi32> to vector<10000x1xf32>
    %get3A_35 = arith.constant 0 : index
    %get3A_36 = arith.constant 0 : index
    %get3A_37 = vector.load %arg4[%get3A_35, %get3A_36] : memref<1x32xf32, #tpu.memory_space<vmem>>, vector<1x32xf32>
    %get3A_38 = arith.constant 0 : index
    %get3A_39 = arith.constant 0 : index
    %get3A_40 = vector.load %arg5[%get3A_38, %get3A_39] : memref<1x32xf32, #tpu.memory_space<vmem>>, vector<1x32xf32>
    %gt3A = vector.broadcast %convert_element_type3A_34 : vector<10000x1xf32> to vector<10000x32xf32>
    %gt3A_41 = vector.broadcast %get3A_37 : vector<1x32xf32> to vector<10000x32xf32>
    %gt3A_42 = arith.cmpf ogt, %gt3A, %gt3A_41 : vector<10000x32xf32>
    %lt3A = vector.broadcast %convert_element_type3A_34 : vector<10000x1xf32> to vector<10000x32xf32>
    %lt3A_43 = vector.broadcast %get3A_40 : vector<1x32xf32> to vector<10000x32xf32>
    %lt3A_44 = arith.cmpf olt, %lt3A, %lt3A_43 : vector<10000x32xf32>
    %and3A = arith.andi %gt3A_42, %lt3A_44 : vector<10000x32xi1>
    %reduce_or3A = arith.constant 1.000000e+00 : f32
    %reduce_or3A_45 = arith.constant 0.000000e+00 : f32
    %reduce_or3A_46 = vector.broadcast %reduce_or3A : f32 to vector<10000x32xf32>
    %reduce_or3A_47 = vector.broadcast %reduce_or3A_45 : f32 to vector<10000x32xf32>
    %reduce_or3A_48 = arith.select %and3A, %reduce_or3A_46, %reduce_or3A_47 : vector<10000x32xi1>, vector<10000x32xf32>
    %reduce_or3A_49 = arith.constant dense<0xFF800000> : vector<10000xf32>
    %reduce_or3A_50 = vector.multi_reduction <maximumf>, %reduce_or3A_48, %reduce_or3A_49 [1] : vector<10000x32xf32> to vector<10000xf32>
    %reduce_or3A_51 = arith.constant 0.000000e+00 : f32
    %reduce_or3A_52 = vector.broadcast %reduce_or3A_51 : f32 to vector<10000xf32>
    %reduce_or3A_53 = arith.cmpf ogt, %reduce_or3A_50, %reduce_or3A_52 : vector<10000xf32>
    %broadcast_in_dim3A_54 = vector.shape_cast %reduce_or3A_53 : vector<10000xi1> to vector<10000x1xi1>
    %eq3A_55 = vector.broadcast %convert_element_type3A_34 : vector<10000x1xf32> to vector<10000x64xf32>
    %eq3A_56 = vector.broadcast %get3A_12 : vector<1x64xf32> to vector<10000x64xf32>
    %eq3A_57 = arith.cmpf oeq, %eq3A_55, %eq3A_56 : vector<10000x64xf32>
    %convert_element_type3A_58 = arith.extui %eq3A_57 : vector<10000x64xi1> to vector<10000x64xi32>
    %convert_element_type3A_59 = arith.sitofp %convert_element_type3A_58 : vector<10000x64xi32> to vector<10000x64xf32>
    %reduce_sum3A_60 = arith.constant dense<0.000000e+00> : vector<10000xf32>
    %reduce_sum3A_61 = vector.multi_reduction <add>, %convert_element_type3A_59, %reduce_sum3A_60 [1] : vector<10000x64xf32> to vector<10000xf32>
    %broadcast_in_dim3A_62 = vector.shape_cast %reduce_sum3A_61 : vector<10000xf32> to vector<10000x1xf32>
    %mul3A_63 = vector.broadcast %broadcast_in_dim3A_28 : vector<1x64xf32> to vector<10000x64xf32>
    %mul3A_64 = arith.mulf %convert_element_type3A_59, %mul3A_63 : vector<10000x64xf32>
    %reduce_sum3A_65 = arith.constant dense<0.000000e+00> : vector<10000xf32>
    %reduce_sum3A_66 = vector.multi_reduction <add>, %mul3A_64, %reduce_sum3A_65 [1] : vector<10000x64xf32> to vector<10000xf32>
    %broadcast_in_dim3A_67 = vector.shape_cast %reduce_sum3A_66 : vector<10000xf32> to vector<10000x1xf32>
    %mul3A_68 = vector.broadcast %broadcast_in_dim3A_33 : vector<1x64xf32> to vector<10000x64xf32>
    %mul3A_69 = arith.mulf %convert_element_type3A_59, %mul3A_68 : vector<10000x64xf32>
    %reduce_sum3A_70 = arith.constant dense<0.000000e+00> : vector<10000xf32>
    %reduce_sum3A_71 = vector.multi_reduction <add>, %mul3A_69, %reduce_sum3A_70 [1] : vector<10000x64xf32> to vector<10000xf32>
    %broadcast_in_dim3A_72 = vector.shape_cast %reduce_sum3A_71 : vector<10000xf32> to vector<10000x1xf32>
    %gt3A_73 = arith.constant 0.000000e+00 : f32
    %gt3A_74 = vector.broadcast %gt3A_73 : f32 to vector<10000x1xf32>
    %gt3A_75 = arith.cmpf ogt, %broadcast_in_dim3A_62, %gt3A_74 : vector<10000x1xf32>
    %max3A = arith.constant 1.000000e+00 : f32
    %max3A_76 = vector.broadcast %max3A : f32 to vector<10000x1xf32>
    %max3A_77 = arith.maximumf %broadcast_in_dim3A_62, %max3A_76 : vector<10000x1xf32>
    %div3A = arith.divf %broadcast_in_dim3A_67, %max3A_77 : vector<10000x1xf32>
    %jit3A = arith.constant 0.000000e+00 : f32
    %broadcast_in_dim3A_78 = vector.broadcast %jit3A : f32 to vector<10000x1xf32>
    %select_n3A = arith.select %broadcast_in_dim3A_54, %broadcast_in_dim3A, %broadcast_in_dim3A_78 : vector<10000x1xi1>, vector<10000x1xf32>
    %select_n3A_79 = arith.select %gt3A_75, %div3A, %select_n3A : vector<10000x1xi1>, vector<10000x1xf32>
    %div3A_80 = arith.divf %broadcast_in_dim3A_72, %max3A_77 : vector<10000x1xf32>
    %jit3A_81 = arith.constant 0.000000e+00 : f32
    %broadcast_in_dim3A_82 = vector.broadcast %jit3A_81 : f32 to vector<10000x1xf32>
    %select_n3A_83 = arith.select %broadcast_in_dim3A_54, %broadcast_in_dim3A_6, %broadcast_in_dim3A_82 : vector<10000x1xi1>, vector<10000x1xf32>
    %select_n3A_84 = arith.select %gt3A_75, %div3A_80, %select_n3A_83 : vector<10000x1xi1>, vector<10000x1xf32>
    %concatenate3A = tpu.concatenate %select_n3A_79, %select_n3A_84 in 1 : vector<10000x1xf32>, vector<10000x1xf32> -> vector<10000x2xf32>
    %swap3A = arith.constant 0 : index
    %swap3A_85 = arith.constant 0 : index
    %swap3A_86 = vector.load %arg6[%swap3A, %swap3A_85] : memref<10000x2xf32, #tpu.memory_space<vmem>>, vector<10000x2xf32>
    tpu.vector_store %arg6[%swap3A, %swap3A_85], %concatenate3A {strides = array<i32>} : memref<10000x2xf32, #tpu.memory_space<vmem>>, vector<10000x2xf32>,
    return
  }
}

</mosaic_0001>

<sc_bundles>
// kernel: kernel.4.cloned.1.call-start
scs
__scs_entry_jumppad:
0x0: {  	(pc) =	sbr.rel $0x88, $3  }
0x1: {  	(tag) =	ssettag $0x0;
	lr =	simm.s32 $0x1  }
0x2: {  	[smem:$0x3F9E] =	sst lr;
	_ =	strace $0xD0000000  }
0x3: {  	_ = 	snop  }
0x4: {  	_ = 	snop  }
0x5: {  	_ = 	snop  }
0x6: {  	_ = 	snop  }
0x7: {  	_ = 	snop  }
__scs_overlays_trampoline_lowered:
0x8: {  	[smem:$0x3FAD] =	sst s0  }
0x9: {  	[smem:$0x3FAE] =	sst s1  }
0xa: {  	[smem:$0x3FAF] =	sst s2  }
0xb: {  	[smem:$0x3FB0] =	sst s3  }
0xc: {  	[smem:$0x3FB1] =	sst s4  }
0xd: {  	[smem:$0x3FB2] =	sst s5  }
0xe: {  	[smem:$0x3FB3] =	sst s6  }
0xf: {  	[smem:$0x3FB4] =	sst s7  }
0x10: {  	[smem:$0x3FB5] =	sst s8  }
0x11: {  	[smem:$0x3FB6] =	sst s9;
	s0 =	simm.s32 @!p0 $0x0  }
0x12: {  	s1 =	sld [smem:$0x3F9C];
	s0 =	simm.s32 @p0 $0x1  }
0x13: {  	[smem:$0x3FB7] =	sst s0;
	s0 =	simm.s32 @!p1 $0x0  }
0x14: {  	s2 =	sld [smem:$0x3F9B];
	s0 =	simm.s32 @p1 $0x1  }
0x15: {  	[smem:$0x3FB8] =	sst s0;
	s0 =	simm.s32 @!p2 $0x0  }
0x16: {  	s3 =	sld [smem:$0x3FDB];
	s0 =	simm.s32 @p2 $0x1  }
0x17: {  	s4 =	simm.s32 $0x1BF5;
	[smem:$0x3FBA] =	sst s0  }
0x18: {  	s0 =	sld [smem:$0x3F9D];
	_ =	swait.ge [sflag:s4], $0x0  }
0x19: {  	s7 =	sld [smem:$0x3F9E]  }
0x1a: {  	s8 =	sadd.s32 $0xFFFFE003, lr  }
0x1b: {  	s9 =	sadd.s32 $0xFFFFFEF7, lr;
	s5 =	simm.s32 $0xFFFFFFFF;
	p2 =	slt.u32 s8, $0xFFFFF086  }
0x1c: {  	p1 =	slt.u32 s9, $0xF7A;
	s5 =	simm.s32 @!p2 $0x0  }
0x1d: {  	s5 =	simm.s32 @p1 $0x1;
	p0 =	seq.s32 s7, s2  }
0x1e: {  	s7 =	smul.u32 @!p0 $0xF7A, s2;
	p2 =	seq.s32 @!p0 s5, $0x0  }
0x1f: {  	s9 =	smul.u32 $0xF7A, s1;
	s8 =	simm.s32 @!p0 $0x1BF5;
	p2 =	por !p2, p0  }
0x20: {  	[sflag:s8] =	ssyncset.s32 @!p0 $0xFFFFF086;
	s6 =	sadd.s32 @!p0 s3, s7;
	s7 =	simm.s32 @!p0 $0x108  }
0x21: {  	s3 =	sadd.s32 s3, s9;
	s6 =	sadd.s32 @!p0 $0x88, s6;
	s7 =	simm.s32 @p2 $0x1082  }
0x22: {  	[simem:s7], [sflag:s8] =	dma.local @!p0 [hbm:s6], $0xF7A  }
0x23: {  	s9 =	sor.u32 $0xD0000000, s2;
	s6 =	simm.s32 $0x108;
	_ =	swait.ge @!p0 [sflag:s8], $0x0  }
0x24: {  	s3 =	sadd.s32 $0x88, s3;
	s6 =	simm.s32 @!p1 $0x1082;
	[sflag:s4] =	ssyncset.s32 $0xFFFFF086  }
0x25: {  	[simem:s6], [sflag:s4] =	dma.local [hbm:s3], $0xF7A  }
0x26: {  	[smem:$0x3F9E] =	sst s1;
	(tag) =	ssettag s2;
	_ =	strace s9  }
0x27: {  	s1 =	sld [smem:$0x3FAE]  }
0x28: {  	s2 =	sld [smem:$0x3FAF]  }
0x29: {  	s4 =	sld [smem:$0x3FB1]  }
0x2a: {  	p0 =	seq.s32 s5, $0x0;
	s5 =	sld [smem:$0x3FB2]  }
0x2b: {  	s6 =	sld [smem:$0x3FB3]  }
0x2c: {  	s7 =	sld [smem:$0x3FB4]  }
0x2d: {  	s3 =	simm.s32 $0x108;
	s8 =	sld [smem:$0x3FB5]  }
0x2e: {  	s3 =	simm.s32 @!p0 $0x1082;
	s9 =	sld [smem:$0x3FB6]  }
0x2f: {  	lr =	sadd.s32 s0, s3;
	s0 =	sld [smem:$0x3FAD]  }
0x30: {  	s3 =	sld [smem:$0x3FB0]  }
0x31: {  	[smem:$0x3FB9] =	sst s10  }
0x32: {  	s10 =	sld [smem:$0x3FB7];
	_ =	sdelay $0x3  }
0x33: {  	p0 =	seq.s32 s10, $0x1;
	s10 =	sld [smem:$0x3FB9];
	_ =	sdelay $0x3  }
0x34: {  	[smem:$0x3FB9] =	sst s10  }
0x35: {  	s10 =	sld [smem:$0x3FB8];
	_ =	sdelay $0x3  }
0x36: {  	p1 =	seq.s32 s10, $0x1;
	s10 =	sld [smem:$0x3FB9];
	_ =	sdelay $0x3  }
0x37: {  	[smem:$0x3FB9] =	sst s10  }
0x38: {  	s10 =	sld [smem:$0x3FBA]  }
0x39: {  	_ = 	snop;
	(pc) =	sbr.ind lr, $3  }
0x3a: {  	_ = 	snop  }
0x3b: {  	_ = 	snop  }
0x3c: {  	p2 =	seq.s32 s10, $0x1;
	s10 =	sld [smem:$0x3FB9]  }
0x3d: {  	_ =	shalt  }
0x3e: {  	_ =	shalt  }
0x3f: {  	_ =	shalt  }
0x40: {  	_ =	shalt  }
0x41: {  	_ =	shalt  }
0x42: {  	_ =	shalt  }
0x43: {  	_ =	shalt  }
0x44: {  	_ =	shalt  }
0x45: {  	_ =	shalt  }
0x46: {  	_ =	shalt  }
0x47: {  	_ =	shalt  }
0x48: {  	_ =	shalt  }
0x49: {  	_ =	shalt  }
0x4a: {  	_ =	shalt  }
0x4b: {  	_ =	shalt  }
0x4c: {  	_ =	shalt  }
0x4d: {  	_ =	shalt  }
0x4e: {  	_ =	shalt  }
0x4f: {  	_ =	shalt  }
0x50: {  	_ =	shalt  }
0x51: {  	_ =	shalt  }
0x52: {  	_ =	shalt  }
0x53: {  	_ =	shalt  }
0x54: {  	_ =	shalt  }
0x55: {  	_ =	shalt  }
0x56: {  	_ =	shalt  }
0x57: {  	_ =	shalt  }
0x58: {  	_ =	shalt  }
0x59: {  	_ =	shalt  }
0x5a: {  	_ =	shalt  }
0x5b: {  	_ =	shalt  }
0x5c: {  	_ =	shalt  }
0x5d: {  	_ =	shalt  }
0x5e: {  	_ =	shalt  }
0x5f: {  	_ =	shalt  }
0x60: {  	_ =	shalt  }
0x61: {  	_ =	shalt  }
0x62: {  	_ =	shalt  }
0x63: {  	_ =	shalt  }
0x64: {  	_ =	shalt  }
0x65: {  	_ =	shalt  }
0x66: {  	_ =	shalt  }
0x67: {  	_ =	shalt  }
0x68: {  	_ =	shalt  }
0x69: {  	_ =	shalt  }
0x6a: {  	_ =	shalt  }
0x6b: {  	_ =	shalt  }
0x6c: {  	_ =	shalt  }
0x6d: {  	_ =	shalt  }
0x6e: {  	_ =	shalt  }
0x6f: {  	_ =	shalt  }
0x70: {  	_ =	shalt  }
0x71: {  	_ =	shalt  }
0x72: {  	_ =	shalt  }
0x73: {  	_ =	shalt  }
0x74: {  	_ =	shalt  }
0x75: {  	_ =	shalt  }
0x76: {  	_ =	shalt  }
0x77: {  	_ =	shalt  }
0x78: {  	_ =	shalt  }
0x79: {  	_ =	shalt  }
0x7a: {  	_ =	shalt  }
0x7b: {  	_ =	shalt  }
0x7c: {  	_ =	shalt  }
0x7d: {  	_ =	shalt  }
0x7e: {  	_ =	shalt  }
0x7f: {  	_ =	shalt  }
0x80: {  	_ =	shalt  }
0x81: {  	_ =	shalt  }
0x82: {  	_ =	shalt  }
0x83: {  	_ =	shalt  }
0x84: {  	_ =	shalt  }
0x85: {  	_ =	shalt  }
0x86: {  	_ =	shalt  }
0x87: {  	_ =	shalt  }
.Lfunc_end0:
.L_simem_size_0:
called_computation_lowered:
.L_overlay_start_0:
0x88: {  	s2 =	sld [smem:$0x3FD9]  }
0x89: {  	s3 =	sld [smem:$0x3FFE];
	_ =	sdelay $0x1  }
0x8a: {  	s1 =	srdreg.scid  }
0x8b: {  	s0 =	sand.u32 $0x1, s1  }
0x8c: {  	s17 =	sshll.u32 s0, $0xA;
	s2 =	sadd.s32 s3, s2  }
0x8d: {  	s2 =	sadd.s32 s2, s17  }
0x8e: {  	[smem:$0x3FC5] =	sst s2  }
0x8f: {  	_ = 	snop  }
0x90: {  	s2 =	sld [smem:$0x3FC9]  }
0x91: {  	s18 =	sld [smem:$0x3FC8]  }
0x92: {  	s4 =	sld [smem:$0x3FC7]  }
0x93: {  	s5 =	sld [smem:$0x3FD0];
	(tm) =	ssettm $0x1  }
0x94: {  	s6 =	sld [smem:$0x3FFB];
	_ =	sdelay $0x3  }
0x95: {  	_ =	strace s6  }
0x96: {  	s6 =	sld [smem:$0x3FFC];
	_ =	sdelay $0x3  }
0x97: {  	_ =	strace s6  }
0x98: {  	s6 =	sld [smem:$0x3FFD];
	_ =	sdelay $0x3  }
0x99: {  	_ =	strace s6  }
0x9a: {  	_ =	strace $0x8FFFFFFF  }
0x9b: {  	s19 =	sld [smem:$0x3FDB];
	_ =	sdelay $0x1  }
0x9c: {  	s7 =	simm.s32 $_scs_section_size  }
0x9d: {  	s8 =	simm.s32 $_size__tile_overlayer_lowered;
	s9 =	simm.s32 $_tile_overlayer_lowered  }
0x9e: {  	s22 =	simm.s32 $0x1BFF;
	s21 =	sshll.u32 s9, $0x1;
	s6 =	sadd.s32 s7, s19  }
0x9f: {  	s10 =	simm.s32 $0x0;
	s20 =	sshll.u32 s8, $0x1;
	s8 =	sadd.s32 s21, s6  }
0xa0: {  	[timem:s10], [sflag:s22] =	dma.local [hbm:s8], s20  }
0xa1: {  	_ =	swait.ge [sflag:s22], s20  }
0xa2: {  	s7 =	ssub.s32 $0x0, s20;
	[sflag:s22] =	ssyncset.done $0x0  }
0xa3: {  	[sflag:s22] =	ssyncadd.s32 s7;
	_ =	sdelay $0x1  }
0xa4: {  	s23 =	simm.s32 $0x1B8B  }
0xa5: {  	_ =	swait.ge [sflag:s23], $0x1  }
0xa6: {  	[sflag:s23] =	ssyncset.done $0x0  }
0xa7: {  	s25 =	simm.s32 $0x1B8E;
	s24 =	sld [smem:$0x3FFE];
	[sflag:s23] =	ssyncadd.s32 $0xFFFFFFFF  }
0xa8: {  	s26 =	simm.s32 $execute0_lowered;
	[smem:$0x3FD2] =	sst s25  }
0xa9: {  	s8 =	sshll.u32 s26, $0x1;
	_ =	strace $0x80000046;
	[dreg:$0x1] =	wrdreg $0xFFFFFFFF  }
0xaa: {  	s28 =	simm.s32 $_size_execute0_lowered;
	s6 =	sadd.s32 s6, s8;
	[dreg:$0x0] =	wrdreg $0x0  }
0xab: {  	s8 =	sshll.u32 s28, $0x1;
	[dreg:$0x2] =	wrdreg s6  }
0xac: {  	[dreg:$0x3] =	wrdreg s8  }
0xad: {  	[dreg:$0x4] =	wrdreg $0xC0  }
0xae: {  	_ =	task [dreg:s10], $0x5FFFF  }
0xaf: {  	[dreg:$0x1] =	wrdreg $0xFFFFFFFF  }
0xb0: {  	[dreg:$0x0] =	wrdreg $0x60  }
0xb1: {  	[dreg:$0x2] =	wrdreg s2  }
0xb2: {  	[dreg:$0x3] =	wrdreg s18  }
0xb3: {  	[dreg:$0x4] =	wrdreg s4  }
0xb4: {  	[dreg:$0x5] =	wrdreg s24  }
0xb5: {  	[dreg:$0x6] =	wrdreg s5  }
0xb6: {  	[dreg:$0x7] =	wrdreg $0x9  }
0xb7: {  	_ =	task.clear_ibuf [dreg:s10], $0x8FFFF;
	_ =	strace $0x90000046  }
0xb8: {  	s29 =	simm.s32 $0x9;
	_ =	strace $0x80000048  }
0xb9: {  	_ =	swait.ge [sflag:s29], $0x1  }
0xba: {  	[sflag:s29] =	ssyncadd.s32 $0xFFFFFFFF  }
0xbb: {  	_ =	strace $0x90000048  }
0xbc: {  	_ =	sfence  }
0xbd: {  	s30 =	sld [smem:$0x0];
	_ =	sdelay $0x2  }
0xbe: {  	s31 =	sshll.u32 s1, $0xD;
	s1 =	sshrl.u32 s1, $0x2  }
0xbf: {  	s3 =	sand.u32 $0x4000, s31;
	s1 =	sadd.s32 s1, s30  }
0xc0: {  	s0 =	sor.u32 s3, s0;
	s1 =	sshll.u32 s1, $0x11  }
0xc1: {  	s0 =	sor.u32 s1, s0  }
0xc2: {  	s0 =	sadd.s32 $0x8F2B, s0  }
0xc3: {  	[sflag:s0] =	ssyncadd.remote.s32 $0x1  }
0xc4: {  	_ =	sfence.sel $0xFFFF  }
0xc5: {  	[dreg:$0x0] =	wrdreg $0xFFFFFFFF;
	(pc) =	sbr.abs _section_cstart, $3  }
0xc6: {  	[dreg:$0x1] =	wrdreg $0xFFFFFFFF  }
0xc7: {  	_ =	task.clear_ibuf [dreg:s10], $0x2FFFF;
	_ =	strace $0x9FFFFFFF  }
0xc8: {  	(tm) =	ssettm $0x7FFFFFFF  }
0xc9: {  	_ =	shalt  }
tec
execute0_lowered:
.L_overlay_start_1:
0x0: {  	(tag) =	ssettag $0x1  }
0x1: {  	s10 =	rddreg [dreg:$0x0]  }
0x2: {  	s11 =	rddreg [dreg:$0x1]  }
0x3: {  	s0 =	rddreg [dreg:$0x2]  }
0x4: {  	s1 =	rddreg [dreg:$0x3]  }
0x5: {  	s2 =	rddreg [dreg:$0x4];
	s4 =	simm.s32 $0x0  }
0x6: {  	s3 =	srdreg.scid;
	s5 =	stileid.u32;
	s28 =	simm.s32 $0x17410  }
0x7: {  	s29 =	simm.s32 $0x5;
	s30 =	simm.s32 $0x17590;
	s12 =	simm.s32 $0x17420  }
0x8: {  	s13 =	simm.s32 $0x17510;
	s31 =	simm.s32 $0x17560;
	[smem:$0x7FF] =	sst s4  }
0x9: {  	s3 =	sand.u32 $0x1, s3;
	s5 =	sshll.u32 s5, $0x1;
	_ =	strace $0x80000047  }
0xa: {  	s6 =	sor.u32 s3, s5;
	s3 =	ssub.s32 $0x2, s3;
	s5 =	sadd.s32 $0x200, s1  }
0xb: {  	s1 =	sadd.s32 $0xA000, s1;
	s7 =	smul.u32 $0x26, s6;
	s8 =	smin.u32 s6, $0x11  }
0xc: {  	s9 =	sshrl.u32 s3, $0x1;
	p0 =	slt.u32 s6, $0x11;
	s17 =	smul.u32 $0x2C0, s6  }
0xd: {  	s19 =	smul.u32 $0x58, s6;
	s23 =	sshll.u32 s6, $0x1;
	s8 =	sshll.u32 s8, $0x1  }
0xe: {  	s3 =	ssub.s32 s3, s9;
	s9 =	simm.s32 $0x28;
	s25 =	sadd.s32 s2, s23  }
0xf: {  	s23 =	simm.s32 $0x5C10;
	s2 =	simm.s32 $0x17500;
	s8 =	sadd.s32 s7, s8  }
0x10: {  	s9 =	simm.s32 @!p0 $0x26;
	s21 =	sshrl.u32 s17, $0x3;
	[dreg:$0x11] =	wrdreg s25  }
0x11: {  	s26 =	smax.u32 s3, $0x1;
	p0 =	sgt.u32 s6, $0x10;
	s17 =	simm.s32 $0x174A0  }
0x12: {  	s25 =	simm.s32 $0x17520;
	s6 =	simm.s32 $0x17540;
	s3 =	simm.s32 $0x0  }
0x13: {  	s7 =	sshll.u32 s8, $0x4;
	[dreg:$0x6] =	wrdreg s8;
	s14 =	sshll.u32 s8, $0x7  }
0x14: {  	s20 =	sshrl.u32 s9, $0x1;
	s22 =	sadd.s32 s1, s21;
	[dreg:$0x7] =	wrdreg s9  }
0x15: {  	s24 =	sshll.u32 s9, $0x7;
	[dreg:$0x12] =	wrdreg s26;
	s21 =	simm.s32 $0x1410  }
0x16: {  	s8 =	simm.s32 $0x174C0;
	s26 =	simm.s32 $0x17530;
	[dreg:$0xd] =	wrdreg s20  }
0x17: {  	s0 =	sadd.s32 s0, s7;
	s15 =	sadd.s32 s10, s14;
	[dreg:$0x10] =	wrdreg s24  }
0x18: {  	s16 =	sor.u32 $0x80, s14;
	s24 =	simm.s32 $0x10C10;
	[dreg:$0x8] =	wrdreg s0  }
0x19: {  	v0 =	vlaneseq.u32;
	s20 =	simm.s32 $0x174E0;
	[dreg:$0x9] =	wrdreg s15;
	s0 =	sadd.s32 s11, s14  }
0x1a: {  	v0 =	vmul.u32 $0x80, v0;
	s18 =	sadd.s32 s10, s16;
	s7 =	sadd.s32 s11, s16;
	[dreg:$0xa] =	wrdreg s0  }
.Ltmp0:
0x1b: {  	v1 =	vimm.f32 $0.0e+00;
	vm0 =	vcmask $0x704;
	vm1 =	vmmov $0x1;
	s11 =	simm.s32 $0x17430;
	[dreg:$0xb] =	wrdreg s18;
	(pc) =	sbr.rel .LBB2_1-.Ltmp0, $4  }
0x1c: {  	v2 =	vor.u32 $0x800, v0;
	v3 =	vor.u32 $0x1000, v0;
	v4 =	vor.u32 $0x1800, v0;
	s15 =	simm.s32 $0x17480;
	s16 =	simm.s32 $0x17490;
	[dreg:$0xc] =	wrdreg s7  }
0x1d: {  	v5 =	vor.u32 $0x2000, v0;
	v6 =	vor.u32 $0x2800, v0;
	v7 =	vor.u32 $0x3000, v0;
	s0 =	sadd.s32 s1, s19;
	s18 =	simm.s32 $0x174B0;
	s19 =	simm.s32 $0x174D0  }
0x1e: {  	v8 =	vor.u32 $0x3800, v0;
	v9 =	vor.u32 $0x4000, v0;
	v10 =	vor.u32 $0x4800, v0;
	s1 =	simm.s32 $0x174F0;
	[dreg:$0xe] =	wrdreg s0;
	s0 =	sadd.s32 $0x2C, s22  }
0x1f: {  	v11 =	vor.u32 $0x5000, v0;
	v12 =	vor.u32 $0x5800, v0;
	v13 =	vor.u32 $0x6000, v0;
	s7 =	simm.s32 $0x17550;
	s22 =	simm.s32 $0xA410;
	[dreg:$0xf] =	wrdreg s0  }
.LBB2_25:
0x20: {  	s0 =	rddreg [dreg:$0xf]  }
0x21: {  	[hbm4b:s0+s4] =	stream.linear.scatter [tilespmem:s28], [sflag:$0x5], $0x160, $0x38;
	[tilespmem:$0x17700] =	vst v63  }
0x22: {  	p1 =	sne.s32 s14, $0x0;
	_ =	swait.ge [sflag:s29], $0x160  }
0x23: {  	s0 =	simm.s32 @!p1 $0x0;
	[sflag:s29] =	ssyncset.done $0x0  }
0x24: {  	s3 =	simm.s32 @!p1 $0x17590;
	s9 =	rddreg [dreg:$0xe];
	[sflag:s29] =	ssyncadd.s32 $0xFFFFFEA0  }
0x25: {  	[hbm4b:s9+s0] =	stream.linear.scatter @!p1 [tilespmem:s3], [sflag:$0x5], $0x160, $0x38;
	[tilespmem:$0x17700] =	vst v63  }
0x26: {  	s0 =	simm.s32 @!p1 $0x5  }
0x27: {  	_ =	swait.ge @!p1 [sflag:s0], $0x160  }
0x28: {  	[sflag:s0] =	ssyncset.done @!p1 $0x0  }
0x29: {  	s14 =	rddreg [dreg:$0x10];
	[sflag:s0] =	ssyncadd.s32 @!p1 $0xFFFFFEA0  }
0x2a: {  	v14 =	vld.msk [tilespmem:s14+$0xFFFFFFFF ss:$0x0], $0xffff  }
0x2b: {  	v15 =	vld [tilespmem:$0x0];
	_ =	sdelay $0x3  }
0x2c: {  	v14 =	vnsel vm0, $0x0, v14  }
0x2d: {  	v14 =	vsel vm1, v15, v14  }
0x2e: {  	s9 =	simm.s32 $0x176F0;
	s3 =	rddreg [dreg:$0x11];
	[tilespmem:$0x176F0] =	vst v14  }
0x2f: {  	[hbm4b:s3+s4] =	stream.linear.scatter [tilespmem:s9], [sflag:$0x5], $0x10, $0x38;
	[tilespmem:$0x17700] =	vst v63  }
0x30: {  	_ =	swait.ge [sflag:s29], $0x10  }
0x31: {  	s10 =	rddreg [dreg:$0x13]  }
0x32: {  	s14 =	rddreg [dreg:$0x12];
	s3 =	sadd.s32 $0x1, s10  }
0x33: {  	p1 =	sne.s32 s3, s14  }
.Ltmp1:
0x34: {  	_ = 	snop;
	(pc) =	sbr.rel @!p1 .LBB2_26-.Ltmp1, $3  }
0x35: {  	_ =	sdelay $0x1  }
0x36: {  	[sflag:s29] =	ssyncset.done $0x0  }
0x37: {  	[sflag:s29] =	ssyncadd.s32 $0xFFFFFFF0  }
.LBB2_1:
0x38: {  	[dreg:$0x13] =	wrdreg s3  }
0x39: {  	s0 =	simm.s32 @p0 $0x0;
	s3 =	rddreg [dreg:$0x8]  }
0x3a: {  	[tilespmem:s0], [sflag:$0x5] =	stream.linear.gather @p0 [hbm4b:s3+s0], $0x1300, $0x38;
	[tilespmem:$0x17700] =	vst v63  }
0x3b: {  	s0 =	simm.s32 @p0 $0x5  }
0x3c: {  	_ =	swait.ge @p0 [sflag:s0], $0x1300  }
0x3d: {  	[sflag:s0] =	ssyncset.done @p0 $0x0  }
0x3e: {  	[sflag:s0] =	ssyncadd.s32 @p0 $0xFFFFED00;
	s0 =	simm.s32 @!p0 $0x0  }
0x3f: {  	[tilespmem:s0], [sflag:$0x5] =	stream.linear.gather @!p0 [hbm4b:s3+s0], $0x1400, $0x38;
	[tilespmem:$0x17700] =	vst v63  }
0x40: {  	s0 =	simm.s32 @!p0 $0x5  }
0x41: {  	_ =	swait.ge @!p0 [sflag:s0], $0x1400  }
0x42: {  	[sflag:s0] =	ssyncset.done @!p0 $0x0  }
0x43: {  	[sflag:s0] =	ssyncadd.s32 @!p0 $0xFFFFEC00  }
0x44: {  	[tilespmem:$0x17410] =	vst v1  }
0x45: {  	[tilespmem:$0x17590] =	vst v1  }
0x46: {  	[tilespmem:$0x17420] =	vst v1  }
0x47: {  	[tilespmem:$0x175A0] =	vst v1  }
0x48: {  	[tilespmem:$0x17430] =	vst v1  }
0x49: {  	[tilespmem:$0x175B0] =	vst v1  }
0x4a: {  	[tilespmem:$0x17440] =	vst v1  }
0x4b: {  	[tilespmem:$0x175C0] =	vst v1  }
0x4c: {  	[tilespmem:$0x17450] =	vst v1  }
0x4d: {  	[tilespmem:$0x175D0] =	vst v1  }
0x4e: {  	[tilespmem:$0x17460] =	vst v1  }
0x4f: {  	[tilespmem:$0x175E0] =	vst v1  }
0x50: {  	[tilespmem:$0x17470] =	vst v1  }
0x51: {  	[tilespmem:$0x175F0] =	vst v1  }
0x52: {  	[tilespmem:$0x17480] =	vst v1  }
0x53: {  	[tilespmem:$0x17600] =	vst v1  }
0x54: {  	[tilespmem:$0x17490] =	vst v1  }
0x55: {  	[tilespmem:$0x17610] =	vst v1  }
0x56: {  	[tilespmem:$0x174A0] =	vst v1  }
0x57: {  	[tilespmem:$0x17620] =	vst v1  }
0x58: {  	[tilespmem:$0x174B0] =	vst v1  }
0x59: {  	[tilespmem:$0x17630] =	vst v1  }
0x5a: {  	[tilespmem:$0x174C0] =	vst v1  }
0x5b: {  	[tilespmem:$0x17640] =	vst v1  }
0x5c: {  	[tilespmem:$0x174D0] =	vst v1  }
0x5d: {  	[tilespmem:$0x17650] =	vst v1  }
0x5e: {  	[tilespmem:$0x174E0] =	vst v1  }
0x5f: {  	[tilespmem:$0x17660] =	vst v1  }
0x60: {  	[tilespmem:$0x174F0] =	vst v1  }
0x61: {  	[tilespmem:$0x17670] =	vst v1  }
0x62: {  	[tilespmem:$0x17500] =	vst v1  }
0x63: {  	[tilespmem:$0x17680] =	vst v1  }
0x64: {  	[tilespmem:$0x17510] =	vst v1  }
0x65: {  	[tilespmem:$0x17690] =	vst v1  }
0x66: {  	[tilespmem:$0x17520] =	vst v1  }
0x67: {  	[tilespmem:$0x176A0] =	vst v1  }
0x68: {  	[tilespmem:$0x17530] =	vst v1  }
0x69: {  	[tilespmem:$0x176B0] =	vst v1  }
0x6a: {  	[tilespmem:$0x17540] =	vst v1  }
0x6b: {  	[tilespmem:$0x176C0] =	vst v1  }
0x6c: {  	[tilespmem:$0x17550] =	vst v1  }
0x6d: {  	[tilespmem:$0x176D0] =	vst v1  }
0x6e: {  	[tilespmem:$0x17560] =	vst v1  }
0x6f: {  	s9 =	simm.s32 $0x138800;
	s3 =	simm.s32 $0x400;
	s10 =	rddreg [dreg:$0x9];
	[tilespmem:$0x176E0] =	vst v1  }
0x70: {  	[tilespmem:s21], [sflag:$0x1] =	stream.strided.gather [hbm4b:s10+s3], $0x4800, s9, s3, $0x38;
	[tilespmem:$0x17700] =	vst v63  }
0x71: {  	s14 =	rddreg [dreg:$0xa]  }
0x72: {  	[tilespmem:s22], [sflag:$0x3] =	stream.strided.gather [hbm4b:s14+s3], $0x6800, s9, s3, $0x38;
	[tilespmem:$0x17700] =	vst v63  }
0x73: {  	s10 =	rddreg [dreg:$0xb]  }
0x74: {  	[tilespmem:s23], [sflag:$0x2] =	stream.strided.gather [hbm4b:s10+s3], $0x4800, s9, s3, $0x38;
	[tilespmem:$0x17700] =	vst v63  }
0x75: {  	s14 =	rddreg [dreg:$0xc]  }
0x76: {  	[tilespmem:s24], [sflag:$0x4] =	stream.strided.gather [hbm4b:s14+s3], $0x6800, s9, s3, $0x38;
	[tilespmem:$0x17700] =	vst v63  }
0x77: {  	v14 =	vld [tilespmem:$0x0];
	_ =	sdelay $0x4  }
0x78: {  	(v2sf) =	vpush v14, $0x0;
	_ =	sdelay $0xa  }
.Ltmp2:
0x79: {  	_ = 	snop;
	(pc) =	sbr.rel .LBB2_2-.Ltmp2, $2  }
0x7a: {  	_ =	sdelay $0x2  }
0x7b: {  	s10 =	simm.s32 $0x0;
	s14 =	simm.s32 $0x0;
	s0 =	spop (v2sf)  }
.LBB2_24:
0x7c: {  	s3 =	rddreg [dreg:$0x16]  }
0x7d: {  	s9 =	rddreg [dreg:$0x7];
	s3 =	sadd.s32 $0x3, s3  }
0x7e: {  	p1 =	sge.u32 s3, s9;
	s9 =	rddreg [dreg:$0x6]  }
0x7f: {  	s3 =	sadd.s32 @!p1 s9, s3  }
0x80: {  	s3 =	sshll.u32 @!p1 s3, $0x7  }
0x81: {  	s9 =	rddreg [dreg:$0x0];
	s10 =	simm.s32 @!p1 $0x400;
	s3 =	sand.u32 @!p1 $0x1FFFFF80, s3  }
0x82: {  	s11 =	simm.s32 @!p1 $0x138800;
	s12 =	simm.s32 @!p1 $0x5C10;
	s9 =	sadd.s32 @!p1 s9, s3  }
0x83: {  	[tilespmem:s12], [sflag:$0x2] =	stream.strided.gather @!p1 [hbm4b:s9+s10], $0x4800, s11, s10, $0x38;
	[tilespmem:$0x17700] =	vst v63  }
0x84: {  	s9 =	rddreg [dreg:$0x1]  }
0x85: {  	s3 =	sadd.s32 @!p1 s9, s3;
	s9 =	simm.s32 @!p1 $0x10C10  }
0x86: {  	[tilespmem:s9], [sflag:$0x4] =	stream.strided.gather @!p1 [hbm4b:s3+s10], $0x6800, s11, s10, $0x38;
	[tilespmem:$0x17700] =	vst v63  }
0x87: {  	s3 =	rddreg [dreg:$0x14]  }
0x88: {  	s9 =	rddreg [dreg:$0xd];
	s10 =	sadd.s32 $0x1, s3  }
0x89: {  	p1 =	sne.s32 s10, s9  }
.Ltmp3:
0x8a: {  	_ = 	snop;
	(pc) =	sbr.rel @!p1 .LBB2_25-.Ltmp3, $2  }
0x8b: {  	_ =	sdelay $0x2  }
0x8c: {  	s12 =	simm.s32 $0x17420;
	s11 =	simm.s32 $0x17430  }
.LBB2_2:
0x8d: {  	s3 =	simm.s32 $0x1  }
0x8e: {  	_ =	swait.ge [sflag:s3], $0x4800  }
.Ltmp4:
0x8f: {  	[sflag:s3] =	ssyncset.done $0x0;
	(pc) =	sbr.rel .LBB2_3-.Ltmp4, $4  }
0x90: {  	s9 =	simm.s32 $0x3;
	[sflag:s3] =	ssyncadd.s32 $0xFFFFB800  }
0x91: {  	_ =	swait.ge [sflag:s9], $0x6800;
	[dreg:$0x14] =	wrdreg s10;
	s10 =	sshll.u32 s10, $0xA  }
0x92: {  	[sflag:s9] =	ssyncset.done $0x0;
	s10 =	sshra.s32 s10, $0x2  }
0x93: {  	s3 =	simm.s32 $0x0;
	[sflag:s9] =	ssyncadd.s32 $0xFFFF9800;
	[dreg:$0x15] =	wrdreg s10;
	v14 =	vmov s10  }
.LBB2_11:
0x94: {  	[sflag:s29] =	ssyncset.done $0x0  }
0x95: {  	s12 =	simm.s32 $0x17420;
	s11 =	simm.s32 $0x17430;
	[sflag:s29] =	ssyncadd.s32 $0xFFFFFFE0  }
.LBB2_12:
0x96: {  	v15 =	vmov s3  }
0x97: {  	v15 =	vand.u32 $0x7F, v15  }
0x98: {  	v15 =	vbroadcast v15, $0x0;
	_ =	sdelay $0x1  }
0x99: {  	v16 =	vor.u32 v0, v15;
	_ =	sdelay $0x4  }
0x9a: {  	v17 =	vld.idx.msk [tilespmem:v16+s21+$0x0], $0xffff  }
0x9b: {  	v18 =	vor.u32 v2, v15;
	_ =	sdelay $0x3  }
0x9c: {  	[tilespmem:s28+$0x0] =	vst.add.f32.msk $0xffff, v17  }
0x9d: {  	v17 =	vld.idx.msk [tilespmem:v18+s21+$0x0], $0xffff  }
0x9e: {  	v19 =	vor.u32 v3, v15;
	_ =	sdelay $0x3  }
0x9f: {  	[tilespmem:s12+$0x0] =	vst.add.f32.msk $0xffff, v17  }
0xa0: {  	v17 =	vld.idx.msk [tilespmem:v19+s21+$0x0], $0xffff  }
0xa1: {  	v20 =	vor.u32 v4, v15;
	_ =	sdelay $0x3  }
0xa2: {  	[tilespmem:s11+$0x0] =	vst.add.f32.msk $0xffff, v17  }
0xa3: {  	v17 =	vld.idx.msk [tilespmem:v20+s21+$0x0], $0xffff  }
0xa4: {  	v21 =	vor.u32 v5, v15;
	_ =	sdelay $0x2  }
0xa5: {  	s10 =	simm.s32 $0x17440  }
0xa6: {  	[tilespmem:s10+$0x0] =	vst.add.f32.msk $0xffff, v17  }
0xa7: {  	v17 =	vld.idx.msk [tilespmem:v21+s21+$0x0], $0xffff  }
0xa8: {  	v22 =	vor.u32 v6, v15;
	_ =	sdelay $0x2  }
0xa9: {  	s10 =	simm.s32 $0x17450  }
0xaa: {  	[tilespmem:s10+$0x0] =	vst.add.f32.msk $0xffff, v17  }
0xab: {  	v17 =	vld.idx.msk [tilespmem:v22+s21+$0x0], $0xffff  }
0xac: {  	v23 =	vor.u32 v7, v15;
	_ =	sdelay $0x2  }
0xad: {  	s10 =	simm.s32 $0x17460  }
0xae: {  	[tilespmem:s10+$0x0] =	vst.add.f32.msk $0xffff, v17  }
0xaf: {  	v17 =	vld.idx.msk [tilespmem:v23+s21+$0x0], $0xffff  }
0xb0: {  	v24 =	vor.u32 v8, v15;
	_ =	sdelay $0x2  }
0xb1: {  	s10 =	simm.s32 $0x17470  }
0xb2: {  	[tilespmem:s10+$0x0] =	vst.add.f32.msk $0xffff, v17  }
0xb3: {  	v17 =	vld.idx.msk [tilespmem:v24+s21+$0x0], $0xffff  }
0xb4: {  	v25 =	vor.u32 v9, v15;
	_ =	sdelay $0x3  }
0xb5: {  	[tilespmem:s15+$0x0] =	vst.add.f32.msk $0xffff, v17  }
0xb6: {  	v17 =	vld.idx.msk [tilespmem:v25+s21+$0x0], $0xffff;
	_ =	sdelay $0x4  }
0xb7: {  	[tilespmem:s16+$0x0] =	vst.add.f32.msk $0xffff, v17  }
0xb8: {  	v16 =	vld.idx.msk [tilespmem:v16+s22+$0x0], $0xffff;
	_ =	sdelay $0x4  }
0xb9: {  	[tilespmem:s17+$0x0] =	vst.add.f32.msk $0xffff, v16  }
0xba: {  	v16 =	vld.idx.msk [tilespmem:v18+s22+$0x0], $0xffff;
	_ =	sdelay $0x4  }
0xbb: {  	[tilespmem:s18+$0x0] =	vst.add.f32.msk $0xffff, v16  }
0xbc: {  	v16 =	vld.idx.msk [tilespmem:v19+s22+$0x0], $0xffff;
	_ =	sdelay $0x4  }
0xbd: {  	[tilespmem:s8+$0x0] =	vst.add.f32.msk $0xffff, v16  }
0xbe: {  	v16 =	vld.idx.msk [tilespmem:v20+s22+$0x0], $0xffff;
	_ =	sdelay $0x4  }
0xbf: {  	[tilespmem:s19+$0x0] =	vst.add.f32.msk $0xffff, v16  }
0xc0: {  	v16 =	vld.idx.msk [tilespmem:v21+s22+$0x0], $0xffff;
	_ =	sdelay $0x4  }
0xc1: {  	[tilespmem:s20+$0x0] =	vst.add.f32.msk $0xffff, v16  }
0xc2: {  	v16 =	vld.idx.msk [tilespmem:v22+s22+$0x0], $0xffff;
	_ =	sdelay $0x4  }
0xc3: {  	[tilespmem:s1+$0x0] =	vst.add.f32.msk $0xffff, v16  }
0xc4: {  	v16 =	vld.idx.msk [tilespmem:v23+s22+$0x0], $0xffff;
	_ =	sdelay $0x4  }
0xc5: {  	[tilespmem:s2+$0x0] =	vst.add.f32.msk $0xffff, v16  }
0xc6: {  	v16 =	vld.idx.msk [tilespmem:v24+s22+$0x0], $0xffff;
	_ =	sdelay $0x4  }
0xc7: {  	[tilespmem:s13+$0x0] =	vst.add.f32.msk $0xffff, v16  }
0xc8: {  	v16 =	vld.idx.msk [tilespmem:v25+s22+$0x0], $0xffff  }
0xc9: {  	v61 =	vor.u32 v10, v15;
	_ =	sdelay $0x3  }
0xca: {  	[tilespmem:s25+$0x0] =	vst.add.f32.msk $0xffff, v16  }
0xcb: {  	v16 =	vld.idx.msk [tilespmem:v61+s22+$0x0], $0xffff  }
0xcc: {  	v62 =	vor.u32 v11, v15;
	_ =	sdelay $0x3  }
0xcd: {  	[tilespmem:s26+$0x0] =	vst.add.f32.msk $0xffff, v16  }
0xce: {  	v16 =	vld.idx.msk [tilespmem:v62+s22+$0x0], $0xffff  }
0xcf: {  	v63 =	vor.u32 v12, v15;
	_ =	sdelay $0x3  }
0xd0: {  	[tilespmem:s6+$0x0] =	vst.add.f32.msk $0xffff, v16  }
0xd1: {  	v16 =	vld.idx.msk [tilespmem:v63+s22+$0x0], $0xffff  }
0xd2: {  	v15 =	vor.u32 v13, v15;
	_ =	sdelay $0x3  }
0xd3: {  	p1 =	sne.s32 s0, s9;
	s9 =	simm.s32 $0x1;
	s3 =	sadd.s32 $0x1, s3;
	[tilespmem:s7+$0x0] =	vst.add.f32.msk $0xffff, v16  }
0xd4: {  	s9 =	simm.s32 @!p1 $0x0;
	p1 =	sne.s32 s3, $0x80;
	v15 =	vld.idx.msk [tilespmem:v15+s22+$0x0], $0xffff  }
.Ltmp5:
0xd5: {  	_ = 	snop;
	(pc) =	sbr.rel @!p1 .LBB2_13-.Ltmp5, $2  }
0xd6: {  	_ =	sdelay $0x2  }
0xd7: {  	s14 =	sadd.s32 s9, s14;
	[tilespmem:s31+$0x0] =	vst.add.f32.msk $0xffff, v15  }
.LBB2_3:
0xd8: {  	_ =	sdelay $0x3  }
0xd9: {  	v15 =	vld.idx.msk [tilespmem:v14+s3+$0x0 ss:$0x1], $0xffff;
	_ =	sdelay $0x4  }
0xda: {  	(v2sf) =	vpush v15, $0x0;
	_ =	sdelay $0xe  }
0xdb: {  	s9 =	smov.u32 s0;
	s0 =	spop (v2sf)  }
0xdc: {  	p1 =	seq.s32 s0, s9  }
.Ltmp6:
0xdd: {  	_ = 	snop;
	(pc) =	sbr.rel @p1 .LBB2_12-.Ltmp6, $1  }
0xde: {  	_ =	sdelay $0x3  }
0xdf: {  	p1 =	sne.s32 s14, $0x0  }
.Ltmp7:
0xe0: {  	_ = 	snop;
	(pc) =	sbr.rel @!p1 .LBB2_5-.Ltmp7, $1  }
0xe1: {  	_ =	sdelay $0x3  }
0xe2: {  	p1 =	slt.s32 s14, $0x1  }
.Ltmp8:
0xe3: {  	_ = 	snop;
	(pc) =	sbr.rel @p1 .LBB2_8-.Ltmp8, $1  }
0xe4: {  	_ =	sdelay $0x3  }
0xe5: {  	v15 =	vld [tilespmem:$0x174A0]  }
0xe6: {  	v16 =	vld [tilespmem:$0x174B0];
	_ =	sdelay $0x1  }
0xe7: {  	v17 =	vld [tilespmem:$0x174C0];
	_ =	sdelay $0x1  }
0xe8: {  	v18 =	vld [tilespmem:$0x174D0]  }
0xe9: {  	v19 =	vld [tilespmem:$0x17410];
	v15 =	vmul.f32 v15, v15;
	v16 =	vmul.f32 v16, v16  }
0xea: {  	v20 =	vld [tilespmem:$0x174E0]  }
0xeb: {  	v21 =	vld [tilespmem:$0x17420];
	v42 =	vmul.f32 v17, v17;
	v15 =	vadd.f32 v16, v15  }
0xec: {  	v43 =	vld [tilespmem:$0x174F0]  }
0xed: {  	v22 =	vld [tilespmem:$0x17430];
	v44 =	vmul.f32 v18, v18;
	v15 =	vadd.f32 v42, v15  }
0xee: {  	v45 =	vld [tilespmem:$0x17500]  }
0xef: {  	v23 =	vld [tilespmem:$0x17440];
	v46 =	vmul.f32 v20, v20;
	v15 =	vadd.f32 v44, v15  }
0xf0: {  	v48 =	vld [tilespmem:$0x17510];
	v19 =	vmul.f32 v19, v19;
	v47 =	vmul.f32 v21, v21  }
0xf1: {  	v49 =	vld [tilespmem:$0x17450];
	v17 =	vmul.f32 v43, v43;
	v15 =	vadd.f32 v46, v15  }
0xf2: {  	v51 =	vld [tilespmem:$0x17520];
	v50 =	vmul.f32 v22, v22;
	v19 =	vadd.f32 v47, v19  }
0xf3: {  	v52 =	vld [tilespmem:$0x17460];
	v18 =	vmul.f32 v45, v45;
	v15 =	vadd.f32 v17, v15  }
0xf4: {  	v54 =	vld [tilespmem:$0x17530];
	v53 =	vmul.f32 v23, v23;
	v19 =	vadd.f32 v50, v19  }
0xf5: {  	v55 =	vld [tilespmem:$0x17470];
	v21 =	vmul.f32 v48, v48;
	v15 =	vadd.f32 v18, v15  }
0xf6: {  	v56 =	vld [tilespmem:$0x17540];
	v16 =	vmul.f32 v49, v49;
	v19 =	vadd.f32 v53, v19  }
0xf7: {  	v57 =	vld [tilespmem:$0x17480];
	v22 =	vmul.f32 v51, v51;
	v15 =	vadd.f32 v21, v15  }
0xf8: {  	v58 =	vld [tilespmem:$0x17550];
	v16 =	vadd.f32 v16, v19;
	v17 =	vmul.f32 v52, v52  }
0xf9: {  	v59 =	vld [tilespmem:$0x17490];
	v23 =	vmul.f32 v54, v54;
	v15 =	vadd.f32 v22, v15  }
0xfa: {  	v61 =	vld [tilespmem:$0x17560];
	v60 =	vmul.f32 v55, v55;
	v16 =	vadd.f32 v17, v16  }
0xfb: {  	v20 =	vmul.f32 v56, v56;
	v15 =	vadd.f32 v23, v15  }
0xfc: {  	v62 =	vmul.f32 v57, v57;
	v16 =	vadd.f32 v60, v16  }
0xfd: {  	v19 =	vmul.f32 v58, v58;
	v15 =	vadd.f32 v20, v15  }
0xfe: {  	v63 =	vmul.f32 v59, v59;
	v16 =	vadd.f32 v62, v16  }
0xff: {  	v18 =	vmul.f32 v61, v61;
	v15 =	vadd.f32 v19, v15  }
0x100: {  	v16 =	vadd.f32 v63, v16  }
0x101: {  	s10 =	sshll.u32 s9, $0x2;
	v15 =	vadd.f32 v18, v15  }
0x102: {  	s10 =	sand.u32 $0x1FFFFFFC, s10;
	[tilespmem:$0x17570] =	vst v16  }
.Ltmp9:
0x103: {  	s11 =	simm.s32 $0x17570;
	s10 =	sadd.s32 s5, s10;
	[tilespmem:$0x17580] =	vst v15;
	(pc) =	sbr.rel .LBB2_8-.Ltmp9, $4  }
0x104: {  	[hbm4b:s10+s4] =	stream.linear.scatter [tilespmem:s11], [sflag:$0x5], $0x20, $0x38;
	[tilespmem:$0x17700] =	vst v63  }
0x105: {  	_ =	swait.ge [sflag:s29], $0x20  }
0x106: {  	[sflag:s29] =	ssyncset.done $0x0  }
0x107: {  	s11 =	simm.s32 $0x17430;
	[sflag:s29] =	ssyncadd.s32 $0xFFFFFFE0  }
.LBB2_5:
0x108: {  	s10 =	rddreg [dreg:$0xe]  }
0x109: {  	[hbm4b:s10+s4] =	stream.linear.scatter [tilespmem:s28], [sflag:$0x5], $0x160, $0x38;
	[tilespmem:$0x17700] =	vst v63  }
0x10a: {  	_ =	swait.ge [sflag:s29], $0x160  }
0x10b: {  	[sflag:s29] =	ssyncset.done $0x0  }
0x10c: {  	[sflag:s29] =	ssyncadd.s32 $0xFFFFFEA0  }
.LBB2_8:
0x10d: {  	[tilespmem:$0x17410] =	vst v1  }
0x10e: {  	[tilespmem:$0x17420] =	vst v1  }
0x10f: {  	[tilespmem:$0x17430] =	vst v1  }
0x110: {  	[tilespmem:$0x17440] =	vst v1  }
0x111: {  	[tilespmem:$0x17450] =	vst v1  }
0x112: {  	[tilespmem:$0x17460] =	vst v1  }
0x113: {  	[tilespmem:$0x17470] =	vst v1  }
0x114: {  	[tilespmem:$0x17480] =	vst v1  }
0x115: {  	[tilespmem:$0x17490] =	vst v1  }
0x116: {  	[tilespmem:$0x174A0] =	vst v1  }
0x117: {  	[tilespmem:$0x174B0] =	vst v1  }
0x118: {  	[tilespmem:$0x174C0] =	vst v1  }
0x119: {  	[tilespmem:$0x174D0] =	vst v1  }
0x11a: {  	[tilespmem:$0x174E0] =	vst v1  }
0x11b: {  	[tilespmem:$0x174F0] =	vst v1  }
0x11c: {  	[tilespmem:$0x17500] =	vst v1;
	s10 =	sadd.s32 $0x1, s9  }
0x11d: {  	[tilespmem:$0x17510] =	vst v1;
	p1 =	sge.s32 s10, s0  }
.Ltmp10:
0x11e: {  	[tilespmem:$0x17520] =	vst v1;
	(pc) =	sbr.rel @p1 .LBB2_12-.Ltmp10, $4  }
0x11f: {  	[tilespmem:$0x17530] =	vst v1  }
0x120: {  	[tilespmem:$0x17540] =	vst v1  }
0x121: {  	[tilespmem:$0x17550] =	vst v1  }
0x122: {  	[tilespmem:$0x17560] =	vst v1  }
0x123: {  	s10 =	sshll.u32 s9, $0x2  }
0x124: {  	s11 =	sadd.s32 $0x4, s10;
	s10 =	sxor.u32 $0xFFFFFFFF, s9  }
0x125: {  	s10 =	sadd.s32 s0, s10  }
0x126: {  	p1 =	sne.s32 s10, $0x1  }
.Ltmp11:
0x127: {  	_ = 	snop;
	(pc) =	sbr.rel @!p1 .LBB2_11-.Ltmp11, $4  }
0x128: {  	s12 =	sand.u32 $0x1FFFFFFC, s11  }
0x129: {  	s12 =	sadd.s32 s5, s12  }
0x12a: {  	[hbm4b:s12+s4] =	stream.linear.scatter [tilespmem:s30], [sflag:$0x5], $0x20, $0x38;
	[tilespmem:$0x17700] =	vst v63  }
0x12b: {  	s11 =	sadd.s32 $0x4, s11;
	s10 =	sadd.s32 $0xFFFFFFFF, s10;
	_ =	swait.ge [sflag:s29], $0x20  }
.LBB2_10:
0x12c: {  	s12 =	sand.u32 $0x1FFFFFFC, s11;
	[sflag:s29] =	ssyncset.done $0x0;
	p1 =	sne.s32 s10, $0x1  }
.Ltmp12:
0x12d: {  	s12 =	sadd.s32 s5, s12;
	[sflag:s29] =	ssyncadd.s32 $0xFFFFFFE0;
	(pc) =	sbr.rel @p1 .LBB2_10-.Ltmp12, $3  }
0x12e: {  	[hbm4b:s12+s4] =	stream.linear.scatter [tilespmem:s30], [sflag:$0x5], $0x20, $0x38;
	[tilespmem:$0x17700] =	vst v63  }
0x12f: {  	s10 =	sadd.s32 $0xFFFFFFFF, s10;
	_ =	sdelay $0x1  }
0x130: {  	s11 =	sadd.s32 $0x4, s11;
	_ =	swait.ge [sflag:s29], $0x20  }
.Ltmp13:
0x131: {  	_ = 	snop;
	(pc) =	sbr.rel .LBB2_11-.Ltmp13, $1  }
0x132: {  	_ =	sdelay $0x3  }
.LBB2_13:
0x133: {  	s3 =	rddreg [dreg:$0x14]  }
0x134: {  	s9 =	rddreg [dreg:$0x7];
	s3 =	sshll.u32 s3, $0x1  }
0x135: {  	[dreg:$0x16] =	wrdreg s3;
	s3 =	sadd.s32 $0x2, s3  }
0x136: {  	p1 =	sge.u32 s3, s9;
	s9 =	rddreg [dreg:$0x6]  }
0x137: {  	s3 =	sadd.s32 @!p1 s9, s3  }
0x138: {  	s3 =	sshll.u32 @!p1 s3, $0x7  }
0x139: {  	s9 =	rddreg [dreg:$0x0];
	s10 =	simm.s32 @!p1 $0x400;
	s3 =	sand.u32 @!p1 $0x1FFFFF00, s3  }
0x13a: {  	s11 =	simm.s32 @!p1 $0x138800;
	s12 =	simm.s32 @!p1 $0x1410;
	s9 =	sadd.s32 @!p1 s9, s3  }
0x13b: {  	[tilespmem:s12], [sflag:$0x1] =	stream.strided.gather @!p1 [hbm4b:s9+s10], $0x4800, s11, s10, $0x38;
	[tilespmem:$0x17700] =	vst v63  }
0x13c: {  	s9 =	rddreg [dreg:$0x1]  }
0x13d: {  	s3 =	sadd.s32 @!p1 s9, s3;
	s9 =	simm.s32 @!p1 $0xA410  }
0x13e: {  	[tilespmem:s9], [sflag:$0x3] =	stream.strided.gather @!p1 [hbm4b:s3+s10], $0x6800, s11, s10, $0x38;
	[tilespmem:$0x17700] =	vst v63  }
0x13f: {  	s9 =	simm.s32 $0x2  }
0x140: {  	_ =	swait.ge [sflag:s9], $0x4800  }
0x141: {  	[sflag:s9] =	ssyncset.done $0x0  }
.Ltmp14:
0x142: {  	s3 =	simm.s32 $0x4;
	[sflag:s9] =	ssyncadd.s32 $0xFFFFB800;
	(pc) =	sbr.rel .LBB2_14-.Ltmp14, $4  }
0x143: {  	_ =	swait.ge [sflag:s3], $0x6800  }
0x144: {  	s10 =	rddreg [dreg:$0x15]  }
0x145: {  	s12 =	simm.s32 $0x17420;
	[sflag:s3] =	ssyncset.done $0x0;
	s9 =	sadd.s32 $0x80, s10  }
0x146: {  	s11 =	simm.s32 $0x17430;
	[sflag:s3] =	ssyncadd.s32 $0xFFFF9800;
	s3 =	simm.s32 $0x0;
	v14 =	vmov s9  }
.LBB2_22:
0x147: {  	[sflag:s29] =	ssyncset.done $0x0  }
0x148: {  	s12 =	simm.s32 $0x17420;
	s11 =	simm.s32 $0x17430;
	[sflag:s29] =	ssyncadd.s32 $0xFFFFFFE0  }
.LBB2_23:
0x149: {  	v15 =	vmov s3  }
0x14a: {  	v15 =	vand.u32 $0x7F, v15  }
0x14b: {  	v15 =	vbroadcast v15, $0x0;
	_ =	sdelay $0x1  }
0x14c: {  	v16 =	vor.u32 v0, v15;
	_ =	sdelay $0x4  }
0x14d: {  	v17 =	vld.idx.msk [tilespmem:v16+s23+$0x0], $0xffff  }
0x14e: {  	v18 =	vor.u32 v2, v15;
	_ =	sdelay $0x3  }
0x14f: {  	[tilespmem:s28+$0x0] =	vst.add.f32.msk $0xffff, v17  }
0x150: {  	v17 =	vld.idx.msk [tilespmem:v18+s23+$0x0], $0xffff  }
0x151: {  	v19 =	vor.u32 v3, v15;
	_ =	sdelay $0x3  }
0x152: {  	[tilespmem:s12+$0x0] =	vst.add.f32.msk $0xffff, v17  }
0x153: {  	v17 =	vld.idx.msk [tilespmem:v19+s23+$0x0], $0xffff  }
0x154: {  	v20 =	vor.u32 v4, v15;
	_ =	sdelay $0x3  }
0x155: {  	[tilespmem:s11+$0x0] =	vst.add.f32.msk $0xffff, v17  }
0x156: {  	v17 =	vld.idx.msk [tilespmem:v20+s23+$0x0], $0xffff  }
0x157: {  	v21 =	vor.u32 v5, v15;
	_ =	sdelay $0x2  }
0x158: {  	s10 =	simm.s32 $0x17440  }
0x159: {  	[tilespmem:s10+$0x0] =	vst.add.f32.msk $0xffff, v17  }
0x15a: {  	v17 =	vld.idx.msk [tilespmem:v21+s23+$0x0], $0xffff  }
0x15b: {  	v22 =	vor.u32 v6, v15;
	_ =	sdelay $0x2  }
0x15c: {  	s10 =	simm.s32 $0x17450  }
0x15d: {  	[tilespmem:s10+$0x0] =	vst.add.f32.msk $0xffff, v17  }
0x15e: {  	v17 =	vld.idx.msk [tilespmem:v22+s23+$0x0], $0xffff  }
0x15f: {  	v23 =	vor.u32 v7, v15;
	_ =	sdelay $0x2  }
0x160: {  	s10 =	simm.s32 $0x17460  }
0x161: {  	[tilespmem:s10+$0x0] =	vst.add.f32.msk $0xffff, v17  }
0x162: {  	v17 =	vld.idx.msk [tilespmem:v23+s23+$0x0], $0xffff  }
0x163: {  	v24 =	vor.u32 v8, v15;
	_ =	sdelay $0x2  }
0x164: {  	s10 =	simm.s32 $0x17470  }
0x165: {  	[tilespmem:s10+$0x0] =	vst.add.f32.msk $0xffff, v17  }
0x166: {  	v17 =	vld.idx.msk [tilespmem:v24+s23+$0x0], $0xffff  }
0x167: {  	v25 =	vor.u32 v9, v15;
	_ =	sdelay $0x3  }
0x168: {  	[tilespmem:s15+$0x0] =	vst.add.f32.msk $0xffff, v17  }
0x169: {  	v17 =	vld.idx.msk [tilespmem:v25+s23+$0x0], $0xffff;
	_ =	sdelay $0x4  }
0x16a: {  	[tilespmem:s16+$0x0] =	vst.add.f32.msk $0xffff, v17  }
0x16b: {  	v16 =	vld.idx.msk [tilespmem:v16+s24+$0x0], $0xffff;
	_ =	sdelay $0x4  }
0x16c: {  	[tilespmem:s17+$0x0] =	vst.add.f32.msk $0xffff, v16  }
0x16d: {  	v16 =	vld.idx.msk [tilespmem:v18+s24+$0x0], $0xffff;
	_ =	sdelay $0x4  }
0x16e: {  	[tilespmem:s18+$0x0] =	vst.add.f32.msk $0xffff, v16  }
0x16f: {  	v16 =	vld.idx.msk [tilespmem:v19+s24+$0x0], $0xffff;
	_ =	sdelay $0x4  }
0x170: {  	[tilespmem:s8+$0x0] =	vst.add.f32.msk $0xffff, v16  }
0x171: {  	v16 =	vld.idx.msk [tilespmem:v20+s24+$0x0], $0xffff;
	_ =	sdelay $0x4  }
0x172: {  	[tilespmem:s19+$0x0] =	vst.add.f32.msk $0xffff, v16  }
0x173: {  	v16 =	vld.idx.msk [tilespmem:v21+s24+$0x0], $0xffff;
	_ =	sdelay $0x4  }
0x174: {  	[tilespmem:s20+$0x0] =	vst.add.f32.msk $0xffff, v16  }
0x175: {  	v16 =	vld.idx.msk [tilespmem:v22+s24+$0x0], $0xffff;
	_ =	sdelay $0x4  }
0x176: {  	[tilespmem:s1+$0x0] =	vst.add.f32.msk $0xffff, v16  }
0x177: {  	v16 =	vld.idx.msk [tilespmem:v23+s24+$0x0], $0xffff;
	_ =	sdelay $0x4  }
0x178: {  	[tilespmem:s2+$0x0] =	vst.add.f32.msk $0xffff, v16  }
0x179: {  	v16 =	vld.idx.msk [tilespmem:v24+s24+$0x0], $0xffff;
	_ =	sdelay $0x4  }
0x17a: {  	[tilespmem:s13+$0x0] =	vst.add.f32.msk $0xffff, v16  }
0x17b: {  	v16 =	vld.idx.msk [tilespmem:v25+s24+$0x0], $0xffff  }
0x17c: {  	v61 =	vor.u32 v10, v15;
	_ =	sdelay $0x3  }
0x17d: {  	[tilespmem:s25+$0x0] =	vst.add.f32.msk $0xffff, v16  }
0x17e: {  	v16 =	vld.idx.msk [tilespmem:v61+s24+$0x0], $0xffff  }
0x17f: {  	v62 =	vor.u32 v11, v15;
	_ =	sdelay $0x3  }
0x180: {  	[tilespmem:s26+$0x0] =	vst.add.f32.msk $0xffff, v16  }
0x181: {  	v16 =	vld.idx.msk [tilespmem:v62+s24+$0x0], $0xffff  }
0x182: {  	v63 =	vor.u32 v12, v15;
	_ =	sdelay $0x3  }
0x183: {  	[tilespmem:s6+$0x0] =	vst.add.f32.msk $0xffff, v16  }
0x184: {  	v16 =	vld.idx.msk [tilespmem:v63+s24+$0x0], $0xffff  }
0x185: {  	v15 =	vor.u32 v13, v15;
	_ =	sdelay $0x3  }
0x186: {  	p1 =	sne.s32 s0, s9;
	s9 =	simm.s32 $0x1;
	s3 =	sadd.s32 $0x1, s3;
	[tilespmem:s7+$0x0] =	vst.add.f32.msk $0xffff, v16  }
0x187: {  	s9 =	simm.s32 @!p1 $0x0;
	p1 =	sne.s32 s3, $0x80;
	v15 =	vld.idx.msk [tilespmem:v15+s24+$0x0], $0xffff  }
.Ltmp15:
0x188: {  	_ = 	snop;
	(pc) =	sbr.rel @!p1 .LBB2_24-.Ltmp15, $2  }
0x189: {  	_ =	sdelay $0x2  }
0x18a: {  	s14 =	sadd.s32 s9, s14;
	[tilespmem:s31+$0x0] =	vst.add.f32.msk $0xffff, v15  }
.LBB2_14:
0x18b: {  	_ =	sdelay $0x3  }
0x18c: {  	v15 =	vld.idx.msk [tilespmem:v14+s3+$0x0 ss:$0x1], $0xffff;
	_ =	sdelay $0x4  }
0x18d: {  	(v2sf) =	vpush v15, $0x0;
	_ =	sdelay $0xe  }
0x18e: {  	s9 =	smov.u32 s0;
	s0 =	spop (v2sf)  }
0x18f: {  	p1 =	seq.s32 s0, s9  }
.Ltmp16:
0x190: {  	_ = 	snop;
	(pc) =	sbr.rel @p1 .LBB2_23-.Ltmp16, $1  }
0x191: {  	_ =	sdelay $0x3  }
0x192: {  	p1 =	sne.s32 s14, $0x0  }
.Ltmp17:
0x193: {  	_ = 	snop;
	(pc) =	sbr.rel @!p1 .LBB2_16-.Ltmp17, $1  }
0x194: {  	_ =	sdelay $0x3  }
0x195: {  	p1 =	slt.s32 s14, $0x1  }
.Ltmp18:
0x196: {  	_ = 	snop;
	(pc) =	sbr.rel @p1 .LBB2_19-.Ltmp18, $1  }
0x197: {  	_ =	sdelay $0x3  }
0x198: {  	v15 =	vld [tilespmem:$0x174A0]  }
0x199: {  	v16 =	vld [tilespmem:$0x174B0];
	_ =	sdelay $0x1  }
0x19a: {  	v17 =	vld [tilespmem:$0x174C0];
	_ =	sdelay $0x1  }
0x19b: {  	v18 =	vld [tilespmem:$0x174D0]  }
0x19c: {  	v19 =	vld [tilespmem:$0x17410];
	v15 =	vmul.f32 v15, v15;
	v16 =	vmul.f32 v16, v16  }
0x19d: {  	v20 =	vld [tilespmem:$0x174E0]  }
0x19e: {  	v21 =	vld [tilespmem:$0x17420];
	v42 =	vmul.f32 v17, v17;
	v15 =	vadd.f32 v16, v15  }
0x19f: {  	v43 =	vld [tilespmem:$0x174F0]  }
0x1a0: {  	v22 =	vld [tilespmem:$0x17430];
	v44 =	vmul.f32 v18, v18;
	v15 =	vadd.f32 v42, v15  }
0x1a1: {  	v45 =	vld [tilespmem:$0x17500]  }
0x1a2: {  	v23 =	vld [tilespmem:$0x17440];
	v46 =	vmul.f32 v20, v20;
	v15 =	vadd.f32 v44, v15  }
0x1a3: {  	v48 =	vld [tilespmem:$0x17510];
	v19 =	vmul.f32 v19, v19;
	v47 =	vmul.f32 v21, v21  }
0x1a4: {  	v49 =	vld [tilespmem:$0x17450];
	v17 =	vmul.f32 v43, v43;
	v15 =	vadd.f32 v46, v15  }
0x1a5: {  	v51 =	vld [tilespmem:$0x17520];
	v50 =	vmul.f32 v22, v22;
	v19 =	vadd.f32 v47, v19  }
0x1a6: {  	v52 =	vld [tilespmem:$0x17460];
	v18 =	vmul.f32 v45, v45;
	v15 =	vadd.f32 v17, v15  }
0x1a7: {  	v54 =	vld [tilespmem:$0x17530];
	v53 =	vmul.f32 v23, v23;
	v19 =	vadd.f32 v50, v19  }
0x1a8: {  	v55 =	vld [tilespmem:$0x17470];
	v21 =	vmul.f32 v48, v48;
	v15 =	vadd.f32 v18, v15  }
0x1a9: {  	v56 =	vld [tilespmem:$0x17540];
	v16 =	vmul.f32 v49, v49;
	v19 =	vadd.f32 v53, v19  }
0x1aa: {  	v57 =	vld [tilespmem:$0x17480];
	v22 =	vmul.f32 v51, v51;
	v15 =	vadd.f32 v21, v15  }
0x1ab: {  	v58 =	vld [tilespmem:$0x17550];
	v16 =	vadd.f32 v16, v19;
	v17 =	vmul.f32 v52, v52  }
0x1ac: {  	v59 =	vld [tilespmem:$0x17490];
	v23 =	vmul.f32 v54, v54;
	v15 =	vadd.f32 v22, v15  }
0x1ad: {  	v61 =	vld [tilespmem:$0x17560];
	v60 =	vmul.f32 v55, v55;
	v16 =	vadd.f32 v17, v16  }
0x1ae: {  	v20 =	vmul.f32 v56, v56;
	v15 =	vadd.f32 v23, v15  }
0x1af: {  	v62 =	vmul.f32 v57, v57;
	v16 =	vadd.f32 v60, v16  }
0x1b0: {  	v19 =	vmul.f32 v58, v58;
	v15 =	vadd.f32 v20, v15  }
0x1b1: {  	v63 =	vmul.f32 v59, v59;
	v16 =	vadd.f32 v62, v16  }
0x1b2: {  	v18 =	vmul.f32 v61, v61;
	v15 =	vadd.f32 v19, v15  }
0x1b3: {  	v16 =	vadd.f32 v63, v16  }
0x1b4: {  	s10 =	sshll.u32 s9, $0x2;
	v15 =	vadd.f32 v18, v15  }
0x1b5: {  	s10 =	sand.u32 $0x1FFFFFFC, s10;
	[tilespmem:$0x17570] =	vst v16  }
.Ltmp19:
0x1b6: {  	s11 =	simm.s32 $0x17570;
	s10 =	sadd.s32 s5, s10;
	[tilespmem:$0x17580] =	vst v15;
	(pc) =	sbr.rel .LBB2_19-.Ltmp19, $4  }
0x1b7: {  	[hbm4b:s10+s4] =	stream.linear.scatter [tilespmem:s11], [sflag:$0x5], $0x20, $0x38;
	[tilespmem:$0x17700] =	vst v63  }
0x1b8: {  	_ =	swait.ge [sflag:s29], $0x20  }
0x1b9: {  	[sflag:s29] =	ssyncset.done $0x0  }
0x1ba: {  	s11 =	simm.s32 $0x17430;
	[sflag:s29] =	ssyncadd.s32 $0xFFFFFFE0  }
.LBB2_16:
0x1bb: {  	s10 =	rddreg [dreg:$0xe]  }
0x1bc: {  	[hbm4b:s10+s4] =	stream.linear.scatter [tilespmem:s28], [sflag:$0x5], $0x160, $0x38;
	[tilespmem:$0x17700] =	vst v63  }
0x1bd: {  	_ =	swait.ge [sflag:s29], $0x160  }
0x1be: {  	[sflag:s29] =	ssyncset.done $0x0  }
0x1bf: {  	[sflag:s29] =	ssyncadd.s32 $0xFFFFFEA0  }
.LBB2_19:
0x1c0: {  	[tilespmem:$0x17410] =	vst v1  }
0x1c1: {  	[tilespmem:$0x17420] =	vst v1  }
0x1c2: {  	[tilespmem:$0x17430] =	vst v1  }
0x1c3: {  	[tilespmem:$0x17440] =	vst v1  }
0x1c4: {  	[tilespmem:$0x17450] =	vst v1  }
0x1c5: {  	[tilespmem:$0x17460] =	vst v1  }
0x1c6: {  	[tilespmem:$0x17470] =	vst v1  }
0x1c7: {  	[tilespmem:$0x17480] =	vst v1  }
0x1c8: {  	[tilespmem:$0x17490] =	vst v1  }
0x1c9: {  	[tilespmem:$0x174A0] =	vst v1  }
0x1ca: {  	[tilespmem:$0x174B0] =	vst v1  }
0x1cb: {  	[tilespmem:$0x174C0] =	vst v1  }
0x1cc: {  	[tilespmem:$0x174D0] =	vst v1  }
0x1cd: {  	[tilespmem:$0x174E0] =	vst v1  }
0x1ce: {  	[tilespmem:$0x174F0] =	vst v1  }
0x1cf: {  	[tilespmem:$0x17500] =	vst v1;
	s10 =	sadd.s32 $0x1, s9  }
0x1d0: {  	[tilespmem:$0x17510] =	vst v1;
	p1 =	sge.s32 s10, s0  }
.Ltmp20:
0x1d1: {  	[tilespmem:$0x17520] =	vst v1;
	(pc) =	sbr.rel @p1 .LBB2_23-.Ltmp20, $4  }
0x1d2: {  	[tilespmem:$0x17530] =	vst v1  }
0x1d3: {  	[tilespmem:$0x17540] =	vst v1  }
0x1d4: {  	[tilespmem:$0x17550] =	vst v1  }
0x1d5: {  	[tilespmem:$0x17560] =	vst v1  }
0x1d6: {  	s10 =	sshll.u32 s9, $0x2  }
0x1d7: {  	s11 =	sadd.s32 $0x4, s10;
	s10 =	sxor.u32 $0xFFFFFFFF, s9  }
0x1d8: {  	s10 =	sadd.s32 s0, s10  }
0x1d9: {  	p1 =	sne.s32 s10, $0x1  }
.Ltmp21:
0x1da: {  	_ = 	snop;
	(pc) =	sbr.rel @!p1 .LBB2_22-.Ltmp21, $4  }
0x1db: {  	s12 =	sand.u32 $0x1FFFFFFC, s11  }
0x1dc: {  	s12 =	sadd.s32 s5, s12  }
0x1dd: {  	[hbm4b:s12+s4] =	stream.linear.scatter [tilespmem:s30], [sflag:$0x5], $0x20, $0x38;
	[tilespmem:$0x17700] =	vst v63  }
0x1de: {  	s11 =	sadd.s32 $0x4, s11;
	s10 =	sadd.s32 $0xFFFFFFFF, s10;
	_ =	swait.ge [sflag:s29], $0x20  }
.LBB2_21:
0x1df: {  	s12 =	sand.u32 $0x1FFFFFFC, s11;
	[sflag:s29] =	ssyncset.done $0x0;
	p1 =	sne.s32 s10, $0x1  }
.Ltmp22:
0x1e0: {  	s12 =	sadd.s32 s5, s12;
	[sflag:s29] =	ssyncadd.s32 $0xFFFFFFE0;
	(pc) =	sbr.rel @p1 .LBB2_21-.Ltmp22, $3  }
0x1e1: {  	[hbm4b:s12+s4] =	stream.linear.scatter [tilespmem:s30], [sflag:$0x5], $0x20, $0x38;
	[tilespmem:$0x17700] =	vst v63  }
0x1e2: {  	s10 =	sadd.s32 $0xFFFFFFFF, s10;
	_ =	sdelay $0x1  }
0x1e3: {  	s11 =	sadd.s32 $0x4, s11;
	_ =	swait.ge [sflag:s29], $0x20  }
.Ltmp23:
0x1e4: {  	_ = 	snop;
	(pc) =	sbr.rel .LBB2_22-.Ltmp23, $1  }
0x1e5: {  	_ =	sdelay $0x3  }
.LBB2_26:
0x1e6: {  	_ =	sfence.sel $0x180000  }
0x1e7: {  	[bflag:$0x0] =	sbarrier.arrive $0xFFFF  }
0x1e8: {  	_ =	strace $0x90000047  }
0x1e9: {  	s0 =	stileid.u32;
	[bflag:$0x2] =	sbarrier.arrive $0xFFFF  }
0x1ea: {  	p0 =	sne.s32 s0, $0x0;
	s0 =	rddreg [dreg:$0x5]  }
0x1eb: {  	s0 =	sadd.s32 @!p0 $0x100000, s0  }
0x1ec: {  	[sflag:s0] =	ssyncadd.tile.s32 @!p0 $0x1;
	_ =	shalt  }
.Lfunc_end2:
_tile_overlayer_lowered:
.L_overlay_start_2:
0x1ed: {  	(tag) =	ssettag $0x2  }
0x1ee: {  	s0 =	rddreg [dreg:$0x0];
	s2 =	stileid.u32  }
0x1ef: {  	s1 =	rddreg [dreg:$0x1];
	p0 =	sne.s32 s2, $0x0  }
0x1f0: {  	s3 =	rddreg [dreg:$0x2];
	[bflag:$0x3] =	sbarrier.arrive $0xFFFF;
	s2 =	simm.s32 @!p0 $0x1C05  }
0x1f1: {  	[timem:s3], [sflag:s2] =	dma.local @!p0 [hbm:s0], s1  }
0x1f2: {  	s0 =	simm.s32 @!p0 $0x5  }
0x1f3: {  	_ =	swait.ge @!p0 [sflag:s0], s1  }
0x1f4: {  	s1 =	ssub.s32 @!p0 $0x0, s1;
	[sflag:s0] =	ssyncset.done @!p0 $0x0  }
0x1f5: {  	[sflag:s0] =	ssyncadd.s32 @!p0 s1  }
0x1f6: {  	[bflag:$0x3] =	sbarrier.arrive $0xFFFF  }
0x1f7: {  	_ =	shalt  }

</sc_bundles>
